<compile_context>
chip_gen: v7x
topology: tpu7x:2x2x1
jax: 0.10.2.dev20260603
libtpu: 0.0.44.dev20260713+nightly
codegen_flags: <defaults>
</compile_context>

<pallas_src>
import functools

import jax
import jax.numpy as jnp
from jax import lax
from jax.experimental import pallas as pl
from jax.experimental.pallas import tpu as pltpu
from jax.experimental.pallas import tpu_sc as plsc

N = 10000
E = 320000
D = 128
H = 64

NC = 2
NS = 16
NW = NC * NS
CH = 128
NCHUNK = 80
PERW = CH * NCHUNK
EPAD = PERW * NW
WIDTH = 2 * D
NACC = 10112
RPT = NACC // NS


_NB = 1000


def _bf16_bits(x):
    u = lax.bitcast_convert_type(x, jnp.uint32)
    return (u + 0x7FFF + ((u >> 16) & 1)) >> 16


def _pack_pair(lo, hi):
    w = _bf16_bits(lo) | (_bf16_bits(hi) << 16)
    return lax.bitcast_convert_type(w, jnp.int32)


def _node_kernel(h_ref, pw1_ref, pb1_ref, pw2_ref, pb2_ref,
                 mw1_ref, mb1_ref, mw2_ref, mb2_ref,
                 w1a_ref, w1b_ref, b1_ref,
                 ndst_ref, nsrc_ref):
    h = h_ref[...]
    p = jnp.tanh(jnp.dot(h, pw1_ref[...], preferred_element_type=jnp.float32)
                 + pb1_ref[...])
    p = jnp.dot(p, pw2_ref[...], preferred_element_type=jnp.float32) + pb2_ref[...]
    m = jnp.tanh(jnp.dot(h, mw1_ref[...], preferred_element_type=jnp.float32)
                 + mb1_ref[...])
    m = jnp.dot(m, mw2_ref[...], preferred_element_type=jnp.float32) + mb2_ref[...]
    a = jnp.dot(h, w1a_ref[...], preferred_element_type=jnp.float32) + b1_ref[...]
    b = jnp.dot(h, w1b_ref[...], preferred_element_type=jnp.float32)
    zero = jnp.zeros((h.shape[0], D - H), jnp.float32)
    ndst_ref[...] = _pack_pair(jnp.concatenate([a, zero], axis=1), -p)
    nsrc_ref[...] = _pack_pair(jnp.concatenate([b, zero], axis=1), m)


def _node_precompute(h, p):
    pw1, pb1, pw2, pb2 = p[0], p[1], p[2], p[3]
    mw1, mb1, mw2, mb2 = p[4], p[5], p[6], p[7]
    w1, b1 = p[8], p[9]
    w1a, w1b = w1[:D], w1[D:]
    full = lambda s: pl.BlockSpec(s, lambda i: (0, 0))
    row = lambda w: pl.BlockSpec((_NB, w), lambda i: (i, 0))
    return pl.pallas_call(
        _node_kernel,
        grid=(N // _NB,),
        in_specs=[row(D),
                  full((D, H)), full((1, H)), full((H, D)), full((1, D)),
                  full((D, H)), full((1, H)), full((H, D)), full((1, D)),
                  full((D, H)), full((D, H)), full((1, H))],
        out_specs=[row(D), row(D)],
        out_shape=[jax.ShapeDtypeStruct((N, D), jnp.int32),
                   jax.ShapeDtypeStruct((N, D), jnp.int32)],
    )(h, pw1, pb1.reshape(1, H), pw2, pb2.reshape(1, D),
      mw1, mb1.reshape(1, H), mw2, mb2.reshape(1, D),
      w1a, w1b, b1.reshape(1, H))




GCH = 64
CPS = 320
NG0 = 224
NG1 = CPS - NG0
IDXR = NG0 // 2


@functools.lru_cache(maxsize=None)
def _build_sc_gather():
    mesh = plsc.VectorSubcoreMesh(core_axis_name="c", subcore_axis_name="s")

    @functools.partial(
        pl.kernel,
        out_type=jax.ShapeDtypeStruct((EPAD, D), jnp.int32),
        mesh=mesh,
        compiler_params=pltpu.CompilerParams(needs_layout_passes=False),
        scratch_types=[pltpu.VMEM((IDXR, 2 * GCH), jnp.int32),
                       pltpu.VMEM((IDXR, 2 * GCH), jnp.int32),
                       pltpu.VMEM((GCH, D), jnp.int32),
                       pltpu.VMEM((GCH, D), jnp.int32),
                       pltpu.VMEM((GCH, D), jnp.int32),
                       pltpu.VMEM((GCH, D), jnp.int32),
                       pltpu.SemaphoreType.DMA, pltpu.SemaphoreType.DMA,
                       pltpu.SemaphoreType.DMA, pltpu.SemaphoreType.DMA,
                       pltpu.SemaphoreType.DMA, pltpu.SemaphoreType.DMA],
    )
    def sc_gather(ndst_hbm, nsrc_hbm, dst4_hbm, src4_hbm, gz_hbm,
                  idxd_v, idxs_v, bd0, bs0, bd1, bs1,
                  gd0, gs0, gd1, gs1, w0, w1):
        c = lax.axis_index("c")
        s = lax.axis_index("s")
        wid = s * NC + c
        pltpu.sync_copy(dst4_hbm.at[wid], idxd_v)
        pltpu.sync_copy(src4_hbm.at[wid], idxs_v)
        bufs = ((bd0, bs0), (bd1, bs1))
        gsem = ((gd0, gs0), (gd1, gs1))
        wsem = (w0, w1)
        npairs = jnp.where(c == 0, NG0 // 2, NG1 // 2)
        cbase = s * CPS + c * NG0

        def g_start(i, b):
            idxd = idxd_v.at[i, pl.ds(64 * b, GCH)]
            idxs = idxs_v.at[i, pl.ds(64 * b, GCH)]
            pltpu.async_copy(ndst_hbm.at[idxd], bufs[b][0], gsem[b][0])
            pltpu.async_copy(nsrc_hbm.at[idxs], bufs[b][1], gsem[b][1])

        def g_wait(i, b):
            idxd = idxd_v.at[i, pl.ds(64 * b, GCH)]
            idxs = idxs_v.at[i, pl.ds(64 * b, GCH)]
            pltpu.make_async_copy(ndst_hbm.at[idxd], bufs[b][0],
                                  gsem[b][0]).wait()
            pltpu.make_async_copy(nsrc_hbm.at[idxs], bufs[b][1],
                                  gsem[b][1]).wait()

        def combine(b):
            bd, bs = bufs[b]

            def crow(r, _):
                for k in range(8):
                    sl = pl.ds(16 * k, 16)
                    v = plsc.bitcast(bd[r, sl], jnp.bfloat16)
                    w = plsc.bitcast(bs[r, sl], jnp.bfloat16)
                    bd[r, sl] = plsc.bitcast(v + w, jnp.int32)
                return 0

            lax.fori_loop(0, GCH, crow, 0)

        def w_start(i, b):
            base = (cbase + 2 * i + b) * GCH
            pltpu.async_copy(bufs[b][0], gz_hbm.at[pl.ds(base, GCH)], wsem[b])

        def w_wait(i, b):
            base = (cbase + 2 * i + b) * GCH
            pltpu.make_async_copy(bufs[b][0], gz_hbm.at[pl.ds(base, GCH)],
                                  wsem[b]).wait()

        g_start(0, 0)
        g_start(0, 1)

        def body(i, _):
            for b in (0, 1):
                g_wait(i, b)
                combine(b)
                w_start(i, b)
                w_wait(i, b)
                g_start(i + 1, b)
            return 0

        lax.fori_loop(0, npairs - 1, body, 0)
        i_last = npairs - 1
        for b in (0, 1):
            g_wait(i_last, b)
            combine(b)
            w_start(i_last, b)
            w_wait(i_last, b)

    return sc_gather


def _sc_gather(ndst, nsrc, dst4, src4):
    return _build_sc_gather()(ndst, nsrc, dst4, src4)



_EB = 2048


def _fast_sin(d):
    magic = jnp.float32(12582912.0)
    k = (d * jnp.float32(0.15915494309189535) + magic) - magic
    r = d - k * jnp.float32(6.283185307179586)
    r2 = r * r
    s = jnp.float32(-0.00019264081943898628) + r2 * jnp.float32(2.1474604894322624e-06)
    s = jnp.float32(0.008308917407005909) + r2 * s
    s = jnp.float32(-0.16662420028228825) + r2 * s
    s = jnp.float32(0.9999792516905162) + r2 * s
    return r * s


def _edge_kernel(gz_ref, w2_ref, b2_ref, out_ref):
    u = lax.bitcast_convert_type(gz_ref[...], jnp.uint32)
    p0 = lax.bitcast_convert_type(u << 16, jnp.float32)
    p1 = lax.bitcast_convert_type(u & jnp.uint32(0xFFFF0000), jnp.float32)
    hid = jnp.maximum(p0, 0.0)
    cw = jax.nn.sigmoid(
        jnp.dot(hid, w2_ref[...], preferred_element_type=jnp.float32)
        + b2_ref[...])
    msg = cw * _fast_sin(p1)
    i = pl.program_id(0)
    rowid = i * _EB + lax.broadcasted_iota(jnp.int32, (_EB, 1), 0)
    out_ref[...] = jnp.where(rowid < E, msg, 0.0)


def _edge_compute(gz, w2p, b2):
    full = lambda s: pl.BlockSpec(s, lambda i: (0, 0))
    return pl.pallas_call(
        _edge_kernel,
        grid=(EPAD // _EB,),
        in_specs=[pl.BlockSpec((_EB, D), lambda i: (i, 0)),
                  full((D, D)), full((1, D))],
        out_specs=pl.BlockSpec((_EB, D), lambda i: (i, 0)),
        out_shape=jax.ShapeDtypeStruct((EPAD, D), jnp.float32),
    )(gz, w2p, b2.reshape(1, D))




@functools.lru_cache(maxsize=None)
def _build_sc_scatter():
    mesh = plsc.VectorSubcoreMesh(core_axis_name="c", subcore_axis_name="s")

    @functools.partial(
        pl.kernel,
        out_type=jax.ShapeDtypeStruct((NC, NACC, D), jnp.float32),
        mesh=mesh,
        scratch_types=[pltpu.VMEM((NCHUNK, CH), jnp.int32),
                       pltpu.VMEM((CH, D), jnp.float32),
                       pltpu.VMEM((CH, D), jnp.float32),
                       pltpu.VMEM_SHARED((NACC, D), jnp.float32),
                       pltpu.SemaphoreType.DMA, pltpu.SemaphoreType.DMA,
                       pltpu.SemaphoreType.DMA, pltpu.SemaphoreType.DMA],
    )
    def sc_scatter(msgs_hbm, dst3_hbm, zeros_hbm, out_hbm, idx_v, row0, row1,
                   acc_sh, l0, l1, s0, s1):
        c = lax.axis_index("c")
        s = lax.axis_index("s")
        wid = s * NC + c
        pltpu.sync_copy(zeros_hbm, acc_sh.at[pl.ds(s * RPT, RPT)])
        pltpu.sync_copy(dst3_hbm.at[wid], idx_v)
        plsc.subcore_barrier()
        rows = (row0, row1)
        lsem = (l0, l1)
        ssem = (s0, s1)

        def l_start(j, b):
            base = wid * PERW + j * CH
            pltpu.async_copy(msgs_hbm.at[pl.ds(base, CH)], rows[b], lsem[b])

        def l_wait(j, b):
            base = wid * PERW + j * CH
            pltpu.make_async_copy(msgs_hbm.at[pl.ds(base, CH)], rows[b],
                                  lsem[b]).wait()

        def s_start(j, b):
            pltpu.async_copy(rows[b], acc_sh.at[idx_v.at[j]], ssem[b],
                             add=True)

        def s_wait(j, b):
            pltpu.make_async_copy(rows[b], acc_sh.at[idx_v.at[j]],
                                  ssem[b]).wait()

        l_start(0, 0)
        l_start(1, 1)

        def body(i, _):
            for b in (0, 1):
                j = 2 * i + b
                l_wait(j, b)
                s_start(j, b)
                s_wait(j, b)
                l_start(j + 2, b)
            return 0

        lax.fori_loop(0, NCHUNK // 2 - 1, body, 0)
        for b in (0, 1):
            j = NCHUNK - 2 + b
            l_wait(j, b)
            s_start(j, b)
            s_wait(j, b)
        plsc.subcore_barrier()
        pltpu.sync_copy(acc_sh.at[pl.ds(s * RPT, RPT)],
                        out_hbm.at[c, pl.ds(s * RPT, RPT)])

    return sc_scatter


def _sc_scatter(msgs, dst3, zeros_slab):
    return _build_sc_scatter()(msgs, dst3, zeros_slab)


@functools.lru_cache(maxsize=None)
def _build_sc_count():
    mesh = plsc.VectorSubcoreMesh(core_axis_name="c", subcore_axis_name="s")

    @functools.partial(
        pl.kernel,
        out_type=jax.ShapeDtypeStruct((NC, NACC, D), jnp.float32),
        mesh=mesh,
        scratch_types=[pltpu.VMEM((NCHUNK, CH), jnp.int32),
                       pltpu.VMEM((CH, D), jnp.float32),
                       pltpu.VMEM_SHARED((NACC, D), jnp.float32)],
    )
    def sc_count(dst3_hbm, ones_hbm, zeros_hbm, out_hbm, idx_v, ones_v, acc_sh):
        c = lax.axis_index("c")
        s = lax.axis_index("s")
        wid = s * NC + c
        pltpu.sync_copy(zeros_hbm, acc_sh.at[pl.ds(s * RPT, RPT)])
        pltpu.sync_copy(dst3_hbm.at[wid], idx_v)
        pltpu.sync_copy(ones_hbm, ones_v)
        plsc.subcore_barrier()

        def body(j, _):
            pltpu.sync_copy(ones_v, acc_sh.at[idx_v.at[j]], add=True)
            return 0

        lax.fori_loop(0, NCHUNK, body, 0)
        plsc.subcore_barrier()
        pltpu.sync_copy(acc_sh.at[pl.ds(s * RPT, RPT)],
                        out_hbm.at[c, pl.ds(s * RPT, RPT)])

    return sc_count


def _sc_count(dst3, ones_rows, zeros_slab):
    return _build_sc_count()(dst3, ones_rows, zeros_slab)




def _out_kernel(s0_ref, s1_ref, c0_ref, c1_ref, res_ref,
                w3_ref, b3_ref, w4_ref, b4_ref, g_ref, be_ref,
                out_ref, *, epilogue):
    stot = s0_ref[0] + s1_ref[0]
    cnt = jnp.maximum(c0_ref[0][:, :1] + c1_ref[0][:, :1], 1.0)
    mean = stot / cnt
    o = jnp.maximum(
        jnp.dot(mean, w3_ref[...], preferred_element_type=jnp.float32)
        + b3_ref[...], 0.0)
    o = jnp.dot(o, w4_ref[...], preferred_element_type=jnp.float32) + b4_ref[...]
    if epilogue == "ln_relu":
        mu = jnp.mean(o, axis=-1, keepdims=True)
        var = jnp.mean((o - mu) ** 2, axis=-1, keepdims=True)
        o = (o - mu) * lax.rsqrt(var + 1e-5) * g_ref[...] + be_ref[...]
        o = jnp.maximum(o, 0.0)
    else:
        o = o + res_ref[...]
    out_ref[...] = o


def _aggregate(s2, cnt2, res, p, g, be, epilogue):
    w3, b3, w4, b4 = p[12], p[13], p[14], p[15]
    full = lambda s: pl.BlockSpec(s, lambda i: (0, 0))
    part = lambda k: pl.BlockSpec((1, _NB, D), lambda i, _k=k: (_k, i, 0))
    return pl.pallas_call(
        functools.partial(_out_kernel, epilogue=epilogue),
        grid=(N // _NB,),
        in_specs=[part(0), part(1), part(0), part(1),
                  pl.BlockSpec((_NB, D), lambda i: (i, 0)),
                  full((D, H)), full((1, H)), full((H, D)), full((1, D)),
                  full((1, D)), full((1, D))],
        out_specs=pl.BlockSpec((_NB, D), lambda i: (i, 0)),
        out_shape=jax.ShapeDtypeStruct((N, D), jnp.float32),
    )(s2, s2, cnt2, cnt2, res, w3, b3.reshape(1, H), w4,
      b4.reshape(1, D), g.reshape(1, D), be.reshape(1, D))




def _layer(h, src4, dstg4, dst3, cnt2, zeros_slab, w2p, p, res, g, be,
           epilogue):
    ndst, nsrc = _node_precompute(h, p)
    gz = _sc_gather(ndst, nsrc, dstg4, src4)
    msgs = _edge_compute(gz, w2p, p[11])
    s2 = _sc_scatter(msgs, dst3, zeros_slab)
    return _aggregate(s2, cnt2, res, p, g, be, epilogue)


@jax.jit
def kernel(x, params, edge_index):
    p0 = params[0:16]
    p1 = params[16:32]
    g, be = params[32], params[33]
    src = edge_index[0]
    dst = edge_index[1]
    zpad = jnp.zeros((EPAD - E,), jnp.int32)

    def tile_idx(flat):
        a = flat.reshape(NS, CPS, GCH)
        a0 = a[:, :NG0].reshape(NS, 1, IDXR, 2 * GCH)
        a1 = jnp.concatenate(
            [a[:, NG0:].reshape(NS, NG1 // 2, 2 * GCH),
             jnp.zeros((NS, IDXR - NG1 // 2, 2 * GCH), jnp.int32)],
            axis=1).reshape(NS, 1, IDXR, 2 * GCH)
        return jnp.concatenate([a0, a1], axis=1).reshape(NW, IDXR, 2 * GCH)

    src4 = tile_idx(jnp.concatenate([src, zpad]))
    dstg4 = tile_idx(jnp.concatenate([dst, zpad]))
    dst3 = jnp.concatenate(
        [dst, jnp.full((EPAD - E,), N, jnp.int32)]).reshape(NW, NCHUNK, CH)
    zeros_slab = jnp.zeros((RPT, D), jnp.float32)
    ones_rows = jnp.ones((CH, D), jnp.float32)
    w2p0 = jnp.concatenate([p0[10], jnp.zeros((D - H, D), jnp.float32)])
    w2p1 = jnp.concatenate([p1[10], jnp.zeros((D - H, D), jnp.float32)])
    cnt2 = _sc_count(dst3, ones_rows, zeros_slab)
    h = _layer(x, src4, dstg4, dst3, cnt2, zeros_slab, w2p0, p0, x, g, be,
               "ln_relu")
    out = _layer(h, src4, dstg4, dst3, cnt2, zeros_slab, w2p1, p1, x, g, be,
                 "residual")
    return out

# --- scband reference (transcript-rebuilt; emitter-appended) ---
"""Pipeline reference for scband-sine-graph-conv-block-39754217292301 (READ-ONLY COPY).

The authoritative reference and input builder live on the scoring server;
editing this copy changes nothing except your own understanding.
"""

import jax, jax.numpy as jnp
import numpy as np

N_NODES = 10000
N_EDGES = 320000
D = 128
H = 64


def _lin(k, fi, fo):
    w = jax.random.normal(k, (fi, fo), jnp.float32) / np.sqrt(fi)
    b = jnp.zeros((fo,), jnp.float32)
    return w, b


def setup_inputs(seed: int = 0) -> dict:
    key = jax.random.key(seed)
    x = jax.random.normal(jax.random.fold_in(key, 0), (N_NODES, D), jnp.float32)
    edge_index = jax.random.randint(jax.random.fold_in(key, 1), (2, N_EDGES), 0, N_NODES, dtype=jnp.int32)
    # Per SineAggregationLayer: phase_net (D->H->D, tanh hidden), message_net (D->H->D, tanh hidden),
    # weight_net (2D->H->D, relu hidden, sigmoid out), output_net (D->H->D, relu hidden).
    dims = [(D, H), (H, D), (D, H), (H, D), (2 * D, H), (H, D), (D, H), (H, D)]
    params = []
    c = 10
    for layer in range(2):
        for (fi, fo) in dims:
            w, b = _lin(jax.random.fold_in(key, c), fi, fo)
            params.append(w)
            params.append(b)
            c += 1
    # LayerNorm(hidden_dim=128) after layer 0
    params.append(jnp.ones((D,), jnp.float32))
    params.append(jnp.zeros((D,), jnp.float32))
    return {"x": x, "params": tuple(params), "edge_index": edge_index}


def _mlp(z, w1, b1, w2, b2, act):
    return act(z @ w1 + b1) @ w2 + b2


def _sine_layer(x, src, dst, p, n):
    # node phases
    phases = _mlp(x, p[0], p[1], p[2], p[3], jnp.tanh)
    # PyG convention: edge_index[0] = source j, edge_index[1] = target i
    x_j = x[src]
    x_i = x[dst]
    msg_phases = _mlp(x_j, p[4], p[5], p[6], p[7], jnp.tanh)
    ef = jnp.concatenate([x_i, x_j], axis=-1)
    cw = jax.nn.sigmoid(_mlp(ef, p[8], p[9], p[10], p[11], jax.nn.relu))
    phase_diff = msg_phases - phases[dst]
    msgs = cw * jnp.sin(phase_diff)
    # aggr='mean' over incoming edges at target node
    s = jax.ops.segment_sum(msgs, dst, num_segments=n)
    cnt = jax.ops.segment_sum(jnp.ones((dst.shape[0],), x.dtype), dst, num_segments=n)
    mean = s / jnp.maximum(cnt, 1.0)[:, None]
    return _mlp(mean, p[12], p[13], p[14], p[15], jax.nn.relu)


def _layernorm(h, g, b):
    mu = jnp.mean(h, axis=-1, keepdims=True)
    var = jnp.mean((h - mu) ** 2, axis=-1, keepdims=True)
    return (h - mu) / jnp.sqrt(var + 1e-5) * g + b


def reference(x, params, edge_index):
    n = x.shape[0]
    src = edge_index[0]
    dst = edge_index[1]
    p0 = params[0:16]
    p1 = params[16:32]
    g, b = params[32], params[33]
    residual = x
    h = _sine_layer(x, src, dst, p0, n)
    h = _layernorm(h, g, b)
    h = jax.nn.relu(h)
    # dropout in eval mode -> identity
    h = _sine_layer(h, src, dst, p1, n)
    # residual_proj is None since input_dim == output_dim; shapes match -> add residual
    return h + residual

if __name__ == "__main__":
    import jax
    _d = setup_inputs()
    print(jax.jit(kernel)(*tuple(_d.values())))

</pallas_src>

<mosaic_0001>
#map = affine_map<(d0, d1) -> (0, 0)>
#map1 = affine_map<(d0, d1) -> (0, 0, 0)>
module attributes {stable_mosaic.version = 14 : i64} {
  func.func @sc_gather(%arg0: i32, %arg1: i32, %arg2: memref<10000x128xi32, #tpu.memory_space<hbm>>, %arg3: memref<10000x128xi32, #tpu.memory_space<hbm>>, %arg4: memref<32x112x128xi32, #tpu.memory_space<hbm>>, %arg5: memref<32x112x128xi32, #tpu.memory_space<hbm>>, %arg6: memref<327680x128xi32, #tpu.memory_space<hbm>>, %arg7: memref<112x128xi32, #tpu.memory_space<vmem>>, %arg8: memref<112x128xi32, #tpu.memory_space<vmem>>, %arg9: memref<64x128xi32, #tpu.memory_space<vmem>>, %arg10: memref<64x128xi32, #tpu.memory_space<vmem>>, %arg11: memref<64x128xi32, #tpu.memory_space<vmem>>, %arg12: memref<64x128xi32, #tpu.memory_space<vmem>>, %arg13: memref<!tpu.dma_semaphore, #tpu.memory_space<semaphore_mem>>, %arg14: memref<!tpu.dma_semaphore, #tpu.memory_space<semaphore_mem>>, %arg15: memref<!tpu.dma_semaphore, #tpu.memory_space<semaphore_mem>>, %arg16: memref<!tpu.dma_semaphore, #tpu.memory_space<semaphore_mem>>, %arg17: memref<!tpu.dma_semaphore, #tpu.memory_space<semaphore_mem>>, %arg18: memref<!tpu.dma_semaphore, #tpu.memory_space<semaphore_mem>>) attributes {dimension_semantics = [#tpu.dimension_semantics<core_parallel>, #tpu.dimension_semantics<subcore_parallel>], iteration_bounds = array<i64: 2, 16>, scalar_prefetch = 0 : i64, scratch_operands = 12 : i64, tpu.core_type = #tpu.core_type<sc_vector_subcore>, window_params = [{transform_indices = #map}, {transform_indices = #map}, {transform_indices = #map1}, {transform_indices = #map1}, {transform_indices = #map}]} {
    %mul3A = arith.constant 2 : i32
    %mul3A_0 = arith.muli %arg1, %mul3A : i32
    %add3A = arith.addi %mul3A_0, %arg0 : i32
    "tpu.region"() ({
      %run_scoped3A = tpu.sem_alloc : memref<!tpu.dma_semaphore, #tpu.memory_space<semaphore_mem>>
      %dma_start3A_129 = arith.constant 0 : i32
      %dma_start3A_130 = arith.constant 0 : i32
      %dma_start3A_131 = tpu.memref_slice %arg4[%add3A, %dma_start3A_129, %dma_start3A_130] : memref<32x112x128xi32, #tpu.memory_space<hbm>> -> memref<1x112x128xi32, #tpu.memory_space<hbm>>
      %dma_start3A_132 = tpu.memref_squeeze %dma_start3A_131 : memref<1x112x128xi32, #tpu.memory_space<hbm>> -> memref<112x128xi32, #tpu.memory_space<hbm>>
      %dma_start3A_133 = arith.constant 0 : i32
      %dma_start3A_134 = arith.constant 0 : i32
      %dma_start3A_135 = tpu.memref_slice %arg4[%add3A, %dma_start3A_133, %dma_start3A_134] : memref<32x112x128xi32, #tpu.memory_space<hbm>> -> memref<1x112x128xi32, #tpu.memory_space<hbm>>
      %dma_start3A_136 = tpu.memref_squeeze %dma_start3A_135 : memref<1x112x128xi32, #tpu.memory_space<hbm>> -> memref<112x128xi32, #tpu.memory_space<hbm>>
      tpu.enqueue_dma source(%dma_start3A_136 : memref<112x128xi32, #tpu.memory_space<hbm>>) target(%arg7 : memref<112x128xi32, #tpu.memory_space<vmem>>) target_semaphore(%run_scoped3A : memref<!tpu.dma_semaphore, #tpu.memory_space<semaphore_mem>>)
      %dma_wait3A_137 = arith.constant 0 : i32
      %dma_wait3A_138 = arith.constant 0 : i32
      %dma_wait3A_139 = tpu.memref_slice %arg4[%add3A, %dma_wait3A_137, %dma_wait3A_138] : memref<32x112x128xi32, #tpu.memory_space<hbm>> -> memref<1x112x128xi32, #tpu.memory_space<hbm>>
      %dma_wait3A_140 = tpu.memref_squeeze %dma_wait3A_139 : memref<1x112x128xi32, #tpu.memory_space<hbm>> -> memref<112x128xi32, #tpu.memory_space<hbm>>
      %dma_wait3A_141 = arith.constant 0 : i32
      %dma_wait3A_142 = arith.constant 0 : i32
      %dma_wait3A_143 = tpu.memref_slice %arg4[%add3A, %dma_wait3A_141, %dma_wait3A_142] : memref<32x112x128xi32, #tpu.memory_space<hbm>> -> memref<1x112x128xi32, #tpu.memory_space<hbm>>
      %dma_wait3A_144 = tpu.memref_squeeze %dma_wait3A_143 : memref<1x112x128xi32, #tpu.memory_space<hbm>> -> memref<112x128xi32, #tpu.memory_space<hbm>>
      tpu.wait_dma2 semaphore(%run_scoped3A : memref<!tpu.dma_semaphore, #tpu.memory_space<semaphore_mem>>) src(%dma_wait3A_144 : memref<112x128xi32, #tpu.memory_space<hbm>>) dst(%arg7 : memref<112x128xi32, #tpu.memory_space<vmem>>)
      tpu.yield
    }) : () -> ()
    "tpu.region"() ({
      %run_scoped3A = tpu.sem_alloc : memref<!tpu.dma_semaphore, #tpu.memory_space<semaphore_mem>>
      %dma_start3A_129 = arith.constant 0 : i32
      %dma_start3A_130 = arith.constant 0 : i32
      %dma_start3A_131 = tpu.memref_slice %arg5[%add3A, %dma_start3A_129, %dma_start3A_130] : memref<32x112x128xi32, #tpu.memory_space<hbm>> -> memref<1x112x128xi32, #tpu.memory_space<hbm>>
      %dma_start3A_132 = tpu.memref_squeeze %dma_start3A_131 : memref<1x112x128xi32, #tpu.memory_space<hbm>> -> memref<112x128xi32, #tpu.memory_space<hbm>>
      %dma_start3A_133 = arith.constant 0 : i32
      %dma_start3A_134 = arith.constant 0 : i32
      %dma_start3A_135 = tpu.memref_slice %arg5[%add3A, %dma_start3A_133, %dma_start3A_134] : memref<32x112x128xi32, #tpu.memory_space<hbm>> -> memref<1x112x128xi32, #tpu.memory_space<hbm>>
      %dma_start3A_136 = tpu.memref_squeeze %dma_start3A_135 : memref<1x112x128xi32, #tpu.memory_space<hbm>> -> memref<112x128xi32, #tpu.memory_space<hbm>>
      tpu.enqueue_dma source(%dma_start3A_136 : memref<112x128xi32, #tpu.memory_space<hbm>>) target(%arg8 : memref<112x128xi32, #tpu.memory_space<vmem>>) target_semaphore(%run_scoped3A : memref<!tpu.dma_semaphore, #tpu.memory_space<semaphore_mem>>)
      %dma_wait3A_137 = arith.constant 0 : i32
      %dma_wait3A_138 = arith.constant 0 : i32
      %dma_wait3A_139 = tpu.memref_slice %arg5[%add3A, %dma_wait3A_137, %dma_wait3A_138] : memref<32x112x128xi32, #tpu.memory_space<hbm>> -> memref<1x112x128xi32, #tpu.memory_space<hbm>>
      %dma_wait3A_140 = tpu.memref_squeeze %dma_wait3A_139 : memref<1x112x128xi32, #tpu.memory_space<hbm>> -> memref<112x128xi32, #tpu.memory_space<hbm>>
      %dma_wait3A_141 = arith.constant 0 : i32
      %dma_wait3A_142 = arith.constant 0 : i32
      %dma_wait3A_143 = tpu.memref_slice %arg5[%add3A, %dma_wait3A_141, %dma_wait3A_142] : memref<32x112x128xi32, #tpu.memory_space<hbm>> -> memref<1x112x128xi32, #tpu.memory_space<hbm>>
      %dma_wait3A_144 = tpu.memref_squeeze %dma_wait3A_143 : memref<1x112x128xi32, #tpu.memory_space<hbm>> -> memref<112x128xi32, #tpu.memory_space<hbm>>
      tpu.wait_dma2 semaphore(%run_scoped3A : memref<!tpu.dma_semaphore, #tpu.memory_space<semaphore_mem>>) src(%dma_wait3A_144 : memref<112x128xi32, #tpu.memory_space<hbm>>) dst(%arg8 : memref<112x128xi32, #tpu.memory_space<vmem>>)
      tpu.yield
    }) : () -> ()
    %eq3A = arith.constant 0 : i32
    %eq3A_1 = arith.cmpi eq, %arg0, %eq3A : i32
    %jit3A = arith.constant 112 : i32
    %jit3A_2 = arith.constant 48 : i32
    %select_n3A = arith.select %eq3A_1, %jit3A, %jit3A_2 : i32
    %mul3A_3 = arith.constant 320 : i32
    %mul3A_4 = arith.muli %arg1, %mul3A_3 : i32
    %mul3A_5 = arith.constant 224 : i32
    %mul3A_6 = arith.muli %arg0, %mul3A_5 : i32
    %add3A_7 = arith.addi %mul3A_4, %mul3A_6 : i32
    %dma_start3A = arith.constant 0 : i32
    %dma_start3A_8 = arith.constant 0 : i32
    %dma_start3A_9 = tpu.memref_slice %arg7[%dma_start3A, %dma_start3A_8] : memref<112x128xi32, #tpu.memory_space<vmem>> -> memref<1x64xi32, #tpu.memory_space<vmem>>
    %dma_start3A_10 = tpu.memref_squeeze %dma_start3A_9 : memref<1x64xi32, #tpu.memory_space<vmem>> -> memref<64xi32, #tpu.memory_space<vmem>>
    %dma_start3A_11 = arith.constant 0 : i32
    %dma_start3A_12 = arith.constant 0 : i32
    %dma_start3A_13 = tpu.memref_slice %arg2[%dma_start3A_11, %dma_start3A_12] : memref<10000x128xi32, #tpu.memory_space<hbm>> -> memref<10000x128xi32, #tpu.memory_space<hbm>>
    tpu.enqueue_indirect_dma source(%dma_start3A_13 : memref<10000x128xi32, #tpu.memory_space<hbm>>) target(%arg9 : memref<64x128xi32, #tpu.memory_space<vmem>>) offsets(%dma_start3A_10 : memref<64xi32, #tpu.memory_space<vmem>>) semaphore(%arg13 : memref<!tpu.dma_semaphore, #tpu.memory_space<semaphore_mem>>)
    %dma_start3A_14 = arith.constant 0 : i32
    %dma_start3A_15 = arith.constant 0 : i32
    %dma_start3A_16 = tpu.memref_slice %arg8[%dma_start3A_14, %dma_start3A_15] : memref<112x128xi32, #tpu.memory_space<vmem>> -> memref<1x64xi32, #tpu.memory_space<vmem>>
    %dma_start3A_17 = tpu.memref_squeeze %dma_start3A_16 : memref<1x64xi32, #tpu.memory_space<vmem>> -> memref<64xi32, #tpu.memory_space<vmem>>
    %dma_start3A_18 = arith.constant 0 : i32
    %dma_start3A_19 = arith.constant 0 : i32
    %dma_start3A_20 = tpu.memref_slice %arg3[%dma_start3A_18, %dma_start3A_19] : memref<10000x128xi32, #tpu.memory_space<hbm>> -> memref<10000x128xi32, #tpu.memory_space<hbm>>
    tpu.enqueue_indirect_dma source(%dma_start3A_20 : memref<10000x128xi32, #tpu.memory_space<hbm>>) target(%arg10 : memref<64x128xi32, #tpu.memory_space<vmem>>) offsets(%dma_start3A_17 : memref<64xi32, #tpu.memory_space<vmem>>) semaphore(%arg14 : memref<!tpu.dma_semaphore, #tpu.memory_space<semaphore_mem>>)
    %dma_start3A_21 = arith.constant 0 : i32
    %dma_start3A_22 = arith.constant 64 : i32
    %dma_start3A_23 = tpu.memref_slice %arg7[%dma_start3A_21, %dma_start3A_22] : memref<112x128xi32, #tpu.memory_space<vmem>> -> memref<1x64xi32, #tpu.memory_space<vmem>>
    %dma_start3A_24 = tpu.memref_squeeze %dma_start3A_23 : memref<1x64xi32, #tpu.memory_space<vmem>> -> memref<64xi32, #tpu.memory_space<vmem>>
    %dma_start3A_25 = arith.constant 0 : i32
    %dma_start3A_26 = arith.constant 0 : i32
    %dma_start3A_27 = tpu.memref_slice %arg2[%dma_start3A_25, %dma_start3A_26] : memref<10000x128xi32, #tpu.memory_space<hbm>> -> memref<10000x128xi32, #tpu.memory_space<hbm>>
    tpu.enqueue_indirect_dma source(%dma_start3A_27 : memref<10000x128xi32, #tpu.memory_space<hbm>>) target(%arg11 : memref<64x128xi32, #tpu.memory_space<vmem>>) offsets(%dma_start3A_24 : memref<64xi32, #tpu.memory_space<vmem>>) semaphore(%arg15 : memref<!tpu.dma_semaphore, #tpu.memory_space<semaphore_mem>>)
    %dma_start3A_28 = arith.constant 0 : i32
    %dma_start3A_29 = arith.constant 64 : i32
    %dma_start3A_30 = tpu.memref_slice %arg8[%dma_start3A_28, %dma_start3A_29] : memref<112x128xi32, #tpu.memory_space<vmem>> -> memref<1x64xi32, #tpu.memory_space<vmem>>
    %dma_start3A_31 = tpu.memref_squeeze %dma_start3A_30 : memref<1x64xi32, #tpu.memory_space<vmem>> -> memref<64xi32, #tpu.memory_space<vmem>>
    %dma_start3A_32 = arith.constant 0 : i32
    %dma_start3A_33 = arith.constant 0 : i32
    %dma_start3A_34 = tpu.memref_slice %arg3[%dma_start3A_32, %dma_start3A_33] : memref<10000x128xi32, #tpu.memory_space<hbm>> -> memref<10000x128xi32, #tpu.memory_space<hbm>>
    tpu.enqueue_indirect_dma source(%dma_start3A_34 : memref<10000x128xi32, #tpu.memory_space<hbm>>) target(%arg12 : memref<64x128xi32, #tpu.memory_space<vmem>>) offsets(%dma_start3A_31 : memref<64xi32, #tpu.memory_space<vmem>>) semaphore(%arg16 : memref<!tpu.dma_semaphore, #tpu.memory_space<semaphore_mem>>)
    %sub3A = arith.constant 1 : i32
    %sub3A_35 = arith.subi %select_n3A, %sub3A : i32
    %while3A = arith.constant 0 : i32
    %while3A_36 = arith.constant 0 : i32
    %while3A_37 = arith.subi %sub3A_35, %while3A : i32
    %while3A_38 = arith.addi %while3A, %while3A_37 : i32
    %while3A_39 = arith.constant 1 : i32
    %while3A_40 = arith.divsi %while3A_37, %while3A_39 : i32
    %while3A_41 = arith.muli %while3A_40, %while3A_39 : i32
    %while3A_42 = arith.addi %while3A, %while3A_41 : i32
    %while3A_43 = arith.constant 1 : i32
    %while3A_44 = scf.for %while3A_129 = %while3A to %while3A_42 step %while3A_43 iter_args(%while3A_130 = %while3A_36) -> (i32)  : i32 {
      %dma_wait3A_131 = arith.constant 0 : i32
      %dma_wait3A_132 = tpu.memref_slice %arg7[%while3A_129, %dma_wait3A_131] : memref<112x128xi32, #tpu.memory_space<vmem>> -> memref<1x64xi32, #tpu.memory_space<vmem>>
      %dma_wait3A_133 = tpu.memref_squeeze %dma_wait3A_132 : memref<1x64xi32, #tpu.memory_space<vmem>> -> memref<64xi32, #tpu.memory_space<vmem>>
      %dma_wait3A_134 = arith.constant 0 : i32
      %dma_wait3A_135 = arith.constant 0 : i32
      %dma_wait3A_136 = tpu.memref_slice %arg2[%dma_wait3A_134, %dma_wait3A_135] : memref<10000x128xi32, #tpu.memory_space<hbm>> -> memref<10000x128xi32, #tpu.memory_space<hbm>>
      tpu.wait_indirect_dma semaphore(%arg13 : memref<!tpu.dma_semaphore, #tpu.memory_space<semaphore_mem>>) src(%dma_wait3A_136 : memref<10000x128xi32, #tpu.memory_space<hbm>>) dst(%arg9 : memref<64x128xi32, #tpu.memory_space<vmem>>)
      %dma_wait3A_137 = arith.constant 0 : i32
      %dma_wait3A_138 = tpu.memref_slice %arg8[%while3A_129, %dma_wait3A_137] : memref<112x128xi32, #tpu.memory_space<vmem>> -> memref<1x64xi32, #tpu.memory_space<vmem>>
      %dma_wait3A_139 = tpu.memref_squeeze %dma_wait3A_138 : memref<1x64xi32, #tpu.memory_space<vmem>> -> memref<64xi32, #tpu.memory_space<vmem>>
      %dma_wait3A_140 = arith.constant 0 : i32
      %dma_wait3A_141 = arith.constant 0 : i32
      %dma_wait3A_142 = tpu.memref_slice %arg3[%dma_wait3A_140, %dma_wait3A_141] : memref<10000x128xi32, #tpu.memory_space<hbm>> -> memref<10000x128xi32, #tpu.memory_space<hbm>>
      tpu.wait_indirect_dma semaphore(%arg14 : memref<!tpu.dma_semaphore, #tpu.memory_space<semaphore_mem>>) src(%dma_wait3A_142 : memref<10000x128xi32, #tpu.memory_space<hbm>>) dst(%arg10 : memref<64x128xi32, #tpu.memory_space<vmem>>)
      %scan3A_143 = arith.constant 0 : i32
      %scan3A_144 = arith.constant 0 : i32
      %scan3A_145 = arith.constant 64 : i32
      %scan3A_146 = arith.addi %scan3A_144, %scan3A_145 : i32
      %scan3A_147 = arith.constant 1 : i32
      %scan3A_148 = scf.for %scan3A_242 = %scan3A_144 to %scan3A_146 step %scan3A_147 iter_args(%scan3A_243 = %scan3A_143) -> (i32)  : i32 {
        %get3A = arith.index_cast %scan3A_242 : i32 to index
        %get3A_244 = arith.constant 0 : index
        %get3A_245 = tpu.vector_load %arg9[%get3A, %get3A_244] {strides = array<i32>} : memref<64x128xi32, #tpu.memory_space<vmem>>, vector<16xi32>,
        %bitcast3A = vector.bitcast %get3A_245 : vector<16xi32> to vector<32xbf16>
        %get3A_246 = arith.index_cast %scan3A_242 : i32 to index
        %get3A_247 = arith.constant 0 : index
        %get3A_248 = tpu.vector_load %arg10[%get3A_246, %get3A_247] {strides = array<i32>} : memref<64x128xi32, #tpu.memory_space<vmem>>, vector<16xi32>,
        %bitcast3A_249 = vector.bitcast %get3A_248 : vector<16xi32> to vector<32xbf16>
        %add3A_250 = arith.addf %bitcast3A, %bitcast3A_249 : vector<32xbf16>
        %bitcast3A_251 = vector.bitcast %add3A_250 : vector<32xbf16> to vector<16xi32>
        %swap3A = arith.index_cast %scan3A_242 : i32 to index
        %swap3A_252 = arith.constant 0 : index
        %swap3A_253 = tpu.vector_load %arg9[%swap3A, %swap3A_252] {strides = array<i32>} : memref<64x128xi32, #tpu.memory_space<vmem>>, vector<16xi32>,
        tpu.vector_store %arg9[%swap3A, %swap3A_252], %bitcast3A_251 {strides = array<i32>} : memref<64x128xi32, #tpu.memory_space<vmem>>, vector<16xi32>,
        %get3A_254 = arith.index_cast %scan3A_242 : i32 to index
        %get3A_255 = arith.constant 16 : index
        %get3A_256 = tpu.vector_load %arg9[%get3A_254, %get3A_255] {strides = array<i32>} : memref<64x128xi32, #tpu.memory_space<vmem>>, vector<16xi32>,
        %bitcast3A_257 = vector.bitcast %get3A_256 : vector<16xi32> to vector<32xbf16>
        %get3A_258 = arith.index_cast %scan3A_242 : i32 to index
        %get3A_259 = arith.constant 16 : index
        %get3A_260 = tpu.vector_load %arg10[%get3A_258, %get3A_259] {strides = array<i32>} : memref<64x128xi32, #tpu.memory_space<vmem>>, vector<16xi32>,
        %bitcast3A_261 = vector.bitcast %get3A_260 : vector<16xi32> to vector<32xbf16>
        %add3A_262 = arith.addf %bitcast3A_257, %bitcast3A_261 : vector<32xbf16>
        %bitcast3A_263 = vector.bitcast %add3A_262 : vector<32xbf16> to vector<16xi32>
        %swap3A_264 = arith.index_cast %scan3A_242 : i32 to index
        %swap3A_265 = arith.constant 16 : index
        %swap3A_266 = tpu.vector_load %arg9[%swap3A_264, %swap3A_265] {strides = array<i32>} : memref<64x128xi32, #tpu.memory_space<vmem>>, vector<16xi32>,
        tpu.vector_store %arg9[%swap3A_264, %swap3A_265], %bitcast3A_263 {strides = array<i32>} : memref<64x128xi32, #tpu.memory_space<vmem>>, vector<16xi32>,
        %get3A_267 = arith.index_cast %scan3A_242 : i32 to index
        %get3A_268 = arith.constant 32 : index
        %get3A_269 = tpu.vector_load %arg9[%get3A_267, %get3A_268] {strides = array<i32>} : memref<64x128xi32, #tpu.memory_space<vmem>>, vector<16xi32>,
        %bitcast3A_270 = vector.bitcast %get3A_269 : vector<16xi32> to vector<32xbf16>
        %get3A_271 = arith.index_cast %scan3A_242 : i32 to index
        %get3A_272 = arith.constant 32 : index
        %get3A_273 = tpu.vector_load %arg10[%get3A_271, %get3A_272] {strides = array<i32>} : memref<64x128xi32, #tpu.memory_space<vmem>>, vector<16xi32>,
        %bitcast3A_274 = vector.bitcast %get3A_273 : vector<16xi32> to vector<32xbf16>
        %add3A_275 = arith.addf %bitcast3A_270, %bitcast3A_274 : vector<32xbf16>
        %bitcast3A_276 = vector.bitcast %add3A_275 : vector<32xbf16> to vector<16xi32>
        %swap3A_277 = arith.index_cast %scan3A_242 : i32 to index
        %swap3A_278 = arith.constant 32 : index
        %swap3A_279 = tpu.vector_load %arg9[%swap3A_277, %swap3A_278] {strides = array<i32>} : memref<64x128xi32, #tpu.memory_space<vmem>>, vector<16xi32>,
        tpu.vector_store %arg9[%swap3A_277, %swap3A_278], %bitcast3A_276 {strides = array<i32>} : memref<64x128xi32, #tpu.memory_space<vmem>>, vector<16xi32>,
        %get3A_280 = arith.index_cast %scan3A_242 : i32 to index
        %get3A_281 = arith.constant 48 : index
        %get3A_282 = tpu.vector_load %arg9[%get3A_280, %get3A_281] {strides = array<i32>} : memref<64x128xi32, #tpu.memory_space<vmem>>, vector<16xi32>,
        %bitcast3A_283 = vector.bitcast %get3A_282 : vector<16xi32> to vector<32xbf16>
        %get3A_284 = arith.index_cast %scan3A_242 : i32 to index
        %get3A_285 = arith.constant 48 : index
        %get3A_286 = tpu.vector_load %arg10[%get3A_284, %get3A_285] {strides = array<i32>} : memref<64x128xi32, #tpu.memory_space<vmem>>, vector<16xi32>,
        %bitcast3A_287 = vector.bitcast %get3A_286 : vector<16xi32> to vector<32xbf16>
        %add3A_288 = arith.addf %bitcast3A_283, %bitcast3A_287 : vector<32xbf16>
        %bitcast3A_289 = vector.bitcast %add3A_288 : vector<32xbf16> to vector<16xi32>
        %swap3A_290 = arith.index_cast %scan3A_242 : i32 to index
        %swap3A_291 = arith.constant 48 : index
        %swap3A_292 = tpu.vector_load %arg9[%swap3A_290, %swap3A_291] {strides = array<i32>} : memref<64x128xi32, #tpu.memory_space<vmem>>, vector<16xi32>,
        tpu.vector_store %arg9[%swap3A_290, %swap3A_291], %bitcast3A_289 {strides = array<i32>} : memref<64x128xi32, #tpu.memory_space<vmem>>, vector<16xi32>,
        %get3A_293 = arith.index_cast %scan3A_242 : i32 to index
        %get3A_294 = arith.constant 64 : index
        %get3A_295 = tpu.vector_load %arg9[%get3A_293, %get3A_294] {strides = array<i32>} : memref<64x128xi32, #tpu.memory_space<vmem>>, vector<16xi32>,
        %bitcast3A_296 = vector.bitcast %get3A_295 : vector<16xi32> to vector<32xbf16>
        %get3A_297 = arith.index_cast %scan3A_242 : i32 to index
        %get3A_298 = arith.constant 64 : index
        %get3A_299 = tpu.vector_load %arg10[%get3A_297, %get3A_298] {strides = array<i32>} : memref<64x128xi32, #tpu.memory_space<vmem>>, vector<16xi32>,
        %bitcast3A_300 = vector.bitcast %get3A_299 : vector<16xi32> to vector<32xbf16>
        %add3A_301 = arith.addf %bitcast3A_296, %bitcast3A_300 : vector<32xbf16>
        %bitcast3A_302 = vector.bitcast %add3A_301 : vector<32xbf16> to vector<16xi32>
        %swap3A_303 = arith.index_cast %scan3A_242 : i32 to index
        %swap3A_304 = arith.constant 64 : index
        %swap3A_305 = tpu.vector_load %arg9[%swap3A_303, %swap3A_304] {strides = array<i32>} : memref<64x128xi32, #tpu.memory_space<vmem>>, vector<16xi32>,
        tpu.vector_store %arg9[%swap3A_303, %swap3A_304], %bitcast3A_302 {strides = array<i32>} : memref<64x128xi32, #tpu.memory_space<vmem>>, vector<16xi32>,
        %get3A_306 = arith.index_cast %scan3A_242 : i32 to index
        %get3A_307 = arith.constant 80 : index
        %get3A_308 = tpu.vector_load %arg9[%get3A_306, %get3A_307] {strides = array<i32>} : memref<64x128xi32, #tpu.memory_space<vmem>>, vector<16xi32>,
        %bitcast3A_309 = vector.bitcast %get3A_308 : vector<16xi32> to vector<32xbf16>
        %get3A_310 = arith.index_cast %scan3A_242 : i32 to index
        %get3A_311 = arith.constant 80 : index
        %get3A_312 = tpu.vector_load %arg10[%get3A_310, %get3A_311] {strides = array<i32>} : memref<64x128xi32, #tpu.memory_space<vmem>>, vector<16xi32>,
        %bitcast3A_313 = vector.bitcast %get3A_312 : vector<16xi32> to vector<32xbf16>
        %add3A_314 = arith.addf %bitcast3A_309, %bitcast3A_313 : vector<32xbf16>
        %bitcast3A_315 = vector.bitcast %add3A_314 : vector<32xbf16> to vector<16xi32>
        %swap3A_316 = arith.index_cast %scan3A_242 : i32 to index
        %swap3A_317 = arith.constant 80 : index
        %swap3A_318 = tpu.vector_load %arg9[%swap3A_316, %swap3A_317] {strides = array<i32>} : memref<64x128xi32, #tpu.memory_space<vmem>>, vector<16xi32>,
        tpu.vector_store %arg9[%swap3A_316, %swap3A_317], %bitcast3A_315 {strides = array<i32>} : memref<64x128xi32, #tpu.memory_space<vmem>>, vector<16xi32>,
        %get3A_319 = arith.index_cast %scan3A_242 : i32 to index
        %get3A_320 = arith.constant 96 : index
        %get3A_321 = tpu.vector_load %arg9[%get3A_319, %get3A_320] {strides = array<i32>} : memref<64x128xi32, #tpu.memory_space<vmem>>, vector<16xi32>,
        %bitcast3A_322 = vector.bitcast %get3A_321 : vector<16xi32> to vector<32xbf16>
        %get3A_323 = arith.index_cast %scan3A_242 : i32 to index
        %get3A_324 = arith.constant 96 : index
        %get3A_325 = tpu.vector_load %arg10[%get3A_323, %get3A_324] {strides = array<i32>} : memref<64x128xi32, #tpu.memory_space<vmem>>, vector<16xi32>,
        %bitcast3A_326 = vector.bitcast %get3A_325 : vector<16xi32> to vector<32xbf16>
        %add3A_327 = arith.addf %bitcast3A_322, %bitcast3A_326 : vector<32xbf16>
        %bitcast3A_328 = vector.bitcast %add3A_327 : vector<32xbf16> to vector<16xi32>
        %swap3A_329 = arith.index_cast %scan3A_242 : i32 to index
        %swap3A_330 = arith.constant 96 : index
        %swap3A_331 = tpu.vector_load %arg9[%swap3A_329, %swap3A_330] {strides = array<i32>} : memref<64x128xi32, #tpu.memory_space<vmem>>, vector<16xi32>,
        tpu.vector_store %arg9[%swap3A_329, %swap3A_330], %bitcast3A_328 {strides = array<i32>} : memref<64x128xi32, #tpu.memory_space<vmem>>, vector<16xi32>,
        %get3A_332 = arith.index_cast %scan3A_242 : i32 to index
        %get3A_333 = arith.constant 112 : index
        %get3A_334 = tpu.vector_load %arg9[%get3A_332, %get3A_333] {strides = array<i32>} : memref<64x128xi32, #tpu.memory_space<vmem>>, vector<16xi32>,
        %bitcast3A_335 = vector.bitcast %get3A_334 : vector<16xi32> to vector<32xbf16>
        %get3A_336 = arith.index_cast %scan3A_242 : i32 to index
        %get3A_337 = arith.constant 112 : index
        %get3A_338 = tpu.vector_load %arg10[%get3A_336, %get3A_337] {strides = array<i32>} : memref<64x128xi32, #tpu.memory_space<vmem>>, vector<16xi32>,
        %bitcast3A_339 = vector.bitcast %get3A_338 : vector<16xi32> to vector<32xbf16>
        %add3A_340 = arith.addf %bitcast3A_335, %bitcast3A_339 : vector<32xbf16>
        %bitcast3A_341 = vector.bitcast %add3A_340 : vector<32xbf16> to vector<16xi32>
        %swap3A_342 = arith.index_cast %scan3A_242 : i32 to index
        %swap3A_343 = arith.constant 112 : index
        %swap3A_344 = tpu.vector_load %arg9[%swap3A_342, %swap3A_343] {strides = array<i32>} : memref<64x128xi32, #tpu.memory_space<vmem>>, vector<16xi32>,
        tpu.vector_store %arg9[%swap3A_342, %swap3A_343], %bitcast3A_341 {strides = array<i32>} : memref<64x128xi32, #tpu.memory_space<vmem>>, vector<16xi32>,
        %scan3A_345 = arith.constant 0 : i32
        scf.yield %scan3A_345 : i32
      }
      %scan3A_149 = arith.constant 64 : i32
      %mul3A_150 = arith.constant 2 : i32
      %mul3A_151 = arith.muli %mul3A_150, %while3A_129 : i32
      %add3A_152 = arith.addi %add3A_7, %mul3A_151 : i32
      %add3A_153 = arith.constant 0 : i32
      %add3A_154 = arith.addi %add3A_152, %add3A_153 : i32
      %mul3A_155 = arith.constant 64 : i32
      %mul3A_156 = arith.muli %add3A_154, %mul3A_155 : i32
      %dma_start3A_157 = arith.constant 0 : i32
      %dma_start3A_158 = tpu.memref_slice %arg6[%mul3A_156, %dma_start3A_157] : memref<327680x128xi32, #tpu.memory_space<hbm>> -> memref<64x128xi32, #tpu.memory_space<hbm>>
      %dma_start3A_159 = arith.constant 0 : i32
      %dma_start3A_160 = tpu.memref_slice %arg6[%mul3A_156, %dma_start3A_159] : memref<327680x128xi32, #tpu.memory_space<hbm>> -> memref<64x128xi32, #tpu.memory_space<hbm>>
      tpu.enqueue_dma source(%arg9 : memref<64x128xi32, #tpu.memory_space<vmem>>) target(%dma_start3A_160 : memref<64x128xi32, #tpu.memory_space<hbm>>) target_semaphore(%arg17 : memref<!tpu.dma_semaphore, #tpu.memory_space<semaphore_mem>>)
      %mul3A_161 = arith.constant 2 : i32
      %mul3A_162 = arith.muli %mul3A_161, %while3A_129 : i32
      %add3A_163 = arith.addi %add3A_7, %mul3A_162 : i32
      %add3A_164 = arith.constant 0 : i32
      %add3A_165 = arith.addi %add3A_163, %add3A_164 : i32
      %mul3A_166 = arith.constant 64 : i32
      %mul3A_167 = arith.muli %add3A_165, %mul3A_166 : i32
      %dma_wait3A_168 = arith.constant 0 : i32
      %dma_wait3A_169 = tpu.memref_slice %arg6[%mul3A_167, %dma_wait3A_168] : memref<327680x128xi32, #tpu.memory_space<hbm>> -> memref<64x128xi32, #tpu.memory_space<hbm>>
      %dma_wait3A_170 = arith.constant 0 : i32
      %dma_wait3A_171 = tpu.memref_slice %arg6[%mul3A_167, %dma_wait3A_170] : memref<327680x128xi32, #tpu.memory_space<hbm>> -> memref<64x128xi32, #tpu.memory_space<hbm>>
      tpu.wait_dma2 semaphore(%arg17 : memref<!tpu.dma_semaphore, #tpu.memory_space<semaphore_mem>>) src(%arg9 : memref<64x128xi32, #tpu.memory_space<vmem>>) dst(%dma_wait3A_171 : memref<64x128xi32, #tpu.memory_space<hbm>>)
      %add3A_172 = arith.constant 1 : i32
      %add3A_173 = arith.addi %while3A_129, %add3A_172 : i32
      %dma_start3A_174 = arith.constant 0 : i32
      %dma_start3A_175 = tpu.memref_slice %arg7[%add3A_173, %dma_start3A_174] : memref<112x128xi32, #tpu.memory_space<vmem>> -> memref<1x64xi32, #tpu.memory_space<vmem>>
      %dma_start3A_176 = tpu.memref_squeeze %dma_start3A_175 : memref<1x64xi32, #tpu.memory_space<vmem>> -> memref<64xi32, #tpu.memory_space<vmem>>
      %dma_start3A_177 = arith.constant 0 : i32
      %dma_start3A_178 = arith.constant 0 : i32
      %dma_start3A_179 = tpu.memref_slice %arg2[%dma_start3A_177, %dma_start3A_178] : memref<10000x128xi32, #tpu.memory_space<hbm>> -> memref<10000x128xi32, #tpu.memory_space<hbm>>
      tpu.enqueue_indirect_dma source(%dma_start3A_179 : memref<10000x128xi32, #tpu.memory_space<hbm>>) target(%arg9 : memref<64x128xi32, #tpu.memory_space<vmem>>) offsets(%dma_start3A_176 : memref<64xi32, #tpu.memory_space<vmem>>) semaphore(%arg13 : memref<!tpu.dma_semaphore, #tpu.memory_space<semaphore_mem>>)
      %dma_start3A_180 = arith.constant 0 : i32
      %dma_start3A_181 = tpu.memref_slice %arg8[%add3A_173, %dma_start3A_180] : memref<112x128xi32, #tpu.memory_space<vmem>> -> memref<1x64xi32, #tpu.memory_space<vmem>>
      %dma_start3A_182 = tpu.memref_squeeze %dma_start3A_181 : memref<1x64xi32, #tpu.memory_space<vmem>> -> memref<64xi32, #tpu.memory_space<vmem>>
      %dma_start3A_183 = arith.constant 0 : i32
      %dma_start3A_184 = arith.constant 0 : i32
      %dma_start3A_185 = tpu.memref_slice %arg3[%dma_start3A_183, %dma_start3A_184] : memref<10000x128xi32, #tpu.memory_space<hbm>> -> memref<10000x128xi32, #tpu.memory_space<hbm>>
      tpu.enqueue_indirect_dma source(%dma_start3A_185 : memref<10000x128xi32, #tpu.memory_space<hbm>>) target(%arg10 : memref<64x128xi32, #tpu.memory_space<vmem>>) offsets(%dma_start3A_182 : memref<64xi32, #tpu.memory_space<vmem>>) semaphore(%arg14 : memref<!tpu.dma_semaphore, #tpu.memory_space<semaphore_mem>>)
      %dma_wait3A_186 = arith.constant 64 : i32
      %dma_wait3A_187 = tpu.memref_slice %arg7[%while3A_129, %dma_wait3A_186] : memref<112x128xi32, #tpu.memory_space<vmem>> -> memref<1x64xi32, #tpu.memory_space<vmem>>
      %dma_wait3A_188 = tpu.memref_squeeze %dma_wait3A_187 : memref<1x64xi32, #tpu.memory_space<vmem>> -> memref<64xi32, #tpu.memory_space<vmem>>
      %dma_wait3A_189 = arith.constant 0 : i32
      %dma_wait3A_190 = arith.constant 0 : i32
      %dma_wait3A_191 = tpu.memref_slice %arg2[%dma_wait3A_189, %dma_wait3A_190] : memref<10000x128xi32, #tpu.memory_space<hbm>> -> memref<10000x128xi32, #tpu.memory_space<hbm>>
      tpu.wait_indirect_dma semaphore(%arg15 : memref<!tpu.dma_semaphore, #tpu.memory_space<semaphore_mem>>) src(%dma_wait3A_191 : memref<10000x128xi32, #tpu.memory_space<hbm>>) dst(%arg11 : memref<64x128xi32, #tpu.memory_space<vmem>>)
      %dma_wait3A_192 = arith.constant 64 : i32
      %dma_wait3A_193 = tpu.memref_slice %arg8[%while3A_129, %dma_wait3A_192] : memref<112x128xi32, #tpu.memory_space<vmem>> -> memref<1x64xi32, #tpu.memory_space<vmem>>
      %dma_wait3A_194 = tpu.memref_squeeze %dma_wait3A_193 : memref<1x64xi32, #tpu.memory_space<vmem>> -> memref<64xi32, #tpu.memory_space<vmem>>
      %dma_wait3A_195 = arith.constant 0 : i32
      %dma_wait3A_196 = arith.constant 0 : i32
      %dma_wait3A_197 = tpu.memref_slice %arg3[%dma_wait3A_195, %dma_wait3A_196] : memref<10000x128xi32, #tpu.memory_space<hbm>> -> memref<10000x128xi32, #tpu.memory_space<hbm>>
      tpu.wait_indirect_dma semaphore(%arg16 : memref<!tpu.dma_semaphore, #tpu.memory_space<semaphore_mem>>) src(%dma_wait3A_197 : memref<10000x128xi32, #tpu.memory_space<hbm>>) dst(%arg12 : memref<64x128xi32, #tpu.memory_space<vmem>>)
      %scan3A_198 = arith.constant 0 : i32
      %scan3A_199 = arith.constant 0 : i32
      %scan3A_200 = arith.constant 64 : i32
      %scan3A_201 = arith.addi %scan3A_199, %scan3A_200 : i32
      %scan3A_202 = arith.constant 1 : i32
      %scan3A_203 = scf.for %scan3A_242 = %scan3A_199 to %scan3A_201 step %scan3A_202 iter_args(%scan3A_243 = %scan3A_198) -> (i32)  : i32 {
        %get3A = arith.index_cast %scan3A_242 : i32 to index
        %get3A_244 = arith.constant 0 : index
        %get3A_245 = tpu.vector_load %arg11[%get3A, %get3A_244] {strides = array<i32>} : memref<64x128xi32, #tpu.memory_space<vmem>>, vector<16xi32>,
        %bitcast3A = vector.bitcast %get3A_245 : vector<16xi32> to vector<32xbf16>
        %get3A_246 = arith.index_cast %scan3A_242 : i32 to index
        %get3A_247 = arith.constant 0 : index
        %get3A_248 = tpu.vector_load %arg12[%get3A_246, %get3A_247] {strides = array<i32>} : memref<64x128xi32, #tpu.memory_space<vmem>>, vector<16xi32>,
        %bitcast3A_249 = vector.bitcast %get3A_248 : vector<16xi32> to vector<32xbf16>
        %add3A_250 = arith.addf %bitcast3A, %bitcast3A_249 : vector<32xbf16>
        %bitcast3A_251 = vector.bitcast %add3A_250 : vector<32xbf16> to vector<16xi32>
        %swap3A = arith.index_cast %scan3A_242 : i32 to index
        %swap3A_252 = arith.constant 0 : index
        %swap3A_253 = tpu.vector_load %arg11[%swap3A, %swap3A_252] {strides = array<i32>} : memref<64x128xi32, #tpu.memory_space<vmem>>, vector<16xi32>,
        tpu.vector_store %arg11[%swap3A, %swap3A_252], %bitcast3A_251 {strides = array<i32>} : memref<64x128xi32, #tpu.memory_space<vmem>>, vector<16xi32>,
        %get3A_254 = arith.index_cast %scan3A_242 : i32 to index
        %get3A_255 = arith.constant 16 : index
        %get3A_256 = tpu.vector_load %arg11[%get3A_254, %get3A_255] {strides = array<i32>} : memref<64x128xi32, #tpu.memory_space<vmem>>, vector<16xi32>,
        %bitcast3A_257 = vector.bitcast %get3A_256 : vector<16xi32> to vector<32xbf16>
        %get3A_258 = arith.index_cast %scan3A_242 : i32 to index
        %get3A_259 = arith.constant 16 : index
        %get3A_260 = tpu.vector_load %arg12[%get3A_258, %get3A_259] {strides = array<i32>} : memref<64x128xi32, #tpu.memory_space<vmem>>, vector<16xi32>,
        %bitcast3A_261 = vector.bitcast %get3A_260 : vector<16xi32> to vector<32xbf16>
        %add3A_262 = arith.addf %bitcast3A_257, %bitcast3A_261 : vector<32xbf16>
        %bitcast3A_263 = vector.bitcast %add3A_262 : vector<32xbf16> to vector<16xi32>
        %swap3A_264 = arith.index_cast %scan3A_242 : i32 to index
        %swap3A_265 = arith.constant 16 : index
        %swap3A_266 = tpu.vector_load %arg11[%swap3A_264, %swap3A_265] {strides = array<i32>} : memref<64x128xi32, #tpu.memory_space<vmem>>, vector<16xi32>,
        tpu.vector_store %arg11[%swap3A_264, %swap3A_265], %bitcast3A_263 {strides = array<i32>} : memref<64x128xi32, #tpu.memory_space<vmem>>, vector<16xi32>,
        %get3A_267 = arith.index_cast %scan3A_242 : i32 to index
        %get3A_268 = arith.constant 32 : index
        %get3A_269 = tpu.vector_load %arg11[%get3A_267, %get3A_268] {strides = array<i32>} : memref<64x128xi32, #tpu.memory_space<vmem>>, vector<16xi32>,
        %bitcast3A_270 = vector.bitcast %get3A_269 : vector<16xi32> to vector<32xbf16>
        %get3A_271 = arith.index_cast %scan3A_242 : i32 to index
        %get3A_272 = arith.constant 32 : index
        %get3A_273 = tpu.vector_load %arg12[%get3A_271, %get3A_272] {strides = array<i32>} : memref<64x128xi32, #tpu.memory_space<vmem>>, vector<16xi32>,
        %bitcast3A_274 = vector.bitcast %get3A_273 : vector<16xi32> to vector<32xbf16>
        %add3A_275 = arith.addf %bitcast3A_270, %bitcast3A_274 : vector<32xbf16>
        %bitcast3A_276 = vector.bitcast %add3A_275 : vector<32xbf16> to vector<16xi32>
        %swap3A_277 = arith.index_cast %scan3A_242 : i32 to index
        %swap3A_278 = arith.constant 32 : index
        %swap3A_279 = tpu.vector_load %arg11[%swap3A_277, %swap3A_278] {strides = array<i32>} : memref<64x128xi32, #tpu.memory_space<vmem>>, vector<16xi32>,
        tpu.vector_store %arg11[%swap3A_277, %swap3A_278], %bitcast3A_276 {strides = array<i32>} : memref<64x128xi32, #tpu.memory_space<vmem>>, vector<16xi32>,
        %get3A_280 = arith.index_cast %scan3A_242 : i32 to index
        %get3A_281 = arith.constant 48 : index
        %get3A_282 = tpu.vector_load %arg11[%get3A_280, %get3A_281] {strides = array<i32>} : memref<64x128xi32, #tpu.memory_space<vmem>>, vector<16xi32>,
        %bitcast3A_283 = vector.bitcast %get3A_282 : vector<16xi32> to vector<32xbf16>
        %get3A_284 = arith.index_cast %scan3A_242 : i32 to index
        %get3A_285 = arith.constant 48 : index
        %get3A_286 = tpu.vector_load %arg12[%get3A_284, %get3A_285] {strides = array<i32>} : memref<64x128xi32, #tpu.memory_space<vmem>>, vector<16xi32>,
        %bitcast3A_287 = vector.bitcast %get3A_286 : vector<16xi32> to vector<32xbf16>
        %add3A_288 = arith.addf %bitcast3A_283, %bitcast3A_287 : vector<32xbf16>
        %bitcast3A_289 = vector.bitcast %add3A_288 : vector<32xbf16> to vector<16xi32>
        %swap3A_290 = arith.index_cast %scan3A_242 : i32 to index
        %swap3A_291 = arith.constant 48 : index
        %swap3A_292 = tpu.vector_load %arg11[%swap3A_290, %swap3A_291] {strides = array<i32>} : memref<64x128xi32, #tpu.memory_space<vmem>>, vector<16xi32>,
        tpu.vector_store %arg11[%swap3A_290, %swap3A_291], %bitcast3A_289 {strides = array<i32>} : memref<64x128xi32, #tpu.memory_space<vmem>>, vector<16xi32>,
        %get3A_293 = arith.index_cast %scan3A_242 : i32 to index
        %get3A_294 = arith.constant 64 : index
        %get3A_295 = tpu.vector_load %arg11[%get3A_293, %get3A_294] {strides = array<i32>} : memref<64x128xi32, #tpu.memory_space<vmem>>, vector<16xi32>,
        %bitcast3A_296 = vector.bitcast %get3A_295 : vector<16xi32> to vector<32xbf16>
        %get3A_297 = arith.index_cast %scan3A_242 : i32 to index
        %get3A_298 = arith.constant 64 : index
        %get3A_299 = tpu.vector_load %arg12[%get3A_297, %get3A_298] {strides = array<i32>} : memref<64x128xi32, #tpu.memory_space<vmem>>, vector<16xi32>,
        %bitcast3A_300 = vector.bitcast %get3A_299 : vector<16xi32> to vector<32xbf16>
        %add3A_301 = arith.addf %bitcast3A_296, %bitcast3A_300 : vector<32xbf16>
        %bitcast3A_302 = vector.bitcast %add3A_301 : vector<32xbf16> to vector<16xi32>
        %swap3A_303 = arith.index_cast %scan3A_242 : i32 to index
        %swap3A_304 = arith.constant 64 : index
        %swap3A_305 = tpu.vector_load %arg11[%swap3A_303, %swap3A_304] {strides = array<i32>} : memref<64x128xi32, #tpu.memory_space<vmem>>, vector<16xi32>,
        tpu.vector_store %arg11[%swap3A_303, %swap3A_304], %bitcast3A_302 {strides = array<i32>} : memref<64x128xi32, #tpu.memory_space<vmem>>, vector<16xi32>,
        %get3A_306 = arith.index_cast %scan3A_242 : i32 to index
        %get3A_307 = arith.constant 80 : index
        %get3A_308 = tpu.vector_load %arg11[%get3A_306, %get3A_307] {strides = array<i32>} : memref<64x128xi32, #tpu.memory_space<vmem>>, vector<16xi32>,
        %bitcast3A_309 = vector.bitcast %get3A_308 : vector<16xi32> to vector<32xbf16>
        %get3A_310 = arith.index_cast %scan3A_242 : i32 to index
        %get3A_311 = arith.constant 80 : index
        %get3A_312 = tpu.vector_load %arg12[%get3A_310, %get3A_311] {strides = array<i32>} : memref<64x128xi32, #tpu.memory_space<vmem>>, vector<16xi32>,
        %bitcast3A_313 = vector.bitcast %get3A_312 : vector<16xi32> to vector<32xbf16>
        %add3A_314 = arith.addf %bitcast3A_309, %bitcast3A_313 : vector<32xbf16>
        %bitcast3A_315 = vector.bitcast %add3A_314 : vector<32xbf16> to vector<16xi32>
        %swap3A_316 = arith.index_cast %scan3A_242 : i32 to index
        %swap3A_317 = arith.constant 80 : index
        %swap3A_318 = tpu.vector_load %arg11[%swap3A_316, %swap3A_317] {strides = array<i32>} : memref<64x128xi32, #tpu.memory_space<vmem>>, vector<16xi32>,
        tpu.vector_store %arg11[%swap3A_316, %swap3A_317], %bitcast3A_315 {strides = array<i32>} : memref<64x128xi32, #tpu.memory_space<vmem>>, vector<16xi32>,
        %get3A_319 = arith.index_cast %scan3A_242 : i32 to index
        %get3A_320 = arith.constant 96 : index
        %get3A_321 = tpu.vector_load %arg11[%get3A_319, %get3A_320] {strides = array<i32>} : memref<64x128xi32, #tpu.memory_space<vmem>>, vector<16xi32>,
        %bitcast3A_322 = vector.bitcast %get3A_321 : vector<16xi32> to vector<32xbf16>
        %get3A_323 = arith.index_cast %scan3A_242 : i32 to index
        %get3A_324 = arith.constant 96 : index
        %get3A_325 = tpu.vector_load %arg12[%get3A_323, %get3A_324] {strides = array<i32>} : memref<64x128xi32, #tpu.memory_space<vmem>>, vector<16xi32>,
        %bitcast3A_326 = vector.bitcast %get3A_325 : vector<16xi32> to vector<32xbf16>
        %add3A_327 = arith.addf %bitcast3A_322, %bitcast3A_326 : vector<32xbf16>
        %bitcast3A_328 = vector.bitcast %add3A_327 : vector<32xbf16> to vector<16xi32>
        %swap3A_329 = arith.index_cast %scan3A_242 : i32 to index
        %swap3A_330 = arith.constant 96 : index
        %swap3A_331 = tpu.vector_load %arg11[%swap3A_329, %swap3A_330] {strides = array<i32>} : memref<64x128xi32, #tpu.memory_space<vmem>>, vector<16xi32>,
        tpu.vector_store %arg11[%swap3A_329, %swap3A_330], %bitcast3A_328 {strides = array<i32>} : memref<64x128xi32, #tpu.memory_space<vmem>>, vector<16xi32>,
        %get3A_332 = arith.index_cast %scan3A_242 : i32 to index
        %get3A_333 = arith.constant 112 : index
        %get3A_334 = tpu.vector_load %arg11[%get3A_332, %get3A_333] {strides = array<i32>} : memref<64x128xi32, #tpu.memory_space<vmem>>, vector<16xi32>,
        %bitcast3A_335 = vector.bitcast %get3A_334 : vector<16xi32> to vector<32xbf16>
        %get3A_336 = arith.index_cast %scan3A_242 : i32 to index
        %get3A_337 = arith.constant 112 : index
        %get3A_338 = tpu.vector_load %arg12[%get3A_336, %get3A_337] {strides = array<i32>} : memref<64x128xi32, #tpu.memory_space<vmem>>, vector<16xi32>,
        %bitcast3A_339 = vector.bitcast %get3A_338 : vector<16xi32> to vector<32xbf16>
        %add3A_340 = arith.addf %bitcast3A_335, %bitcast3A_339 : vector<32xbf16>
        %bitcast3A_341 = vector.bitcast %add3A_340 : vector<32xbf16> to vector<16xi32>
        %swap3A_342 = arith.index_cast %scan3A_242 : i32 to index
        %swap3A_343 = arith.constant 112 : index
        %swap3A_344 = tpu.vector_load %arg11[%swap3A_342, %swap3A_343] {strides = array<i32>} : memref<64x128xi32, #tpu.memory_space<vmem>>, vector<16xi32>,
        tpu.vector_store %arg11[%swap3A_342, %swap3A_343], %bitcast3A_341 {strides = array<i32>} : memref<64x128xi32, #tpu.memory_space<vmem>>, vector<16xi32>,
        %scan3A_345 = arith.constant 0 : i32
        scf.yield %scan3A_345 : i32
      }
      %scan3A_204 = arith.constant 64 : i32
      %mul3A_205 = arith.constant 2 : i32
      %mul3A_206 = arith.muli %mul3A_205, %while3A_129 : i32
      %add3A_207 = arith.addi %add3A_7, %mul3A_206 : i32
      %add3A_208 = arith.constant 1 : i32
      %add3A_209 = arith.addi %add3A_207, %add3A_208 : i32
      %mul3A_210 = arith.constant 64 : i32
      %mul3A_211 = arith.muli %add3A_209, %mul3A_210 : i32
      %dma_start3A_212 = arith.constant 0 : i32
      %dma_start3A_213 = tpu.memref_slice %arg6[%mul3A_211, %dma_start3A_212] : memref<327680x128xi32, #tpu.memory_space<hbm>> -> memref<64x128xi32, #tpu.memory_space<hbm>>
      %dma_start3A_214 = arith.constant 0 : i32
      %dma_start3A_215 = tpu.memref_slice %arg6[%mul3A_211, %dma_start3A_214] : memref<327680x128xi32, #tpu.memory_space<hbm>> -> memref<64x128xi32, #tpu.memory_space<hbm>>
      tpu.enqueue_dma source(%arg11 : memref<64x128xi32, #tpu.memory_space<vmem>>) target(%dma_start3A_215 : memref<64x128xi32, #tpu.memory_space<hbm>>) target_semaphore(%arg18 : memref<!tpu.dma_semaphore, #tpu.memory_space<semaphore_mem>>)
      %mul3A_216 = arith.constant 2 : i32
      %mul3A_217 = arith.muli %mul3A_216, %while3A_129 : i32
      %add3A_218 = arith.addi %add3A_7, %mul3A_217 : i32
      %add3A_219 = arith.constant 1 : i32
      %add3A_220 = arith.addi %add3A_218, %add3A_219 : i32
      %mul3A_221 = arith.constant 64 : i32
      %mul3A_222 = arith.muli %add3A_220, %mul3A_221 : i32
      %dma_wait3A_223 = arith.constant 0 : i32
      %dma_wait3A_224 = tpu.memref_slice %arg6[%mul3A_222, %dma_wait3A_223] : memref<327680x128xi32, #tpu.memory_space<hbm>> -> memref<64x128xi32, #tpu.memory_space<hbm>>
      %dma_wait3A_225 = arith.constant 0 : i32
      %dma_wait3A_226 = tpu.memref_slice %arg6[%mul3A_222, %dma_wait3A_225] : memref<327680x128xi32, #tpu.memory_space<hbm>> -> memref<64x128xi32, #tpu.memory_space<hbm>>
      tpu.wait_dma2 semaphore(%arg18 : memref<!tpu.dma_semaphore, #tpu.memory_space<semaphore_mem>>) src(%arg11 : memref<64x128xi32, #tpu.memory_space<vmem>>) dst(%dma_wait3A_226 : memref<64x128xi32, #tpu.memory_space<hbm>>)
      %add3A_227 = arith.constant 1 : i32
      %add3A_228 = arith.addi %while3A_129, %add3A_227 : i32
      %dma_start3A_229 = arith.constant 64 : i32
      %dma_start3A_230 = tpu.memref_slice %arg7[%add3A_228, %dma_start3A_229] : memref<112x128xi32, #tpu.memory_space<vmem>> -> memref<1x64xi32, #tpu.memory_space<vmem>>
      %dma_start3A_231 = tpu.memref_squeeze %dma_start3A_230 : memref<1x64xi32, #tpu.memory_space<vmem>> -> memref<64xi32, #tpu.memory_space<vmem>>
      %dma_start3A_232 = arith.constant 0 : i32
      %dma_start3A_233 = arith.constant 0 : i32
      %dma_start3A_234 = tpu.memref_slice %arg2[%dma_start3A_232, %dma_start3A_233] : memref<10000x128xi32, #tpu.memory_space<hbm>> -> memref<10000x128xi32, #tpu.memory_space<hbm>>
      tpu.enqueue_indirect_dma source(%dma_start3A_234 : memref<10000x128xi32, #tpu.memory_space<hbm>>) target(%arg11 : memref<64x128xi32, #tpu.memory_space<vmem>>) offsets(%dma_start3A_231 : memref<64xi32, #tpu.memory_space<vmem>>) semaphore(%arg15 : memref<!tpu.dma_semaphore, #tpu.memory_space<semaphore_mem>>)
      %dma_start3A_235 = arith.constant 64 : i32
      %dma_start3A_236 = tpu.memref_slice %arg8[%add3A_228, %dma_start3A_235] : memref<112x128xi32, #tpu.memory_space<vmem>> -> memref<1x64xi32, #tpu.memory_space<vmem>>
      %dma_start3A_237 = tpu.memref_squeeze %dma_start3A_236 : memref<1x64xi32, #tpu.memory_space<vmem>> -> memref<64xi32, #tpu.memory_space<vmem>>
      %dma_start3A_238 = arith.constant 0 : i32
      %dma_start3A_239 = arith.constant 0 : i32
      %dma_start3A_240 = tpu.memref_slice %arg3[%dma_start3A_238, %dma_start3A_239] : memref<10000x128xi32, #tpu.memory_space<hbm>> -> memref<10000x128xi32, #tpu.memory_space<hbm>>
      tpu.enqueue_indirect_dma source(%dma_start3A_240 : memref<10000x128xi32, #tpu.memory_space<hbm>>) target(%arg12 : memref<64x128xi32, #tpu.memory_space<vmem>>) offsets(%dma_start3A_237 : memref<64xi32, #tpu.memory_space<vmem>>) semaphore(%arg16 : memref<!tpu.dma_semaphore, #tpu.memory_space<semaphore_mem>>)
      %while3A_241 = arith.constant 0 : i32
      scf.yield %while3A_241 : i32
    }
    %while3A_45 = arith.constant 1 : i32
    %while3A_46 = scf.for %while3A_129 = %while3A_42 to %while3A_38 step %while3A_45 iter_args(%while3A_130 = %while3A_44) -> (i32)  : i32 {
      %dma_wait3A_131 = arith.constant 0 : i32
      %dma_wait3A_132 = tpu.memref_slice %arg7[%while3A_129, %dma_wait3A_131] : memref<112x128xi32, #tpu.memory_space<vmem>> -> memref<1x64xi32, #tpu.memory_space<vmem>>
      %dma_wait3A_133 = tpu.memref_squeeze %dma_wait3A_132 : memref<1x64xi32, #tpu.memory_space<vmem>> -> memref<64xi32, #tpu.memory_space<vmem>>
      %dma_wait3A_134 = arith.constant 0 : i32
      %dma_wait3A_135 = arith.constant 0 : i32
      %dma_wait3A_136 = tpu.memref_slice %arg2[%dma_wait3A_134, %dma_wait3A_135] : memref<10000x128xi32, #tpu.memory_space<hbm>> -> memref<10000x128xi32, #tpu.memory_space<hbm>>
      tpu.wait_indirect_dma semaphore(%arg13 : memref<!tpu.dma_semaphore, #tpu.memory_space<semaphore_mem>>) src(%dma_wait3A_136 : memref<10000x128xi32, #tpu.memory_space<hbm>>) dst(%arg9 : memref<64x128xi32, #tpu.memory_space<vmem>>)
      %dma_wait3A_137 = arith.constant 0 : i32
      %dma_wait3A_138 = tpu.memref_slice %arg8[%while3A_129, %dma_wait3A_137] : memref<112x128xi32, #tpu.memory_space<vmem>> -> memref<1x64xi32, #tpu.memory_space<vmem>>
      %dma_wait3A_139 = tpu.memref_squeeze %dma_wait3A_138 : memref<1x64xi32, #tpu.memory_space<vmem>> -> memref<64xi32, #tpu.memory_space<vmem>>
      %dma_wait3A_140 = arith.constant 0 : i32
      %dma_wait3A_141 = arith.constant 0 : i32
      %dma_wait3A_142 = tpu.memref_slice %arg3[%dma_wait3A_140, %dma_wait3A_141] : memref<10000x128xi32, #tpu.memory_space<hbm>> -> memref<10000x128xi32, #tpu.memory_space<hbm>>
      tpu.wait_indirect_dma semaphore(%arg14 : memref<!tpu.dma_semaphore, #tpu.memory_space<semaphore_mem>>) src(%dma_wait3A_142 : memref<10000x128xi32, #tpu.memory_space<hbm>>) dst(%arg10 : memref<64x128xi32, #tpu.memory_space<vmem>>)
      %scan3A_143 = arith.constant 0 : i32
      %scan3A_144 = arith.constant 0 : i32
      %scan3A_145 = arith.constant 64 : i32
      %scan3A_146 = arith.addi %scan3A_144, %scan3A_145 : i32
      %scan3A_147 = arith.constant 1 : i32
      %scan3A_148 = scf.for %scan3A_242 = %scan3A_144 to %scan3A_146 step %scan3A_147 iter_args(%scan3A_243 = %scan3A_143) -> (i32)  : i32 {
        %get3A = arith.index_cast %scan3A_242 : i32 to index
        %get3A_244 = arith.constant 0 : index
        %get3A_245 = tpu.vector_load %arg9[%get3A, %get3A_244] {strides = array<i32>} : memref<64x128xi32, #tpu.memory_space<vmem>>, vector<16xi32>,
        %bitcast3A = vector.bitcast %get3A_245 : vector<16xi32> to vector<32xbf16>
        %get3A_246 = arith.index_cast %scan3A_242 : i32 to index
        %get3A_247 = arith.constant 0 : index
        %get3A_248 = tpu.vector_load %arg10[%get3A_246, %get3A_247] {strides = array<i32>} : memref<64x128xi32, #tpu.memory_space<vmem>>, vector<16xi32>,
        %bitcast3A_249 = vector.bitcast %get3A_248 : vector<16xi32> to vector<32xbf16>
        %add3A_250 = arith.addf %bitcast3A, %bitcast3A_249 : vector<32xbf16>
        %bitcast3A_251 = vector.bitcast %add3A_250 : vector<32xbf16> to vector<16xi32>
        %swap3A = arith.index_cast %scan3A_242 : i32 to index
        %swap3A_252 = arith.constant 0 : index
        %swap3A_253 = tpu.vector_load %arg9[%swap3A, %swap3A_252] {strides = array<i32>} : memref<64x128xi32, #tpu.memory_space<vmem>>, vector<16xi32>,
        tpu.vector_store %arg9[%swap3A, %swap3A_252], %bitcast3A_251 {strides = array<i32>} : memref<64x128xi32, #tpu.memory_space<vmem>>, vector<16xi32>,
        %get3A_254 = arith.index_cast %scan3A_242 : i32 to index
        %get3A_255 = arith.constant 16 : index
        %get3A_256 = tpu.vector_load %arg9[%get3A_254, %get3A_255] {strides = array<i32>} : memref<64x128xi32, #tpu.memory_space<vmem>>, vector<16xi32>,
        %bitcast3A_257 = vector.bitcast %get3A_256 : vector<16xi32> to vector<32xbf16>
        %get3A_258 = arith.index_cast %scan3A_242 : i32 to index
        %get3A_259 = arith.constant 16 : index
        %get3A_260 = tpu.vector_load %arg10[%get3A_258, %get3A_259] {strides = array<i32>} : memref<64x128xi32, #tpu.memory_space<vmem>>, vector<16xi32>,
        %bitcast3A_261 = vector.bitcast %get3A_260 : vector<16xi32> to vector<32xbf16>
        %add3A_262 = arith.addf %bitcast3A_257, %bitcast3A_261 : vector<32xbf16>
        %bitcast3A_263 = vector.bitcast %add3A_262 : vector<32xbf16> to vector<16xi32>
        %swap3A_264 = arith.index_cast %scan3A_242 : i32 to index
        %swap3A_265 = arith.constant 16 : index
        %swap3A_266 = tpu.vector_load %arg9[%swap3A_264, %swap3A_265] {strides = array<i32>} : memref<64x128xi32, #tpu.memory_space<vmem>>, vector<16xi32>,
        tpu.vector_store %arg9[%swap3A_264, %swap3A_265], %bitcast3A_263 {strides = array<i32>} : memref<64x128xi32, #tpu.memory_space<vmem>>, vector<16xi32>,
        %get3A_267 = arith.index_cast %scan3A_242 : i32 to index
        %get3A_268 = arith.constant 32 : index
        %get3A_269 = tpu.vector_load %arg9[%get3A_267, %get3A_268] {strides = array<i32>} : memref<64x128xi32, #tpu.memory_space<vmem>>, vector<16xi32>,
        %bitcast3A_270 = vector.bitcast %get3A_269 : vector<16xi32> to vector<32xbf16>
        %get3A_271 = arith.index_cast %scan3A_242 : i32 to index
        %get3A_272 = arith.constant 32 : index
        %get3A_273 = tpu.vector_load %arg10[%get3A_271, %get3A_272] {strides = array<i32>} : memref<64x128xi32, #tpu.memory_space<vmem>>, vector<16xi32>,
        %bitcast3A_274 = vector.bitcast %get3A_273 : vector<16xi32> to vector<32xbf16>
        %add3A_275 = arith.addf %bitcast3A_270, %bitcast3A_274 : vector<32xbf16>
        %bitcast3A_276 = vector.bitcast %add3A_275 : vector<32xbf16> to vector<16xi32>
        %swap3A_277 = arith.index_cast %scan3A_242 : i32 to index
        %swap3A_278 = arith.constant 32 : index
        %swap3A_279 = tpu.vector_load %arg9[%swap3A_277, %swap3A_278] {strides = array<i32>} : memref<64x128xi32, #tpu.memory_space<vmem>>, vector<16xi32>,
        tpu.vector_store %arg9[%swap3A_277, %swap3A_278], %bitcast3A_276 {strides = array<i32>} : memref<64x128xi32, #tpu.memory_space<vmem>>, vector<16xi32>,
        %get3A_280 = arith.index_cast %scan3A_242 : i32 to index
        %get3A_281 = arith.constant 48 : index
        %get3A_282 = tpu.vector_load %arg9[%get3A_280, %get3A_281] {strides = array<i32>} : memref<64x128xi32, #tpu.memory_space<vmem>>, vector<16xi32>,
        %bitcast3A_283 = vector.bitcast %get3A_282 : vector<16xi32> to vector<32xbf16>
        %get3A_284 = arith.index_cast %scan3A_242 : i32 to index
        %get3A_285 = arith.constant 48 : index
        %get3A_286 = tpu.vector_load %arg10[%get3A_284, %get3A_285] {strides = array<i32>} : memref<64x128xi32, #tpu.memory_space<vmem>>, vector<16xi32>,
        %bitcast3A_287 = vector.bitcast %get3A_286 : vector<16xi32> to vector<32xbf16>
        %add3A_288 = arith.addf %bitcast3A_283, %bitcast3A_287 : vector<32xbf16>
        %bitcast3A_289 = vector.bitcast %add3A_288 : vector<32xbf16> to vector<16xi32>
        %swap3A_290 = arith.index_cast %scan3A_242 : i32 to index
        %swap3A_291 = arith.constant 48 : index
        %swap3A_292 = tpu.vector_load %arg9[%swap3A_290, %swap3A_291] {strides = array<i32>} : memref<64x128xi32, #tpu.memory_space<vmem>>, vector<16xi32>,
        tpu.vector_store %arg9[%swap3A_290, %swap3A_291], %bitcast3A_289 {strides = array<i32>} : memref<64x128xi32, #tpu.memory_space<vmem>>, vector<16xi32>,
        %get3A_293 = arith.index_cast %scan3A_242 : i32 to index
        %get3A_294 = arith.constant 64 : index
        %get3A_295 = tpu.vector_load %arg9[%get3A_293, %get3A_294] {strides = array<i32>} : memref<64x128xi32, #tpu.memory_space<vmem>>, vector<16xi32>,
        %bitcast3A_296 = vector.bitcast %get3A_295 : vector<16xi32> to vector<32xbf16>
        %get3A_297 = arith.index_cast %scan3A_242 : i32 to index
        %get3A_298 = arith.constant 64 : index
        %get3A_299 = tpu.vector_load %arg10[%get3A_297, %get3A_298] {strides = array<i32>} : memref<64x128xi32, #tpu.memory_space<vmem>>, vector<16xi32>,
        %bitcast3A_300 = vector.bitcast %get3A_299 : vector<16xi32> to vector<32xbf16>
        %add3A_301 = arith.addf %bitcast3A_296, %bitcast3A_300 : vector<32xbf16>
        %bitcast3A_302 = vector.bitcast %add3A_301 : vector<32xbf16> to vector<16xi32>
        %swap3A_303 = arith.index_cast %scan3A_242 : i32 to index
        %swap3A_304 = arith.constant 64 : index
        %swap3A_305 = tpu.vector_load %arg9[%swap3A_303, %swap3A_304] {strides = array<i32>} : memref<64x128xi32, #tpu.memory_space<vmem>>, vector<16xi32>,
        tpu.vector_store %arg9[%swap3A_303, %swap3A_304], %bitcast3A_302 {strides = array<i32>} : memref<64x128xi32, #tpu.memory_space<vmem>>, vector<16xi32>,
        %get3A_306 = arith.index_cast %scan3A_242 : i32 to index
        %get3A_307 = arith.constant 80 : index
        %get3A_308 = tpu.vector_load %arg9[%get3A_306, %get3A_307] {strides = array<i32>} : memref<64x128xi32, #tpu.memory_space<vmem>>, vector<16xi32>,
        %bitcast3A_309 = vector.bitcast %get3A_308 : vector<16xi32> to vector<32xbf16>
        %get3A_310 = arith.index_cast %scan3A_242 : i32 to index
        %get3A_311 = arith.constant 80 : index
        %get3A_312 = tpu.vector_load %arg10[%get3A_310, %get3A_311] {strides = array<i32>} : memref<64x128xi32, #tpu.memory_space<vmem>>, vector<16xi32>,
        %bitcast3A_313 = vector.bitcast %get3A_312 : vector<16xi32> to vector<32xbf16>
        %add3A_314 = arith.addf %bitcast3A_309, %bitcast3A_313 : vector<32xbf16>
        %bitcast3A_315 = vector.bitcast %add3A_314 : vector<32xbf16> to vector<16xi32>
        %swap3A_316 = arith.index_cast %scan3A_242 : i32 to index
        %swap3A_317 = arith.constant 80 : index
        %swap3A_318 = tpu.vector_load %arg9[%swap3A_316, %swap3A_317] {strides = array<i32>} : memref<64x128xi32, #tpu.memory_space<vmem>>, vector<16xi32>,
        tpu.vector_store %arg9[%swap3A_316, %swap3A_317], %bitcast3A_315 {strides = array<i32>} : memref<64x128xi32, #tpu.memory_space<vmem>>, vector<16xi32>,
        %get3A_319 = arith.index_cast %scan3A_242 : i32 to index
        %get3A_320 = arith.constant 96 : index
        %get3A_321 = tpu.vector_load %arg9[%get3A_319, %get3A_320] {strides = array<i32>} : memref<64x128xi32, #tpu.memory_space<vmem>>, vector<16xi32>,
        %bitcast3A_322 = vector.bitcast %get3A_321 : vector<16xi32> to vector<32xbf16>
        %get3A_323 = arith.index_cast %scan3A_242 : i32 to index
        %get3A_324 = arith.constant 96 : index
        %get3A_325 = tpu.vector_load %arg10[%get3A_323, %get3A_324] {strides = array<i32>} : memref<64x128xi32, #tpu.memory_space<vmem>>, vector<16xi32>,
        %bitcast3A_326 = vector.bitcast %get3A_325 : vector<16xi32> to vector<32xbf16>
        %add3A_327 = arith.addf %bitcast3A_322, %bitcast3A_326 : vector<32xbf16>
        %bitcast3A_328 = vector.bitcast %add3A_327 : vector<32xbf16> to vector<16xi32>
        %swap3A_329 = arith.index_cast %scan3A_242 : i32 to index
        %swap3A_330 = arith.constant 96 : index
        %swap3A_331 = tpu.vector_load %arg9[%swap3A_329, %swap3A_330] {strides = array<i32>} : memref<64x128xi32, #tpu.memory_space<vmem>>, vector<16xi32>,
        tpu.vector_store %arg9[%swap3A_329, %swap3A_330], %bitcast3A_328 {strides = array<i32>} : memref<64x128xi32, #tpu.memory_space<vmem>>, vector<16xi32>,
        %get3A_332 = arith.index_cast %scan3A_242 : i32 to index
        %get3A_333 = arith.constant 112 : index
        %get3A_334 = tpu.vector_load %arg9[%get3A_332, %get3A_333] {strides = array<i32>} : memref<64x128xi32, #tpu.memory_space<vmem>>, vector<16xi32>,
        %bitcast3A_335 = vector.bitcast %get3A_334 : vector<16xi32> to vector<32xbf16>
        %get3A_336 = arith.index_cast %scan3A_242 : i32 to index
        %get3A_337 = arith.constant 112 : index
        %get3A_338 = tpu.vector_load %arg10[%get3A_336, %get3A_337] {strides = array<i32>} : memref<64x128xi32, #tpu.memory_space<vmem>>, vector<16xi32>,
        %bitcast3A_339 = vector.bitcast %get3A_338 : vector<16xi32> to vector<32xbf16>
        %add3A_340 = arith.addf %bitcast3A_335, %bitcast3A_339 : vector<32xbf16>
        %bitcast3A_341 = vector.bitcast %add3A_340 : vector<32xbf16> to vector<16xi32>
        %swap3A_342 = arith.index_cast %scan3A_242 : i32 to index
        %swap3A_343 = arith.constant 112 : index
        %swap3A_344 = tpu.vector_load %arg9[%swap3A_342, %swap3A_343] {strides = array<i32>} : memref<64x128xi32, #tpu.memory_space<vmem>>, vector<16xi32>,
        tpu.vector_store %arg9[%swap3A_342, %swap3A_343], %bitcast3A_341 {strides = array<i32>} : memref<64x128xi32, #tpu.memory_space<vmem>>, vector<16xi32>,
        %scan3A_345 = arith.constant 0 : i32
        scf.yield %scan3A_345 : i32
      }
      %scan3A_149 = arith.constant 64 : i32
      %mul3A_150 = arith.constant 2 : i32
      %mul3A_151 = arith.muli %mul3A_150, %while3A_129 : i32
      %add3A_152 = arith.addi %add3A_7, %mul3A_151 : i32
      %add3A_153 = arith.constant 0 : i32
      %add3A_154 = arith.addi %add3A_152, %add3A_153 : i32
      %mul3A_155 = arith.constant 64 : i32
      %mul3A_156 = arith.muli %add3A_154, %mul3A_155 : i32
      %dma_start3A_157 = arith.constant 0 : i32
      %dma_start3A_158 = tpu.memref_slice %arg6[%mul3A_156, %dma_start3A_157] : memref<327680x128xi32, #tpu.memory_space<hbm>> -> memref<64x128xi32, #tpu.memory_space<hbm>>
      %dma_start3A_159 = arith.constant 0 : i32
      %dma_start3A_160 = tpu.memref_slice %arg6[%mul3A_156, %dma_start3A_159] : memref<327680x128xi32, #tpu.memory_space<hbm>> -> memref<64x128xi32, #tpu.memory_space<hbm>>
      tpu.enqueue_dma source(%arg9 : memref<64x128xi32, #tpu.memory_space<vmem>>) target(%dma_start3A_160 : memref<64x128xi32, #tpu.memory_space<hbm>>) target_semaphore(%arg17 : memref<!tpu.dma_semaphore, #tpu.memory_space<semaphore_mem>>)
      %mul3A_161 = arith.constant 2 : i32
      %mul3A_162 = arith.muli %mul3A_161, %while3A_129 : i32
      %add3A_163 = arith.addi %add3A_7, %mul3A_162 : i32
      %add3A_164 = arith.constant 0 : i32
      %add3A_165 = arith.addi %add3A_163, %add3A_164 : i32
      %mul3A_166 = arith.constant 64 : i32
      %mul3A_167 = arith.muli %add3A_165, %mul3A_166 : i32
      %dma_wait3A_168 = arith.constant 0 : i32
      %dma_wait3A_169 = tpu.memref_slice %arg6[%mul3A_167, %dma_wait3A_168] : memref<327680x128xi32, #tpu.memory_space<hbm>> -> memref<64x128xi32, #tpu.memory_space<hbm>>
      %dma_wait3A_170 = arith.constant 0 : i32
      %dma_wait3A_171 = tpu.memref_slice %arg6[%mul3A_167, %dma_wait3A_170] : memref<327680x128xi32, #tpu.memory_space<hbm>> -> memref<64x128xi32, #tpu.memory_space<hbm>>
      tpu.wait_dma2 semaphore(%arg17 : memref<!tpu.dma_semaphore, #tpu.memory_space<semaphore_mem>>) src(%arg9 : memref<64x128xi32, #tpu.memory_space<vmem>>) dst(%dma_wait3A_171 : memref<64x128xi32, #tpu.memory_space<hbm>>)
      %add3A_172 = arith.constant 1 : i32
      %add3A_173 = arith.addi %while3A_129, %add3A_172 : i32
      %dma_start3A_174 = arith.constant 0 : i32
      %dma_start3A_175 = tpu.memref_slice %arg7[%add3A_173, %dma_start3A_174] : memref<112x128xi32, #tpu.memory_space<vmem>> -> memref<1x64xi32, #tpu.memory_space<vmem>>
      %dma_start3A_176 = tpu.memref_squeeze %dma_start3A_175 : memref<1x64xi32, #tpu.memory_space<vmem>> -> memref<64xi32, #tpu.memory_space<vmem>>
      %dma_start3A_177 = arith.constant 0 : i32
      %dma_start3A_178 = arith.constant 0 : i32
      %dma_start3A_179 = tpu.memref_slice %arg2[%dma_start3A_177, %dma_start3A_178] : memref<10000x128xi32, #tpu.memory_space<hbm>> -> memref<10000x128xi32, #tpu.memory_space<hbm>>
      tpu.enqueue_indirect_dma source(%dma_start3A_179 : memref<10000x128xi32, #tpu.memory_space<hbm>>) target(%arg9 : memref<64x128xi32, #tpu.memory_space<vmem>>) offsets(%dma_start3A_176 : memref<64xi32, #tpu.memory_space<vmem>>) semaphore(%arg13 : memref<!tpu.dma_semaphore, #tpu.memory_space<semaphore_mem>>)
      %dma_start3A_180 = arith.constant 0 : i32
      %dma_start3A_181 = tpu.memref_slice %arg8[%add3A_173, %dma_start3A_180] : memref<112x128xi32, #tpu.memory_space<vmem>> -> memref<1x64xi32, #tpu.memory_space<vmem>>
      %dma_start3A_182 = tpu.memref_squeeze %dma_start3A_181 : memref<1x64xi32, #tpu.memory_space<vmem>> -> memref<64xi32, #tpu.memory_space<vmem>>
      %dma_start3A_183 = arith.constant 0 : i32
      %dma_start3A_184 = arith.constant 0 : i32
      %dma_start3A_185 = tpu.memref_slice %arg3[%dma_start3A_183, %dma_start3A_184] : memref<10000x128xi32, #tpu.memory_space<hbm>> -> memref<10000x128xi32, #tpu.memory_space<hbm>>
      tpu.enqueue_indirect_dma source(%dma_start3A_185 : memref<10000x128xi32, #tpu.memory_space<hbm>>) target(%arg10 : memref<64x128xi32, #tpu.memory_space<vmem>>) offsets(%dma_start3A_182 : memref<64xi32, #tpu.memory_space<vmem>>) semaphore(%arg14 : memref<!tpu.dma_semaphore, #tpu.memory_space<semaphore_mem>>)
      %dma_wait3A_186 = arith.constant 64 : i32
      %dma_wait3A_187 = tpu.memref_slice %arg7[%while3A_129, %dma_wait3A_186] : memref<112x128xi32, #tpu.memory_space<vmem>> -> memref<1x64xi32, #tpu.memory_space<vmem>>
      %dma_wait3A_188 = tpu.memref_squeeze %dma_wait3A_187 : memref<1x64xi32, #tpu.memory_space<vmem>> -> memref<64xi32, #tpu.memory_space<vmem>>
      %dma_wait3A_189 = arith.constant 0 : i32
      %dma_wait3A_190 = arith.constant 0 : i32
      %dma_wait3A_191 = tpu.memref_slice %arg2[%dma_wait3A_189, %dma_wait3A_190] : memref<10000x128xi32, #tpu.memory_space<hbm>> -> memref<10000x128xi32, #tpu.memory_space<hbm>>
      tpu.wait_indirect_dma semaphore(%arg15 : memref<!tpu.dma_semaphore, #tpu.memory_space<semaphore_mem>>) src(%dma_wait3A_191 : memref<10000x128xi32, #tpu.memory_space<hbm>>) dst(%arg11 : memref<64x128xi32, #tpu.memory_space<vmem>>)
      %dma_wait3A_192 = arith.constant 64 : i32
      %dma_wait3A_193 = tpu.memref_slice %arg8[%while3A_129, %dma_wait3A_192] : memref<112x128xi32, #tpu.memory_space<vmem>> -> memref<1x64xi32, #tpu.memory_space<vmem>>
      %dma_wait3A_194 = tpu.memref_squeeze %dma_wait3A_193 : memref<1x64xi32, #tpu.memory_space<vmem>> -> memref<64xi32, #tpu.memory_space<vmem>>
      %dma_wait3A_195 = arith.constant 0 : i32
      %dma_wait3A_196 = arith.constant 0 : i32
      %dma_wait3A_197 = tpu.memref_slice %arg3[%dma_wait3A_195, %dma_wait3A_196] : memref<10000x128xi32, #tpu.memory_space<hbm>> -> memref<10000x128xi32, #tpu.memory_space<hbm>>
      tpu.wait_indirect_dma semaphore(%arg16 : memref<!tpu.dma_semaphore, #tpu.memory_space<semaphore_mem>>) src(%dma_wait3A_197 : memref<10000x128xi32, #tpu.memory_space<hbm>>) dst(%arg12 : memref<64x128xi32, #tpu.memory_space<vmem>>)
      %scan3A_198 = arith.constant 0 : i32
      %scan3A_199 = arith.constant 0 : i32
      %scan3A_200 = arith.constant 64 : i32
      %scan3A_201 = arith.addi %scan3A_199, %scan3A_200 : i32
      %scan3A_202 = arith.constant 1 : i32
      %scan3A_203 = scf.for %scan3A_242 = %scan3A_199 to %scan3A_201 step %scan3A_202 iter_args(%scan3A_243 = %scan3A_198) -> (i32)  : i32 {
        %get3A = arith.index_cast %scan3A_242 : i32 to index
        %get3A_244 = arith.constant 0 : index
        %get3A_245 = tpu.vector_load %arg11[%get3A, %get3A_244] {strides = array<i32>} : memref<64x128xi32, #tpu.memory_space<vmem>>, vector<16xi32>,
        %bitcast3A = vector.bitcast %get3A_245 : vector<16xi32> to vector<32xbf16>
        %get3A_246 = arith.index_cast %scan3A_242 : i32 to index
        %get3A_247 = arith.constant 0 : index
        %get3A_248 = tpu.vector_load %arg12[%get3A_246, %get3A_247] {strides = array<i32>} : memref<64x128xi32, #tpu.memory_space<vmem>>, vector<16xi32>,
        %bitcast3A_249 = vector.bitcast %get3A_248 : vector<16xi32> to vector<32xbf16>
        %add3A_250 = arith.addf %bitcast3A, %bitcast3A_249 : vector<32xbf16>
        %bitcast3A_251 = vector.bitcast %add3A_250 : vector<32xbf16> to vector<16xi32>
        %swap3A = arith.index_cast %scan3A_242 : i32 to index
        %swap3A_252 = arith.constant 0 : index
        %swap3A_253 = tpu.vector_load %arg11[%swap3A, %swap3A_252] {strides = array<i32>} : memref<64x128xi32, #tpu.memory_space<vmem>>, vector<16xi32>,
        tpu.vector_store %arg11[%swap3A, %swap3A_252], %bitcast3A_251 {strides = array<i32>} : memref<64x128xi32, #tpu.memory_space<vmem>>, vector<16xi32>,
        %get3A_254 = arith.index_cast %scan3A_242 : i32 to index
        %get3A_255 = arith.constant 16 : index
        %get3A_256 = tpu.vector_load %arg11[%get3A_254, %get3A_255] {strides = array<i32>} : memref<64x128xi32, #tpu.memory_space<vmem>>, vector<16xi32>,
        %bitcast3A_257 = vector.bitcast %get3A_256 : vector<16xi32> to vector<32xbf16>
        %get3A_258 = arith.index_cast %scan3A_242 : i32 to index
        %get3A_259 = arith.constant 16 : index
        %get3A_260 = tpu.vector_load %arg12[%get3A_258, %get3A_259] {strides = array<i32>} : memref<64x128xi32, #tpu.memory_space<vmem>>, vector<16xi32>,
        %bitcast3A_261 = vector.bitcast %get3A_260 : vector<16xi32> to vector<32xbf16>
        %add3A_262 = arith.addf %bitcast3A_257, %bitcast3A_261 : vector<32xbf16>
        %bitcast3A_263 = vector.bitcast %add3A_262 : vector<32xbf16> to vector<16xi32>
        %swap3A_264 = arith.index_cast %scan3A_242 : i32 to index
        %swap3A_265 = arith.constant 16 : index
        %swap3A_266 = tpu.vector_load %arg11[%swap3A_264, %swap3A_265] {strides = array<i32>} : memref<64x128xi32, #tpu.memory_space<vmem>>, vector<16xi32>,
        tpu.vector_store %arg11[%swap3A_264, %swap3A_265], %bitcast3A_263 {strides = array<i32>} : memref<64x128xi32, #tpu.memory_space<vmem>>, vector<16xi32>,
        %get3A_267 = arith.index_cast %scan3A_242 : i32 to index
        %get3A_268 = arith.constant 32 : index
        %get3A_269 = tpu.vector_load %arg11[%get3A_267, %get3A_268] {strides = array<i32>} : memref<64x128xi32, #tpu.memory_space<vmem>>, vector<16xi32>,
        %bitcast3A_270 = vector.bitcast %get3A_269 : vector<16xi32> to vector<32xbf16>
        %get3A_271 = arith.index_cast %scan3A_242 : i32 to index
        %get3A_272 = arith.constant 32 : index
        %get3A_273 = tpu.vector_load %arg12[%get3A_271, %get3A_272] {strides = array<i32>} : memref<64x128xi32, #tpu.memory_space<vmem>>, vector<16xi32>,
        %bitcast3A_274 = vector.bitcast %get3A_273 : vector<16xi32> to vector<32xbf16>
        %add3A_275 = arith.addf %bitcast3A_270, %bitcast3A_274 : vector<32xbf16>
        %bitcast3A_276 = vector.bitcast %add3A_275 : vector<32xbf16> to vector<16xi32>
        %swap3A_277 = arith.index_cast %scan3A_242 : i32 to index
        %swap3A_278 = arith.constant 32 : index
        %swap3A_279 = tpu.vector_load %arg11[%swap3A_277, %swap3A_278] {strides = array<i32>} : memref<64x128xi32, #tpu.memory_space<vmem>>, vector<16xi32>,
        tpu.vector_store %arg11[%swap3A_277, %swap3A_278], %bitcast3A_276 {strides = array<i32>} : memref<64x128xi32, #tpu.memory_space<vmem>>, vector<16xi32>,
        %get3A_280 = arith.index_cast %scan3A_242 : i32 to index
        %get3A_281 = arith.constant 48 : index
        %get3A_282 = tpu.vector_load %arg11[%get3A_280, %get3A_281] {strides = array<i32>} : memref<64x128xi32, #tpu.memory_space<vmem>>, vector<16xi32>,
        %bitcast3A_283 = vector.bitcast %get3A_282 : vector<16xi32> to vector<32xbf16>
        %get3A_284 = arith.index_cast %scan3A_242 : i32 to index
        %get3A_285 = arith.constant 48 : index
        %get3A_286 = tpu.vector_load %arg12[%get3A_284, %get3A_285] {strides = array<i32>} : memref<64x128xi32, #tpu.memory_space<vmem>>, vector<16xi32>,
        %bitcast3A_287 = vector.bitcast %get3A_286 : vector<16xi32> to vector<32xbf16>
        %add3A_288 = arith.addf %bitcast3A_283, %bitcast3A_287 : vector<32xbf16>
        %bitcast3A_289 = vector.bitcast %add3A_288 : vector<32xbf16> to vector<16xi32>
        %swap3A_290 = arith.index_cast %scan3A_242 : i32 to index
        %swap3A_291 = arith.constant 48 : index
        %swap3A_292 = tpu.vector_load %arg11[%swap3A_290, %swap3A_291] {strides = array<i32>} : memref<64x128xi32, #tpu.memory_space<vmem>>, vector<16xi32>,
        tpu.vector_store %arg11[%swap3A_290, %swap3A_291], %bitcast3A_289 {strides = array<i32>} : memref<64x128xi32, #tpu.memory_space<vmem>>, vector<16xi32>,
        %get3A_293 = arith.index_cast %scan3A_242 : i32 to index
        %get3A_294 = arith.constant 64 : index
        %get3A_295 = tpu.vector_load %arg11[%get3A_293, %get3A_294] {strides = array<i32>} : memref<64x128xi32, #tpu.memory_space<vmem>>, vector<16xi32>,
        %bitcast3A_296 = vector.bitcast %get3A_295 : vector<16xi32> to vector<32xbf16>
        %get3A_297 = arith.index_cast %scan3A_242 : i32 to index
        %get3A_298 = arith.constant 64 : index
        %get3A_299 = tpu.vector_load %arg12[%get3A_297, %get3A_298] {strides = array<i32>} : memref<64x128xi32, #tpu.memory_space<vmem>>, vector<16xi32>,
        %bitcast3A_300 = vector.bitcast %get3A_299 : vector<16xi32> to vector<32xbf16>
        %add3A_301 = arith.addf %bitcast3A_296, %bitcast3A_300 : vector<32xbf16>
        %bitcast3A_302 = vector.bitcast %add3A_301 : vector<32xbf16> to vector<16xi32>
        %swap3A_303 = arith.index_cast %scan3A_242 : i32 to index
        %swap3A_304 = arith.constant 64 : index
        %swap3A_305 = tpu.vector_load %arg11[%swap3A_303, %swap3A_304] {strides = array<i32>} : memref<64x128xi32, #tpu.memory_space<vmem>>, vector<16xi32>,
        tpu.vector_store %arg11[%swap3A_303, %swap3A_304], %bitcast3A_302 {strides = array<i32>} : memref<64x128xi32, #tpu.memory_space<vmem>>, vector<16xi32>,
        %get3A_306 = arith.index_cast %scan3A_242 : i32 to index
        %get3A_307 = arith.constant 80 : index
        %get3A_308 = tpu.vector_load %arg11[%get3A_306, %get3A_307] {strides = array<i32>} : memref<64x128xi32, #tpu.memory_space<vmem>>, vector<16xi32>,
        %bitcast3A_309 = vector.bitcast %get3A_308 : vector<16xi32> to vector<32xbf16>
        %get3A_310 = arith.index_cast %scan3A_242 : i32 to index
        %get3A_311 = arith.constant 80 : index
        %get3A_312 = tpu.vector_load %arg12[%get3A_310, %get3A_311] {strides = array<i32>} : memref<64x128xi32, #tpu.memory_space<vmem>>, vector<16xi32>,
        %bitcast3A_313 = vector.bitcast %get3A_312 : vector<16xi32> to vector<32xbf16>
        %add3A_314 = arith.addf %bitcast3A_309, %bitcast3A_313 : vector<32xbf16>
        %bitcast3A_315 = vector.bitcast %add3A_314 : vector<32xbf16> to vector<16xi32>
        %swap3A_316 = arith.index_cast %scan3A_242 : i32 to index
        %swap3A_317 = arith.constant 80 : index
        %swap3A_318 = tpu.vector_load %arg11[%swap3A_316, %swap3A_317] {strides = array<i32>} : memref<64x128xi32, #tpu.memory_space<vmem>>, vector<16xi32>,
        tpu.vector_store %arg11[%swap3A_316, %swap3A_317], %bitcast3A_315 {strides = array<i32>} : memref<64x128xi32, #tpu.memory_space<vmem>>, vector<16xi32>,
        %get3A_319 = arith.index_cast %scan3A_242 : i32 to index
        %get3A_320 = arith.constant 96 : index
        %get3A_321 = tpu.vector_load %arg11[%get3A_319, %get3A_320] {strides = array<i32>} : memref<64x128xi32, #tpu.memory_space<vmem>>, vector<16xi32>,
        %bitcast3A_322 = vector.bitcast %get3A_321 : vector<16xi32> to vector<32xbf16>
        %get3A_323 = arith.index_cast %scan3A_242 : i32 to index
        %get3A_324 = arith.constant 96 : index
        %get3A_325 = tpu.vector_load %arg12[%get3A_323, %get3A_324] {strides = array<i32>} : memref<64x128xi32, #tpu.memory_space<vmem>>, vector<16xi32>,
        %bitcast3A_326 = vector.bitcast %get3A_325 : vector<16xi32> to vector<32xbf16>
        %add3A_327 = arith.addf %bitcast3A_322, %bitcast3A_326 : vector<32xbf16>
        %bitcast3A_328 = vector.bitcast %add3A_327 : vector<32xbf16> to vector<16xi32>
        %swap3A_329 = arith.index_cast %scan3A_242 : i32 to index
        %swap3A_330 = arith.constant 96 : index
        %swap3A_331 = tpu.vector_load %arg11[%swap3A_329, %swap3A_330] {strides = array<i32>} : memref<64x128xi32, #tpu.memory_space<vmem>>, vector<16xi32>,
        tpu.vector_store %arg11[%swap3A_329, %swap3A_330], %bitcast3A_328 {strides = array<i32>} : memref<64x128xi32, #tpu.memory_space<vmem>>, vector<16xi32>,
        %get3A_332 = arith.index_cast %scan3A_242 : i32 to index
        %get3A_333 = arith.constant 112 : index
        %get3A_334 = tpu.vector_load %arg11[%get3A_332, %get3A_333] {strides = array<i32>} : memref<64x128xi32, #tpu.memory_space<vmem>>, vector<16xi32>,
        %bitcast3A_335 = vector.bitcast %get3A_334 : vector<16xi32> to vector<32xbf16>
        %get3A_336 = arith.index_cast %scan3A_242 : i32 to index
        %get3A_337 = arith.constant 112 : index
        %get3A_338 = tpu.vector_load %arg12[%get3A_336, %get3A_337] {strides = array<i32>} : memref<64x128xi32, #tpu.memory_space<vmem>>, vector<16xi32>,
        %bitcast3A_339 = vector.bitcast %get3A_338 : vector<16xi32> to vector<32xbf16>
        %add3A_340 = arith.addf %bitcast3A_335, %bitcast3A_339 : vector<32xbf16>
        %bitcast3A_341 = vector.bitcast %add3A_340 : vector<32xbf16> to vector<16xi32>
        %swap3A_342 = arith.index_cast %scan3A_242 : i32 to index
        %swap3A_343 = arith.constant 112 : index
        %swap3A_344 = tpu.vector_load %arg11[%swap3A_342, %swap3A_343] {strides = array<i32>} : memref<64x128xi32, #tpu.memory_space<vmem>>, vector<16xi32>,
        tpu.vector_store %arg11[%swap3A_342, %swap3A_343], %bitcast3A_341 {strides = array<i32>} : memref<64x128xi32, #tpu.memory_space<vmem>>, vector<16xi32>,
        %scan3A_345 = arith.constant 0 : i32
        scf.yield %scan3A_345 : i32
      }
      %scan3A_204 = arith.constant 64 : i32
      %mul3A_205 = arith.constant 2 : i32
      %mul3A_206 = arith.muli %mul3A_205, %while3A_129 : i32
      %add3A_207 = arith.addi %add3A_7, %mul3A_206 : i32
      %add3A_208 = arith.constant 1 : i32
      %add3A_209 = arith.addi %add3A_207, %add3A_208 : i32
      %mul3A_210 = arith.constant 64 : i32
      %mul3A_211 = arith.muli %add3A_209, %mul3A_210 : i32
      %dma_start3A_212 = arith.constant 0 : i32
      %dma_start3A_213 = tpu.memref_slice %arg6[%mul3A_211, %dma_start3A_212] : memref<327680x128xi32, #tpu.memory_space<hbm>> -> memref<64x128xi32, #tpu.memory_space<hbm>>
      %dma_start3A_214 = arith.constant 0 : i32
      %dma_start3A_215 = tpu.memref_slice %arg6[%mul3A_211, %dma_start3A_214] : memref<327680x128xi32, #tpu.memory_space<hbm>> -> memref<64x128xi32, #tpu.memory_space<hbm>>
      tpu.enqueue_dma source(%arg11 : memref<64x128xi32, #tpu.memory_space<vmem>>) target(%dma_start3A_215 : memref<64x128xi32, #tpu.memory_space<hbm>>) target_semaphore(%arg18 : memref<!tpu.dma_semaphore, #tpu.memory_space<semaphore_mem>>)
      %mul3A_216 = arith.constant 2 : i32
      %mul3A_217 = arith.muli %mul3A_216, %while3A_129 : i32
      %add3A_218 = arith.addi %add3A_7, %mul3A_217 : i32
      %add3A_219 = arith.constant 1 : i32
      %add3A_220 = arith.addi %add3A_218, %add3A_219 : i32
      %mul3A_221 = arith.constant 64 : i32
      %mul3A_222 = arith.muli %add3A_220, %mul3A_221 : i32
      %dma_wait3A_223 = arith.constant 0 : i32
      %dma_wait3A_224 = tpu.memref_slice %arg6[%mul3A_222, %dma_wait3A_223] : memref<327680x128xi32, #tpu.memory_space<hbm>> -> memref<64x128xi32, #tpu.memory_space<hbm>>
      %dma_wait3A_225 = arith.constant 0 : i32
      %dma_wait3A_226 = tpu.memref_slice %arg6[%mul3A_222, %dma_wait3A_225] : memref<327680x128xi32, #tpu.memory_space<hbm>> -> memref<64x128xi32, #tpu.memory_space<hbm>>
      tpu.wait_dma2 semaphore(%arg18 : memref<!tpu.dma_semaphore, #tpu.memory_space<semaphore_mem>>) src(%arg11 : memref<64x128xi32, #tpu.memory_space<vmem>>) dst(%dma_wait3A_226 : memref<64x128xi32, #tpu.memory_space<hbm>>)
      %add3A_227 = arith.constant 1 : i32
      %add3A_228 = arith.addi %while3A_129, %add3A_227 : i32
      %dma_start3A_229 = arith.constant 64 : i32
      %dma_start3A_230 = tpu.memref_slice %arg7[%add3A_228, %dma_start3A_229] : memref<112x128xi32, #tpu.memory_space<vmem>> -> memref<1x64xi32, #tpu.memory_space<vmem>>
      %dma_start3A_231 = tpu.memref_squeeze %dma_start3A_230 : memref<1x64xi32, #tpu.memory_space<vmem>> -> memref<64xi32, #tpu.memory_space<vmem>>
      %dma_start3A_232 = arith.constant 0 : i32
      %dma_start3A_233 = arith.constant 0 : i32
      %dma_start3A_234 = tpu.memref_slice %arg2[%dma_start3A_232, %dma_start3A_233] : memref<10000x128xi32, #tpu.memory_space<hbm>> -> memref<10000x128xi32, #tpu.memory_space<hbm>>
      tpu.enqueue_indirect_dma source(%dma_start3A_234 : memref<10000x128xi32, #tpu.memory_space<hbm>>) target(%arg11 : memref<64x128xi32, #tpu.memory_space<vmem>>) offsets(%dma_start3A_231 : memref<64xi32, #tpu.memory_space<vmem>>) semaphore(%arg15 : memref<!tpu.dma_semaphore, #tpu.memory_space<semaphore_mem>>)
      %dma_start3A_235 = arith.constant 64 : i32
      %dma_start3A_236 = tpu.memref_slice %arg8[%add3A_228, %dma_start3A_235] : memref<112x128xi32, #tpu.memory_space<vmem>> -> memref<1x64xi32, #tpu.memory_space<vmem>>
      %dma_start3A_237 = tpu.memref_squeeze %dma_start3A_236 : memref<1x64xi32, #tpu.memory_space<vmem>> -> memref<64xi32, #tpu.memory_space<vmem>>
      %dma_start3A_238 = arith.constant 0 : i32
      %dma_start3A_239 = arith.constant 0 : i32
      %dma_start3A_240 = tpu.memref_slice %arg3[%dma_start3A_238, %dma_start3A_239] : memref<10000x128xi32, #tpu.memory_space<hbm>> -> memref<10000x128xi32, #tpu.memory_space<hbm>>
      tpu.enqueue_indirect_dma source(%dma_start3A_240 : memref<10000x128xi32, #tpu.memory_space<hbm>>) target(%arg12 : memref<64x128xi32, #tpu.memory_space<vmem>>) offsets(%dma_start3A_237 : memref<64xi32, #tpu.memory_space<vmem>>) semaphore(%arg16 : memref<!tpu.dma_semaphore, #tpu.memory_space<semaphore_mem>>)
      %while3A_241 = arith.constant 0 : i32
      scf.yield %while3A_241 : i32
    }
    %sub3A_47 = arith.constant 1 : i32
    %sub3A_48 = arith.subi %select_n3A, %sub3A_47 : i32
    %dma_wait3A = arith.constant 0 : i32
    %dma_wait3A_49 = tpu.memref_slice %arg7[%sub3A_48, %dma_wait3A] : memref<112x128xi32, #tpu.memory_space<vmem>> -> memref<1x64xi32, #tpu.memory_space<vmem>>
    %dma_wait3A_50 = tpu.memref_squeeze %dma_wait3A_49 : memref<1x64xi32, #tpu.memory_space<vmem>> -> memref<64xi32, #tpu.memory_space<vmem>>
    %dma_wait3A_51 = arith.constant 0 : i32
    %dma_wait3A_52 = arith.constant 0 : i32
    %dma_wait3A_53 = tpu.memref_slice %arg2[%dma_wait3A_51, %dma_wait3A_52] : memref<10000x128xi32, #tpu.memory_space<hbm>> -> memref<10000x128xi32, #tpu.memory_space<hbm>>
    tpu.wait_indirect_dma semaphore(%arg13 : memref<!tpu.dma_semaphore, #tpu.memory_space<semaphore_mem>>) src(%dma_wait3A_53 : memref<10000x128xi32, #tpu.memory_space<hbm>>) dst(%arg9 : memref<64x128xi32, #tpu.memory_space<vmem>>)
    %dma_wait3A_54 = arith.constant 0 : i32
    %dma_wait3A_55 = tpu.memref_slice %arg8[%sub3A_48, %dma_wait3A_54] : memref<112x128xi32, #tpu.memory_space<vmem>> -> memref<1x64xi32, #tpu.memory_space<vmem>>
    %dma_wait3A_56 = tpu.memref_squeeze %dma_wait3A_55 : memref<1x64xi32, #tpu.memory_space<vmem>> -> memref<64xi32, #tpu.memory_space<vmem>>
    %dma_wait3A_57 = arith.constant 0 : i32
    %dma_wait3A_58 = arith.constant 0 : i32
    %dma_wait3A_59 = tpu.memref_slice %arg3[%dma_wait3A_57, %dma_wait3A_58] : memref<10000x128xi32, #tpu.memory_space<hbm>> -> memref<10000x128xi32, #tpu.memory_space<hbm>>
    tpu.wait_indirect_dma semaphore(%arg14 : memref<!tpu.dma_semaphore, #tpu.memory_space<semaphore_mem>>) src(%dma_wait3A_59 : memref<10000x128xi32, #tpu.memory_space<hbm>>) dst(%arg10 : memref<64x128xi32, #tpu.memory_space<vmem>>)
    %scan3A = arith.constant 0 : i32
    %scan3A_60 = arith.constant 0 : i32
    %scan3A_61 = arith.constant 64 : i32
    %scan3A_62 = arith.addi %scan3A_60, %scan3A_61 : i32
    %scan3A_63 = arith.constant 1 : i32
    %scan3A_64 = scf.for %scan3A_129 = %scan3A_60 to %scan3A_62 step %scan3A_63 iter_args(%scan3A_130 = %scan3A) -> (i32)  : i32 {
      %get3A = arith.index_cast %scan3A_129 : i32 to index
      %get3A_131 = arith.constant 0 : index
      %get3A_132 = tpu.vector_load %arg9[%get3A, %get3A_131] {strides = array<i32>} : memref<64x128xi32, #tpu.memory_space<vmem>>, vector<16xi32>,
      %bitcast3A = vector.bitcast %get3A_132 : vector<16xi32> to vector<32xbf16>
      %get3A_133 = arith.index_cast %scan3A_129 : i32 to index
      %get3A_134 = arith.constant 0 : index
      %get3A_135 = tpu.vector_load %arg10[%get3A_133, %get3A_134] {strides = array<i32>} : memref<64x128xi32, #tpu.memory_space<vmem>>, vector<16xi32>,
      %bitcast3A_136 = vector.bitcast %get3A_135 : vector<16xi32> to vector<32xbf16>
      %add3A_137 = arith.addf %bitcast3A, %bitcast3A_136 : vector<32xbf16>
      %bitcast3A_138 = vector.bitcast %add3A_137 : vector<32xbf16> to vector<16xi32>
      %swap3A = arith.index_cast %scan3A_129 : i32 to index
      %swap3A_139 = arith.constant 0 : index
      %swap3A_140 = tpu.vector_load %arg9[%swap3A, %swap3A_139] {strides = array<i32>} : memref<64x128xi32, #tpu.memory_space<vmem>>, vector<16xi32>,
      tpu.vector_store %arg9[%swap3A, %swap3A_139], %bitcast3A_138 {strides = array<i32>} : memref<64x128xi32, #tpu.memory_space<vmem>>, vector<16xi32>,
      %get3A_141 = arith.index_cast %scan3A_129 : i32 to index
      %get3A_142 = arith.constant 16 : index
      %get3A_143 = tpu.vector_load %arg9[%get3A_141, %get3A_142] {strides = array<i32>} : memref<64x128xi32, #tpu.memory_space<vmem>>, vector<16xi32>,
      %bitcast3A_144 = vector.bitcast %get3A_143 : vector<16xi32> to vector<32xbf16>
      %get3A_145 = arith.index_cast %scan3A_129 : i32 to index
      %get3A_146 = arith.constant 16 : index
      %get3A_147 = tpu.vector_load %arg10[%get3A_145, %get3A_146] {strides = array<i32>} : memref<64x128xi32, #tpu.memory_space<vmem>>, vector<16xi32>,
      %bitcast3A_148 = vector.bitcast %get3A_147 : vector<16xi32> to vector<32xbf16>
      %add3A_149 = arith.addf %bitcast3A_144, %bitcast3A_148 : vector<32xbf16>
      %bitcast3A_150 = vector.bitcast %add3A_149 : vector<32xbf16> to vector<16xi32>
      %swap3A_151 = arith.index_cast %scan3A_129 : i32 to index
      %swap3A_152 = arith.constant 16 : index
      %swap3A_153 = tpu.vector_load %arg9[%swap3A_151, %swap3A_152] {strides = array<i32>} : memref<64x128xi32, #tpu.memory_space<vmem>>, vector<16xi32>,
      tpu.vector_store %arg9[%swap3A_151, %swap3A_152], %bitcast3A_150 {strides = array<i32>} : memref<64x128xi32, #tpu.memory_space<vmem>>, vector<16xi32>,
      %get3A_154 = arith.index_cast %scan3A_129 : i32 to index
      %get3A_155 = arith.constant 32 : index
      %get3A_156 = tpu.vector_load %arg9[%get3A_154, %get3A_155] {strides = array<i32>} : memref<64x128xi32, #tpu.memory_space<vmem>>, vector<16xi32>,
      %bitcast3A_157 = vector.bitcast %get3A_156 : vector<16xi32> to vector<32xbf16>
      %get3A_158 = arith.index_cast %scan3A_129 : i32 to index
      %get3A_159 = arith.constant 32 : index
      %get3A_160 = tpu.vector_load %arg10[%get3A_158, %get3A_159] {strides = array<i32>} : memref<64x128xi32, #tpu.memory_space<vmem>>, vector<16xi32>,
      %bitcast3A_161 = vector.bitcast %get3A_160 : vector<16xi32> to vector<32xbf16>
      %add3A_162 = arith.addf %bitcast3A_157, %bitcast3A_161 : vector<32xbf16>
      %bitcast3A_163 = vector.bitcast %add3A_162 : vector<32xbf16> to vector<16xi32>
      %swap3A_164 = arith.index_cast %scan3A_129 : i32 to index
      %swap3A_165 = arith.constant 32 : index
      %swap3A_166 = tpu.vector_load %arg9[%swap3A_164, %swap3A_165] {strides = array<i32>} : memref<64x128xi32, #tpu.memory_space<vmem>>, vector<16xi32>,
      tpu.vector_store %arg9[%swap3A_164, %swap3A_165], %bitcast3A_163 {strides = array<i32>} : memref<64x128xi32, #tpu.memory_space<vmem>>, vector<16xi32>,
      %get3A_167 = arith.index_cast %scan3A_129 : i32 to index
      %get3A_168 = arith.constant 48 : index
      %get3A_169 = tpu.vector_load %arg9[%get3A_167, %get3A_168] {strides = array<i32>} : memref<64x128xi32, #tpu.memory_space<vmem>>, vector<16xi32>,
      %bitcast3A_170 = vector.bitcast %get3A_169 : vector<16xi32> to vector<32xbf16>
      %get3A_171 = arith.index_cast %scan3A_129 : i32 to index
      %get3A_172 = arith.constant 48 : index
      %get3A_173 = tpu.vector_load %arg10[%get3A_171, %get3A_172] {strides = array<i32>} : memref<64x128xi32, #tpu.memory_space<vmem>>, vector<16xi32>,
      %bitcast3A_174 = vector.bitcast %get3A_173 : vector<16xi32> to vector<32xbf16>
      %add3A_175 = arith.addf %bitcast3A_170, %bitcast3A_174 : vector<32xbf16>
      %bitcast3A_176 = vector.bitcast %add3A_175 : vector<32xbf16> to vector<16xi32>
      %swap3A_177 = arith.index_cast %scan3A_129 : i32 to index
      %swap3A_178 = arith.constant 48 : index
      %swap3A_179 = tpu.vector_load %arg9[%swap3A_177, %swap3A_178] {strides = array<i32>} : memref<64x128xi32, #tpu.memory_space<vmem>>, vector<16xi32>,
      tpu.vector_store %arg9[%swap3A_177, %swap3A_178], %bitcast3A_176 {strides = array<i32>} : memref<64x128xi32, #tpu.memory_space<vmem>>, vector<16xi32>,
      %get3A_180 = arith.index_cast %scan3A_129 : i32 to index
      %get3A_181 = arith.constant 64 : index
      %get3A_182 = tpu.vector_load %arg9[%get3A_180, %get3A_181] {strides = array<i32>} : memref<64x128xi32, #tpu.memory_space<vmem>>, vector<16xi32>,
      %bitcast3A_183 = vector.bitcast %get3A_182 : vector<16xi32> to vector<32xbf16>
      %get3A_184 = arith.index_cast %scan3A_129 : i32 to index
      %get3A_185 = arith.constant 64 : index
      %get3A_186 = tpu.vector_load %arg10[%get3A_184, %get3A_185] {strides = array<i32>} : memref<64x128xi32, #tpu.memory_space<vmem>>, vector<16xi32>,
      %bitcast3A_187 = vector.bitcast %get3A_186 : vector<16xi32> to vector<32xbf16>
      %add3A_188 = arith.addf %bitcast3A_183, %bitcast3A_187 : vector<32xbf16>
      %bitcast3A_189 = vector.bitcast %add3A_188 : vector<32xbf16> to vector<16xi32>
      %swap3A_190 = arith.index_cast %scan3A_129 : i32 to index
      %swap3A_191 = arith.constant 64 : index
      %swap3A_192 = tpu.vector_load %arg9[%swap3A_190, %swap3A_191] {strides = array<i32>} : memref<64x128xi32, #tpu.memory_space<vmem>>, vector<16xi32>,
      tpu.vector_store %arg9[%swap3A_190, %swap3A_191], %bitcast3A_189 {strides = array<i32>} : memref<64x128xi32, #tpu.memory_space<vmem>>, vector<16xi32>,
      %get3A_193 = arith.index_cast %scan3A_129 : i32 to index
      %get3A_194 = arith.constant 80 : index
      %get3A_195 = tpu.vector_load %arg9[%get3A_193, %get3A_194] {strides = array<i32>} : memref<64x128xi32, #tpu.memory_space<vmem>>, vector<16xi32>,
      %bitcast3A_196 = vector.bitcast %get3A_195 : vector<16xi32> to vector<32xbf16>
      %get3A_197 = arith.index_cast %scan3A_129 : i32 to index
      %get3A_198 = arith.constant 80 : index
      %get3A_199 = tpu.vector_load %arg10[%get3A_197, %get3A_198] {strides = array<i32>} : memref<64x128xi32, #tpu.memory_space<vmem>>, vector<16xi32>,
      %bitcast3A_200 = vector.bitcast %get3A_199 : vector<16xi32> to vector<32xbf16>
      %add3A_201 = arith.addf %bitcast3A_196, %bitcast3A_200 : vector<32xbf16>
      %bitcast3A_202 = vector.bitcast %add3A_201 : vector<32xbf16> to vector<16xi32>
      %swap3A_203 = arith.index_cast %scan3A_129 : i32 to index
      %swap3A_204 = arith.constant 80 : index
      %swap3A_205 = tpu.vector_load %arg9[%swap3A_203, %swap3A_204] {strides = array<i32>} : memref<64x128xi32, #tpu.memory_space<vmem>>, vector<16xi32>,
      tpu.vector_store %arg9[%swap3A_203, %swap3A_204], %bitcast3A_202 {strides = array<i32>} : memref<64x128xi32, #tpu.memory_space<vmem>>, vector<16xi32>,
      %get3A_206 = arith.index_cast %scan3A_129 : i32 to index
      %get3A_207 = arith.constant 96 : index
      %get3A_208 = tpu.vector_load %arg9[%get3A_206, %get3A_207] {strides = array<i32>} : memref<64x128xi32, #tpu.memory_space<vmem>>, vector<16xi32>,
      %bitcast3A_209 = vector.bitcast %get3A_208 : vector<16xi32> to vector<32xbf16>
      %get3A_210 = arith.index_cast %scan3A_129 : i32 to index
      %get3A_211 = arith.constant 96 : index
      %get3A_212 = tpu.vector_load %arg10[%get3A_210, %get3A_211] {strides = array<i32>} : memref<64x128xi32, #tpu.memory_space<vmem>>, vector<16xi32>,
      %bitcast3A_213 = vector.bitcast %get3A_212 : vector<16xi32> to vector<32xbf16>
      %add3A_214 = arith.addf %bitcast3A_209, %bitcast3A_213 : vector<32xbf16>
      %bitcast3A_215 = vector.bitcast %add3A_214 : vector<32xbf16> to vector<16xi32>
      %swap3A_216 = arith.index_cast %scan3A_129 : i32 to index
      %swap3A_217 = arith.constant 96 : index
      %swap3A_218 = tpu.vector_load %arg9[%swap3A_216, %swap3A_217] {strides = array<i32>} : memref<64x128xi32, #tpu.memory_space<vmem>>, vector<16xi32>,
      tpu.vector_store %arg9[%swap3A_216, %swap3A_217], %bitcast3A_215 {strides = array<i32>} : memref<64x128xi32, #tpu.memory_space<vmem>>, vector<16xi32>,
      %get3A_219 = arith.index_cast %scan3A_129 : i32 to index
      %get3A_220 = arith.constant 112 : index
      %get3A_221 = tpu.vector_load %arg9[%get3A_219, %get3A_220] {strides = array<i32>} : memref<64x128xi32, #tpu.memory_space<vmem>>, vector<16xi32>,
      %bitcast3A_222 = vector.bitcast %get3A_221 : vector<16xi32> to vector<32xbf16>
      %get3A_223 = arith.index_cast %scan3A_129 : i32 to index
      %get3A_224 = arith.constant 112 : index
      %get3A_225 = tpu.vector_load %arg10[%get3A_223, %get3A_224] {strides = array<i32>} : memref<64x128xi32, #tpu.memory_space<vmem>>, vector<16xi32>,
      %bitcast3A_226 = vector.bitcast %get3A_225 : vector<16xi32> to vector<32xbf16>
      %add3A_227 = arith.addf %bitcast3A_222, %bitcast3A_226 : vector<32xbf16>
      %bitcast3A_228 = vector.bitcast %add3A_227 : vector<32xbf16> to vector<16xi32>
      %swap3A_229 = arith.index_cast %scan3A_129 : i32 to index
      %swap3A_230 = arith.constant 112 : index
      %swap3A_231 = tpu.vector_load %arg9[%swap3A_229, %swap3A_230] {strides = array<i32>} : memref<64x128xi32, #tpu.memory_space<vmem>>, vector<16xi32>,
      tpu.vector_store %arg9[%swap3A_229, %swap3A_230], %bitcast3A_228 {strides = array<i32>} : memref<64x128xi32, #tpu.memory_space<vmem>>, vector<16xi32>,
      %scan3A_232 = arith.constant 0 : i32
      scf.yield %scan3A_232 : i32
    }
    %scan3A_65 = arith.constant 64 : i32
    %mul3A_66 = arith.constant 2 : i32
    %mul3A_67 = arith.muli %mul3A_66, %sub3A_48 : i32
    %add3A_68 = arith.addi %add3A_7, %mul3A_67 : i32
    %add3A_69 = arith.constant 0 : i32
    %add3A_70 = arith.addi %add3A_68, %add3A_69 : i32
    %mul3A_71 = arith.constant 64 : i32
    %mul3A_72 = arith.muli %add3A_70, %mul3A_71 : i32
    %dma_start3A_73 = arith.constant 0 : i32
    %dma_start3A_74 = tpu.memref_slice %arg6[%mul3A_72, %dma_start3A_73] : memref<327680x128xi32, #tpu.memory_space<hbm>> -> memref<64x128xi32, #tpu.memory_space<hbm>>
    %dma_start3A_75 = arith.constant 0 : i32
    %dma_start3A_76 = tpu.memref_slice %arg6[%mul3A_72, %dma_start3A_75] : memref<327680x128xi32, #tpu.memory_space<hbm>> -> memref<64x128xi32, #tpu.memory_space<hbm>>
    tpu.enqueue_dma source(%arg9 : memref<64x128xi32, #tpu.memory_space<vmem>>) target(%dma_start3A_76 : memref<64x128xi32, #tpu.memory_space<hbm>>) target_semaphore(%arg17 : memref<!tpu.dma_semaphore, #tpu.memory_space<semaphore_mem>>)
    %mul3A_77 = arith.constant 2 : i32
    %mul3A_78 = arith.muli %mul3A_77, %sub3A_48 : i32
    %add3A_79 = arith.addi %add3A_7, %mul3A_78 : i32
    %add3A_80 = arith.constant 0 : i32
    %add3A_81 = arith.addi %add3A_79, %add3A_80 : i32
    %mul3A_82 = arith.constant 64 : i32
    %mul3A_83 = arith.muli %add3A_81, %mul3A_82 : i32
    %dma_wait3A_84 = arith.constant 0 : i32
    %dma_wait3A_85 = tpu.memref_slice %arg6[%mul3A_83, %dma_wait3A_84] : memref<327680x128xi32, #tpu.memory_space<hbm>> -> memref<64x128xi32, #tpu.memory_space<hbm>>
    %dma_wait3A_86 = arith.constant 0 : i32
    %dma_wait3A_87 = tpu.memref_slice %arg6[%mul3A_83, %dma_wait3A_86] : memref<327680x128xi32, #tpu.memory_space<hbm>> -> memref<64x128xi32, #tpu.memory_space<hbm>>
    tpu.wait_dma2 semaphore(%arg17 : memref<!tpu.dma_semaphore, #tpu.memory_space<semaphore_mem>>) src(%arg9 : memref<64x128xi32, #tpu.memory_space<vmem>>) dst(%dma_wait3A_87 : memref<64x128xi32, #tpu.memory_space<hbm>>)
    %dma_wait3A_88 = arith.constant 64 : i32
    %dma_wait3A_89 = tpu.memref_slice %arg7[%sub3A_48, %dma_wait3A_88] : memref<112x128xi32, #tpu.memory_space<vmem>> -> memref<1x64xi32, #tpu.memory_space<vmem>>
    %dma_wait3A_90 = tpu.memref_squeeze %dma_wait3A_89 : memref<1x64xi32, #tpu.memory_space<vmem>> -> memref<64xi32, #tpu.memory_space<vmem>>
    %dma_wait3A_91 = arith.constant 0 : i32
    %dma_wait3A_92 = arith.constant 0 : i32
    %dma_wait3A_93 = tpu.memref_slice %arg2[%dma_wait3A_91, %dma_wait3A_92] : memref<10000x128xi32, #tpu.memory_space<hbm>> -> memref<10000x128xi32, #tpu.memory_space<hbm>>
    tpu.wait_indirect_dma semaphore(%arg15 : memref<!tpu.dma_semaphore, #tpu.memory_space<semaphore_mem>>) src(%dma_wait3A_93 : memref<10000x128xi32, #tpu.memory_space<hbm>>) dst(%arg11 : memref<64x128xi32, #tpu.memory_space<vmem>>)
    %dma_wait3A_94 = arith.constant 64 : i32
    %dma_wait3A_95 = tpu.memref_slice %arg8[%sub3A_48, %dma_wait3A_94] : memref<112x128xi32, #tpu.memory_space<vmem>> -> memref<1x64xi32, #tpu.memory_space<vmem>>
    %dma_wait3A_96 = tpu.memref_squeeze %dma_wait3A_95 : memref<1x64xi32, #tpu.memory_space<vmem>> -> memref<64xi32, #tpu.memory_space<vmem>>
    %dma_wait3A_97 = arith.constant 0 : i32
    %dma_wait3A_98 = arith.constant 0 : i32
    %dma_wait3A_99 = tpu.memref_slice %arg3[%dma_wait3A_97, %dma_wait3A_98] : memref<10000x128xi32, #tpu.memory_space<hbm>> -> memref<10000x128xi32, #tpu.memory_space<hbm>>
    tpu.wait_indirect_dma semaphore(%arg16 : memref<!tpu.dma_semaphore, #tpu.memory_space<semaphore_mem>>) src(%dma_wait3A_99 : memref<10000x128xi32, #tpu.memory_space<hbm>>) dst(%arg12 : memref<64x128xi32, #tpu.memory_space<vmem>>)
    %scan3A_100 = arith.constant 0 : i32
    %scan3A_101 = arith.constant 0 : i32
    %scan3A_102 = arith.constant 64 : i32
    %scan3A_103 = arith.addi %scan3A_101, %scan3A_102 : i32
    %scan3A_104 = arith.constant 1 : i32
    %scan3A_105 = scf.for %scan3A_129 = %scan3A_101 to %scan3A_103 step %scan3A_104 iter_args(%scan3A_130 = %scan3A_100) -> (i32)  : i32 {
      %get3A = arith.index_cast %scan3A_129 : i32 to index
      %get3A_131 = arith.constant 0 : index
      %get3A_132 = tpu.vector_load %arg11[%get3A, %get3A_131] {strides = array<i32>} : memref<64x128xi32, #tpu.memory_space<vmem>>, vector<16xi32>,
      %bitcast3A = vector.bitcast %get3A_132 : vector<16xi32> to vector<32xbf16>
      %get3A_133 = arith.index_cast %scan3A_129 : i32 to index
      %get3A_134 = arith.constant 0 : index
      %get3A_135 = tpu.vector_load %arg12[%get3A_133, %get3A_134] {strides = array<i32>} : memref<64x128xi32, #tpu.memory_space<vmem>>, vector<16xi32>,
      %bitcast3A_136 = vector.bitcast %get3A_135 : vector<16xi32> to vector<32xbf16>
      %add3A_137 = arith.addf %bitcast3A, %bitcast3A_136 : vector<32xbf16>
      %bitcast3A_138 = vector.bitcast %add3A_137 : vector<32xbf16> to vector<16xi32>
      %swap3A = arith.index_cast %scan3A_129 : i32 to index
      %swap3A_139 = arith.constant 0 : index
      %swap3A_140 = tpu.vector_load %arg11[%swap3A, %swap3A_139] {strides = array<i32>} : memref<64x128xi32, #tpu.memory_space<vmem>>, vector<16xi32>,
      tpu.vector_store %arg11[%swap3A, %swap3A_139], %bitcast3A_138 {strides = array<i32>} : memref<64x128xi32, #tpu.memory_space<vmem>>, vector<16xi32>,
      %get3A_141 = arith.index_cast %scan3A_129 : i32 to index
      %get3A_142 = arith.constant 16 : index
      %get3A_143 = tpu.vector_load %arg11[%get3A_141, %get3A_142] {strides = array<i32>} : memref<64x128xi32, #tpu.memory_space<vmem>>, vector<16xi32>,
      %bitcast3A_144 = vector.bitcast %get3A_143 : vector<16xi32> to vector<32xbf16>
      %get3A_145 = arith.index_cast %scan3A_129 : i32 to index
      %get3A_146 = arith.constant 16 : index
      %get3A_147 = tpu.vector_load %arg12[%get3A_145, %get3A_146] {strides = array<i32>} : memref<64x128xi32, #tpu.memory_space<vmem>>, vector<16xi32>,
      %bitcast3A_148 = vector.bitcast %get3A_147 : vector<16xi32> to vector<32xbf16>
      %add3A_149 = arith.addf %bitcast3A_144, %bitcast3A_148 : vector<32xbf16>
      %bitcast3A_150 = vector.bitcast %add3A_149 : vector<32xbf16> to vector<16xi32>
      %swap3A_151 = arith.index_cast %scan3A_129 : i32 to index
      %swap3A_152 = arith.constant 16 : index
      %swap3A_153 = tpu.vector_load %arg11[%swap3A_151, %swap3A_152] {strides = array<i32>} : memref<64x128xi32, #tpu.memory_space<vmem>>, vector<16xi32>,
      tpu.vector_store %arg11[%swap3A_151, %swap3A_152], %bitcast3A_150 {strides = array<i32>} : memref<64x128xi32, #tpu.memory_space<vmem>>, vector<16xi32>,
      %get3A_154 = arith.index_cast %scan3A_129 : i32 to index
      %get3A_155 = arith.constant 32 : index
      %get3A_156 = tpu.vector_load %arg11[%get3A_154, %get3A_155] {strides = array<i32>} : memref<64x128xi32, #tpu.memory_space<vmem>>, vector<16xi32>,
      %bitcast3A_157 = vector.bitcast %get3A_156 : vector<16xi32> to vector<32xbf16>
      %get3A_158 = arith.index_cast %scan3A_129 : i32 to index
      %get3A_159 = arith.constant 32 : index
      %get3A_160 = tpu.vector_load %arg12[%get3A_158, %get3A_159] {strides = array<i32>} : memref<64x128xi32, #tpu.memory_space<vmem>>, vector<16xi32>,
      %bitcast3A_161 = vector.bitcast %get3A_160 : vector<16xi32> to vector<32xbf16>
      %add3A_162 = arith.addf %bitcast3A_157, %bitcast3A_161 : vector<32xbf16>
      %bitcast3A_163 = vector.bitcast %add3A_162 : vector<32xbf16> to vector<16xi32>
      %swap3A_164 = arith.index_cast %scan3A_129 : i32 to index
      %swap3A_165 = arith.constant 32 : index
      %swap3A_166 = tpu.vector_load %arg11[%swap3A_164, %swap3A_165] {strides = array<i32>} : memref<64x128xi32, #tpu.memory_space<vmem>>, vector<16xi32>,
      tpu.vector_store %arg11[%swap3A_164, %swap3A_165], %bitcast3A_163 {strides = array<i32>} : memref<64x128xi32, #tpu.memory_space<vmem>>, vector<16xi32>,
      %get3A_167 = arith.index_cast %scan3A_129 : i32 to index
      %get3A_168 = arith.constant 48 : index
      %get3A_169 = tpu.vector_load %arg11[%get3A_167, %get3A_168] {strides = array<i32>} : memref<64x128xi32, #tpu.memory_space<vmem>>, vector<16xi32>,
      %bitcast3A_170 = vector.bitcast %get3A_169 : vector<16xi32> to vector<32xbf16>
      %get3A_171 = arith.index_cast %scan3A_129 : i32 to index
      %get3A_172 = arith.constant 48 : index
      %get3A_173 = tpu.vector_load %arg12[%get3A_171, %get3A_172] {strides = array<i32>} : memref<64x128xi32, #tpu.memory_space<vmem>>, vector<16xi32>,
      %bitcast3A_174 = vector.bitcast %get3A_173 : vector<16xi32> to vector<32xbf16>
      %add3A_175 = arith.addf %bitcast3A_170, %bitcast3A_174 : vector<32xbf16>
      %bitcast3A_176 = vector.bitcast %add3A_175 : vector<32xbf16> to vector<16xi32>
      %swap3A_177 = arith.index_cast %scan3A_129 : i32 to index
      %swap3A_178 = arith.constant 48 : index
      %swap3A_179 = tpu.vector_load %arg11[%swap3A_177, %swap3A_178] {strides = array<i32>} : memref<64x128xi32, #tpu.memory_space<vmem>>, vector<16xi32>,
      tpu.vector_store %arg11[%swap3A_177, %swap3A_178], %bitcast3A_176 {strides = array<i32>} : memref<64x128xi32, #tpu.memory_space<vmem>>, vector<16xi32>,
      %get3A_180 = arith.index_cast %scan3A_129 : i32 to index
      %get3A_181 = arith.constant 64 : index
      %get3A_182 = tpu.vector_load %arg11[%get3A_180, %get3A_181] {strides = array<i32>} : memref<64x128xi32, #tpu.memory_space<vmem>>, vector<16xi32>,
      %bitcast3A_183 = vector.bitcast %get3A_182 : vector<16xi32> to vector<32xbf16>
      %get3A_184 = arith.index_cast %scan3A_129 : i32 to index
      %get3A_185 = arith.constant 64 : index
      %get3A_186 = tpu.vector_load %arg12[%get3A_184, %get3A_185] {strides = array<i32>} : memref<64x128xi32, #tpu.memory_space<vmem>>, vector<16xi32>,
      %bitcast3A_187 = vector.bitcast %get3A_186 : vector<16xi32> to vector<32xbf16>
      %add3A_188 = arith.addf %bitcast3A_183, %bitcast3A_187 : vector<32xbf16>
      %bitcast3A_189 = vector.bitcast %add3A_188 : vector<32xbf16> to vector<16xi32>
      %swap3A_190 = arith.index_cast %scan3A_129 : i32 to index
      %swap3A_191 = arith.constant 64 : index
      %swap3A_192 = tpu.vector_load %arg11[%swap3A_190, %swap3A_191] {strides = array<i32>} : memref<64x128xi32, #tpu.memory_space<vmem>>, vector<16xi32>,
      tpu.vector_store %arg11[%swap3A_190, %swap3A_191], %bitcast3A_189 {strides = array<i32>} : memref<64x128xi32, #tpu.memory_space<vmem>>, vector<16xi32>,
      %get3A_193 = arith.index_cast %scan3A_129 : i32 to index
      %get3A_194 = arith.constant 80 : index
      %get3A_195 = tpu.vector_load %arg11[%get3A_193, %get3A_194] {strides = array<i32>} : memref<64x128xi32, #tpu.memory_space<vmem>>, vector<16xi32>,
      %bitcast3A_196 = vector.bitcast %get3A_195 : vector<16xi32> to vector<32xbf16>
      %get3A_197 = arith.index_cast %scan3A_129 : i32 to index
      %get3A_198 = arith.constant 80 : index
      %get3A_199 = tpu.vector_load %arg12[%get3A_197, %get3A_198] {strides = array<i32>} : memref<64x128xi32, #tpu.memory_space<vmem>>, vector<16xi32>,
      %bitcast3A_200 = vector.bitcast %get3A_199 : vector<16xi32> to vector<32xbf16>
      %add3A_201 = arith.addf %bitcast3A_196, %bitcast3A_200 : vector<32xbf16>
      %bitcast3A_202 = vector.bitcast %add3A_201 : vector<32xbf16> to vector<16xi32>
      %swap3A_203 = arith.index_cast %scan3A_129 : i32 to index
      %swap3A_204 = arith.constant 80 : index
      %swap3A_205 = tpu.vector_load %arg11[%swap3A_203, %swap3A_204] {strides = array<i32>} : memref<64x128xi32, #tpu.memory_space<vmem>>, vector<16xi32>,
      tpu.vector_store %arg11[%swap3A_203, %swap3A_204], %bitcast3A_202 {strides = array<i32>} : memref<64x128xi32, #tpu.memory_space<vmem>>, vector<16xi32>,
      %get3A_206 = arith.index_cast %scan3A_129 : i32 to index
      %get3A_207 = arith.constant 96 : index
      %get3A_208 = tpu.vector_load %arg11[%get3A_206, %get3A_207] {strides = array<i32>} : memref<64x128xi32, #tpu.memory_space<vmem>>, vector<16xi32>,
      %bitcast3A_209 = vector.bitcast %get3A_208 : vector<16xi32> to vector<32xbf16>
      %get3A_210 = arith.index_cast %scan3A_129 : i32 to index
      %get3A_211 = arith.constant 96 : index
      %get3A_212 = tpu.vector_load %arg12[%get3A_210, %get3A_211] {strides = array<i32>} : memref<64x128xi32, #tpu.memory_space<vmem>>, vector<16xi32>,
      %bitcast3A_213 = vector.bitcast %get3A_212 : vector<16xi32> to vector<32xbf16>
      %add3A_214 = arith.addf %bitcast3A_209, %bitcast3A_213 : vector<32xbf16>
      %bitcast3A_215 = vector.bitcast %add3A_214 : vector<32xbf16> to vector<16xi32>
      %swap3A_216 = arith.index_cast %scan3A_129 : i32 to index
      %swap3A_217 = arith.constant 96 : index
      %swap3A_218 = tpu.vector_load %arg11[%swap3A_216, %swap3A_217] {strides = array<i32>} : memref<64x128xi32, #tpu.memory_space<vmem>>, vector<16xi32>,
      tpu.vector_store %arg11[%swap3A_216, %swap3A_217], %bitcast3A_215 {strides = array<i32>} : memref<64x128xi32, #tpu.memory_space<vmem>>, vector<16xi32>,
      %get3A_219 = arith.index_cast %scan3A_129 : i32 to index
      %get3A_220 = arith.constant 112 : index
      %get3A_221 = tpu.vector_load %arg11[%get3A_219, %get3A_220] {strides = array<i32>} : memref<64x128xi32, #tpu.memory_space<vmem>>, vector<16xi32>,
      %bitcast3A_222 = vector.bitcast %get3A_221 : vector<16xi32> to vector<32xbf16>
      %get3A_223 = arith.index_cast %scan3A_129 : i32 to index
      %get3A_224 = arith.constant 112 : index
      %get3A_225 = tpu.vector_load %arg12[%get3A_223, %get3A_224] {strides = array<i32>} : memref<64x128xi32, #tpu.memory_space<vmem>>, vector<16xi32>,
      %bitcast3A_226 = vector.bitcast %get3A_225 : vector<16xi32> to vector<32xbf16>
      %add3A_227 = arith.addf %bitcast3A_222, %bitcast3A_226 : vector<32xbf16>
      %bitcast3A_228 = vector.bitcast %add3A_227 : vector<32xbf16> to vector<16xi32>
      %swap3A_229 = arith.index_cast %scan3A_129 : i32 to index
      %swap3A_230 = arith.constant 112 : index
      %swap3A_231 = tpu.vector_load %arg11[%swap3A_229, %swap3A_230] {strides = array<i32>} : memref<64x128xi32, #tpu.memory_space<vmem>>, vector<16xi32>,
      tpu.vector_store %arg11[%swap3A_229, %swap3A_230], %bitcast3A_228 {strides = array<i32>} : memref<64x128xi32, #tpu.memory_space<vmem>>, vector<16xi32>,
      %scan3A_232 = arith.constant 0 : i32
      scf.yield %scan3A_232 : i32
    }
    %scan3A_106 = arith.constant 64 : i32
    %mul3A_107 = arith.constant 2 : i32
    %mul3A_108 = arith.muli %mul3A_107, %sub3A_48 : i32
    %add3A_109 = arith.addi %add3A_7, %mul3A_108 : i32
    %add3A_110 = arith.constant 1 : i32
    %add3A_111 = arith.addi %add3A_109, %add3A_110 : i32
    %mul3A_112 = arith.constant 64 : i32
    %mul3A_113 = arith.muli %add3A_111, %mul3A_112 : i32
    %dma_start3A_114 = arith.constant 0 : i32
    %dma_start3A_115 = tpu.memref_slice %arg6[%mul3A_113, %dma_start3A_114] : memref<327680x128xi32, #tpu.memory_space<hbm>> -> memref<64x128xi32, #tpu.memory_space<hbm>>
    %dma_start3A_116 = arith.constant 0 : i32
    %dma_start3A_117 = tpu.memref_slice %arg6[%mul3A_113, %dma_start3A_116] : memref<327680x128xi32, #tpu.memory_space<hbm>> -> memref<64x128xi32, #tpu.memory_space<hbm>>
    tpu.enqueue_dma source(%arg11 : memref<64x128xi32, #tpu.memory_space<vmem>>) target(%dma_start3A_117 : memref<64x128xi32, #tpu.memory_space<hbm>>) target_semaphore(%arg18 : memref<!tpu.dma_semaphore, #tpu.memory_space<semaphore_mem>>)
    %mul3A_118 = arith.constant 2 : i32
    %mul3A_119 = arith.muli %mul3A_118, %sub3A_48 : i32
    %add3A_120 = arith.addi %add3A_7, %mul3A_119 : i32
    %add3A_121 = arith.constant 1 : i32
    %add3A_122 = arith.addi %add3A_120, %add3A_121 : i32
    %mul3A_123 = arith.constant 64 : i32
    %mul3A_124 = arith.muli %add3A_122, %mul3A_123 : i32
    %dma_wait3A_125 = arith.constant 0 : i32
    %dma_wait3A_126 = tpu.memref_slice %arg6[%mul3A_124, %dma_wait3A_125] : memref<327680x128xi32, #tpu.memory_space<hbm>> -> memref<64x128xi32, #tpu.memory_space<hbm>>
    %dma_wait3A_127 = arith.constant 0 : i32
    %dma_wait3A_128 = tpu.memref_slice %arg6[%mul3A_124, %dma_wait3A_127] : memref<327680x128xi32, #tpu.memory_space<hbm>> -> memref<64x128xi32, #tpu.memory_space<hbm>>
    tpu.wait_dma2 semaphore(%arg18 : memref<!tpu.dma_semaphore, #tpu.memory_space<semaphore_mem>>) src(%arg11 : memref<64x128xi32, #tpu.memory_space<vmem>>) dst(%dma_wait3A_128 : memref<64x128xi32, #tpu.memory_space<hbm>>)
    return
  }
}

#map = affine_map<(d0, d1) -> (0, 0)>
#map1 = affine_map<(d0, d1) -> (0, 0, 0)>
module attributes {stable_mosaic.version = 14 : i64} {
  func.func @sc_scatter(%arg0: i32, %arg1: i32, %arg2: memref<327680x128xf32, #tpu.memory_space<hbm>>, %arg3: memref<32x80x128xi32, #tpu.memory_space<hbm>>, %arg4: memref<632x128xf32, #tpu.memory_space<hbm>>, %arg5: memref<2x10112x128xf32, #tpu.memory_space<hbm>>, %arg6: memref<80x128xi32, #tpu.memory_space<vmem>>, %arg7: memref<128x128xf32, #tpu.memory_space<vmem>>, %arg8: memref<128x128xf32, #tpu.memory_space<vmem>>, %arg9: memref<10112x128xf32, #tpu.memory_space<vmem_shared>>, %arg10: memref<!tpu.dma_semaphore, #tpu.memory_space<semaphore_mem>>, %arg11: memref<!tpu.dma_semaphore, #tpu.memory_space<semaphore_mem>>, %arg12: memref<!tpu.dma_semaphore, #tpu.memory_space<semaphore_mem>>, %arg13: memref<!tpu.dma_semaphore, #tpu.memory_space<semaphore_mem>>) attributes {dimension_semantics = [#tpu.dimension_semantics<core_parallel>, #tpu.dimension_semantics<subcore_parallel>], iteration_bounds = array<i64: 2, 16>, scalar_prefetch = 0 : i64, scratch_operands = 8 : i64, tpu.core_type = #tpu.core_type<sc_vector_subcore>, window_params = [{transform_indices = #map}, {transform_indices = #map1}, {transform_indices = #map}, {transform_indices = #map1}]} {
    %mul3A = arith.constant 2 : i32
    %mul3A_0 = arith.muli %arg1, %mul3A : i32
    %add3A = arith.addi %mul3A_0, %arg0 : i32
    %mul3A_1 = arith.constant 632 : i32
    %mul3A_2 = arith.muli %arg1, %mul3A_1 : i32
    "tpu.region"() ({
      %run_scoped3A = tpu.sem_alloc : memref<!tpu.dma_semaphore, #tpu.memory_space<semaphore_mem>>
      %dma_start3A_72 = arith.constant 0 : i32
      %dma_start3A_73 = tpu.memref_slice %arg9[%mul3A_2, %dma_start3A_72] : memref<10112x128xf32, #tpu.memory_space<vmem_shared>> -> memref<632x128xf32, #tpu.memory_space<vmem_shared>>
      tpu.enqueue_dma source(%arg4 : memref<632x128xf32, #tpu.memory_space<hbm>>) target(%dma_start3A_73 : memref<632x128xf32, #tpu.memory_space<vmem_shared>>) target_semaphore(%run_scoped3A : memref<!tpu.dma_semaphore, #tpu.memory_space<semaphore_mem>>)
      %dma_wait3A_74 = arith.constant 0 : i32
      %dma_wait3A_75 = tpu.memref_slice %arg9[%mul3A_2, %dma_wait3A_74] : memref<10112x128xf32, #tpu.memory_space<vmem_shared>> -> memref<632x128xf32, #tpu.memory_space<vmem_shared>>
      tpu.wait_dma2 semaphore(%run_scoped3A : memref<!tpu.dma_semaphore, #tpu.memory_space<semaphore_mem>>) src(%arg4 : memref<632x128xf32, #tpu.memory_space<hbm>>) dst(%dma_wait3A_75 : memref<632x128xf32, #tpu.memory_space<vmem_shared>>)
      tpu.yield
    }) : () -> ()
    "tpu.region"() ({
      %run_scoped3A = tpu.sem_alloc : memref<!tpu.dma_semaphore, #tpu.memory_space<semaphore_mem>>
      %dma_start3A_72 = arith.constant 0 : i32
      %dma_start3A_73 = arith.constant 0 : i32
      %dma_start3A_74 = tpu.memref_slice %arg3[%add3A, %dma_start3A_72, %dma_start3A_73] : memref<32x80x128xi32, #tpu.memory_space<hbm>> -> memref<1x80x128xi32, #tpu.memory_space<hbm>>
      %dma_start3A_75 = tpu.memref_squeeze %dma_start3A_74 : memref<1x80x128xi32, #tpu.memory_space<hbm>> -> memref<80x128xi32, #tpu.memory_space<hbm>>
      %dma_start3A_76 = arith.constant 0 : i32
      %dma_start3A_77 = arith.constant 0 : i32
      %dma_start3A_78 = tpu.memref_slice %arg3[%add3A, %dma_start3A_76, %dma_start3A_77] : memref<32x80x128xi32, #tpu.memory_space<hbm>> -> memref<1x80x128xi32, #tpu.memory_space<hbm>>
      %dma_start3A_79 = tpu.memref_squeeze %dma_start3A_78 : memref<1x80x128xi32, #tpu.memory_space<hbm>> -> memref<80x128xi32, #tpu.memory_space<hbm>>
      tpu.enqueue_dma source(%dma_start3A_79 : memref<80x128xi32, #tpu.memory_space<hbm>>) target(%arg6 : memref<80x128xi32, #tpu.memory_space<vmem>>) target_semaphore(%run_scoped3A : memref<!tpu.dma_semaphore, #tpu.memory_space<semaphore_mem>>)
      %dma_wait3A_80 = arith.constant 0 : i32
      %dma_wait3A_81 = arith.constant 0 : i32
      %dma_wait3A_82 = tpu.memref_slice %arg3[%add3A, %dma_wait3A_80, %dma_wait3A_81] : memref<32x80x128xi32, #tpu.memory_space<hbm>> -> memref<1x80x128xi32, #tpu.memory_space<hbm>>
      %dma_wait3A_83 = tpu.memref_squeeze %dma_wait3A_82 : memref<1x80x128xi32, #tpu.memory_space<hbm>> -> memref<80x128xi32, #tpu.memory_space<hbm>>
      %dma_wait3A_84 = arith.constant 0 : i32
      %dma_wait3A_85 = arith.constant 0 : i32
      %dma_wait3A_86 = tpu.memref_slice %arg3[%add3A, %dma_wait3A_84, %dma_wait3A_85] : memref<32x80x128xi32, #tpu.memory_space<hbm>> -> memref<1x80x128xi32, #tpu.memory_space<hbm>>
      %dma_wait3A_87 = tpu.memref_squeeze %dma_wait3A_86 : memref<1x80x128xi32, #tpu.memory_space<hbm>> -> memref<80x128xi32, #tpu.memory_space<hbm>>
      tpu.wait_dma2 semaphore(%run_scoped3A : memref<!tpu.dma_semaphore, #tpu.memory_space<semaphore_mem>>) src(%dma_wait3A_87 : memref<80x128xi32, #tpu.memory_space<hbm>>) dst(%arg6 : memref<80x128xi32, #tpu.memory_space<vmem>>)
      tpu.yield
    }) : () -> ()
    %barrier3A = arith.constant 0 : index
    tpu.barrier barrier_id(%barrier3A)
    %mul3A_3 = arith.constant 10240 : i32
    %mul3A_4 = arith.muli %add3A, %mul3A_3 : i32
    %add3A_5 = arith.constant 0 : i32
    %add3A_6 = arith.addi %mul3A_4, %add3A_5 : i32
    %dma_start3A = arith.constant 0 : i32
    %dma_start3A_7 = tpu.memref_slice %arg2[%add3A_6, %dma_start3A] : memref<327680x128xf32, #tpu.memory_space<hbm>> -> memref<128x128xf32, #tpu.memory_space<hbm>>
    %dma_start3A_8 = arith.constant 0 : i32
    %dma_start3A_9 = tpu.memref_slice %arg2[%add3A_6, %dma_start3A_8] : memref<327680x128xf32, #tpu.memory_space<hbm>> -> memref<128x128xf32, #tpu.memory_space<hbm>>
    tpu.enqueue_dma source(%dma_start3A_9 : memref<128x128xf32, #tpu.memory_space<hbm>>) target(%arg7 : memref<128x128xf32, #tpu.memory_space<vmem>>) target_semaphore(%arg10 : memref<!tpu.dma_semaphore, #tpu.memory_space<semaphore_mem>>)
    %mul3A_10 = arith.constant 10240 : i32
    %mul3A_11 = arith.muli %add3A, %mul3A_10 : i32
    %add3A_12 = arith.constant 128 : i32
    %add3A_13 = arith.addi %mul3A_11, %add3A_12 : i32
    %dma_start3A_14 = arith.constant 0 : i32
    %dma_start3A_15 = tpu.memref_slice %arg2[%add3A_13, %dma_start3A_14] : memref<327680x128xf32, #tpu.memory_space<hbm>> -> memref<128x128xf32, #tpu.memory_space<hbm>>
    %dma_start3A_16 = arith.constant 0 : i32
    %dma_start3A_17 = tpu.memref_slice %arg2[%add3A_13, %dma_start3A_16] : memref<327680x128xf32, #tpu.memory_space<hbm>> -> memref<128x128xf32, #tpu.memory_space<hbm>>
    tpu.enqueue_dma source(%dma_start3A_17 : memref<128x128xf32, #tpu.memory_space<hbm>>) target(%arg8 : memref<128x128xf32, #tpu.memory_space<vmem>>) target_semaphore(%arg11 : memref<!tpu.dma_semaphore, #tpu.memory_space<semaphore_mem>>)
    %scan3A = arith.constant 0 : i32
    %scan3A_18 = arith.constant 0 : i32
    %scan3A_19 = arith.constant 39 : i32
    %scan3A_20 = arith.addi %scan3A_18, %scan3A_19 : i32
    %scan3A_21 = arith.constant 1 : i32
    %scan3A_22 = scf.for %scan3A_72 = %scan3A_18 to %scan3A_20 step %scan3A_21 iter_args(%scan3A_73 = %scan3A) -> (i32)  : i32 {
      %mul3A_74 = arith.constant 2 : i32
      %mul3A_75 = arith.muli %mul3A_74, %scan3A_72 : i32
      %add3A_76 = arith.constant 0 : i32
      %add3A_77 = arith.addi %mul3A_75, %add3A_76 : i32
      %mul3A_78 = arith.constant 10240 : i32
      %mul3A_79 = arith.muli %add3A, %mul3A_78 : i32
      %mul3A_80 = arith.constant 128 : i32
      %mul3A_81 = arith.muli %add3A_77, %mul3A_80 : i32
      %add3A_82 = arith.addi %mul3A_79, %mul3A_81 : i32
      %dma_wait3A_83 = arith.constant 0 : i32
      %dma_wait3A_84 = tpu.memref_slice %arg2[%add3A_82, %dma_wait3A_83] : memref<327680x128xf32, #tpu.memory_space<hbm>> -> memref<128x128xf32, #tpu.memory_space<hbm>>
      %dma_wait3A_85 = arith.constant 0 : i32
      %dma_wait3A_86 = tpu.memref_slice %arg2[%add3A_82, %dma_wait3A_85] : memref<327680x128xf32, #tpu.memory_space<hbm>> -> memref<128x128xf32, #tpu.memory_space<hbm>>
      tpu.wait_dma2 semaphore(%arg10 : memref<!tpu.dma_semaphore, #tpu.memory_space<semaphore_mem>>) src(%dma_wait3A_86 : memref<128x128xf32, #tpu.memory_space<hbm>>) dst(%arg7 : memref<128x128xf32, #tpu.memory_space<vmem>>)
      %dma_start3A_87 = arith.constant 0 : i32
      %dma_start3A_88 = tpu.memref_slice %arg6[%add3A_77, %dma_start3A_87] : memref<80x128xi32, #tpu.memory_space<vmem>> -> memref<1x128xi32, #tpu.memory_space<vmem>>
      %dma_start3A_89 = tpu.memref_squeeze %dma_start3A_88 : memref<1x128xi32, #tpu.memory_space<vmem>> -> memref<128xi32, #tpu.memory_space<vmem>>
      %dma_start3A_90 = arith.constant 0 : i32
      %dma_start3A_91 = arith.constant 0 : i32
      %dma_start3A_92 = tpu.memref_slice %arg9[%dma_start3A_90, %dma_start3A_91] : memref<10112x128xf32, #tpu.memory_space<vmem_shared>> -> memref<10112x128xf32, #tpu.memory_space<vmem_shared>>
      tpu.enqueue_indirect_dma source(%arg7 : memref<128x128xf32, #tpu.memory_space<vmem>>) target(%dma_start3A_92 : memref<10112x128xf32, #tpu.memory_space<vmem_shared>>) offsets(%dma_start3A_89 : memref<128xi32, #tpu.memory_space<vmem>>) semaphore(%arg12 : memref<!tpu.dma_semaphore, #tpu.memory_space<semaphore_mem>>) {add = true}
      %dma_wait3A_93 = arith.constant 0 : i32
      %dma_wait3A_94 = tpu.memref_slice %arg6[%add3A_77, %dma_wait3A_93] : memref<80x128xi32, #tpu.memory_space<vmem>> -> memref<1x128xi32, #tpu.memory_space<vmem>>
      %dma_wait3A_95 = tpu.memref_squeeze %dma_wait3A_94 : memref<1x128xi32, #tpu.memory_space<vmem>> -> memref<128xi32, #tpu.memory_space<vmem>>
      %dma_wait3A_96 = arith.constant 0 : i32
      %dma_wait3A_97 = arith.constant 0 : i32
      %dma_wait3A_98 = tpu.memref_slice %arg9[%dma_wait3A_96, %dma_wait3A_97] : memref<10112x128xf32, #tpu.memory_space<vmem_shared>> -> memref<10112x128xf32, #tpu.memory_space<vmem_shared>>
      tpu.wait_indirect_dma semaphore(%arg12 : memref<!tpu.dma_semaphore, #tpu.memory_space<semaphore_mem>>) src(%arg7 : memref<128x128xf32, #tpu.memory_space<vmem>>) dst(%dma_wait3A_98 : memref<10112x128xf32, #tpu.memory_space<vmem_shared>>)
      %add3A_99 = arith.constant 2 : i32
      %add3A_100 = arith.addi %add3A_77, %add3A_99 : i32
      %mul3A_101 = arith.constant 10240 : i32
      %mul3A_102 = arith.muli %add3A, %mul3A_101 : i32
      %mul3A_103 = arith.constant 128 : i32
      %mul3A_104 = arith.muli %add3A_100, %mul3A_103 : i32
      %add3A_105 = arith.addi %mul3A_102, %mul3A_104 : i32
      %dma_start3A_106 = arith.constant 0 : i32
      %dma_start3A_107 = tpu.memref_slice %arg2[%add3A_105, %dma_start3A_106] : memref<327680x128xf32, #tpu.memory_space<hbm>> -> memref<128x128xf32, #tpu.memory_space<hbm>>
      %dma_start3A_108 = arith.constant 0 : i32
      %dma_start3A_109 = tpu.memref_slice %arg2[%add3A_105, %dma_start3A_108] : memref<327680x128xf32, #tpu.memory_space<hbm>> -> memref<128x128xf32, #tpu.memory_space<hbm>>
      tpu.enqueue_dma source(%dma_start3A_109 : memref<128x128xf32, #tpu.memory_space<hbm>>) target(%arg7 : memref<128x128xf32, #tpu.memory_space<vmem>>) target_semaphore(%arg10 : memref<!tpu.dma_semaphore, #tpu.memory_space<semaphore_mem>>)
      %mul3A_110 = arith.constant 2 : i32
      %mul3A_111 = arith.muli %mul3A_110, %scan3A_72 : i32
      %add3A_112 = arith.constant 1 : i32
      %add3A_113 = arith.addi %mul3A_111, %add3A_112 : i32
      %mul3A_114 = arith.constant 10240 : i32
      %mul3A_115 = arith.muli %add3A, %mul3A_114 : i32
      %mul3A_116 = arith.constant 128 : i32
      %mul3A_117 = arith.muli %add3A_113, %mul3A_116 : i32
      %add3A_118 = arith.addi %mul3A_115, %mul3A_117 : i32
      %dma_wait3A_119 = arith.constant 0 : i32
      %dma_wait3A_120 = tpu.memref_slice %arg2[%add3A_118, %dma_wait3A_119] : memref<327680x128xf32, #tpu.memory_space<hbm>> -> memref<128x128xf32, #tpu.memory_space<hbm>>
      %dma_wait3A_121 = arith.constant 0 : i32
      %dma_wait3A_122 = tpu.memref_slice %arg2[%add3A_118, %dma_wait3A_121] : memref<327680x128xf32, #tpu.memory_space<hbm>> -> memref<128x128xf32, #tpu.memory_space<hbm>>
      tpu.wait_dma2 semaphore(%arg11 : memref<!tpu.dma_semaphore, #tpu.memory_space<semaphore_mem>>) src(%dma_wait3A_122 : memref<128x128xf32, #tpu.memory_space<hbm>>) dst(%arg8 : memref<128x128xf32, #tpu.memory_space<vmem>>)
      %dma_start3A_123 = arith.constant 0 : i32
      %dma_start3A_124 = tpu.memref_slice %arg6[%add3A_113, %dma_start3A_123] : memref<80x128xi32, #tpu.memory_space<vmem>> -> memref<1x128xi32, #tpu.memory_space<vmem>>
      %dma_start3A_125 = tpu.memref_squeeze %dma_start3A_124 : memref<1x128xi32, #tpu.memory_space<vmem>> -> memref<128xi32, #tpu.memory_space<vmem>>
      %dma_start3A_126 = arith.constant 0 : i32
      %dma_start3A_127 = arith.constant 0 : i32
      %dma_start3A_128 = tpu.memref_slice %arg9[%dma_start3A_126, %dma_start3A_127] : memref<10112x128xf32, #tpu.memory_space<vmem_shared>> -> memref<10112x128xf32, #tpu.memory_space<vmem_shared>>
      tpu.enqueue_indirect_dma source(%arg8 : memref<128x128xf32, #tpu.memory_space<vmem>>) target(%dma_start3A_128 : memref<10112x128xf32, #tpu.memory_space<vmem_shared>>) offsets(%dma_start3A_125 : memref<128xi32, #tpu.memory_space<vmem>>) semaphore(%arg13 : memref<!tpu.dma_semaphore, #tpu.memory_space<semaphore_mem>>) {add = true}
      %dma_wait3A_129 = arith.constant 0 : i32
      %dma_wait3A_130 = tpu.memref_slice %arg6[%add3A_113, %dma_wait3A_129] : memref<80x128xi32, #tpu.memory_space<vmem>> -> memref<1x128xi32, #tpu.memory_space<vmem>>
      %dma_wait3A_131 = tpu.memref_squeeze %dma_wait3A_130 : memref<1x128xi32, #tpu.memory_space<vmem>> -> memref<128xi32, #tpu.memory_space<vmem>>
      %dma_wait3A_132 = arith.constant 0 : i32
      %dma_wait3A_133 = arith.constant 0 : i32
      %dma_wait3A_134 = tpu.memref_slice %arg9[%dma_wait3A_132, %dma_wait3A_133] : memref<10112x128xf32, #tpu.memory_space<vmem_shared>> -> memref<10112x128xf32, #tpu.memory_space<vmem_shared>>
      tpu.wait_indirect_dma semaphore(%arg13 : memref<!tpu.dma_semaphore, #tpu.memory_space<semaphore_mem>>) src(%arg8 : memref<128x128xf32, #tpu.memory_space<vmem>>) dst(%dma_wait3A_134 : memref<10112x128xf32, #tpu.memory_space<vmem_shared>>)
      %add3A_135 = arith.constant 2 : i32
      %add3A_136 = arith.addi %add3A_113, %add3A_135 : i32
      %mul3A_137 = arith.constant 10240 : i32
      %mul3A_138 = arith.muli %add3A, %mul3A_137 : i32
      %mul3A_139 = arith.constant 128 : i32
      %mul3A_140 = arith.muli %add3A_136, %mul3A_139 : i32
      %add3A_141 = arith.addi %mul3A_138, %mul3A_140 : i32
      %dma_start3A_142 = arith.constant 0 : i32
      %dma_start3A_143 = tpu.memref_slice %arg2[%add3A_141, %dma_start3A_142] : memref<327680x128xf32, #tpu.memory_space<hbm>> -> memref<128x128xf32, #tpu.memory_space<hbm>>
      %dma_start3A_144 = arith.constant 0 : i32
      %dma_start3A_145 = tpu.memref_slice %arg2[%add3A_141, %dma_start3A_144] : memref<327680x128xf32, #tpu.memory_space<hbm>> -> memref<128x128xf32, #tpu.memory_space<hbm>>
      tpu.enqueue_dma source(%dma_start3A_145 : memref<128x128xf32, #tpu.memory_space<hbm>>) target(%arg8 : memref<128x128xf32, #tpu.memory_space<vmem>>) target_semaphore(%arg11 : memref<!tpu.dma_semaphore, #tpu.memory_space<semaphore_mem>>)
      %scan3A_146 = arith.constant 0 : i32
      scf.yield %scan3A_146 : i32
    }
    %scan3A_23 = arith.constant 39 : i32
    %mul3A_24 = arith.constant 10240 : i32
    %mul3A_25 = arith.muli %add3A, %mul3A_24 : i32
    %add3A_26 = arith.constant 9984 : i32
    %add3A_27 = arith.addi %mul3A_25, %add3A_26 : i32
    %dma_wait3A = arith.constant 0 : i32
    %dma_wait3A_28 = tpu.memref_slice %arg2[%add3A_27, %dma_wait3A] : memref<327680x128xf32, #tpu.memory_space<hbm>> -> memref<128x128xf32, #tpu.memory_space<hbm>>
    %dma_wait3A_29 = arith.constant 0 : i32
    %dma_wait3A_30 = tpu.memref_slice %arg2[%add3A_27, %dma_wait3A_29] : memref<327680x128xf32, #tpu.memory_space<hbm>> -> memref<128x128xf32, #tpu.memory_space<hbm>>
    tpu.wait_dma2 semaphore(%arg10 : memref<!tpu.dma_semaphore, #tpu.memory_space<semaphore_mem>>) src(%dma_wait3A_30 : memref<128x128xf32, #tpu.memory_space<hbm>>) dst(%arg7 : memref<128x128xf32, #tpu.memory_space<vmem>>)
    %dma_start3A_31 = arith.constant 78 : i32
    %dma_start3A_32 = arith.constant 0 : i32
    %dma_start3A_33 = tpu.memref_slice %arg6[%dma_start3A_31, %dma_start3A_32] : memref<80x128xi32, #tpu.memory_space<vmem>> -> memref<1x128xi32, #tpu.memory_space<vmem>>
    %dma_start3A_34 = tpu.memref_squeeze %dma_start3A_33 : memref<1x128xi32, #tpu.memory_space<vmem>> -> memref<128xi32, #tpu.memory_space<vmem>>
    %dma_start3A_35 = arith.constant 0 : i32
    %dma_start3A_36 = arith.constant 0 : i32
    %dma_start3A_37 = tpu.memref_slice %arg9[%dma_start3A_35, %dma_start3A_36] : memref<10112x128xf32, #tpu.memory_space<vmem_shared>> -> memref<10112x128xf32, #tpu.memory_space<vmem_shared>>
    tpu.enqueue_indirect_dma source(%arg7 : memref<128x128xf32, #tpu.memory_space<vmem>>) target(%dma_start3A_37 : memref<10112x128xf32, #tpu.memory_space<vmem_shared>>) offsets(%dma_start3A_34 : memref<128xi32, #tpu.memory_space<vmem>>) semaphore(%arg12 : memref<!tpu.dma_semaphore, #tpu.memory_space<semaphore_mem>>) {add = true}
    %dma_wait3A_38 = arith.constant 78 : i32
    %dma_wait3A_39 = arith.constant 0 : i32
    %dma_wait3A_40 = tpu.memref_slice %arg6[%dma_wait3A_38, %dma_wait3A_39] : memref<80x128xi32, #tpu.memory_space<vmem>> -> memref<1x128xi32, #tpu.memory_space<vmem>>
    %dma_wait3A_41 = tpu.memref_squeeze %dma_wait3A_40 : memref<1x128xi32, #tpu.memory_space<vmem>> -> memref<128xi32, #tpu.memory_space<vmem>>
    %dma_wait3A_42 = arith.constant 0 : i32
    %dma_wait3A_43 = arith.constant 0 : i32
    %dma_wait3A_44 = tpu.memref_slice %arg9[%dma_wait3A_42, %dma_wait3A_43] : memref<10112x128xf32, #tpu.memory_space<vmem_shared>> -> memref<10112x128xf32, #tpu.memory_space<vmem_shared>>
    tpu.wait_indirect_dma semaphore(%arg12 : memref<!tpu.dma_semaphore, #tpu.memory_space<semaphore_mem>>) src(%arg7 : memref<128x128xf32, #tpu.memory_space<vmem>>) dst(%dma_wait3A_44 : memref<10112x128xf32, #tpu.memory_space<vmem_shared>>)
    %mul3A_45 = arith.constant 10240 : i32
    %mul3A_46 = arith.muli %add3A, %mul3A_45 : i32
    %add3A_47 = arith.constant 10112 : i32
    %add3A_48 = arith.addi %mul3A_46, %add3A_47 : i32
    %dma_wait3A_49 = arith.constant 0 : i32
    %dma_wait3A_50 = tpu.memref_slice %arg2[%add3A_48, %dma_wait3A_49] : memref<327680x128xf32, #tpu.memory_space<hbm>> -> memref<128x128xf32, #tpu.memory_space<hbm>>
    %dma_wait3A_51 = arith.constant 0 : i32
    %dma_wait3A_52 = tpu.memref_slice %arg2[%add3A_48, %dma_wait3A_51] : memref<327680x128xf32, #tpu.memory_space<hbm>> -> memref<128x128xf32, #tpu.memory_space<hbm>>
    tpu.wait_dma2 semaphore(%arg11 : memref<!tpu.dma_semaphore, #tpu.memory_space<semaphore_mem>>) src(%dma_wait3A_52 : memref<128x128xf32, #tpu.memory_space<hbm>>) dst(%arg8 : memref<128x128xf32, #tpu.memory_space<vmem>>)
    %dma_start3A_53 = arith.constant 79 : i32
    %dma_start3A_54 = arith.constant 0 : i32
    %dma_start3A_55 = tpu.memref_slice %arg6[%dma_start3A_53, %dma_start3A_54] : memref<80x128xi32, #tpu.memory_space<vmem>> -> memref<1x128xi32, #tpu.memory_space<vmem>>
    %dma_start3A_56 = tpu.memref_squeeze %dma_start3A_55 : memref<1x128xi32, #tpu.memory_space<vmem>> -> memref<128xi32, #tpu.memory_space<vmem>>
    %dma_start3A_57 = arith.constant 0 : i32
    %dma_start3A_58 = arith.constant 0 : i32
    %dma_start3A_59 = tpu.memref_slice %arg9[%dma_start3A_57, %dma_start3A_58] : memref<10112x128xf32, #tpu.memory_space<vmem_shared>> -> memref<10112x128xf32, #tpu.memory_space<vmem_shared>>
    tpu.enqueue_indirect_dma source(%arg8 : memref<128x128xf32, #tpu.memory_space<vmem>>) target(%dma_start3A_59 : memref<10112x128xf32, #tpu.memory_space<vmem_shared>>) offsets(%dma_start3A_56 : memref<128xi32, #tpu.memory_space<vmem>>) semaphore(%arg13 : memref<!tpu.dma_semaphore, #tpu.memory_space<semaphore_mem>>) {add = true}
    %dma_wait3A_60 = arith.constant 79 : i32
    %dma_wait3A_61 = arith.constant 0 : i32
    %dma_wait3A_62 = tpu.memref_slice %arg6[%dma_wait3A_60, %dma_wait3A_61] : memref<80x128xi32, #tpu.memory_space<vmem>> -> memref<1x128xi32, #tpu.memory_space<vmem>>
    %dma_wait3A_63 = tpu.memref_squeeze %dma_wait3A_62 : memref<1x128xi32, #tpu.memory_space<vmem>> -> memref<128xi32, #tpu.memory_space<vmem>>
    %dma_wait3A_64 = arith.constant 0 : i32
    %dma_wait3A_65 = arith.constant 0 : i32
    %dma_wait3A_66 = tpu.memref_slice %arg9[%dma_wait3A_64, %dma_wait3A_65] : memref<10112x128xf32, #tpu.memory_space<vmem_shared>> -> memref<10112x128xf32, #tpu.memory_space<vmem_shared>>
    tpu.wait_indirect_dma semaphore(%arg13 : memref<!tpu.dma_semaphore, #tpu.memory_space<semaphore_mem>>) src(%arg8 : memref<128x128xf32, #tpu.memory_space<vmem>>) dst(%dma_wait3A_66 : memref<10112x128xf32, #tpu.memory_space<vmem_shared>>)
    %barrier3A_67 = arith.constant 0 : index
    tpu.barrier barrier_id(%barrier3A_67)
    %mul3A_68 = arith.constant 632 : i32
    %mul3A_69 = arith.muli %arg1, %mul3A_68 : i32
    %mul3A_70 = arith.constant 632 : i32
    %mul3A_71 = arith.muli %arg1, %mul3A_70 : i32
    "tpu.region"() ({
      %run_scoped3A = tpu.sem_alloc : memref<!tpu.dma_semaphore, #tpu.memory_space<semaphore_mem>>
      %dma_start3A_72 = arith.constant 0 : i32
      %dma_start3A_73 = tpu.memref_slice %arg5[%arg0, %mul3A_71, %dma_start3A_72] : memref<2x10112x128xf32, #tpu.memory_space<hbm>> -> memref<1x632x128xf32, #tpu.memory_space<hbm>>
      %dma_start3A_74 = tpu.memref_squeeze %dma_start3A_73 : memref<1x632x128xf32, #tpu.memory_space<hbm>> -> memref<632x128xf32, #tpu.memory_space<hbm>>
      %dma_start3A_75 = arith.constant 0 : i32
      %dma_start3A_76 = tpu.memref_slice %arg9[%mul3A_69, %dma_start3A_75] : memref<10112x128xf32, #tpu.memory_space<vmem_shared>> -> memref<632x128xf32, #tpu.memory_space<vmem_shared>>
      tpu.enqueue_dma source(%dma_start3A_76 : memref<632x128xf32, #tpu.memory_space<vmem_shared>>) target(%dma_start3A_74 : memref<632x128xf32, #tpu.memory_space<hbm>>) target_semaphore(%run_scoped3A : memref<!tpu.dma_semaphore, #tpu.memory_space<semaphore_mem>>)
      %dma_wait3A_77 = arith.constant 0 : i32
      %dma_wait3A_78 = tpu.memref_slice %arg5[%arg0, %mul3A_71, %dma_wait3A_77] : memref<2x10112x128xf32, #tpu.memory_space<hbm>> -> memref<1x632x128xf32, #tpu.memory_space<hbm>>
      %dma_wait3A_79 = tpu.memref_squeeze %dma_wait3A_78 : memref<1x632x128xf32, #tpu.memory_space<hbm>> -> memref<632x128xf32, #tpu.memory_space<hbm>>
      %dma_wait3A_80 = arith.constant 0 : i32
      %dma_wait3A_81 = tpu.memref_slice %arg9[%mul3A_69, %dma_wait3A_80] : memref<10112x128xf32, #tpu.memory_space<vmem_shared>> -> memref<632x128xf32, #tpu.memory_space<vmem_shared>>
      tpu.wait_dma2 semaphore(%run_scoped3A : memref<!tpu.dma_semaphore, #tpu.memory_space<semaphore_mem>>) src(%dma_wait3A_81 : memref<632x128xf32, #tpu.memory_space<vmem_shared>>) dst(%dma_wait3A_79 : memref<632x128xf32, #tpu.memory_space<hbm>>)
      tpu.yield
    }) : () -> ()
    return
  }
}

#map = affine_map<(d0, d1) -> (0, 0, 0)>
#map1 = affine_map<(d0, d1) -> (0, 0)>
module attributes {stable_mosaic.version = 14 : i64} {
  func.func @sc_count(%arg0: i32, %arg1: i32, %arg2: memref<32x80x128xi32, #tpu.memory_space<hbm>>, %arg3: memref<128x128xf32, #tpu.memory_space<hbm>>, %arg4: memref<632x128xf32, #tpu.memory_space<hbm>>, %arg5: memref<2x10112x128xf32, #tpu.memory_space<hbm>>, %arg6: memref<80x128xi32, #tpu.memory_space<vmem>>, %arg7: memref<128x128xf32, #tpu.memory_space<vmem>>, %arg8: memref<10112x128xf32, #tpu.memory_space<vmem_shared>>) attributes {dimension_semantics = [#tpu.dimension_semantics<core_parallel>, #tpu.dimension_semantics<subcore_parallel>], iteration_bounds = array<i64: 2, 16>, scalar_prefetch = 0 : i64, scratch_operands = 3 : i64, tpu.core_type = #tpu.core_type<sc_vector_subcore>, window_params = [{transform_indices = #map}, {transform_indices = #map1}, {transform_indices = #map1}, {transform_indices = #map}]} {
    %mul3A = arith.constant 2 : i32
    %mul3A_0 = arith.muli %arg1, %mul3A : i32
    %add3A = arith.addi %mul3A_0, %arg0 : i32
    %mul3A_1 = arith.constant 632 : i32
    %mul3A_2 = arith.muli %arg1, %mul3A_1 : i32
    "tpu.region"() ({
      %run_scoped3A = tpu.sem_alloc : memref<!tpu.dma_semaphore, #tpu.memory_space<semaphore_mem>>
      %dma_start3A = arith.constant 0 : i32
      %dma_start3A_14 = tpu.memref_slice %arg8[%mul3A_2, %dma_start3A] : memref<10112x128xf32, #tpu.memory_space<vmem_shared>> -> memref<632x128xf32, #tpu.memory_space<vmem_shared>>
      tpu.enqueue_dma source(%arg4 : memref<632x128xf32, #tpu.memory_space<hbm>>) target(%dma_start3A_14 : memref<632x128xf32, #tpu.memory_space<vmem_shared>>) target_semaphore(%run_scoped3A : memref<!tpu.dma_semaphore, #tpu.memory_space<semaphore_mem>>)
      %dma_wait3A = arith.constant 0 : i32
      %dma_wait3A_15 = tpu.memref_slice %arg8[%mul3A_2, %dma_wait3A] : memref<10112x128xf32, #tpu.memory_space<vmem_shared>> -> memref<632x128xf32, #tpu.memory_space<vmem_shared>>
      tpu.wait_dma2 semaphore(%run_scoped3A : memref<!tpu.dma_semaphore, #tpu.memory_space<semaphore_mem>>) src(%arg4 : memref<632x128xf32, #tpu.memory_space<hbm>>) dst(%dma_wait3A_15 : memref<632x128xf32, #tpu.memory_space<vmem_shared>>)
      tpu.yield
    }) : () -> ()
    "tpu.region"() ({
      %run_scoped3A = tpu.sem_alloc : memref<!tpu.dma_semaphore, #tpu.memory_space<semaphore_mem>>
      %dma_start3A = arith.constant 0 : i32
      %dma_start3A_14 = arith.constant 0 : i32
      %dma_start3A_15 = tpu.memref_slice %arg2[%add3A, %dma_start3A, %dma_start3A_14] : memref<32x80x128xi32, #tpu.memory_space<hbm>> -> memref<1x80x128xi32, #tpu.memory_space<hbm>>
      %dma_start3A_16 = tpu.memref_squeeze %dma_start3A_15 : memref<1x80x128xi32, #tpu.memory_space<hbm>> -> memref<80x128xi32, #tpu.memory_space<hbm>>
      %dma_start3A_17 = arith.constant 0 : i32
      %dma_start3A_18 = arith.constant 0 : i32
      %dma_start3A_19 = tpu.memref_slice %arg2[%add3A, %dma_start3A_17, %dma_start3A_18] : memref<32x80x128xi32, #tpu.memory_space<hbm>> -> memref<1x80x128xi32, #tpu.memory_space<hbm>>
      %dma_start3A_20 = tpu.memref_squeeze %dma_start3A_19 : memref<1x80x128xi32, #tpu.memory_space<hbm>> -> memref<80x128xi32, #tpu.memory_space<hbm>>
      tpu.enqueue_dma source(%dma_start3A_20 : memref<80x128xi32, #tpu.memory_space<hbm>>) target(%arg6 : memref<80x128xi32, #tpu.memory_space<vmem>>) target_semaphore(%run_scoped3A : memref<!tpu.dma_semaphore, #tpu.memory_space<semaphore_mem>>)
      %dma_wait3A = arith.constant 0 : i32
      %dma_wait3A_21 = arith.constant 0 : i32
      %dma_wait3A_22 = tpu.memref_slice %arg2[%add3A, %dma_wait3A, %dma_wait3A_21] : memref<32x80x128xi32, #tpu.memory_space<hbm>> -> memref<1x80x128xi32, #tpu.memory_space<hbm>>
      %dma_wait3A_23 = tpu.memref_squeeze %dma_wait3A_22 : memref<1x80x128xi32, #tpu.memory_space<hbm>> -> memref<80x128xi32, #tpu.memory_space<hbm>>
      %dma_wait3A_24 = arith.constant 0 : i32
      %dma_wait3A_25 = arith.constant 0 : i32
      %dma_wait3A_26 = tpu.memref_slice %arg2[%add3A, %dma_wait3A_24, %dma_wait3A_25] : memref<32x80x128xi32, #tpu.memory_space<hbm>> -> memref<1x80x128xi32, #tpu.memory_space<hbm>>
      %dma_wait3A_27 = tpu.memref_squeeze %dma_wait3A_26 : memref<1x80x128xi32, #tpu.memory_space<hbm>> -> memref<80x128xi32, #tpu.memory_space<hbm>>
      tpu.wait_dma2 semaphore(%run_scoped3A : memref<!tpu.dma_semaphore, #tpu.memory_space<semaphore_mem>>) src(%dma_wait3A_27 : memref<80x128xi32, #tpu.memory_space<hbm>>) dst(%arg6 : memref<80x128xi32, #tpu.memory_space<vmem>>)
      tpu.yield
    }) : () -> ()
    "tpu.region"() ({
      %run_scoped3A = tpu.sem_alloc : memref<!tpu.dma_semaphore, #tpu.memory_space<semaphore_mem>>
      tpu.enqueue_dma source(%arg3 : memref<128x128xf32, #tpu.memory_space<hbm>>) target(%arg7 : memref<128x128xf32, #tpu.memory_space<vmem>>) target_semaphore(%run_scoped3A : memref<!tpu.dma_semaphore, #tpu.memory_space<semaphore_mem>>)
      tpu.wait_dma2 semaphore(%run_scoped3A : memref<!tpu.dma_semaphore, #tpu.memory_space<semaphore_mem>>) src(%arg3 : memref<128x128xf32, #tpu.memory_space<hbm>>) dst(%arg7 : memref<128x128xf32, #tpu.memory_space<vmem>>)
      tpu.yield
    }) : () -> ()
    %barrier3A = arith.constant 0 : index
    tpu.barrier barrier_id(%barrier3A)
    %scan3A = arith.constant 0 : i32
    %scan3A_3 = arith.constant 0 : i32
    %scan3A_4 = arith.constant 80 : i32
    %scan3A_5 = arith.addi %scan3A_3, %scan3A_4 : i32
    %scan3A_6 = arith.constant 1 : i32
    %scan3A_7 = scf.for %scan3A_14 = %scan3A_3 to %scan3A_5 step %scan3A_6 iter_args(%scan3A_15 = %scan3A) -> (i32)  : i32 {
      "tpu.region"() ({
        %run_scoped3A = tpu.sem_alloc : memref<!tpu.dma_semaphore, #tpu.memory_space<semaphore_mem>>
        %dma_start3A = arith.constant 0 : i32
        %dma_start3A_17 = tpu.memref_slice %arg6[%scan3A_14, %dma_start3A] : memref<80x128xi32, #tpu.memory_space<vmem>> -> memref<1x128xi32, #tpu.memory_space<vmem>>
        %dma_start3A_18 = tpu.memref_squeeze %dma_start3A_17 : memref<1x128xi32, #tpu.memory_space<vmem>> -> memref<128xi32, #tpu.memory_space<vmem>>
        %dma_start3A_19 = arith.constant 0 : i32
        %dma_start3A_20 = arith.constant 0 : i32
        %dma_start3A_21 = tpu.memref_slice %arg8[%dma_start3A_19, %dma_start3A_20] : memref<10112x128xf32, #tpu.memory_space<vmem_shared>> -> memref<10112x128xf32, #tpu.memory_space<vmem_shared>>
        tpu.enqueue_indirect_dma source(%arg7 : memref<128x128xf32, #tpu.memory_space<vmem>>) target(%dma_start3A_21 : memref<10112x128xf32, #tpu.memory_space<vmem_shared>>) offsets(%dma_start3A_18 : memref<128xi32, #tpu.memory_space<vmem>>) semaphore(%run_scoped3A : memref<!tpu.dma_semaphore, #tpu.memory_space<semaphore_mem>>) {add = true}
        %dma_wait3A = arith.constant 0 : i32
        %dma_wait3A_22 = tpu.memref_slice %arg6[%scan3A_14, %dma_wait3A] : memref<80x128xi32, #tpu.memory_space<vmem>> -> memref<1x128xi32, #tpu.memory_space<vmem>>
        %dma_wait3A_23 = tpu.memref_squeeze %dma_wait3A_22 : memref<1x128xi32, #tpu.memory_space<vmem>> -> memref<128xi32, #tpu.memory_space<vmem>>
        %dma_wait3A_24 = arith.constant 0 : i32
        %dma_wait3A_25 = arith.constant 0 : i32
        %dma_wait3A_26 = tpu.memref_slice %arg8[%dma_wait3A_24, %dma_wait3A_25] : memref<10112x128xf32, #tpu.memory_space<vmem_shared>> -> memref<10112x128xf32, #tpu.memory_space<vmem_shared>>
        tpu.wait_indirect_dma semaphore(%run_scoped3A : memref<!tpu.dma_semaphore, #tpu.memory_space<semaphore_mem>>) src(%arg7 : memref<128x128xf32, #tpu.memory_space<vmem>>) dst(%dma_wait3A_26 : memref<10112x128xf32, #tpu.memory_space<vmem_shared>>)
        tpu.yield
      }) : () -> ()
      %scan3A_16 = arith.constant 0 : i32
      scf.yield %scan3A_16 : i32
    }
    %scan3A_8 = arith.constant 80 : i32
    %barrier3A_9 = arith.constant 0 : index
    tpu.barrier barrier_id(%barrier3A_9)
    %mul3A_10 = arith.constant 632 : i32
    %mul3A_11 = arith.muli %arg1, %mul3A_10 : i32
    %mul3A_12 = arith.constant 632 : i32
    %mul3A_13 = arith.muli %arg1, %mul3A_12 : i32
    "tpu.region"() ({
      %run_scoped3A = tpu.sem_alloc : memref<!tpu.dma_semaphore, #tpu.memory_space<semaphore_mem>>
      %dma_start3A = arith.constant 0 : i32
      %dma_start3A_14 = tpu.memref_slice %arg5[%arg0, %mul3A_13, %dma_start3A] : memref<2x10112x128xf32, #tpu.memory_space<hbm>> -> memref<1x632x128xf32, #tpu.memory_space<hbm>>
      %dma_start3A_15 = tpu.memref_squeeze %dma_start3A_14 : memref<1x632x128xf32, #tpu.memory_space<hbm>> -> memref<632x128xf32, #tpu.memory_space<hbm>>
      %dma_start3A_16 = arith.constant 0 : i32
      %dma_start3A_17 = tpu.memref_slice %arg8[%mul3A_11, %dma_start3A_16] : memref<10112x128xf32, #tpu.memory_space<vmem_shared>> -> memref<632x128xf32, #tpu.memory_space<vmem_shared>>
      tpu.enqueue_dma source(%dma_start3A_17 : memref<632x128xf32, #tpu.memory_space<vmem_shared>>) target(%dma_start3A_15 : memref<632x128xf32, #tpu.memory_space<hbm>>) target_semaphore(%run_scoped3A : memref<!tpu.dma_semaphore, #tpu.memory_space<semaphore_mem>>)
      %dma_wait3A = arith.constant 0 : i32
      %dma_wait3A_18 = tpu.memref_slice %arg5[%arg0, %mul3A_13, %dma_wait3A] : memref<2x10112x128xf32, #tpu.memory_space<hbm>> -> memref<1x632x128xf32, #tpu.memory_space<hbm>>
      %dma_wait3A_19 = tpu.memref_squeeze %dma_wait3A_18 : memref<1x632x128xf32, #tpu.memory_space<hbm>> -> memref<632x128xf32, #tpu.memory_space<hbm>>
      %dma_wait3A_20 = arith.constant 0 : i32
      %dma_wait3A_21 = tpu.memref_slice %arg8[%mul3A_11, %dma_wait3A_20] : memref<10112x128xf32, #tpu.memory_space<vmem_shared>> -> memref<632x128xf32, #tpu.memory_space<vmem_shared>>
      tpu.wait_dma2 semaphore(%run_scoped3A : memref<!tpu.dma_semaphore, #tpu.memory_space<semaphore_mem>>) src(%dma_wait3A_21 : memref<632x128xf32, #tpu.memory_space<vmem_shared>>) dst(%dma_wait3A_19 : memref<632x128xf32, #tpu.memory_space<hbm>>)
      tpu.yield
    }) : () -> ()
    return
  }
}

#map = affine_map<(d0, d1) -> (0, 0)>
#map1 = affine_map<(d0, d1) -> (0, 0, 0)>
module attributes {stable_mosaic.version = 14 : i64} {
  func.func @sc_gather(%arg0: i32, %arg1: i32, %arg2: memref<10000x128xi32, #tpu.memory_space<hbm>>, %arg3: memref<10000x128xi32, #tpu.memory_space<hbm>>, %arg4: memref<32x112x128xi32, #tpu.memory_space<hbm>>, %arg5: memref<32x112x128xi32, #tpu.memory_space<hbm>>, %arg6: memref<327680x128xi32, #tpu.memory_space<hbm>>, %arg7: memref<112x128xi32, #tpu.memory_space<vmem>>, %arg8: memref<112x128xi32, #tpu.memory_space<vmem>>, %arg9: memref<64x128xi32, #tpu.memory_space<vmem>>, %arg10: memref<64x128xi32, #tpu.memory_space<vmem>>, %arg11: memref<64x128xi32, #tpu.memory_space<vmem>>, %arg12: memref<64x128xi32, #tpu.memory_space<vmem>>, %arg13: memref<!tpu.dma_semaphore, #tpu.memory_space<semaphore_mem>>, %arg14: memref<!tpu.dma_semaphore, #tpu.memory_space<semaphore_mem>>, %arg15: memref<!tpu.dma_semaphore, #tpu.memory_space<semaphore_mem>>, %arg16: memref<!tpu.dma_semaphore, #tpu.memory_space<semaphore_mem>>, %arg17: memref<!tpu.dma_semaphore, #tpu.memory_space<semaphore_mem>>, %arg18: memref<!tpu.dma_semaphore, #tpu.memory_space<semaphore_mem>>) attributes {dimension_semantics = [#tpu.dimension_semantics<core_parallel>, #tpu.dimension_semantics<subcore_parallel>], iteration_bounds = array<i64: 2, 16>, scalar_prefetch = 0 : i64, scratch_operands = 12 : i64, tpu.core_type = #tpu.core_type<sc_vector_subcore>, window_params = [{transform_indices = #map}, {transform_indices = #map}, {transform_indices = #map1}, {transform_indices = #map1}, {transform_indices = #map}]} {
    %mul3A = arith.constant 2 : i32
    %mul3A_0 = arith.muli %arg1, %mul3A : i32
    %add3A = arith.addi %mul3A_0, %arg0 : i32
    "tpu.region"() ({
      %run_scoped3A = tpu.sem_alloc : memref<!tpu.dma_semaphore, #tpu.memory_space<semaphore_mem>>
      %dma_start3A_129 = arith.constant 0 : i32
      %dma_start3A_130 = arith.constant 0 : i32
      %dma_start3A_131 = tpu.memref_slice %arg4[%add3A, %dma_start3A_129, %dma_start3A_130] : memref<32x112x128xi32, #tpu.memory_space<hbm>> -> memref<1x112x128xi32, #tpu.memory_space<hbm>>
      %dma_start3A_132 = tpu.memref_squeeze %dma_start3A_131 : memref<1x112x128xi32, #tpu.memory_space<hbm>> -> memref<112x128xi32, #tpu.memory_space<hbm>>
      %dma_start3A_133 = arith.constant 0 : i32
      %dma_start3A_134 = arith.constant 0 : i32
      %dma_start3A_135 = tpu.memref_slice %arg4[%add3A, %dma_start3A_133, %dma_start3A_134] : memref<32x112x128xi32, #tpu.memory_space<hbm>> -> memref<1x112x128xi32, #tpu.memory_space<hbm>>
      %dma_start3A_136 = tpu.memref_squeeze %dma_start3A_135 : memref<1x112x128xi32, #tpu.memory_space<hbm>> -> memref<112x128xi32, #tpu.memory_space<hbm>>
      tpu.enqueue_dma source(%dma_start3A_136 : memref<112x128xi32, #tpu.memory_space<hbm>>) target(%arg7 : memref<112x128xi32, #tpu.memory_space<vmem>>) target_semaphore(%run_scoped3A : memref<!tpu.dma_semaphore, #tpu.memory_space<semaphore_mem>>)
      %dma_wait3A_137 = arith.constant 0 : i32
      %dma_wait3A_138 = arith.constant 0 : i32
      %dma_wait3A_139 = tpu.memref_slice %arg4[%add3A, %dma_wait3A_137, %dma_wait3A_138] : memref<32x112x128xi32, #tpu.memory_space<hbm>> -> memref<1x112x128xi32, #tpu.memory_space<hbm>>
      %dma_wait3A_140 = tpu.memref_squeeze %dma_wait3A_139 : memref<1x112x128xi32, #tpu.memory_space<hbm>> -> memref<112x128xi32, #tpu.memory_space<hbm>>
      %dma_wait3A_141 = arith.constant 0 : i32
      %dma_wait3A_142 = arith.constant 0 : i32
      %dma_wait3A_143 = tpu.memref_slice %arg4[%add3A, %dma_wait3A_141, %dma_wait3A_142] : memref<32x112x128xi32, #tpu.memory_space<hbm>> -> memref<1x112x128xi32, #tpu.memory_space<hbm>>
      %dma_wait3A_144 = tpu.memref_squeeze %dma_wait3A_143 : memref<1x112x128xi32, #tpu.memory_space<hbm>> -> memref<112x128xi32, #tpu.memory_space<hbm>>
      tpu.wait_dma2 semaphore(%run_scoped3A : memref<!tpu.dma_semaphore, #tpu.memory_space<semaphore_mem>>) src(%dma_wait3A_144 : memref<112x128xi32, #tpu.memory_space<hbm>>) dst(%arg7 : memref<112x128xi32, #tpu.memory_space<vmem>>)
      tpu.yield
    }) : () -> ()
    "tpu.region"() ({
      %run_scoped3A = tpu.sem_alloc : memref<!tpu.dma_semaphore, #tpu.memory_space<semaphore_mem>>
      %dma_start3A_129 = arith.constant 0 : i32
      %dma_start3A_130 = arith.constant 0 : i32
      %dma_start3A_131 = tpu.memref_slice %arg5[%add3A, %dma_start3A_129, %dma_start3A_130] : memref<32x112x128xi32, #tpu.memory_space<hbm>> -> memref<1x112x128xi32, #tpu.memory_space<hbm>>
      %dma_start3A_132 = tpu.memref_squeeze %dma_start3A_131 : memref<1x112x128xi32, #tpu.memory_space<hbm>> -> memref<112x128xi32, #tpu.memory_space<hbm>>
      %dma_start3A_133 = arith.constant 0 : i32
      %dma_start3A_134 = arith.constant 0 : i32
      %dma_start3A_135 = tpu.memref_slice %arg5[%add3A, %dma_start3A_133, %dma_start3A_134] : memref<32x112x128xi32, #tpu.memory_space<hbm>> -> memref<1x112x128xi32, #tpu.memory_space<hbm>>
      %dma_start3A_136 = tpu.memref_squeeze %dma_start3A_135 : memref<1x112x128xi32, #tpu.memory_space<hbm>> -> memref<112x128xi32, #tpu.memory_space<hbm>>
      tpu.enqueue_dma source(%dma_start3A_136 : memref<112x128xi32, #tpu.memory_space<hbm>>) target(%arg8 : memref<112x128xi32, #tpu.memory_space<vmem>>) target_semaphore(%run_scoped3A : memref<!tpu.dma_semaphore, #tpu.memory_space<semaphore_mem>>)
      %dma_wait3A_137 = arith.constant 0 : i32
      %dma_wait3A_138 = arith.constant 0 : i32
      %dma_wait3A_139 = tpu.memref_slice %arg5[%add3A, %dma_wait3A_137, %dma_wait3A_138] : memref<32x112x128xi32, #tpu.memory_space<hbm>> -> memref<1x112x128xi32, #tpu.memory_space<hbm>>
      %dma_wait3A_140 = tpu.memref_squeeze %dma_wait3A_139 : memref<1x112x128xi32, #tpu.memory_space<hbm>> -> memref<112x128xi32, #tpu.memory_space<hbm>>
      %dma_wait3A_141 = arith.constant 0 : i32
      %dma_wait3A_142 = arith.constant 0 : i32
      %dma_wait3A_143 = tpu.memref_slice %arg5[%add3A, %dma_wait3A_141, %dma_wait3A_142] : memref<32x112x128xi32, #tpu.memory_space<hbm>> -> memref<1x112x128xi32, #tpu.memory_space<hbm>>
      %dma_wait3A_144 = tpu.memref_squeeze %dma_wait3A_143 : memref<1x112x128xi32, #tpu.memory_space<hbm>> -> memref<112x128xi32, #tpu.memory_space<hbm>>
      tpu.wait_dma2 semaphore(%run_scoped3A : memref<!tpu.dma_semaphore, #tpu.memory_space<semaphore_mem>>) src(%dma_wait3A_144 : memref<112x128xi32, #tpu.memory_space<hbm>>) dst(%arg8 : memref<112x128xi32, #tpu.memory_space<vmem>>)
      tpu.yield
    }) : () -> ()
    %eq3A = arith.constant 0 : i32
    %eq3A_1 = arith.cmpi eq, %arg0, %eq3A : i32
    %jit3A = arith.constant 112 : i32
    %jit3A_2 = arith.constant 48 : i32
    %select_n3A = arith.select %eq3A_1, %jit3A, %jit3A_2 : i32
    %mul3A_3 = arith.constant 320 : i32
    %mul3A_4 = arith.muli %arg1, %mul3A_3 : i32
    %mul3A_5 = arith.constant 224 : i32
    %mul3A_6 = arith.muli %arg0, %mul3A_5 : i32
    %add3A_7 = arith.addi %mul3A_4, %mul3A_6 : i32
    %dma_start3A = arith.constant 0 : i32
    %dma_start3A_8 = arith.constant 0 : i32
    %dma_start3A_9 = tpu.memref_slice %arg7[%dma_start3A, %dma_start3A_8] : memref<112x128xi32, #tpu.memory_space<vmem>> -> memref<1x64xi32, #tpu.memory_space<vmem>>
    %dma_start3A_10 = tpu.memref_squeeze %dma_start3A_9 : memref<1x64xi32, #tpu.memory_space<vmem>> -> memref<64xi32, #tpu.memory_space<vmem>>
    %dma_start3A_11 = arith.constant 0 : i32
    %dma_start3A_12 = arith.constant 0 : i32
    %dma_start3A_13 = tpu.memref_slice %arg2[%dma_start3A_11, %dma_start3A_12] : memref<10000x128xi32, #tpu.memory_space<hbm>> -> memref<10000x128xi32, #tpu.memory_space<hbm>>
    tpu.enqueue_indirect_dma source(%dma_start3A_13 : memref<10000x128xi32, #tpu.memory_space<hbm>>) target(%arg9 : memref<64x128xi32, #tpu.memory_space<vmem>>) offsets(%dma_start3A_10 : memref<64xi32, #tpu.memory_space<vmem>>) semaphore(%arg13 : memref<!tpu.dma_semaphore, #tpu.memory_space<semaphore_mem>>)
    %dma_start3A_14 = arith.constant 0 : i32
    %dma_start3A_15 = arith.constant 0 : i32
    %dma_start3A_16 = tpu.memref_slice %arg8[%dma_start3A_14, %dma_start3A_15] : memref<112x128xi32, #tpu.memory_space<vmem>> -> memref<1x64xi32, #tpu.memory_space<vmem>>
    %dma_start3A_17 = tpu.memref_squeeze %dma_start3A_16 : memref<1x64xi32, #tpu.memory_space<vmem>> -> memref<64xi32, #tpu.memory_space<vmem>>
    %dma_start3A_18 = arith.constant 0 : i32
    %dma_start3A_19 = arith.constant 0 : i32
    %dma_start3A_20 = tpu.memref_slice %arg3[%dma_start3A_18, %dma_start3A_19] : memref<10000x128xi32, #tpu.memory_space<hbm>> -> memref<10000x128xi32, #tpu.memory_space<hbm>>
    tpu.enqueue_indirect_dma source(%dma_start3A_20 : memref<10000x128xi32, #tpu.memory_space<hbm>>) target(%arg10 : memref<64x128xi32, #tpu.memory_space<vmem>>) offsets(%dma_start3A_17 : memref<64xi32, #tpu.memory_space<vmem>>) semaphore(%arg14 : memref<!tpu.dma_semaphore, #tpu.memory_space<semaphore_mem>>)
    %dma_start3A_21 = arith.constant 0 : i32
    %dma_start3A_22 = arith.constant 64 : i32
    %dma_start3A_23 = tpu.memref_slice %arg7[%dma_start3A_21, %dma_start3A_22] : memref<112x128xi32, #tpu.memory_space<vmem>> -> memref<1x64xi32, #tpu.memory_space<vmem>>
    %dma_start3A_24 = tpu.memref_squeeze %dma_start3A_23 : memref<1x64xi32, #tpu.memory_space<vmem>> -> memref<64xi32, #tpu.memory_space<vmem>>
    %dma_start3A_25 = arith.constant 0 : i32
    %dma_start3A_26 = arith.constant 0 : i32
    %dma_start3A_27 = tpu.memref_slice %arg2[%dma_start3A_25, %dma_start3A_26] : memref<10000x128xi32, #tpu.memory_space<hbm>> -> memref<10000x128xi32, #tpu.memory_space<hbm>>
    tpu.enqueue_indirect_dma source(%dma_start3A_27 : memref<10000x128xi32, #tpu.memory_space<hbm>>) target(%arg11 : memref<64x128xi32, #tpu.memory_space<vmem>>) offsets(%dma_start3A_24 : memref<64xi32, #tpu.memory_space<vmem>>) semaphore(%arg15 : memref<!tpu.dma_semaphore, #tpu.memory_space<semaphore_mem>>)
    %dma_start3A_28 = arith.constant 0 : i32
    %dma_start3A_29 = arith.constant 64 : i32
    %dma_start3A_30 = tpu.memref_slice %arg8[%dma_start3A_28, %dma_start3A_29] : memref<112x128xi32, #tpu.memory_space<vmem>> -> memref<1x64xi32, #tpu.memory_space<vmem>>
    %dma_start3A_31 = tpu.memref_squeeze %dma_start3A_30 : memref<1x64xi32, #tpu.memory_space<vmem>> -> memref<64xi32, #tpu.memory_space<vmem>>
    %dma_start3A_32 = arith.constant 0 : i32
    %dma_start3A_33 = arith.constant 0 : i32
    %dma_start3A_34 = tpu.memref_slice %arg3[%dma_start3A_32, %dma_start3A_33] : memref<10000x128xi32, #tpu.memory_space<hbm>> -> memref<10000x128xi32, #tpu.memory_space<hbm>>
    tpu.enqueue_indirect_dma source(%dma_start3A_34 : memref<10000x128xi32, #tpu.memory_space<hbm>>) target(%arg12 : memref<64x128xi32, #tpu.memory_space<vmem>>) offsets(%dma_start3A_31 : memref<64xi32, #tpu.memory_space<vmem>>) semaphore(%arg16 : memref<!tpu.dma_semaphore, #tpu.memory_space<semaphore_mem>>)
    %sub3A = arith.constant 1 : i32
    %sub3A_35 = arith.subi %select_n3A, %sub3A : i32
    %while3A = arith.constant 0 : i32
    %while3A_36 = arith.constant 0 : i32
    %while3A_37 = arith.subi %sub3A_35, %while3A : i32
    %while3A_38 = arith.addi %while3A, %while3A_37 : i32
    %while3A_39 = arith.constant 1 : i32
    %while3A_40 = arith.divsi %while3A_37, %while3A_39 : i32
    %while3A_41 = arith.muli %while3A_40, %while3A_39 : i32
    %while3A_42 = arith.addi %while3A, %while3A_41 : i32
    %while3A_43 = arith.constant 1 : i32
    %while3A_44 = scf.for %while3A_129 = %while3A to %while3A_42 step %while3A_43 iter_args(%while3A_130 = %while3A_36) -> (i32)  : i32 {
      %dma_wait3A_131 = arith.constant 0 : i32
      %dma_wait3A_132 = tpu.memref_slice %arg7[%while3A_129, %dma_wait3A_131] : memref<112x128xi32, #tpu.memory_space<vmem>> -> memref<1x64xi32, #tpu.memory_space<vmem>>
      %dma_wait3A_133 = tpu.memref_squeeze %dma_wait3A_132 : memref<1x64xi32, #tpu.memory_space<vmem>> -> memref<64xi32, #tpu.memory_space<vmem>>
      %dma_wait3A_134 = arith.constant 0 : i32
      %dma_wait3A_135 = arith.constant 0 : i32
      %dma_wait3A_136 = tpu.memref_slice %arg2[%dma_wait3A_134, %dma_wait3A_135] : memref<10000x128xi32, #tpu.memory_space<hbm>> -> memref<10000x128xi32, #tpu.memory_space<hbm>>
      tpu.wait_indirect_dma semaphore(%arg13 : memref<!tpu.dma_semaphore, #tpu.memory_space<semaphore_mem>>) src(%dma_wait3A_136 : memref<10000x128xi32, #tpu.memory_space<hbm>>) dst(%arg9 : memref<64x128xi32, #tpu.memory_space<vmem>>)
      %dma_wait3A_137 = arith.constant 0 : i32
      %dma_wait3A_138 = tpu.memref_slice %arg8[%while3A_129, %dma_wait3A_137] : memref<112x128xi32, #tpu.memory_space<vmem>> -> memref<1x64xi32, #tpu.memory_space<vmem>>
      %dma_wait3A_139 = tpu.memref_squeeze %dma_wait3A_138 : memref<1x64xi32, #tpu.memory_space<vmem>> -> memref<64xi32, #tpu.memory_space<vmem>>
      %dma_wait3A_140 = arith.constant 0 : i32
      %dma_wait3A_141 = arith.constant 0 : i32
      %dma_wait3A_142 = tpu.memref_slice %arg3[%dma_wait3A_140, %dma_wait3A_141] : memref<10000x128xi32, #tpu.memory_space<hbm>> -> memref<10000x128xi32, #tpu.memory_space<hbm>>
      tpu.wait_indirect_dma semaphore(%arg14 : memref<!tpu.dma_semaphore, #tpu.memory_space<semaphore_mem>>) src(%dma_wait3A_142 : memref<10000x128xi32, #tpu.memory_space<hbm>>) dst(%arg10 : memref<64x128xi32, #tpu.memory_space<vmem>>)
      %scan3A_143 = arith.constant 0 : i32
      %scan3A_144 = arith.constant 0 : i32
      %scan3A_145 = arith.constant 64 : i32
      %scan3A_146 = arith.addi %scan3A_144, %scan3A_145 : i32
      %scan3A_147 = arith.constant 1 : i32
      %scan3A_148 = scf.for %scan3A_242 = %scan3A_144 to %scan3A_146 step %scan3A_147 iter_args(%scan3A_243 = %scan3A_143) -> (i32)  : i32 {
        %get3A = arith.index_cast %scan3A_242 : i32 to index
        %get3A_244 = arith.constant 0 : index
        %get3A_245 = tpu.vector_load %arg9[%get3A, %get3A_244] {strides = array<i32>} : memref<64x128xi32, #tpu.memory_space<vmem>>, vector<16xi32>,
        %bitcast3A = vector.bitcast %get3A_245 : vector<16xi32> to vector<32xbf16>
        %get3A_246 = arith.index_cast %scan3A_242 : i32 to index
        %get3A_247 = arith.constant 0 : index
        %get3A_248 = tpu.vector_load %arg10[%get3A_246, %get3A_247] {strides = array<i32>} : memref<64x128xi32, #tpu.memory_space<vmem>>, vector<16xi32>,
        %bitcast3A_249 = vector.bitcast %get3A_248 : vector<16xi32> to vector<32xbf16>
        %add3A_250 = arith.addf %bitcast3A, %bitcast3A_249 : vector<32xbf16>
        %bitcast3A_251 = vector.bitcast %add3A_250 : vector<32xbf16> to vector<16xi32>
        %swap3A = arith.index_cast %scan3A_242 : i32 to index
        %swap3A_252 = arith.constant 0 : index
        %swap3A_253 = tpu.vector_load %arg9[%swap3A, %swap3A_252] {strides = array<i32>} : memref<64x128xi32, #tpu.memory_space<vmem>>, vector<16xi32>,
        tpu.vector_store %arg9[%swap3A, %swap3A_252], %bitcast3A_251 {strides = array<i32>} : memref<64x128xi32, #tpu.memory_space<vmem>>, vector<16xi32>,
        %get3A_254 = arith.index_cast %scan3A_242 : i32 to index
        %get3A_255 = arith.constant 16 : index
        %get3A_256 = tpu.vector_load %arg9[%get3A_254, %get3A_255] {strides = array<i32>} : memref<64x128xi32, #tpu.memory_space<vmem>>, vector<16xi32>,
        %bitcast3A_257 = vector.bitcast %get3A_256 : vector<16xi32> to vector<32xbf16>
        %get3A_258 = arith.index_cast %scan3A_242 : i32 to index
        %get3A_259 = arith.constant 16 : index
        %get3A_260 = tpu.vector_load %arg10[%get3A_258, %get3A_259] {strides = array<i32>} : memref<64x128xi32, #tpu.memory_space<vmem>>, vector<16xi32>,
        %bitcast3A_261 = vector.bitcast %get3A_260 : vector<16xi32> to vector<32xbf16>
        %add3A_262 = arith.addf %bitcast3A_257, %bitcast3A_261 : vector<32xbf16>
        %bitcast3A_263 = vector.bitcast %add3A_262 : vector<32xbf16> to vector<16xi32>
        %swap3A_264 = arith.index_cast %scan3A_242 : i32 to index
        %swap3A_265 = arith.constant 16 : index
        %swap3A_266 = tpu.vector_load %arg9[%swap3A_264, %swap3A_265] {strides = array<i32>} : memref<64x128xi32, #tpu.memory_space<vmem>>, vector<16xi32>,
        tpu.vector_store %arg9[%swap3A_264, %swap3A_265], %bitcast3A_263 {strides = array<i32>} : memref<64x128xi32, #tpu.memory_space<vmem>>, vector<16xi32>,
        %get3A_267 = arith.index_cast %scan3A_242 : i32 to index
        %get3A_268 = arith.constant 32 : index
        %get3A_269 = tpu.vector_load %arg9[%get3A_267, %get3A_268] {strides = array<i32>} : memref<64x128xi32, #tpu.memory_space<vmem>>, vector<16xi32>,
        %bitcast3A_270 = vector.bitcast %get3A_269 : vector<16xi32> to vector<32xbf16>
        %get3A_271 = arith.index_cast %scan3A_242 : i32 to index
        %get3A_272 = arith.constant 32 : index
        %get3A_273 = tpu.vector_load %arg10[%get3A_271, %get3A_272] {strides = array<i32>} : memref<64x128xi32, #tpu.memory_space<vmem>>, vector<16xi32>,
        %bitcast3A_274 = vector.bitcast %get3A_273 : vector<16xi32> to vector<32xbf16>
        %add3A_275 = arith.addf %bitcast3A_270, %bitcast3A_274 : vector<32xbf16>
        %bitcast3A_276 = vector.bitcast %add3A_275 : vector<32xbf16> to vector<16xi32>
        %swap3A_277 = arith.index_cast %scan3A_242 : i32 to index
        %swap3A_278 = arith.constant 32 : index
        %swap3A_279 = tpu.vector_load %arg9[%swap3A_277, %swap3A_278] {strides = array<i32>} : memref<64x128xi32, #tpu.memory_space<vmem>>, vector<16xi32>,
        tpu.vector_store %arg9[%swap3A_277, %swap3A_278], %bitcast3A_276 {strides = array<i32>} : memref<64x128xi32, #tpu.memory_space<vmem>>, vector<16xi32>,
        %get3A_280 = arith.index_cast %scan3A_242 : i32 to index
        %get3A_281 = arith.constant 48 : index
        %get3A_282 = tpu.vector_load %arg9[%get3A_280, %get3A_281] {strides = array<i32>} : memref<64x128xi32, #tpu.memory_space<vmem>>, vector<16xi32>,
        %bitcast3A_283 = vector.bitcast %get3A_282 : vector<16xi32> to vector<32xbf16>
        %get3A_284 = arith.index_cast %scan3A_242 : i32 to index
        %get3A_285 = arith.constant 48 : index
        %get3A_286 = tpu.vector_load %arg10[%get3A_284, %get3A_285] {strides = array<i32>} : memref<64x128xi32, #tpu.memory_space<vmem>>, vector<16xi32>,
        %bitcast3A_287 = vector.bitcast %get3A_286 : vector<16xi32> to vector<32xbf16>
        %add3A_288 = arith.addf %bitcast3A_283, %bitcast3A_287 : vector<32xbf16>
        %bitcast3A_289 = vector.bitcast %add3A_288 : vector<32xbf16> to vector<16xi32>
        %swap3A_290 = arith.index_cast %scan3A_242 : i32 to index
        %swap3A_291 = arith.constant 48 : index
        %swap3A_292 = tpu.vector_load %arg9[%swap3A_290, %swap3A_291] {strides = array<i32>} : memref<64x128xi32, #tpu.memory_space<vmem>>, vector<16xi32>,
        tpu.vector_store %arg9[%swap3A_290, %swap3A_291], %bitcast3A_289 {strides = array<i32>} : memref<64x128xi32, #tpu.memory_space<vmem>>, vector<16xi32>,
        %get3A_293 = arith.index_cast %scan3A_242 : i32 to index
        %get3A_294 = arith.constant 64 : index
        %get3A_295 = tpu.vector_load %arg9[%get3A_293, %get3A_294] {strides = array<i32>} : memref<64x128xi32, #tpu.memory_space<vmem>>, vector<16xi32>,
        %bitcast3A_296 = vector.bitcast %get3A_295 : vector<16xi32> to vector<32xbf16>
        %get3A_297 = arith.index_cast %scan3A_242 : i32 to index
        %get3A_298 = arith.constant 64 : index
        %get3A_299 = tpu.vector_load %arg10[%get3A_297, %get3A_298] {strides = array<i32>} : memref<64x128xi32, #tpu.memory_space<vmem>>, vector<16xi32>,
        %bitcast3A_300 = vector.bitcast %get3A_299 : vector<16xi32> to vector<32xbf16>
        %add3A_301 = arith.addf %bitcast3A_296, %bitcast3A_300 : vector<32xbf16>
        %bitcast3A_302 = vector.bitcast %add3A_301 : vector<32xbf16> to vector<16xi32>
        %swap3A_303 = arith.index_cast %scan3A_242 : i32 to index
        %swap3A_304 = arith.constant 64 : index
        %swap3A_305 = tpu.vector_load %arg9[%swap3A_303, %swap3A_304] {strides = array<i32>} : memref<64x128xi32, #tpu.memory_space<vmem>>, vector<16xi32>,
        tpu.vector_store %arg9[%swap3A_303, %swap3A_304], %bitcast3A_302 {strides = array<i32>} : memref<64x128xi32, #tpu.memory_space<vmem>>, vector<16xi32>,
        %get3A_306 = arith.index_cast %scan3A_242 : i32 to index
        %get3A_307 = arith.constant 80 : index
        %get3A_308 = tpu.vector_load %arg9[%get3A_306, %get3A_307] {strides = array<i32>} : memref<64x128xi32, #tpu.memory_space<vmem>>, vector<16xi32>,
        %bitcast3A_309 = vector.bitcast %get3A_308 : vector<16xi32> to vector<32xbf16>
        %get3A_310 = arith.index_cast %scan3A_242 : i32 to index
        %get3A_311 = arith.constant 80 : index
        %get3A_312 = tpu.vector_load %arg10[%get3A_310, %get3A_311] {strides = array<i32>} : memref<64x128xi32, #tpu.memory_space<vmem>>, vector<16xi32>,
        %bitcast3A_313 = vector.bitcast %get3A_312 : vector<16xi32> to vector<32xbf16>
        %add3A_314 = arith.addf %bitcast3A_309, %bitcast3A_313 : vector<32xbf16>
        %bitcast3A_315 = vector.bitcast %add3A_314 : vector<32xbf16> to vector<16xi32>
        %swap3A_316 = arith.index_cast %scan3A_242 : i32 to index
        %swap3A_317 = arith.constant 80 : index
        %swap3A_318 = tpu.vector_load %arg9[%swap3A_316, %swap3A_317] {strides = array<i32>} : memref<64x128xi32, #tpu.memory_space<vmem>>, vector<16xi32>,
        tpu.vector_store %arg9[%swap3A_316, %swap3A_317], %bitcast3A_315 {strides = array<i32>} : memref<64x128xi32, #tpu.memory_space<vmem>>, vector<16xi32>,
        %get3A_319 = arith.index_cast %scan3A_242 : i32 to index
        %get3A_320 = arith.constant 96 : index
        %get3A_321 = tpu.vector_load %arg9[%get3A_319, %get3A_320] {strides = array<i32>} : memref<64x128xi32, #tpu.memory_space<vmem>>, vector<16xi32>,
        %bitcast3A_322 = vector.bitcast %get3A_321 : vector<16xi32> to vector<32xbf16>
        %get3A_323 = arith.index_cast %scan3A_242 : i32 to index
        %get3A_324 = arith.constant 96 : index
        %get3A_325 = tpu.vector_load %arg10[%get3A_323, %get3A_324] {strides = array<i32>} : memref<64x128xi32, #tpu.memory_space<vmem>>, vector<16xi32>,
        %bitcast3A_326 = vector.bitcast %get3A_325 : vector<16xi32> to vector<32xbf16>
        %add3A_327 = arith.addf %bitcast3A_322, %bitcast3A_326 : vector<32xbf16>
        %bitcast3A_328 = vector.bitcast %add3A_327 : vector<32xbf16> to vector<16xi32>
        %swap3A_329 = arith.index_cast %scan3A_242 : i32 to index
        %swap3A_330 = arith.constant 96 : index
        %swap3A_331 = tpu.vector_load %arg9[%swap3A_329, %swap3A_330] {strides = array<i32>} : memref<64x128xi32, #tpu.memory_space<vmem>>, vector<16xi32>,
        tpu.vector_store %arg9[%swap3A_329, %swap3A_330], %bitcast3A_328 {strides = array<i32>} : memref<64x128xi32, #tpu.memory_space<vmem>>, vector<16xi32>,
        %get3A_332 = arith.index_cast %scan3A_242 : i32 to index
        %get3A_333 = arith.constant 112 : index
        %get3A_334 = tpu.vector_load %arg9[%get3A_332, %get3A_333] {strides = array<i32>} : memref<64x128xi32, #tpu.memory_space<vmem>>, vector<16xi32>,
        %bitcast3A_335 = vector.bitcast %get3A_334 : vector<16xi32> to vector<32xbf16>
        %get3A_336 = arith.index_cast %scan3A_242 : i32 to index
        %get3A_337 = arith.constant 112 : index
        %get3A_338 = tpu.vector_load %arg10[%get3A_336, %get3A_337] {strides = array<i32>} : memref<64x128xi32, #tpu.memory_space<vmem>>, vector<16xi32>,
        %bitcast3A_339 = vector.bitcast %get3A_338 : vector<16xi32> to vector<32xbf16>
        %add3A_340 = arith.addf %bitcast3A_335, %bitcast3A_339 : vector<32xbf16>
        %bitcast3A_341 = vector.bitcast %add3A_340 : vector<32xbf16> to vector<16xi32>
        %swap3A_342 = arith.index_cast %scan3A_242 : i32 to index
        %swap3A_343 = arith.constant 112 : index
        %swap3A_344 = tpu.vector_load %arg9[%swap3A_342, %swap3A_343] {strides = array<i32>} : memref<64x128xi32, #tpu.memory_space<vmem>>, vector<16xi32>,
        tpu.vector_store %arg9[%swap3A_342, %swap3A_343], %bitcast3A_341 {strides = array<i32>} : memref<64x128xi32, #tpu.memory_space<vmem>>, vector<16xi32>,
        %scan3A_345 = arith.constant 0 : i32
        scf.yield %scan3A_345 : i32
      }
      %scan3A_149 = arith.constant 64 : i32
      %mul3A_150 = arith.constant 2 : i32
      %mul3A_151 = arith.muli %mul3A_150, %while3A_129 : i32
      %add3A_152 = arith.addi %add3A_7, %mul3A_151 : i32
      %add3A_153 = arith.constant 0 : i32
      %add3A_154 = arith.addi %add3A_152, %add3A_153 : i32
      %mul3A_155 = arith.constant 64 : i32
      %mul3A_156 = arith.muli %add3A_154, %mul3A_155 : i32
      %dma_start3A_157 = arith.constant 0 : i32
      %dma_start3A_158 = tpu.memref_slice %arg6[%mul3A_156, %dma_start3A_157] : memref<327680x128xi32, #tpu.memory_space<hbm>> -> memref<64x128xi32, #tpu.memory_space<hbm>>
      %dma_start3A_159 = arith.constant 0 : i32
      %dma_start3A_160 = tpu.memref_slice %arg6[%mul3A_156, %dma_start3A_159] : memref<327680x128xi32, #tpu.memory_space<hbm>> -> memref<64x128xi32, #tpu.memory_space<hbm>>
      tpu.enqueue_dma source(%arg9 : memref<64x128xi32, #tpu.memory_space<vmem>>) target(%dma_start3A_160 : memref<64x128xi32, #tpu.memory_space<hbm>>) target_semaphore(%arg17 : memref<!tpu.dma_semaphore, #tpu.memory_space<semaphore_mem>>)
      %mul3A_161 = arith.constant 2 : i32
      %mul3A_162 = arith.muli %mul3A_161, %while3A_129 : i32
      %add3A_163 = arith.addi %add3A_7, %mul3A_162 : i32
      %add3A_164 = arith.constant 0 : i32
      %add3A_165 = arith.addi %add3A_163, %add3A_164 : i32
      %mul3A_166 = arith.constant 64 : i32
      %mul3A_167 = arith.muli %add3A_165, %mul3A_166 : i32
      %dma_wait3A_168 = arith.constant 0 : i32
      %dma_wait3A_169 = tpu.memref_slice %arg6[%mul3A_167, %dma_wait3A_168] : memref<327680x128xi32, #tpu.memory_space<hbm>> -> memref<64x128xi32, #tpu.memory_space<hbm>>
      %dma_wait3A_170 = arith.constant 0 : i32
      %dma_wait3A_171 = tpu.memref_slice %arg6[%mul3A_167, %dma_wait3A_170] : memref<327680x128xi32, #tpu.memory_space<hbm>> -> memref<64x128xi32, #tpu.memory_space<hbm>>
      tpu.wait_dma2 semaphore(%arg17 : memref<!tpu.dma_semaphore, #tpu.memory_space<semaphore_mem>>) src(%arg9 : memref<64x128xi32, #tpu.memory_space<vmem>>) dst(%dma_wait3A_171 : memref<64x128xi32, #tpu.memory_space<hbm>>)
      %add3A_172 = arith.constant 1 : i32
      %add3A_173 = arith.addi %while3A_129, %add3A_172 : i32
      %dma_start3A_174 = arith.constant 0 : i32
      %dma_start3A_175 = tpu.memref_slice %arg7[%add3A_173, %dma_start3A_174] : memref<112x128xi32, #tpu.memory_space<vmem>> -> memref<1x64xi32, #tpu.memory_space<vmem>>
      %dma_start3A_176 = tpu.memref_squeeze %dma_start3A_175 : memref<1x64xi32, #tpu.memory_space<vmem>> -> memref<64xi32, #tpu.memory_space<vmem>>
      %dma_start3A_177 = arith.constant 0 : i32
      %dma_start3A_178 = arith.constant 0 : i32
      %dma_start3A_179 = tpu.memref_slice %arg2[%dma_start3A_177, %dma_start3A_178] : memref<10000x128xi32, #tpu.memory_space<hbm>> -> memref<10000x128xi32, #tpu.memory_space<hbm>>
      tpu.enqueue_indirect_dma source(%dma_start3A_179 : memref<10000x128xi32, #tpu.memory_space<hbm>>) target(%arg9 : memref<64x128xi32, #tpu.memory_space<vmem>>) offsets(%dma_start3A_176 : memref<64xi32, #tpu.memory_space<vmem>>) semaphore(%arg13 : memref<!tpu.dma_semaphore, #tpu.memory_space<semaphore_mem>>)
      %dma_start3A_180 = arith.constant 0 : i32
      %dma_start3A_181 = tpu.memref_slice %arg8[%add3A_173, %dma_start3A_180] : memref<112x128xi32, #tpu.memory_space<vmem>> -> memref<1x64xi32, #tpu.memory_space<vmem>>
      %dma_start3A_182 = tpu.memref_squeeze %dma_start3A_181 : memref<1x64xi32, #tpu.memory_space<vmem>> -> memref<64xi32, #tpu.memory_space<vmem>>
      %dma_start3A_183 = arith.constant 0 : i32
      %dma_start3A_184 = arith.constant 0 : i32
      %dma_start3A_185 = tpu.memref_slice %arg3[%dma_start3A_183, %dma_start3A_184] : memref<10000x128xi32, #tpu.memory_space<hbm>> -> memref<10000x128xi32, #tpu.memory_space<hbm>>
      tpu.enqueue_indirect_dma source(%dma_start3A_185 : memref<10000x128xi32, #tpu.memory_space<hbm>>) target(%arg10 : memref<64x128xi32, #tpu.memory_space<vmem>>) offsets(%dma_start3A_182 : memref<64xi32, #tpu.memory_space<vmem>>) semaphore(%arg14 : memref<!tpu.dma_semaphore, #tpu.memory_space<semaphore_mem>>)
      %dma_wait3A_186 = arith.constant 64 : i32
      %dma_wait3A_187 = tpu.memref_slice %arg7[%while3A_129, %dma_wait3A_186] : memref<112x128xi32, #tpu.memory_space<vmem>> -> memref<1x64xi32, #tpu.memory_space<vmem>>
      %dma_wait3A_188 = tpu.memref_squeeze %dma_wait3A_187 : memref<1x64xi32, #tpu.memory_space<vmem>> -> memref<64xi32, #tpu.memory_space<vmem>>
      %dma_wait3A_189 = arith.constant 0 : i32
      %dma_wait3A_190 = arith.constant 0 : i32
      %dma_wait3A_191 = tpu.memref_slice %arg2[%dma_wait3A_189, %dma_wait3A_190] : memref<10000x128xi32, #tpu.memory_space<hbm>> -> memref<10000x128xi32, #tpu.memory_space<hbm>>
      tpu.wait_indirect_dma semaphore(%arg15 : memref<!tpu.dma_semaphore, #tpu.memory_space<semaphore_mem>>) src(%dma_wait3A_191 : memref<10000x128xi32, #tpu.memory_space<hbm>>) dst(%arg11 : memref<64x128xi32, #tpu.memory_space<vmem>>)
      %dma_wait3A_192 = arith.constant 64 : i32
      %dma_wait3A_193 = tpu.memref_slice %arg8[%while3A_129, %dma_wait3A_192] : memref<112x128xi32, #tpu.memory_space<vmem>> -> memref<1x64xi32, #tpu.memory_space<vmem>>
      %dma_wait3A_194 = tpu.memref_squeeze %dma_wait3A_193 : memref<1x64xi32, #tpu.memory_space<vmem>> -> memref<64xi32, #tpu.memory_space<vmem>>
      %dma_wait3A_195 = arith.constant 0 : i32
      %dma_wait3A_196 = arith.constant 0 : i32
      %dma_wait3A_197 = tpu.memref_slice %arg3[%dma_wait3A_195, %dma_wait3A_196] : memref<10000x128xi32, #tpu.memory_space<hbm>> -> memref<10000x128xi32, #tpu.memory_space<hbm>>
      tpu.wait_indirect_dma semaphore(%arg16 : memref<!tpu.dma_semaphore, #tpu.memory_space<semaphore_mem>>) src(%dma_wait3A_197 : memref<10000x128xi32, #tpu.memory_space<hbm>>) dst(%arg12 : memref<64x128xi32, #tpu.memory_space<vmem>>)
      %scan3A_198 = arith.constant 0 : i32
      %scan3A_199 = arith.constant 0 : i32
      %scan3A_200 = arith.constant 64 : i32
      %scan3A_201 = arith.addi %scan3A_199, %scan3A_200 : i32
      %scan3A_202 = arith.constant 1 : i32
      %scan3A_203 = scf.for %scan3A_242 = %scan3A_199 to %scan3A_201 step %scan3A_202 iter_args(%scan3A_243 = %scan3A_198) -> (i32)  : i32 {
        %get3A = arith.index_cast %scan3A_242 : i32 to index
        %get3A_244 = arith.constant 0 : index
        %get3A_245 = tpu.vector_load %arg11[%get3A, %get3A_244] {strides = array<i32>} : memref<64x128xi32, #tpu.memory_space<vmem>>, vector<16xi32>,
        %bitcast3A = vector.bitcast %get3A_245 : vector<16xi32> to vector<32xbf16>
        %get3A_246 = arith.index_cast %scan3A_242 : i32 to index
        %get3A_247 = arith.constant 0 : index
        %get3A_248 = tpu.vector_load %arg12[%get3A_246, %get3A_247] {strides = array<i32>} : memref<64x128xi32, #tpu.memory_space<vmem>>, vector<16xi32>,
        %bitcast3A_249 = vector.bitcast %get3A_248 : vector<16xi32> to vector<32xbf16>
        %add3A_250 = arith.addf %bitcast3A, %bitcast3A_249 : vector<32xbf16>
        %bitcast3A_251 = vector.bitcast %add3A_250 : vector<32xbf16> to vector<16xi32>
        %swap3A = arith.index_cast %scan3A_242 : i32 to index
        %swap3A_252 = arith.constant 0 : index
        %swap3A_253 = tpu.vector_load %arg11[%swap3A, %swap3A_252] {strides = array<i32>} : memref<64x128xi32, #tpu.memory_space<vmem>>, vector<16xi32>,
        tpu.vector_store %arg11[%swap3A, %swap3A_252], %bitcast3A_251 {strides = array<i32>} : memref<64x128xi32, #tpu.memory_space<vmem>>, vector<16xi32>,
        %get3A_254 = arith.index_cast %scan3A_242 : i32 to index
        %get3A_255 = arith.constant 16 : index
        %get3A_256 = tpu.vector_load %arg11[%get3A_254, %get3A_255] {strides = array<i32>} : memref<64x128xi32, #tpu.memory_space<vmem>>, vector<16xi32>,
        %bitcast3A_257 = vector.bitcast %get3A_256 : vector<16xi32> to vector<32xbf16>
        %get3A_258 = arith.index_cast %scan3A_242 : i32 to index
        %get3A_259 = arith.constant 16 : index
        %get3A_260 = tpu.vector_load %arg12[%get3A_258, %get3A_259] {strides = array<i32>} : memref<64x128xi32, #tpu.memory_space<vmem>>, vector<16xi32>,
        %bitcast3A_261 = vector.bitcast %get3A_260 : vector<16xi32> to vector<32xbf16>
        %add3A_262 = arith.addf %bitcast3A_257, %bitcast3A_261 : vector<32xbf16>
        %bitcast3A_263 = vector.bitcast %add3A_262 : vector<32xbf16> to vector<16xi32>
        %swap3A_264 = arith.index_cast %scan3A_242 : i32 to index
        %swap3A_265 = arith.constant 16 : index
        %swap3A_266 = tpu.vector_load %arg11[%swap3A_264, %swap3A_265] {strides = array<i32>} : memref<64x128xi32, #tpu.memory_space<vmem>>, vector<16xi32>,
        tpu.vector_store %arg11[%swap3A_264, %swap3A_265], %bitcast3A_263 {strides = array<i32>} : memref<64x128xi32, #tpu.memory_space<vmem>>, vector<16xi32>,
        %get3A_267 = arith.index_cast %scan3A_242 : i32 to index
        %get3A_268 = arith.constant 32 : index
        %get3A_269 = tpu.vector_load %arg11[%get3A_267, %get3A_268] {strides = array<i32>} : memref<64x128xi32, #tpu.memory_space<vmem>>, vector<16xi32>,
        %bitcast3A_270 = vector.bitcast %get3A_269 : vector<16xi32> to vector<32xbf16>
        %get3A_271 = arith.index_cast %scan3A_242 : i32 to index
        %get3A_272 = arith.constant 32 : index
        %get3A_273 = tpu.vector_load %arg12[%get3A_271, %get3A_272] {strides = array<i32>} : memref<64x128xi32, #tpu.memory_space<vmem>>, vector<16xi32>,
        %bitcast3A_274 = vector.bitcast %get3A_273 : vector<16xi32> to vector<32xbf16>
        %add3A_275 = arith.addf %bitcast3A_270, %bitcast3A_274 : vector<32xbf16>
        %bitcast3A_276 = vector.bitcast %add3A_275 : vector<32xbf16> to vector<16xi32>
        %swap3A_277 = arith.index_cast %scan3A_242 : i32 to index
        %swap3A_278 = arith.constant 32 : index
        %swap3A_279 = tpu.vector_load %arg11[%swap3A_277, %swap3A_278] {strides = array<i32>} : memref<64x128xi32, #tpu.memory_space<vmem>>, vector<16xi32>,
        tpu.vector_store %arg11[%swap3A_277, %swap3A_278], %bitcast3A_276 {strides = array<i32>} : memref<64x128xi32, #tpu.memory_space<vmem>>, vector<16xi32>,
        %get3A_280 = arith.index_cast %scan3A_242 : i32 to index
        %get3A_281 = arith.constant 48 : index
        %get3A_282 = tpu.vector_load %arg11[%get3A_280, %get3A_281] {strides = array<i32>} : memref<64x128xi32, #tpu.memory_space<vmem>>, vector<16xi32>,
        %bitcast3A_283 = vector.bitcast %get3A_282 : vector<16xi32> to vector<32xbf16>
        %get3A_284 = arith.index_cast %scan3A_242 : i32 to index
        %get3A_285 = arith.constant 48 : index
        %get3A_286 = tpu.vector_load %arg12[%get3A_284, %get3A_285] {strides = array<i32>} : memref<64x128xi32, #tpu.memory_space<vmem>>, vector<16xi32>,
        %bitcast3A_287 = vector.bitcast %get3A_286 : vector<16xi32> to vector<32xbf16>
        %add3A_288 = arith.addf %bitcast3A_283, %bitcast3A_287 : vector<32xbf16>
        %bitcast3A_289 = vector.bitcast %add3A_288 : vector<32xbf16> to vector<16xi32>
        %swap3A_290 = arith.index_cast %scan3A_242 : i32 to index
        %swap3A_291 = arith.constant 48 : index
        %swap3A_292 = tpu.vector_load %arg11[%swap3A_290, %swap3A_291] {strides = array<i32>} : memref<64x128xi32, #tpu.memory_space<vmem>>, vector<16xi32>,
        tpu.vector_store %arg11[%swap3A_290, %swap3A_291], %bitcast3A_289 {strides = array<i32>} : memref<64x128xi32, #tpu.memory_space<vmem>>, vector<16xi32>,
        %get3A_293 = arith.index_cast %scan3A_242 : i32 to index
        %get3A_294 = arith.constant 64 : index
        %get3A_295 = tpu.vector_load %arg11[%get3A_293, %get3A_294] {strides = array<i32>} : memref<64x128xi32, #tpu.memory_space<vmem>>, vector<16xi32>,
        %bitcast3A_296 = vector.bitcast %get3A_295 : vector<16xi32> to vector<32xbf16>
        %get3A_297 = arith.index_cast %scan3A_242 : i32 to index
        %get3A_298 = arith.constant 64 : index
        %get3A_299 = tpu.vector_load %arg12[%get3A_297, %get3A_298] {strides = array<i32>} : memref<64x128xi32, #tpu.memory_space<vmem>>, vector<16xi32>,
        %bitcast3A_300 = vector.bitcast %get3A_299 : vector<16xi32> to vector<32xbf16>
        %add3A_301 = arith.addf %bitcast3A_296, %bitcast3A_300 : vector<32xbf16>
        %bitcast3A_302 = vector.bitcast %add3A_301 : vector<32xbf16> to vector<16xi32>
        %swap3A_303 = arith.index_cast %scan3A_242 : i32 to index
        %swap3A_304 = arith.constant 64 : index
        %swap3A_305 = tpu.vector_load %arg11[%swap3A_303, %swap3A_304] {strides = array<i32>} : memref<64x128xi32, #tpu.memory_space<vmem>>, vector<16xi32>,
        tpu.vector_store %arg11[%swap3A_303, %swap3A_304], %bitcast3A_302 {strides = array<i32>} : memref<64x128xi32, #tpu.memory_space<vmem>>, vector<16xi32>,
        %get3A_306 = arith.index_cast %scan3A_242 : i32 to index
        %get3A_307 = arith.constant 80 : index
        %get3A_308 = tpu.vector_load %arg11[%get3A_306, %get3A_307] {strides = array<i32>} : memref<64x128xi32, #tpu.memory_space<vmem>>, vector<16xi32>,
        %bitcast3A_309 = vector.bitcast %get3A_308 : vector<16xi32> to vector<32xbf16>
        %get3A_310 = arith.index_cast %scan3A_242 : i32 to index
        %get3A_311 = arith.constant 80 : index
        %get3A_312 = tpu.vector_load %arg12[%get3A_310, %get3A_311] {strides = array<i32>} : memref<64x128xi32, #tpu.memory_space<vmem>>, vector<16xi32>,
        %bitcast3A_313 = vector.bitcast %get3A_312 : vector<16xi32> to vector<32xbf16>
        %add3A_314 = arith.addf %bitcast3A_309, %bitcast3A_313 : vector<32xbf16>
        %bitcast3A_315 = vector.bitcast %add3A_314 : vector<32xbf16> to vector<16xi32>
        %swap3A_316 = arith.index_cast %scan3A_242 : i32 to index
        %swap3A_317 = arith.constant 80 : index
        %swap3A_318 = tpu.vector_load %arg11[%swap3A_316, %swap3A_317] {strides = array<i32>} : memref<64x128xi32, #tpu.memory_space<vmem>>, vector<16xi32>,
        tpu.vector_store %arg11[%swap3A_316, %swap3A_317], %bitcast3A_315 {strides = array<i32>} : memref<64x128xi32, #tpu.memory_space<vmem>>, vector<16xi32>,
        %get3A_319 = arith.index_cast %scan3A_242 : i32 to index
        %get3A_320 = arith.constant 96 : index
        %get3A_321 = tpu.vector_load %arg11[%get3A_319, %get3A_320] {strides = array<i32>} : memref<64x128xi32, #tpu.memory_space<vmem>>, vector<16xi32>,
        %bitcast3A_322 = vector.bitcast %get3A_321 : vector<16xi32> to vector<32xbf16>
        %get3A_323 = arith.index_cast %scan3A_242 : i32 to index
        %get3A_324 = arith.constant 96 : index
        %get3A_325 = tpu.vector_load %arg12[%get3A_323, %get3A_324] {strides = array<i32>} : memref<64x128xi32, #tpu.memory_space<vmem>>, vector<16xi32>,
        %bitcast3A_326 = vector.bitcast %get3A_325 : vector<16xi32> to vector<32xbf16>
        %add3A_327 = arith.addf %bitcast3A_322, %bitcast3A_326 : vector<32xbf16>
        %bitcast3A_328 = vector.bitcast %add3A_327 : vector<32xbf16> to vector<16xi32>
        %swap3A_329 = arith.index_cast %scan3A_242 : i32 to index
        %swap3A_330 = arith.constant 96 : index
        %swap3A_331 = tpu.vector_load %arg11[%swap3A_329, %swap3A_330] {strides = array<i32>} : memref<64x128xi32, #tpu.memory_space<vmem>>, vector<16xi32>,
        tpu.vector_store %arg11[%swap3A_329, %swap3A_330], %bitcast3A_328 {strides = array<i32>} : memref<64x128xi32, #tpu.memory_space<vmem>>, vector<16xi32>,
        %get3A_332 = arith.index_cast %scan3A_242 : i32 to index
        %get3A_333 = arith.constant 112 : index
        %get3A_334 = tpu.vector_load %arg11[%get3A_332, %get3A_333] {strides = array<i32>} : memref<64x128xi32, #tpu.memory_space<vmem>>, vector<16xi32>,
        %bitcast3A_335 = vector.bitcast %get3A_334 : vector<16xi32> to vector<32xbf16>
        %get3A_336 = arith.index_cast %scan3A_242 : i32 to index
        %get3A_337 = arith.constant 112 : index
        %get3A_338 = tpu.vector_load %arg12[%get3A_336, %get3A_337] {strides = array<i32>} : memref<64x128xi32, #tpu.memory_space<vmem>>, vector<16xi32>,
        %bitcast3A_339 = vector.bitcast %get3A_338 : vector<16xi32> to vector<32xbf16>
        %add3A_340 = arith.addf %bitcast3A_335, %bitcast3A_339 : vector<32xbf16>
        %bitcast3A_341 = vector.bitcast %add3A_340 : vector<32xbf16> to vector<16xi32>
        %swap3A_342 = arith.index_cast %scan3A_242 : i32 to index
        %swap3A_343 = arith.constant 112 : index
        %swap3A_344 = tpu.vector_load %arg11[%swap3A_342, %swap3A_343] {strides = array<i32>} : memref<64x128xi32, #tpu.memory_space<vmem>>, vector<16xi32>,
        tpu.vector_store %arg11[%swap3A_342, %swap3A_343], %bitcast3A_341 {strides = array<i32>} : memref<64x128xi32, #tpu.memory_space<vmem>>, vector<16xi32>,
        %scan3A_345 = arith.constant 0 : i32
        scf.yield %scan3A_345 : i32
      }
      %scan3A_204 = arith.constant 64 : i32
      %mul3A_205 = arith.constant 2 : i32
      %mul3A_206 = arith.muli %mul3A_205, %while3A_129 : i32
      %add3A_207 = arith.addi %add3A_7, %mul3A_206 : i32
      %add3A_208 = arith.constant 1 : i32
      %add3A_209 = arith.addi %add3A_207, %add3A_208 : i32
      %mul3A_210 = arith.constant 64 : i32
      %mul3A_211 = arith.muli %add3A_209, %mul3A_210 : i32
      %dma_start3A_212 = arith.constant 0 : i32
      %dma_start3A_213 = tpu.memref_slice %arg6[%mul3A_211, %dma_start3A_212] : memref<327680x128xi32, #tpu.memory_space<hbm>> -> memref<64x128xi32, #tpu.memory_space<hbm>>
      %dma_start3A_214 = arith.constant 0 : i32
      %dma_start3A_215 = tpu.memref_slice %arg6[%mul3A_211, %dma_start3A_214] : memref<327680x128xi32, #tpu.memory_space<hbm>> -> memref<64x128xi32, #tpu.memory_space<hbm>>
      tpu.enqueue_dma source(%arg11 : memref<64x128xi32, #tpu.memory_space<vmem>>) target(%dma_start3A_215 : memref<64x128xi32, #tpu.memory_space<hbm>>) target_semaphore(%arg18 : memref<!tpu.dma_semaphore, #tpu.memory_space<semaphore_mem>>)
      %mul3A_216 = arith.constant 2 : i32
      %mul3A_217 = arith.muli %mul3A_216, %while3A_129 : i32
      %add3A_218 = arith.addi %add3A_7, %mul3A_217 : i32
      %add3A_219 = arith.constant 1 : i32
      %add3A_220 = arith.addi %add3A_218, %add3A_219 : i32
      %mul3A_221 = arith.constant 64 : i32
      %mul3A_222 = arith.muli %add3A_220, %mul3A_221 : i32
      %dma_wait3A_223 = arith.constant 0 : i32
      %dma_wait3A_224 = tpu.memref_slice %arg6[%mul3A_222, %dma_wait3A_223] : memref<327680x128xi32, #tpu.memory_space<hbm>> -> memref<64x128xi32, #tpu.memory_space<hbm>>
      %dma_wait3A_225 = arith.constant 0 : i32
      %dma_wait3A_226 = tpu.memref_slice %arg6[%mul3A_222, %dma_wait3A_225] : memref<327680x128xi32, #tpu.memory_space<hbm>> -> memref<64x128xi32, #tpu.memory_space<hbm>>
      tpu.wait_dma2 semaphore(%arg18 : memref<!tpu.dma_semaphore, #tpu.memory_space<semaphore_mem>>) src(%arg11 : memref<64x128xi32, #tpu.memory_space<vmem>>) dst(%dma_wait3A_226 : memref<64x128xi32, #tpu.memory_space<hbm>>)
      %add3A_227 = arith.constant 1 : i32
      %add3A_228 = arith.addi %while3A_129, %add3A_227 : i32
      %dma_start3A_229 = arith.constant 64 : i32
      %dma_start3A_230 = tpu.memref_slice %arg7[%add3A_228, %dma_start3A_229] : memref<112x128xi32, #tpu.memory_space<vmem>> -> memref<1x64xi32, #tpu.memory_space<vmem>>
      %dma_start3A_231 = tpu.memref_squeeze %dma_start3A_230 : memref<1x64xi32, #tpu.memory_space<vmem>> -> memref<64xi32, #tpu.memory_space<vmem>>
      %dma_start3A_232 = arith.constant 0 : i32
      %dma_start3A_233 = arith.constant 0 : i32
      %dma_start3A_234 = tpu.memref_slice %arg2[%dma_start3A_232, %dma_start3A_233] : memref<10000x128xi32, #tpu.memory_space<hbm>> -> memref<10000x128xi32, #tpu.memory_space<hbm>>
      tpu.enqueue_indirect_dma source(%dma_start3A_234 : memref<10000x128xi32, #tpu.memory_space<hbm>>) target(%arg11 : memref<64x128xi32, #tpu.memory_space<vmem>>) offsets(%dma_start3A_231 : memref<64xi32, #tpu.memory_space<vmem>>) semaphore(%arg15 : memref<!tpu.dma_semaphore, #tpu.memory_space<semaphore_mem>>)
      %dma_start3A_235 = arith.constant 64 : i32
      %dma_start3A_236 = tpu.memref_slice %arg8[%add3A_228, %dma_start3A_235] : memref<112x128xi32, #tpu.memory_space<vmem>> -> memref<1x64xi32, #tpu.memory_space<vmem>>
      %dma_start3A_237 = tpu.memref_squeeze %dma_start3A_236 : memref<1x64xi32, #tpu.memory_space<vmem>> -> memref<64xi32, #tpu.memory_space<vmem>>
      %dma_start3A_238 = arith.constant 0 : i32
      %dma_start3A_239 = arith.constant 0 : i32
      %dma_start3A_240 = tpu.memref_slice %arg3[%dma_start3A_238, %dma_start3A_239] : memref<10000x128xi32, #tpu.memory_space<hbm>> -> memref<10000x128xi32, #tpu.memory_space<hbm>>
      tpu.enqueue_indirect_dma source(%dma_start3A_240 : memref<10000x128xi32, #tpu.memory_space<hbm>>) target(%arg12 : memref<64x128xi32, #tpu.memory_space<vmem>>) offsets(%dma_start3A_237 : memref<64xi32, #tpu.memory_space<vmem>>) semaphore(%arg16 : memref<!tpu.dma_semaphore, #tpu.memory_space<semaphore_mem>>)
      %while3A_241 = arith.constant 0 : i32
      scf.yield %while3A_241 : i32
    }
    %while3A_45 = arith.constant 1 : i32
    %while3A_46 = scf.for %while3A_129 = %while3A_42 to %while3A_38 step %while3A_45 iter_args(%while3A_130 = %while3A_44) -> (i32)  : i32 {
      %dma_wait3A_131 = arith.constant 0 : i32
      %dma_wait3A_132 = tpu.memref_slice %arg7[%while3A_129, %dma_wait3A_131] : memref<112x128xi32, #tpu.memory_space<vmem>> -> memref<1x64xi32, #tpu.memory_space<vmem>>
      %dma_wait3A_133 = tpu.memref_squeeze %dma_wait3A_132 : memref<1x64xi32, #tpu.memory_space<vmem>> -> memref<64xi32, #tpu.memory_space<vmem>>
      %dma_wait3A_134 = arith.constant 0 : i32
      %dma_wait3A_135 = arith.constant 0 : i32
      %dma_wait3A_136 = tpu.memref_slice %arg2[%dma_wait3A_134, %dma_wait3A_135] : memref<10000x128xi32, #tpu.memory_space<hbm>> -> memref<10000x128xi32, #tpu.memory_space<hbm>>
      tpu.wait_indirect_dma semaphore(%arg13 : memref<!tpu.dma_semaphore, #tpu.memory_space<semaphore_mem>>) src(%dma_wait3A_136 : memref<10000x128xi32, #tpu.memory_space<hbm>>) dst(%arg9 : memref<64x128xi32, #tpu.memory_space<vmem>>)
      %dma_wait3A_137 = arith.constant 0 : i32
      %dma_wait3A_138 = tpu.memref_slice %arg8[%while3A_129, %dma_wait3A_137] : memref<112x128xi32, #tpu.memory_space<vmem>> -> memref<1x64xi32, #tpu.memory_space<vmem>>
      %dma_wait3A_139 = tpu.memref_squeeze %dma_wait3A_138 : memref<1x64xi32, #tpu.memory_space<vmem>> -> memref<64xi32, #tpu.memory_space<vmem>>
      %dma_wait3A_140 = arith.constant 0 : i32
      %dma_wait3A_141 = arith.constant 0 : i32
      %dma_wait3A_142 = tpu.memref_slice %arg3[%dma_wait3A_140, %dma_wait3A_141] : memref<10000x128xi32, #tpu.memory_space<hbm>> -> memref<10000x128xi32, #tpu.memory_space<hbm>>
      tpu.wait_indirect_dma semaphore(%arg14 : memref<!tpu.dma_semaphore, #tpu.memory_space<semaphore_mem>>) src(%dma_wait3A_142 : memref<10000x128xi32, #tpu.memory_space<hbm>>) dst(%arg10 : memref<64x128xi32, #tpu.memory_space<vmem>>)
      %scan3A_143 = arith.constant 0 : i32
      %scan3A_144 = arith.constant 0 : i32
      %scan3A_145 = arith.constant 64 : i32
      %scan3A_146 = arith.addi %scan3A_144, %scan3A_145 : i32
      %scan3A_147 = arith.constant 1 : i32
      %scan3A_148 = scf.for %scan3A_242 = %scan3A_144 to %scan3A_146 step %scan3A_147 iter_args(%scan3A_243 = %scan3A_143) -> (i32)  : i32 {
        %get3A = arith.index_cast %scan3A_242 : i32 to index
        %get3A_244 = arith.constant 0 : index
        %get3A_245 = tpu.vector_load %arg9[%get3A, %get3A_244] {strides = array<i32>} : memref<64x128xi32, #tpu.memory_space<vmem>>, vector<16xi32>,
        %bitcast3A = vector.bitcast %get3A_245 : vector<16xi32> to vector<32xbf16>
        %get3A_246 = arith.index_cast %scan3A_242 : i32 to index
        %get3A_247 = arith.constant 0 : index
        %get3A_248 = tpu.vector_load %arg10[%get3A_246, %get3A_247] {strides = array<i32>} : memref<64x128xi32, #tpu.memory_space<vmem>>, vector<16xi32>,
        %bitcast3A_249 = vector.bitcast %get3A_248 : vector<16xi32> to vector<32xbf16>
        %add3A_250 = arith.addf %bitcast3A, %bitcast3A_249 : vector<32xbf16>
        %bitcast3A_251 = vector.bitcast %add3A_250 : vector<32xbf16> to vector<16xi32>
        %swap3A = arith.index_cast %scan3A_242 : i32 to index
        %swap3A_252 = arith.constant 0 : index
        %swap3A_253 = tpu.vector_load %arg9[%swap3A, %swap3A_252] {strides = array<i32>} : memref<64x128xi32, #tpu.memory_space<vmem>>, vector<16xi32>,
        tpu.vector_store %arg9[%swap3A, %swap3A_252], %bitcast3A_251 {strides = array<i32>} : memref<64x128xi32, #tpu.memory_space<vmem>>, vector<16xi32>,
        %get3A_254 = arith.index_cast %scan3A_242 : i32 to index
        %get3A_255 = arith.constant 16 : index
        %get3A_256 = tpu.vector_load %arg9[%get3A_254, %get3A_255] {strides = array<i32>} : memref<64x128xi32, #tpu.memory_space<vmem>>, vector<16xi32>,
        %bitcast3A_257 = vector.bitcast %get3A_256 : vector<16xi32> to vector<32xbf16>
        %get3A_258 = arith.index_cast %scan3A_242 : i32 to index
        %get3A_259 = arith.constant 16 : index
        %get3A_260 = tpu.vector_load %arg10[%get3A_258, %get3A_259] {strides = array<i32>} : memref<64x128xi32, #tpu.memory_space<vmem>>, vector<16xi32>,
        %bitcast3A_261 = vector.bitcast %get3A_260 : vector<16xi32> to vector<32xbf16>
        %add3A_262 = arith.addf %bitcast3A_257, %bitcast3A_261 : vector<32xbf16>
        %bitcast3A_263 = vector.bitcast %add3A_262 : vector<32xbf16> to vector<16xi32>
        %swap3A_264 = arith.index_cast %scan3A_242 : i32 to index
        %swap3A_265 = arith.constant 16 : index
        %swap3A_266 = tpu.vector_load %arg9[%swap3A_264, %swap3A_265] {strides = array<i32>} : memref<64x128xi32, #tpu.memory_space<vmem>>, vector<16xi32>,
        tpu.vector_store %arg9[%swap3A_264, %swap3A_265], %bitcast3A_263 {strides = array<i32>} : memref<64x128xi32, #tpu.memory_space<vmem>>, vector<16xi32>,
        %get3A_267 = arith.index_cast %scan3A_242 : i32 to index
        %get3A_268 = arith.constant 32 : index
        %get3A_269 = tpu.vector_load %arg9[%get3A_267, %get3A_268] {strides = array<i32>} : memref<64x128xi32, #tpu.memory_space<vmem>>, vector<16xi32>,
        %bitcast3A_270 = vector.bitcast %get3A_269 : vector<16xi32> to vector<32xbf16>
        %get3A_271 = arith.index_cast %scan3A_242 : i32 to index
        %get3A_272 = arith.constant 32 : index
        %get3A_273 = tpu.vector_load %arg10[%get3A_271, %get3A_272] {strides = array<i32>} : memref<64x128xi32, #tpu.memory_space<vmem>>, vector<16xi32>,
        %bitcast3A_274 = vector.bitcast %get3A_273 : vector<16xi32> to vector<32xbf16>
        %add3A_275 = arith.addf %bitcast3A_270, %bitcast3A_274 : vector<32xbf16>
        %bitcast3A_276 = vector.bitcast %add3A_275 : vector<32xbf16> to vector<16xi32>
        %swap3A_277 = arith.index_cast %scan3A_242 : i32 to index
        %swap3A_278 = arith.constant 32 : index
        %swap3A_279 = tpu.vector_load %arg9[%swap3A_277, %swap3A_278] {strides = array<i32>} : memref<64x128xi32, #tpu.memory_space<vmem>>, vector<16xi32>,
        tpu.vector_store %arg9[%swap3A_277, %swap3A_278], %bitcast3A_276 {strides = array<i32>} : memref<64x128xi32, #tpu.memory_space<vmem>>, vector<16xi32>,
        %get3A_280 = arith.index_cast %scan3A_242 : i32 to index
        %get3A_281 = arith.constant 48 : index
        %get3A_282 = tpu.vector_load %arg9[%get3A_280, %get3A_281] {strides = array<i32>} : memref<64x128xi32, #tpu.memory_space<vmem>>, vector<16xi32>,
        %bitcast3A_283 = vector.bitcast %get3A_282 : vector<16xi32> to vector<32xbf16>
        %get3A_284 = arith.index_cast %scan3A_242 : i32 to index
        %get3A_285 = arith.constant 48 : index
        %get3A_286 = tpu.vector_load %arg10[%get3A_284, %get3A_285] {strides = array<i32>} : memref<64x128xi32, #tpu.memory_space<vmem>>, vector<16xi32>,
        %bitcast3A_287 = vector.bitcast %get3A_286 : vector<16xi32> to vector<32xbf16>
        %add3A_288 = arith.addf %bitcast3A_283, %bitcast3A_287 : vector<32xbf16>
        %bitcast3A_289 = vector.bitcast %add3A_288 : vector<32xbf16> to vector<16xi32>
        %swap3A_290 = arith.index_cast %scan3A_242 : i32 to index
        %swap3A_291 = arith.constant 48 : index
        %swap3A_292 = tpu.vector_load %arg9[%swap3A_290, %swap3A_291] {strides = array<i32>} : memref<64x128xi32, #tpu.memory_space<vmem>>, vector<16xi32>,
        tpu.vector_store %arg9[%swap3A_290, %swap3A_291], %bitcast3A_289 {strides = array<i32>} : memref<64x128xi32, #tpu.memory_space<vmem>>, vector<16xi32>,
        %get3A_293 = arith.index_cast %scan3A_242 : i32 to index
        %get3A_294 = arith.constant 64 : index
        %get3A_295 = tpu.vector_load %arg9[%get3A_293, %get3A_294] {strides = array<i32>} : memref<64x128xi32, #tpu.memory_space<vmem>>, vector<16xi32>,
        %bitcast3A_296 = vector.bitcast %get3A_295 : vector<16xi32> to vector<32xbf16>
        %get3A_297 = arith.index_cast %scan3A_242 : i32 to index
        %get3A_298 = arith.constant 64 : index
        %get3A_299 = tpu.vector_load %arg10[%get3A_297, %get3A_298] {strides = array<i32>} : memref<64x128xi32, #tpu.memory_space<vmem>>, vector<16xi32>,
        %bitcast3A_300 = vector.bitcast %get3A_299 : vector<16xi32> to vector<32xbf16>
        %add3A_301 = arith.addf %bitcast3A_296, %bitcast3A_300 : vector<32xbf16>
        %bitcast3A_302 = vector.bitcast %add3A_301 : vector<32xbf16> to vector<16xi32>
        %swap3A_303 = arith.index_cast %scan3A_242 : i32 to index
        %swap3A_304 = arith.constant 64 : index
        %swap3A_305 = tpu.vector_load %arg9[%swap3A_303, %swap3A_304] {strides = array<i32>} : memref<64x128xi32, #tpu.memory_space<vmem>>, vector<16xi32>,
        tpu.vector_store %arg9[%swap3A_303, %swap3A_304], %bitcast3A_302 {strides = array<i32>} : memref<64x128xi32, #tpu.memory_space<vmem>>, vector<16xi32>,
        %get3A_306 = arith.index_cast %scan3A_242 : i32 to index
        %get3A_307 = arith.constant 80 : index
        %get3A_308 = tpu.vector_load %arg9[%get3A_306, %get3A_307] {strides = array<i32>} : memref<64x128xi32, #tpu.memory_space<vmem>>, vector<16xi32>,
        %bitcast3A_309 = vector.bitcast %get3A_308 : vector<16xi32> to vector<32xbf16>
        %get3A_310 = arith.index_cast %scan3A_242 : i32 to index
        %get3A_311 = arith.constant 80 : index
        %get3A_312 = tpu.vector_load %arg10[%get3A_310, %get3A_311] {strides = array<i32>} : memref<64x128xi32, #tpu.memory_space<vmem>>, vector<16xi32>,
        %bitcast3A_313 = vector.bitcast %get3A_312 : vector<16xi32> to vector<32xbf16>
        %add3A_314 = arith.addf %bitcast3A_309, %bitcast3A_313 : vector<32xbf16>
        %bitcast3A_315 = vector.bitcast %add3A_314 : vector<32xbf16> to vector<16xi32>
        %swap3A_316 = arith.index_cast %scan3A_242 : i32 to index
        %swap3A_317 = arith.constant 80 : index
        %swap3A_318 = tpu.vector_load %arg9[%swap3A_316, %swap3A_317] {strides = array<i32>} : memref<64x128xi32, #tpu.memory_space<vmem>>, vector<16xi32>,
        tpu.vector_store %arg9[%swap3A_316, %swap3A_317], %bitcast3A_315 {strides = array<i32>} : memref<64x128xi32, #tpu.memory_space<vmem>>, vector<16xi32>,
        %get3A_319 = arith.index_cast %scan3A_242 : i32 to index
        %get3A_320 = arith.constant 96 : index
        %get3A_321 = tpu.vector_load %arg9[%get3A_319, %get3A_320] {strides = array<i32>} : memref<64x128xi32, #tpu.memory_space<vmem>>, vector<16xi32>,
        %bitcast3A_322 = vector.bitcast %get3A_321 : vector<16xi32> to vector<32xbf16>
        %get3A_323 = arith.index_cast %scan3A_242 : i32 to index
        %get3A_324 = arith.constant 96 : index
        %get3A_325 = tpu.vector_load %arg10[%get3A_323, %get3A_324] {strides = array<i32>} : memref<64x128xi32, #tpu.memory_space<vmem>>, vector<16xi32>,
        %bitcast3A_326 = vector.bitcast %get3A_325 : vector<16xi32> to vector<32xbf16>
        %add3A_327 = arith.addf %bitcast3A_322, %bitcast3A_326 : vector<32xbf16>
        %bitcast3A_328 = vector.bitcast %add3A_327 : vector<32xbf16> to vector<16xi32>
        %swap3A_329 = arith.index_cast %scan3A_242 : i32 to index
        %swap3A_330 = arith.constant 96 : index
        %swap3A_331 = tpu.vector_load %arg9[%swap3A_329, %swap3A_330] {strides = array<i32>} : memref<64x128xi32, #tpu.memory_space<vmem>>, vector<16xi32>,
        tpu.vector_store %arg9[%swap3A_329, %swap3A_330], %bitcast3A_328 {strides = array<i32>} : memref<64x128xi32, #tpu.memory_space<vmem>>, vector<16xi32>,
        %get3A_332 = arith.index_cast %scan3A_242 : i32 to index
        %get3A_333 = arith.constant 112 : index
        %get3A_334 = tpu.vector_load %arg9[%get3A_332, %get3A_333] {strides = array<i32>} : memref<64x128xi32, #tpu.memory_space<vmem>>, vector<16xi32>,
        %bitcast3A_335 = vector.bitcast %get3A_334 : vector<16xi32> to vector<32xbf16>
        %get3A_336 = arith.index_cast %scan3A_242 : i32 to index
        %get3A_337 = arith.constant 112 : index
        %get3A_338 = tpu.vector_load %arg10[%get3A_336, %get3A_337] {strides = array<i32>} : memref<64x128xi32, #tpu.memory_space<vmem>>, vector<16xi32>,
        %bitcast3A_339 = vector.bitcast %get3A_338 : vector<16xi32> to vector<32xbf16>
        %add3A_340 = arith.addf %bitcast3A_335, %bitcast3A_339 : vector<32xbf16>
        %bitcast3A_341 = vector.bitcast %add3A_340 : vector<32xbf16> to vector<16xi32>
        %swap3A_342 = arith.index_cast %scan3A_242 : i32 to index
        %swap3A_343 = arith.constant 112 : index
        %swap3A_344 = tpu.vector_load %arg9[%swap3A_342, %swap3A_343] {strides = array<i32>} : memref<64x128xi32, #tpu.memory_space<vmem>>, vector<16xi32>,
        tpu.vector_store %arg9[%swap3A_342, %swap3A_343], %bitcast3A_341 {strides = array<i32>} : memref<64x128xi32, #tpu.memory_space<vmem>>, vector<16xi32>,
        %scan3A_345 = arith.constant 0 : i32
        scf.yield %scan3A_345 : i32
      }
      %scan3A_149 = arith.constant 64 : i32
      %mul3A_150 = arith.constant 2 : i32
      %mul3A_151 = arith.muli %mul3A_150, %while3A_129 : i32
      %add3A_152 = arith.addi %add3A_7, %mul3A_151 : i32
      %add3A_153 = arith.constant 0 : i32
      %add3A_154 = arith.addi %add3A_152, %add3A_153 : i32
      %mul3A_155 = arith.constant 64 : i32
      %mul3A_156 = arith.muli %add3A_154, %mul3A_155 : i32
      %dma_start3A_157 = arith.constant 0 : i32
      %dma_start3A_158 = tpu.memref_slice %arg6[%mul3A_156, %dma_start3A_157] : memref<327680x128xi32, #tpu.memory_space<hbm>> -> memref<64x128xi32, #tpu.memory_space<hbm>>
      %dma_start3A_159 = arith.constant 0 : i32
      %dma_start3A_160 = tpu.memref_slice %arg6[%mul3A_156, %dma_start3A_159] : memref<327680x128xi32, #tpu.memory_space<hbm>> -> memref<64x128xi32, #tpu.memory_space<hbm>>
      tpu.enqueue_dma source(%arg9 : memref<64x128xi32, #tpu.memory_space<vmem>>) target(%dma_start3A_160 : memref<64x128xi32, #tpu.memory_space<hbm>>) target_semaphore(%arg17 : memref<!tpu.dma_semaphore, #tpu.memory_space<semaphore_mem>>)
      %mul3A_161 = arith.constant 2 : i32
      %mul3A_162 = arith.muli %mul3A_161, %while3A_129 : i32
      %add3A_163 = arith.addi %add3A_7, %mul3A_162 : i32
      %add3A_164 = arith.constant 0 : i32
      %add3A_165 = arith.addi %add3A_163, %add3A_164 : i32
      %mul3A_166 = arith.constant 64 : i32
      %mul3A_167 = arith.muli %add3A_165, %mul3A_166 : i32
      %dma_wait3A_168 = arith.constant 0 : i32
      %dma_wait3A_169 = tpu.memref_slice %arg6[%mul3A_167, %dma_wait3A_168] : memref<327680x128xi32, #tpu.memory_space<hbm>> -> memref<64x128xi32, #tpu.memory_space<hbm>>
      %dma_wait3A_170 = arith.constant 0 : i32
      %dma_wait3A_171 = tpu.memref_slice %arg6[%mul3A_167, %dma_wait3A_170] : memref<327680x128xi32, #tpu.memory_space<hbm>> -> memref<64x128xi32, #tpu.memory_space<hbm>>
      tpu.wait_dma2 semaphore(%arg17 : memref<!tpu.dma_semaphore, #tpu.memory_space<semaphore_mem>>) src(%arg9 : memref<64x128xi32, #tpu.memory_space<vmem>>) dst(%dma_wait3A_171 : memref<64x128xi32, #tpu.memory_space<hbm>>)
      %add3A_172 = arith.constant 1 : i32
      %add3A_173 = arith.addi %while3A_129, %add3A_172 : i32
      %dma_start3A_174 = arith.constant 0 : i32
      %dma_start3A_175 = tpu.memref_slice %arg7[%add3A_173, %dma_start3A_174] : memref<112x128xi32, #tpu.memory_space<vmem>> -> memref<1x64xi32, #tpu.memory_space<vmem>>
      %dma_start3A_176 = tpu.memref_squeeze %dma_start3A_175 : memref<1x64xi32, #tpu.memory_space<vmem>> -> memref<64xi32, #tpu.memory_space<vmem>>
      %dma_start3A_177 = arith.constant 0 : i32
      %dma_start3A_178 = arith.constant 0 : i32
      %dma_start3A_179 = tpu.memref_slice %arg2[%dma_start3A_177, %dma_start3A_178] : memref<10000x128xi32, #tpu.memory_space<hbm>> -> memref<10000x128xi32, #tpu.memory_space<hbm>>
      tpu.enqueue_indirect_dma source(%dma_start3A_179 : memref<10000x128xi32, #tpu.memory_space<hbm>>) target(%arg9 : memref<64x128xi32, #tpu.memory_space<vmem>>) offsets(%dma_start3A_176 : memref<64xi32, #tpu.memory_space<vmem>>) semaphore(%arg13 : memref<!tpu.dma_semaphore, #tpu.memory_space<semaphore_mem>>)
      %dma_start3A_180 = arith.constant 0 : i32
      %dma_start3A_181 = tpu.memref_slice %arg8[%add3A_173, %dma_start3A_180] : memref<112x128xi32, #tpu.memory_space<vmem>> -> memref<1x64xi32, #tpu.memory_space<vmem>>
      %dma_start3A_182 = tpu.memref_squeeze %dma_start3A_181 : memref<1x64xi32, #tpu.memory_space<vmem>> -> memref<64xi32, #tpu.memory_space<vmem>>
      %dma_start3A_183 = arith.constant 0 : i32
      %dma_start3A_184 = arith.constant 0 : i32
      %dma_start3A_185 = tpu.memref_slice %arg3[%dma_start3A_183, %dma_start3A_184] : memref<10000x128xi32, #tpu.memory_space<hbm>> -> memref<10000x128xi32, #tpu.memory_space<hbm>>
      tpu.enqueue_indirect_dma source(%dma_start3A_185 : memref<10000x128xi32, #tpu.memory_space<hbm>>) target(%arg10 : memref<64x128xi32, #tpu.memory_space<vmem>>) offsets(%dma_start3A_182 : memref<64xi32, #tpu.memory_space<vmem>>) semaphore(%arg14 : memref<!tpu.dma_semaphore, #tpu.memory_space<semaphore_mem>>)
      %dma_wait3A_186 = arith.constant 64 : i32
      %dma_wait3A_187 = tpu.memref_slice %arg7[%while3A_129, %dma_wait3A_186] : memref<112x128xi32, #tpu.memory_space<vmem>> -> memref<1x64xi32, #tpu.memory_space<vmem>>
      %dma_wait3A_188 = tpu.memref_squeeze %dma_wait3A_187 : memref<1x64xi32, #tpu.memory_space<vmem>> -> memref<64xi32, #tpu.memory_space<vmem>>
      %dma_wait3A_189 = arith.constant 0 : i32
      %dma_wait3A_190 = arith.constant 0 : i32
      %dma_wait3A_191 = tpu.memref_slice %arg2[%dma_wait3A_189, %dma_wait3A_190] : memref<10000x128xi32, #tpu.memory_space<hbm>> -> memref<10000x128xi32, #tpu.memory_space<hbm>>
      tpu.wait_indirect_dma semaphore(%arg15 : memref<!tpu.dma_semaphore, #tpu.memory_space<semaphore_mem>>) src(%dma_wait3A_191 : memref<10000x128xi32, #tpu.memory_space<hbm>>) dst(%arg11 : memref<64x128xi32, #tpu.memory_space<vmem>>)
      %dma_wait3A_192 = arith.constant 64 : i32
      %dma_wait3A_193 = tpu.memref_slice %arg8[%while3A_129, %dma_wait3A_192] : memref<112x128xi32, #tpu.memory_space<vmem>> -> memref<1x64xi32, #tpu.memory_space<vmem>>
      %dma_wait3A_194 = tpu.memref_squeeze %dma_wait3A_193 : memref<1x64xi32, #tpu.memory_space<vmem>> -> memref<64xi32, #tpu.memory_space<vmem>>
      %dma_wait3A_195 = arith.constant 0 : i32
      %dma_wait3A_196 = arith.constant 0 : i32
      %dma_wait3A_197 = tpu.memref_slice %arg3[%dma_wait3A_195, %dma_wait3A_196] : memref<10000x128xi32, #tpu.memory_space<hbm>> -> memref<10000x128xi32, #tpu.memory_space<hbm>>
      tpu.wait_indirect_dma semaphore(%arg16 : memref<!tpu.dma_semaphore, #tpu.memory_space<semaphore_mem>>) src(%dma_wait3A_197 : memref<10000x128xi32, #tpu.memory_space<hbm>>) dst(%arg12 : memref<64x128xi32, #tpu.memory_space<vmem>>)
      %scan3A_198 = arith.constant 0 : i32
      %scan3A_199 = arith.constant 0 : i32
      %scan3A_200 = arith.constant 64 : i32
      %scan3A_201 = arith.addi %scan3A_199, %scan3A_200 : i32
      %scan3A_202 = arith.constant 1 : i32
      %scan3A_203 = scf.for %scan3A_242 = %scan3A_199 to %scan3A_201 step %scan3A_202 iter_args(%scan3A_243 = %scan3A_198) -> (i32)  : i32 {
        %get3A = arith.index_cast %scan3A_242 : i32 to index
        %get3A_244 = arith.constant 0 : index
        %get3A_245 = tpu.vector_load %arg11[%get3A, %get3A_244] {strides = array<i32>} : memref<64x128xi32, #tpu.memory_space<vmem>>, vector<16xi32>,
        %bitcast3A = vector.bitcast %get3A_245 : vector<16xi32> to vector<32xbf16>
        %get3A_246 = arith.index_cast %scan3A_242 : i32 to index
        %get3A_247 = arith.constant 0 : index
        %get3A_248 = tpu.vector_load %arg12[%get3A_246, %get3A_247] {strides = array<i32>} : memref<64x128xi32, #tpu.memory_space<vmem>>, vector<16xi32>,
        %bitcast3A_249 = vector.bitcast %get3A_248 : vector<16xi32> to vector<32xbf16>
        %add3A_250 = arith.addf %bitcast3A, %bitcast3A_249 : vector<32xbf16>
        %bitcast3A_251 = vector.bitcast %add3A_250 : vector<32xbf16> to vector<16xi32>
        %swap3A = arith.index_cast %scan3A_242 : i32 to index
        %swap3A_252 = arith.constant 0 : index
        %swap3A_253 = tpu.vector_load %arg11[%swap3A, %swap3A_252] {strides = array<i32>} : memref<64x128xi32, #tpu.memory_space<vmem>>, vector<16xi32>,
        tpu.vector_store %arg11[%swap3A, %swap3A_252], %bitcast3A_251 {strides = array<i32>} : memref<64x128xi32, #tpu.memory_space<vmem>>, vector<16xi32>,
        %get3A_254 = arith.index_cast %scan3A_242 : i32 to index
        %get3A_255 = arith.constant 16 : index
        %get3A_256 = tpu.vector_load %arg11[%get3A_254, %get3A_255] {strides = array<i32>} : memref<64x128xi32, #tpu.memory_space<vmem>>, vector<16xi32>,
        %bitcast3A_257 = vector.bitcast %get3A_256 : vector<16xi32> to vector<32xbf16>
        %get3A_258 = arith.index_cast %scan3A_242 : i32 to index
        %get3A_259 = arith.constant 16 : index
        %get3A_260 = tpu.vector_load %arg12[%get3A_258, %get3A_259] {strides = array<i32>} : memref<64x128xi32, #tpu.memory_space<vmem>>, vector<16xi32>,
        %bitcast3A_261 = vector.bitcast %get3A_260 : vector<16xi32> to vector<32xbf16>
        %add3A_262 = arith.addf %bitcast3A_257, %bitcast3A_261 : vector<32xbf16>
        %bitcast3A_263 = vector.bitcast %add3A_262 : vector<32xbf16> to vector<16xi32>
        %swap3A_264 = arith.index_cast %scan3A_242 : i32 to index
        %swap3A_265 = arith.constant 16 : index
        %swap3A_266 = tpu.vector_load %arg11[%swap3A_264, %swap3A_265] {strides = array<i32>} : memref<64x128xi32, #tpu.memory_space<vmem>>, vector<16xi32>,
        tpu.vector_store %arg11[%swap3A_264, %swap3A_265], %bitcast3A_263 {strides = array<i32>} : memref<64x128xi32, #tpu.memory_space<vmem>>, vector<16xi32>,
        %get3A_267 = arith.index_cast %scan3A_242 : i32 to index
        %get3A_268 = arith.constant 32 : index
        %get3A_269 = tpu.vector_load %arg11[%get3A_267, %get3A_268] {strides = array<i32>} : memref<64x128xi32, #tpu.memory_space<vmem>>, vector<16xi32>,
        %bitcast3A_270 = vector.bitcast %get3A_269 : vector<16xi32> to vector<32xbf16>
        %get3A_271 = arith.index_cast %scan3A_242 : i32 to index
        %get3A_272 = arith.constant 32 : index
        %get3A_273 = tpu.vector_load %arg12[%get3A_271, %get3A_272] {strides = array<i32>} : memref<64x128xi32, #tpu.memory_space<vmem>>, vector<16xi32>,
        %bitcast3A_274 = vector.bitcast %get3A_273 : vector<16xi32> to vector<32xbf16>
        %add3A_275 = arith.addf %bitcast3A_270, %bitcast3A_274 : vector<32xbf16>
        %bitcast3A_276 = vector.bitcast %add3A_275 : vector<32xbf16> to vector<16xi32>
        %swap3A_277 = arith.index_cast %scan3A_242 : i32 to index
        %swap3A_278 = arith.constant 32 : index
        %swap3A_279 = tpu.vector_load %arg11[%swap3A_277, %swap3A_278] {strides = array<i32>} : memref<64x128xi32, #tpu.memory_space<vmem>>, vector<16xi32>,
        tpu.vector_store %arg11[%swap3A_277, %swap3A_278], %bitcast3A_276 {strides = array<i32>} : memref<64x128xi32, #tpu.memory_space<vmem>>, vector<16xi32>,
        %get3A_280 = arith.index_cast %scan3A_242 : i32 to index
        %get3A_281 = arith.constant 48 : index
        %get3A_282 = tpu.vector_load %arg11[%get3A_280, %get3A_281] {strides = array<i32>} : memref<64x128xi32, #tpu.memory_space<vmem>>, vector<16xi32>,
        %bitcast3A_283 = vector.bitcast %get3A_282 : vector<16xi32> to vector<32xbf16>
        %get3A_284 = arith.index_cast %scan3A_242 : i32 to index
        %get3A_285 = arith.constant 48 : index
        %get3A_286 = tpu.vector_load %arg12[%get3A_284, %get3A_285] {strides = array<i32>} : memref<64x128xi32, #tpu.memory_space<vmem>>, vector<16xi32>,
        %bitcast3A_287 = vector.bitcast %get3A_286 : vector<16xi32> to vector<32xbf16>
        %add3A_288 = arith.addf %bitcast3A_283, %bitcast3A_287 : vector<32xbf16>
        %bitcast3A_289 = vector.bitcast %add3A_288 : vector<32xbf16> to vector<16xi32>
        %swap3A_290 = arith.index_cast %scan3A_242 : i32 to index
        %swap3A_291 = arith.constant 48 : index
        %swap3A_292 = tpu.vector_load %arg11[%swap3A_290, %swap3A_291] {strides = array<i32>} : memref<64x128xi32, #tpu.memory_space<vmem>>, vector<16xi32>,
        tpu.vector_store %arg11[%swap3A_290, %swap3A_291], %bitcast3A_289 {strides = array<i32>} : memref<64x128xi32, #tpu.memory_space<vmem>>, vector<16xi32>,
        %get3A_293 = arith.index_cast %scan3A_242 : i32 to index
        %get3A_294 = arith.constant 64 : index
        %get3A_295 = tpu.vector_load %arg11[%get3A_293, %get3A_294] {strides = array<i32>} : memref<64x128xi32, #tpu.memory_space<vmem>>, vector<16xi32>,
        %bitcast3A_296 = vector.bitcast %get3A_295 : vector<16xi32> to vector<32xbf16>
        %get3A_297 = arith.index_cast %scan3A_242 : i32 to index
        %get3A_298 = arith.constant 64 : index
        %get3A_299 = tpu.vector_load %arg12[%get3A_297, %get3A_298] {strides = array<i32>} : memref<64x128xi32, #tpu.memory_space<vmem>>, vector<16xi32>,
        %bitcast3A_300 = vector.bitcast %get3A_299 : vector<16xi32> to vector<32xbf16>
        %add3A_301 = arith.addf %bitcast3A_296, %bitcast3A_300 : vector<32xbf16>
        %bitcast3A_302 = vector.bitcast %add3A_301 : vector<32xbf16> to vector<16xi32>
        %swap3A_303 = arith.index_cast %scan3A_242 : i32 to index
        %swap3A_304 = arith.constant 64 : index
        %swap3A_305 = tpu.vector_load %arg11[%swap3A_303, %swap3A_304] {strides = array<i32>} : memref<64x128xi32, #tpu.memory_space<vmem>>, vector<16xi32>,
        tpu.vector_store %arg11[%swap3A_303, %swap3A_304], %bitcast3A_302 {strides = array<i32>} : memref<64x128xi32, #tpu.memory_space<vmem>>, vector<16xi32>,
        %get3A_306 = arith.index_cast %scan3A_242 : i32 to index
        %get3A_307 = arith.constant 80 : index
        %get3A_308 = tpu.vector_load %arg11[%get3A_306, %get3A_307] {strides = array<i32>} : memref<64x128xi32, #tpu.memory_space<vmem>>, vector<16xi32>,
        %bitcast3A_309 = vector.bitcast %get3A_308 : vector<16xi32> to vector<32xbf16>
        %get3A_310 = arith.index_cast %scan3A_242 : i32 to index
        %get3A_311 = arith.constant 80 : index
        %get3A_312 = tpu.vector_load %arg12[%get3A_310, %get3A_311] {strides = array<i32>} : memref<64x128xi32, #tpu.memory_space<vmem>>, vector<16xi32>,
        %bitcast3A_313 = vector.bitcast %get3A_312 : vector<16xi32> to vector<32xbf16>
        %add3A_314 = arith.addf %bitcast3A_309, %bitcast3A_313 : vector<32xbf16>
        %bitcast3A_315 = vector.bitcast %add3A_314 : vector<32xbf16> to vector<16xi32>
        %swap3A_316 = arith.index_cast %scan3A_242 : i32 to index
        %swap3A_317 = arith.constant 80 : index
        %swap3A_318 = tpu.vector_load %arg11[%swap3A_316, %swap3A_317] {strides = array<i32>} : memref<64x128xi32, #tpu.memory_space<vmem>>, vector<16xi32>,
        tpu.vector_store %arg11[%swap3A_316, %swap3A_317], %bitcast3A_315 {strides = array<i32>} : memref<64x128xi32, #tpu.memory_space<vmem>>, vector<16xi32>,
        %get3A_319 = arith.index_cast %scan3A_242 : i32 to index
        %get3A_320 = arith.constant 96 : index
        %get3A_321 = tpu.vector_load %arg11[%get3A_319, %get3A_320] {strides = array<i32>} : memref<64x128xi32, #tpu.memory_space<vmem>>, vector<16xi32>,
        %bitcast3A_322 = vector.bitcast %get3A_321 : vector<16xi32> to vector<32xbf16>
        %get3A_323 = arith.index_cast %scan3A_242 : i32 to index
        %get3A_324 = arith.constant 96 : index
        %get3A_325 = tpu.vector_load %arg12[%get3A_323, %get3A_324] {strides = array<i32>} : memref<64x128xi32, #tpu.memory_space<vmem>>, vector<16xi32>,
        %bitcast3A_326 = vector.bitcast %get3A_325 : vector<16xi32> to vector<32xbf16>
        %add3A_327 = arith.addf %bitcast3A_322, %bitcast3A_326 : vector<32xbf16>
        %bitcast3A_328 = vector.bitcast %add3A_327 : vector<32xbf16> to vector<16xi32>
        %swap3A_329 = arith.index_cast %scan3A_242 : i32 to index
        %swap3A_330 = arith.constant 96 : index
        %swap3A_331 = tpu.vector_load %arg11[%swap3A_329, %swap3A_330] {strides = array<i32>} : memref<64x128xi32, #tpu.memory_space<vmem>>, vector<16xi32>,
        tpu.vector_store %arg11[%swap3A_329, %swap3A_330], %bitcast3A_328 {strides = array<i32>} : memref<64x128xi32, #tpu.memory_space<vmem>>, vector<16xi32>,
        %get3A_332 = arith.index_cast %scan3A_242 : i32 to index
        %get3A_333 = arith.constant 112 : index
        %get3A_334 = tpu.vector_load %arg11[%get3A_332, %get3A_333] {strides = array<i32>} : memref<64x128xi32, #tpu.memory_space<vmem>>, vector<16xi32>,
        %bitcast3A_335 = vector.bitcast %get3A_334 : vector<16xi32> to vector<32xbf16>
        %get3A_336 = arith.index_cast %scan3A_242 : i32 to index
        %get3A_337 = arith.constant 112 : index
        %get3A_338 = tpu.vector_load %arg12[%get3A_336, %get3A_337] {strides = array<i32>} : memref<64x128xi32, #tpu.memory_space<vmem>>, vector<16xi32>,
        %bitcast3A_339 = vector.bitcast %get3A_338 : vector<16xi32> to vector<32xbf16>
        %add3A_340 = arith.addf %bitcast3A_335, %bitcast3A_339 : vector<32xbf16>
        %bitcast3A_341 = vector.bitcast %add3A_340 : vector<32xbf16> to vector<16xi32>
        %swap3A_342 = arith.index_cast %scan3A_242 : i32 to index
        %swap3A_343 = arith.constant 112 : index
        %swap3A_344 = tpu.vector_load %arg11[%swap3A_342, %swap3A_343] {strides = array<i32>} : memref<64x128xi32, #tpu.memory_space<vmem>>, vector<16xi32>,
        tpu.vector_store %arg11[%swap3A_342, %swap3A_343], %bitcast3A_341 {strides = array<i32>} : memref<64x128xi32, #tpu.memory_space<vmem>>, vector<16xi32>,
        %scan3A_345 = arith.constant 0 : i32
        scf.yield %scan3A_345 : i32
      }
      %scan3A_204 = arith.constant 64 : i32
      %mul3A_205 = arith.constant 2 : i32
      %mul3A_206 = arith.muli %mul3A_205, %while3A_129 : i32
      %add3A_207 = arith.addi %add3A_7, %mul3A_206 : i32
      %add3A_208 = arith.constant 1 : i32
      %add3A_209 = arith.addi %add3A_207, %add3A_208 : i32
      %mul3A_210 = arith.constant 64 : i32
      %mul3A_211 = arith.muli %add3A_209, %mul3A_210 : i32
      %dma_start3A_212 = arith.constant 0 : i32
      %dma_start3A_213 = tpu.memref_slice %arg6[%mul3A_211, %dma_start3A_212] : memref<327680x128xi32, #tpu.memory_space<hbm>> -> memref<64x128xi32, #tpu.memory_space<hbm>>
      %dma_start3A_214 = arith.constant 0 : i32
      %dma_start3A_215 = tpu.memref_slice %arg6[%mul3A_211, %dma_start3A_214] : memref<327680x128xi32, #tpu.memory_space<hbm>> -> memref<64x128xi32, #tpu.memory_space<hbm>>
      tpu.enqueue_dma source(%arg11 : memref<64x128xi32, #tpu.memory_space<vmem>>) target(%dma_start3A_215 : memref<64x128xi32, #tpu.memory_space<hbm>>) target_semaphore(%arg18 : memref<!tpu.dma_semaphore, #tpu.memory_space<semaphore_mem>>)
      %mul3A_216 = arith.constant 2 : i32
      %mul3A_217 = arith.muli %mul3A_216, %while3A_129 : i32
      %add3A_218 = arith.addi %add3A_7, %mul3A_217 : i32
      %add3A_219 = arith.constant 1 : i32
      %add3A_220 = arith.addi %add3A_218, %add3A_219 : i32
      %mul3A_221 = arith.constant 64 : i32
      %mul3A_222 = arith.muli %add3A_220, %mul3A_221 : i32
      %dma_wait3A_223 = arith.constant 0 : i32
      %dma_wait3A_224 = tpu.memref_slice %arg6[%mul3A_222, %dma_wait3A_223] : memref<327680x128xi32, #tpu.memory_space<hbm>> -> memref<64x128xi32, #tpu.memory_space<hbm>>
      %dma_wait3A_225 = arith.constant 0 : i32
      %dma_wait3A_226 = tpu.memref_slice %arg6[%mul3A_222, %dma_wait3A_225] : memref<327680x128xi32, #tpu.memory_space<hbm>> -> memref<64x128xi32, #tpu.memory_space<hbm>>
      tpu.wait_dma2 semaphore(%arg18 : memref<!tpu.dma_semaphore, #tpu.memory_space<semaphore_mem>>) src(%arg11 : memref<64x128xi32, #tpu.memory_space<vmem>>) dst(%dma_wait3A_226 : memref<64x128xi32, #tpu.memory_space<hbm>>)
      %add3A_227 = arith.constant 1 : i32
      %add3A_228 = arith.addi %while3A_129, %add3A_227 : i32
      %dma_start3A_229 = arith.constant 64 : i32
      %dma_start3A_230 = tpu.memref_slice %arg7[%add3A_228, %dma_start3A_229] : memref<112x128xi32, #tpu.memory_space<vmem>> -> memref<1x64xi32, #tpu.memory_space<vmem>>
      %dma_start3A_231 = tpu.memref_squeeze %dma_start3A_230 : memref<1x64xi32, #tpu.memory_space<vmem>> -> memref<64xi32, #tpu.memory_space<vmem>>
      %dma_start3A_232 = arith.constant 0 : i32
      %dma_start3A_233 = arith.constant 0 : i32
      %dma_start3A_234 = tpu.memref_slice %arg2[%dma_start3A_232, %dma_start3A_233] : memref<10000x128xi32, #tpu.memory_space<hbm>> -> memref<10000x128xi32, #tpu.memory_space<hbm>>
      tpu.enqueue_indirect_dma source(%dma_start3A_234 : memref<10000x128xi32, #tpu.memory_space<hbm>>) target(%arg11 : memref<64x128xi32, #tpu.memory_space<vmem>>) offsets(%dma_start3A_231 : memref<64xi32, #tpu.memory_space<vmem>>) semaphore(%arg15 : memref<!tpu.dma_semaphore, #tpu.memory_space<semaphore_mem>>)
      %dma_start3A_235 = arith.constant 64 : i32
      %dma_start3A_236 = tpu.memref_slice %arg8[%add3A_228, %dma_start3A_235] : memref<112x128xi32, #tpu.memory_space<vmem>> -> memref<1x64xi32, #tpu.memory_space<vmem>>
      %dma_start3A_237 = tpu.memref_squeeze %dma_start3A_236 : memref<1x64xi32, #tpu.memory_space<vmem>> -> memref<64xi32, #tpu.memory_space<vmem>>
      %dma_start3A_238 = arith.constant 0 : i32
      %dma_start3A_239 = arith.constant 0 : i32
      %dma_start3A_240 = tpu.memref_slice %arg3[%dma_start3A_238, %dma_start3A_239] : memref<10000x128xi32, #tpu.memory_space<hbm>> -> memref<10000x128xi32, #tpu.memory_space<hbm>>
      tpu.enqueue_indirect_dma source(%dma_start3A_240 : memref<10000x128xi32, #tpu.memory_space<hbm>>) target(%arg12 : memref<64x128xi32, #tpu.memory_space<vmem>>) offsets(%dma_start3A_237 : memref<64xi32, #tpu.memory_space<vmem>>) semaphore(%arg16 : memref<!tpu.dma_semaphore, #tpu.memory_space<semaphore_mem>>)
      %while3A_241 = arith.constant 0 : i32
      scf.yield %while3A_241 : i32
    }
    %sub3A_47 = arith.constant 1 : i32
    %sub3A_48 = arith.subi %select_n3A, %sub3A_47 : i32
    %dma_wait3A = arith.constant 0 : i32
    %dma_wait3A_49 = tpu.memref_slice %arg7[%sub3A_48, %dma_wait3A] : memref<112x128xi32, #tpu.memory_space<vmem>> -> memref<1x64xi32, #tpu.memory_space<vmem>>
    %dma_wait3A_50 = tpu.memref_squeeze %dma_wait3A_49 : memref<1x64xi32, #tpu.memory_space<vmem>> -> memref<64xi32, #tpu.memory_space<vmem>>
    %dma_wait3A_51 = arith.constant 0 : i32
    %dma_wait3A_52 = arith.constant 0 : i32
    %dma_wait3A_53 = tpu.memref_slice %arg2[%dma_wait3A_51, %dma_wait3A_52] : memref<10000x128xi32, #tpu.memory_space<hbm>> -> memref<10000x128xi32, #tpu.memory_space<hbm>>
    tpu.wait_indirect_dma semaphore(%arg13 : memref<!tpu.dma_semaphore, #tpu.memory_space<semaphore_mem>>) src(%dma_wait3A_53 : memref<10000x128xi32, #tpu.memory_space<hbm>>) dst(%arg9 : memref<64x128xi32, #tpu.memory_space<vmem>>)
    %dma_wait3A_54 = arith.constant 0 : i32
    %dma_wait3A_55 = tpu.memref_slice %arg8[%sub3A_48, %dma_wait3A_54] : memref<112x128xi32, #tpu.memory_space<vmem>> -> memref<1x64xi32, #tpu.memory_space<vmem>>
    %dma_wait3A_56 = tpu.memref_squeeze %dma_wait3A_55 : memref<1x64xi32, #tpu.memory_space<vmem>> -> memref<64xi32, #tpu.memory_space<vmem>>
    %dma_wait3A_57 = arith.constant 0 : i32
    %dma_wait3A_58 = arith.constant 0 : i32
    %dma_wait3A_59 = tpu.memref_slice %arg3[%dma_wait3A_57, %dma_wait3A_58] : memref<10000x128xi32, #tpu.memory_space<hbm>> -> memref<10000x128xi32, #tpu.memory_space<hbm>>
    tpu.wait_indirect_dma semaphore(%arg14 : memref<!tpu.dma_semaphore, #tpu.memory_space<semaphore_mem>>) src(%dma_wait3A_59 : memref<10000x128xi32, #tpu.memory_space<hbm>>) dst(%arg10 : memref<64x128xi32, #tpu.memory_space<vmem>>)
    %scan3A = arith.constant 0 : i32
    %scan3A_60 = arith.constant 0 : i32
    %scan3A_61 = arith.constant 64 : i32
    %scan3A_62 = arith.addi %scan3A_60, %scan3A_61 : i32
    %scan3A_63 = arith.constant 1 : i32
    %scan3A_64 = scf.for %scan3A_129 = %scan3A_60 to %scan3A_62 step %scan3A_63 iter_args(%scan3A_130 = %scan3A) -> (i32)  : i32 {
      %get3A = arith.index_cast %scan3A_129 : i32 to index
      %get3A_131 = arith.constant 0 : index
      %get3A_132 = tpu.vector_load %arg9[%get3A, %get3A_131] {strides = array<i32>} : memref<64x128xi32, #tpu.memory_space<vmem>>, vector<16xi32>,
      %bitcast3A = vector.bitcast %get3A_132 : vector<16xi32> to vector<32xbf16>
      %get3A_133 = arith.index_cast %scan3A_129 : i32 to index
      %get3A_134 = arith.constant 0 : index
      %get3A_135 = tpu.vector_load %arg10[%get3A_133, %get3A_134] {strides = array<i32>} : memref<64x128xi32, #tpu.memory_space<vmem>>, vector<16xi32>,
      %bitcast3A_136 = vector.bitcast %get3A_135 : vector<16xi32> to vector<32xbf16>
      %add3A_137 = arith.addf %bitcast3A, %bitcast3A_136 : vector<32xbf16>
      %bitcast3A_138 = vector.bitcast %add3A_137 : vector<32xbf16> to vector<16xi32>
      %swap3A = arith.index_cast %scan3A_129 : i32 to index
      %swap3A_139 = arith.constant 0 : index
      %swap3A_140 = tpu.vector_load %arg9[%swap3A, %swap3A_139] {strides = array<i32>} : memref<64x128xi32, #tpu.memory_space<vmem>>, vector<16xi32>,
      tpu.vector_store %arg9[%swap3A, %swap3A_139], %bitcast3A_138 {strides = array<i32>} : memref<64x128xi32, #tpu.memory_space<vmem>>, vector<16xi32>,
      %get3A_141 = arith.index_cast %scan3A_129 : i32 to index
      %get3A_142 = arith.constant 16 : index
      %get3A_143 = tpu.vector_load %arg9[%get3A_141, %get3A_142] {strides = array<i32>} : memref<64x128xi32, #tpu.memory_space<vmem>>, vector<16xi32>,
      %bitcast3A_144 = vector.bitcast %get3A_143 : vector<16xi32> to vector<32xbf16>
      %get3A_145 = arith.index_cast %scan3A_129 : i32 to index
      %get3A_146 = arith.constant 16 : index
      %get3A_147 = tpu.vector_load %arg10[%get3A_145, %get3A_146] {strides = array<i32>} : memref<64x128xi32, #tpu.memory_space<vmem>>, vector<16xi32>,
      %bitcast3A_148 = vector.bitcast %get3A_147 : vector<16xi32> to vector<32xbf16>
      %add3A_149 = arith.addf %bitcast3A_144, %bitcast3A_148 : vector<32xbf16>
      %bitcast3A_150 = vector.bitcast %add3A_149 : vector<32xbf16> to vector<16xi32>
      %swap3A_151 = arith.index_cast %scan3A_129 : i32 to index
      %swap3A_152 = arith.constant 16 : index
      %swap3A_153 = tpu.vector_load %arg9[%swap3A_151, %swap3A_152] {strides = array<i32>} : memref<64x128xi32, #tpu.memory_space<vmem>>, vector<16xi32>,
      tpu.vector_store %arg9[%swap3A_151, %swap3A_152], %bitcast3A_150 {strides = array<i32>} : memref<64x128xi32, #tpu.memory_space<vmem>>, vector<16xi32>,
      %get3A_154 = arith.index_cast %scan3A_129 : i32 to index
      %get3A_155 = arith.constant 32 : index
      %get3A_156 = tpu.vector_load %arg9[%get3A_154, %get3A_155] {strides = array<i32>} : memref<64x128xi32, #tpu.memory_space<vmem>>, vector<16xi32>,
      %bitcast3A_157 = vector.bitcast %get3A_156 : vector<16xi32> to vector<32xbf16>
      %get3A_158 = arith.index_cast %scan3A_129 : i32 to index
      %get3A_159 = arith.constant 32 : index
      %get3A_160 = tpu.vector_load %arg10[%get3A_158, %get3A_159] {strides = array<i32>} : memref<64x128xi32, #tpu.memory_space<vmem>>, vector<16xi32>,
      %bitcast3A_161 = vector.bitcast %get3A_160 : vector<16xi32> to vector<32xbf16>
      %add3A_162 = arith.addf %bitcast3A_157, %bitcast3A_161 : vector<32xbf16>
      %bitcast3A_163 = vector.bitcast %add3A_162 : vector<32xbf16> to vector<16xi32>
      %swap3A_164 = arith.index_cast %scan3A_129 : i32 to index
      %swap3A_165 = arith.constant 32 : index
      %swap3A_166 = tpu.vector_load %arg9[%swap3A_164, %swap3A_165] {strides = array<i32>} : memref<64x128xi32, #tpu.memory_space<vmem>>, vector<16xi32>,
      tpu.vector_store %arg9[%swap3A_164, %swap3A_165], %bitcast3A_163 {strides = array<i32>} : memref<64x128xi32, #tpu.memory_space<vmem>>, vector<16xi32>,
      %get3A_167 = arith.index_cast %scan3A_129 : i32 to index
      %get3A_168 = arith.constant 48 : index
      %get3A_169 = tpu.vector_load %arg9[%get3A_167, %get3A_168] {strides = array<i32>} : memref<64x128xi32, #tpu.memory_space<vmem>>, vector<16xi32>,
      %bitcast3A_170 = vector.bitcast %get3A_169 : vector<16xi32> to vector<32xbf16>
      %get3A_171 = arith.index_cast %scan3A_129 : i32 to index
      %get3A_172 = arith.constant 48 : index
      %get3A_173 = tpu.vector_load %arg10[%get3A_171, %get3A_172] {strides = array<i32>} : memref<64x128xi32, #tpu.memory_space<vmem>>, vector<16xi32>,
      %bitcast3A_174 = vector.bitcast %get3A_173 : vector<16xi32> to vector<32xbf16>
      %add3A_175 = arith.addf %bitcast3A_170, %bitcast3A_174 : vector<32xbf16>
      %bitcast3A_176 = vector.bitcast %add3A_175 : vector<32xbf16> to vector<16xi32>
      %swap3A_177 = arith.index_cast %scan3A_129 : i32 to index
      %swap3A_178 = arith.constant 48 : index
      %swap3A_179 = tpu.vector_load %arg9[%swap3A_177, %swap3A_178] {strides = array<i32>} : memref<64x128xi32, #tpu.memory_space<vmem>>, vector<16xi32>,
      tpu.vector_store %arg9[%swap3A_177, %swap3A_178], %bitcast3A_176 {strides = array<i32>} : memref<64x128xi32, #tpu.memory_space<vmem>>, vector<16xi32>,
      %get3A_180 = arith.index_cast %scan3A_129 : i32 to index
      %get3A_181 = arith.constant 64 : index
      %get3A_182 = tpu.vector_load %arg9[%get3A_180, %get3A_181] {strides = array<i32>} : memref<64x128xi32, #tpu.memory_space<vmem>>, vector<16xi32>,
      %bitcast3A_183 = vector.bitcast %get3A_182 : vector<16xi32> to vector<32xbf16>
      %get3A_184 = arith.index_cast %scan3A_129 : i32 to index
      %get3A_185 = arith.constant 64 : index
      %get3A_186 = tpu.vector_load %arg10[%get3A_184, %get3A_185] {strides = array<i32>} : memref<64x128xi32, #tpu.memory_space<vmem>>, vector<16xi32>,
      %bitcast3A_187 = vector.bitcast %get3A_186 : vector<16xi32> to vector<32xbf16>
      %add3A_188 = arith.addf %bitcast3A_183, %bitcast3A_187 : vector<32xbf16>
      %bitcast3A_189 = vector.bitcast %add3A_188 : vector<32xbf16> to vector<16xi32>
      %swap3A_190 = arith.index_cast %scan3A_129 : i32 to index
      %swap3A_191 = arith.constant 64 : index
      %swap3A_192 = tpu.vector_load %arg9[%swap3A_190, %swap3A_191] {strides = array<i32>} : memref<64x128xi32, #tpu.memory_space<vmem>>, vector<16xi32>,
      tpu.vector_store %arg9[%swap3A_190, %swap3A_191], %bitcast3A_189 {strides = array<i32>} : memref<64x128xi32, #tpu.memory_space<vmem>>, vector<16xi32>,
      %get3A_193 = arith.index_cast %scan3A_129 : i32 to index
      %get3A_194 = arith.constant 80 : index
      %get3A_195 = tpu.vector_load %arg9[%get3A_193, %get3A_194] {strides = array<i32>} : memref<64x128xi32, #tpu.memory_space<vmem>>, vector<16xi32>,
      %bitcast3A_196 = vector.bitcast %get3A_195 : vector<16xi32> to vector<32xbf16>
      %get3A_197 = arith.index_cast %scan3A_129 : i32 to index
      %get3A_198 = arith.constant 80 : index
      %get3A_199 = tpu.vector_load %arg10[%get3A_197, %get3A_198] {strides = array<i32>} : memref<64x128xi32, #tpu.memory_space<vmem>>, vector<16xi32>,
      %bitcast3A_200 = vector.bitcast %get3A_199 : vector<16xi32> to vector<32xbf16>
      %add3A_201 = arith.addf %bitcast3A_196, %bitcast3A_200 : vector<32xbf16>
      %bitcast3A_202 = vector.bitcast %add3A_201 : vector<32xbf16> to vector<16xi32>
      %swap3A_203 = arith.index_cast %scan3A_129 : i32 to index
      %swap3A_204 = arith.constant 80 : index
      %swap3A_205 = tpu.vector_load %arg9[%swap3A_203, %swap3A_204] {strides = array<i32>} : memref<64x128xi32, #tpu.memory_space<vmem>>, vector<16xi32>,
      tpu.vector_store %arg9[%swap3A_203, %swap3A_204], %bitcast3A_202 {strides = array<i32>} : memref<64x128xi32, #tpu.memory_space<vmem>>, vector<16xi32>,
      %get3A_206 = arith.index_cast %scan3A_129 : i32 to index
      %get3A_207 = arith.constant 96 : index
      %get3A_208 = tpu.vector_load %arg9[%get3A_206, %get3A_207] {strides = array<i32>} : memref<64x128xi32, #tpu.memory_space<vmem>>, vector<16xi32>,
      %bitcast3A_209 = vector.bitcast %get3A_208 : vector<16xi32> to vector<32xbf16>
      %get3A_210 = arith.index_cast %scan3A_129 : i32 to index
      %get3A_211 = arith.constant 96 : index
      %get3A_212 = tpu.vector_load %arg10[%get3A_210, %get3A_211] {strides = array<i32>} : memref<64x128xi32, #tpu.memory_space<vmem>>, vector<16xi32>,
      %bitcast3A_213 = vector.bitcast %get3A_212 : vector<16xi32> to vector<32xbf16>
      %add3A_214 = arith.addf %bitcast3A_209, %bitcast3A_213 : vector<32xbf16>
      %bitcast3A_215 = vector.bitcast %add3A_214 : vector<32xbf16> to vector<16xi32>
      %swap3A_216 = arith.index_cast %scan3A_129 : i32 to index
      %swap3A_217 = arith.constant 96 : index
      %swap3A_218 = tpu.vector_load %arg9[%swap3A_216, %swap3A_217] {strides = array<i32>} : memref<64x128xi32, #tpu.memory_space<vmem>>, vector<16xi32>,
      tpu.vector_store %arg9[%swap3A_216, %swap3A_217], %bitcast3A_215 {strides = array<i32>} : memref<64x128xi32, #tpu.memory_space<vmem>>, vector<16xi32>,
      %get3A_219 = arith.index_cast %scan3A_129 : i32 to index
      %get3A_220 = arith.constant 112 : index
      %get3A_221 = tpu.vector_load %arg9[%get3A_219, %get3A_220] {strides = array<i32>} : memref<64x128xi32, #tpu.memory_space<vmem>>, vector<16xi32>,
      %bitcast3A_222 = vector.bitcast %get3A_221 : vector<16xi32> to vector<32xbf16>
      %get3A_223 = arith.index_cast %scan3A_129 : i32 to index
      %get3A_224 = arith.constant 112 : index
      %get3A_225 = tpu.vector_load %arg10[%get3A_223, %get3A_224] {strides = array<i32>} : memref<64x128xi32, #tpu.memory_space<vmem>>, vector<16xi32>,
      %bitcast3A_226 = vector.bitcast %get3A_225 : vector<16xi32> to vector<32xbf16>
      %add3A_227 = arith.addf %bitcast3A_222, %bitcast3A_226 : vector<32xbf16>
      %bitcast3A_228 = vector.bitcast %add3A_227 : vector<32xbf16> to vector<16xi32>
      %swap3A_229 = arith.index_cast %scan3A_129 : i32 to index
      %swap3A_230 = arith.constant 112 : index
      %swap3A_231 = tpu.vector_load %arg9[%swap3A_229, %swap3A_230] {strides = array<i32>} : memref<64x128xi32, #tpu.memory_space<vmem>>, vector<16xi32>,
      tpu.vector_store %arg9[%swap3A_229, %swap3A_230], %bitcast3A_228 {strides = array<i32>} : memref<64x128xi32, #tpu.memory_space<vmem>>, vector<16xi32>,
      %scan3A_232 = arith.constant 0 : i32
      scf.yield %scan3A_232 : i32
    }
    %scan3A_65 = arith.constant 64 : i32
    %mul3A_66 = arith.constant 2 : i32
    %mul3A_67 = arith.muli %mul3A_66, %sub3A_48 : i32
    %add3A_68 = arith.addi %add3A_7, %mul3A_67 : i32
    %add3A_69 = arith.constant 0 : i32
    %add3A_70 = arith.addi %add3A_68, %add3A_69 : i32
    %mul3A_71 = arith.constant 64 : i32
    %mul3A_72 = arith.muli %add3A_70, %mul3A_71 : i32
    %dma_start3A_73 = arith.constant 0 : i32
    %dma_start3A_74 = tpu.memref_slice %arg6[%mul3A_72, %dma_start3A_73] : memref<327680x128xi32, #tpu.memory_space<hbm>> -> memref<64x128xi32, #tpu.memory_space<hbm>>
    %dma_start3A_75 = arith.constant 0 : i32
    %dma_start3A_76 = tpu.memref_slice %arg6[%mul3A_72, %dma_start3A_75] : memref<327680x128xi32, #tpu.memory_space<hbm>> -> memref<64x128xi32, #tpu.memory_space<hbm>>
    tpu.enqueue_dma source(%arg9 : memref<64x128xi32, #tpu.memory_space<vmem>>) target(%dma_start3A_76 : memref<64x128xi32, #tpu.memory_space<hbm>>) target_semaphore(%arg17 : memref<!tpu.dma_semaphore, #tpu.memory_space<semaphore_mem>>)
    %mul3A_77 = arith.constant 2 : i32
    %mul3A_78 = arith.muli %mul3A_77, %sub3A_48 : i32
    %add3A_79 = arith.addi %add3A_7, %mul3A_78 : i32
    %add3A_80 = arith.constant 0 : i32
    %add3A_81 = arith.addi %add3A_79, %add3A_80 : i32
    %mul3A_82 = arith.constant 64 : i32
    %mul3A_83 = arith.muli %add3A_81, %mul3A_82 : i32
    %dma_wait3A_84 = arith.constant 0 : i32
    %dma_wait3A_85 = tpu.memref_slice %arg6[%mul3A_83, %dma_wait3A_84] : memref<327680x128xi32, #tpu.memory_space<hbm>> -> memref<64x128xi32, #tpu.memory_space<hbm>>
    %dma_wait3A_86 = arith.constant 0 : i32
    %dma_wait3A_87 = tpu.memref_slice %arg6[%mul3A_83, %dma_wait3A_86] : memref<327680x128xi32, #tpu.memory_space<hbm>> -> memref<64x128xi32, #tpu.memory_space<hbm>>
    tpu.wait_dma2 semaphore(%arg17 : memref<!tpu.dma_semaphore, #tpu.memory_space<semaphore_mem>>) src(%arg9 : memref<64x128xi32, #tpu.memory_space<vmem>>) dst(%dma_wait3A_87 : memref<64x128xi32, #tpu.memory_space<hbm>>)
    %dma_wait3A_88 = arith.constant 64 : i32
    %dma_wait3A_89 = tpu.memref_slice %arg7[%sub3A_48, %dma_wait3A_88] : memref<112x128xi32, #tpu.memory_space<vmem>> -> memref<1x64xi32, #tpu.memory_space<vmem>>
    %dma_wait3A_90 = tpu.memref_squeeze %dma_wait3A_89 : memref<1x64xi32, #tpu.memory_space<vmem>> -> memref<64xi32, #tpu.memory_space<vmem>>
    %dma_wait3A_91 = arith.constant 0 : i32
    %dma_wait3A_92 = arith.constant 0 : i32
    %dma_wait3A_93 = tpu.memref_slice %arg2[%dma_wait3A_91, %dma_wait3A_92] : memref<10000x128xi32, #tpu.memory_space<hbm>> -> memref<10000x128xi32, #tpu.memory_space<hbm>>
    tpu.wait_indirect_dma semaphore(%arg15 : memref<!tpu.dma_semaphore, #tpu.memory_space<semaphore_mem>>) src(%dma_wait3A_93 : memref<10000x128xi32, #tpu.memory_space<hbm>>) dst(%arg11 : memref<64x128xi32, #tpu.memory_space<vmem>>)
    %dma_wait3A_94 = arith.constant 64 : i32
    %dma_wait3A_95 = tpu.memref_slice %arg8[%sub3A_48, %dma_wait3A_94] : memref<112x128xi32, #tpu.memory_space<vmem>> -> memref<1x64xi32, #tpu.memory_space<vmem>>
    %dma_wait3A_96 = tpu.memref_squeeze %dma_wait3A_95 : memref<1x64xi32, #tpu.memory_space<vmem>> -> memref<64xi32, #tpu.memory_space<vmem>>
    %dma_wait3A_97 = arith.constant 0 : i32
    %dma_wait3A_98 = arith.constant 0 : i32
    %dma_wait3A_99 = tpu.memref_slice %arg3[%dma_wait3A_97, %dma_wait3A_98] : memref<10000x128xi32, #tpu.memory_space<hbm>> -> memref<10000x128xi32, #tpu.memory_space<hbm>>
    tpu.wait_indirect_dma semaphore(%arg16 : memref<!tpu.dma_semaphore, #tpu.memory_space<semaphore_mem>>) src(%dma_wait3A_99 : memref<10000x128xi32, #tpu.memory_space<hbm>>) dst(%arg12 : memref<64x128xi32, #tpu.memory_space<vmem>>)
    %scan3A_100 = arith.constant 0 : i32
    %scan3A_101 = arith.constant 0 : i32
    %scan3A_102 = arith.constant 64 : i32
    %scan3A_103 = arith.addi %scan3A_101, %scan3A_102 : i32
    %scan3A_104 = arith.constant 1 : i32
    %scan3A_105 = scf.for %scan3A_129 = %scan3A_101 to %scan3A_103 step %scan3A_104 iter_args(%scan3A_130 = %scan3A_100) -> (i32)  : i32 {
      %get3A = arith.index_cast %scan3A_129 : i32 to index
      %get3A_131 = arith.constant 0 : index
      %get3A_132 = tpu.vector_load %arg11[%get3A, %get3A_131] {strides = array<i32>} : memref<64x128xi32, #tpu.memory_space<vmem>>, vector<16xi32>,
      %bitcast3A = vector.bitcast %get3A_132 : vector<16xi32> to vector<32xbf16>
      %get3A_133 = arith.index_cast %scan3A_129 : i32 to index
      %get3A_134 = arith.constant 0 : index
      %get3A_135 = tpu.vector_load %arg12[%get3A_133, %get3A_134] {strides = array<i32>} : memref<64x128xi32, #tpu.memory_space<vmem>>, vector<16xi32>,
      %bitcast3A_136 = vector.bitcast %get3A_135 : vector<16xi32> to vector<32xbf16>
      %add3A_137 = arith.addf %bitcast3A, %bitcast3A_136 : vector<32xbf16>
      %bitcast3A_138 = vector.bitcast %add3A_137 : vector<32xbf16> to vector<16xi32>
      %swap3A = arith.index_cast %scan3A_129 : i32 to index
      %swap3A_139 = arith.constant 0 : index
      %swap3A_140 = tpu.vector_load %arg11[%swap3A, %swap3A_139] {strides = array<i32>} : memref<64x128xi32, #tpu.memory_space<vmem>>, vector<16xi32>,
      tpu.vector_store %arg11[%swap3A, %swap3A_139], %bitcast3A_138 {strides = array<i32>} : memref<64x128xi32, #tpu.memory_space<vmem>>, vector<16xi32>,
      %get3A_141 = arith.index_cast %scan3A_129 : i32 to index
      %get3A_142 = arith.constant 16 : index
      %get3A_143 = tpu.vector_load %arg11[%get3A_141, %get3A_142] {strides = array<i32>} : memref<64x128xi32, #tpu.memory_space<vmem>>, vector<16xi32>,
      %bitcast3A_144 = vector.bitcast %get3A_143 : vector<16xi32> to vector<32xbf16>
      %get3A_145 = arith.index_cast %scan3A_129 : i32 to index
      %get3A_146 = arith.constant 16 : index
      %get3A_147 = tpu.vector_load %arg12[%get3A_145, %get3A_146] {strides = array<i32>} : memref<64x128xi32, #tpu.memory_space<vmem>>, vector<16xi32>,
      %bitcast3A_148 = vector.bitcast %get3A_147 : vector<16xi32> to vector<32xbf16>
      %add3A_149 = arith.addf %bitcast3A_144, %bitcast3A_148 : vector<32xbf16>
      %bitcast3A_150 = vector.bitcast %add3A_149 : vector<32xbf16> to vector<16xi32>
      %swap3A_151 = arith.index_cast %scan3A_129 : i32 to index
      %swap3A_152 = arith.constant 16 : index
      %swap3A_153 = tpu.vector_load %arg11[%swap3A_151, %swap3A_152] {strides = array<i32>} : memref<64x128xi32, #tpu.memory_space<vmem>>, vector<16xi32>,
      tpu.vector_store %arg11[%swap3A_151, %swap3A_152], %bitcast3A_150 {strides = array<i32>} : memref<64x128xi32, #tpu.memory_space<vmem>>, vector<16xi32>,
      %get3A_154 = arith.index_cast %scan3A_129 : i32 to index
      %get3A_155 = arith.constant 32 : index
      %get3A_156 = tpu.vector_load %arg11[%get3A_154, %get3A_155] {strides = array<i32>} : memref<64x128xi32, #tpu.memory_space<vmem>>, vector<16xi32>,
      %bitcast3A_157 = vector.bitcast %get3A_156 : vector<16xi32> to vector<32xbf16>
      %get3A_158 = arith.index_cast %scan3A_129 : i32 to index
      %get3A_159 = arith.constant 32 : index
      %get3A_160 = tpu.vector_load %arg12[%get3A_158, %get3A_159] {strides = array<i32>} : memref<64x128xi32, #tpu.memory_space<vmem>>, vector<16xi32>,
      %bitcast3A_161 = vector.bitcast %get3A_160 : vector<16xi32> to vector<32xbf16>
      %add3A_162 = arith.addf %bitcast3A_157, %bitcast3A_161 : vector<32xbf16>
      %bitcast3A_163 = vector.bitcast %add3A_162 : vector<32xbf16> to vector<16xi32>
      %swap3A_164 = arith.index_cast %scan3A_129 : i32 to index
      %swap3A_165 = arith.constant 32 : index
      %swap3A_166 = tpu.vector_load %arg11[%swap3A_164, %swap3A_165] {strides = array<i32>} : memref<64x128xi32, #tpu.memory_space<vmem>>, vector<16xi32>,
      tpu.vector_store %arg11[%swap3A_164, %swap3A_165], %bitcast3A_163 {strides = array<i32>} : memref<64x128xi32, #tpu.memory_space<vmem>>, vector<16xi32>,
      %get3A_167 = arith.index_cast %scan3A_129 : i32 to index
      %get3A_168 = arith.constant 48 : index
      %get3A_169 = tpu.vector_load %arg11[%get3A_167, %get3A_168] {strides = array<i32>} : memref<64x128xi32, #tpu.memory_space<vmem>>, vector<16xi32>,
      %bitcast3A_170 = vector.bitcast %get3A_169 : vector<16xi32> to vector<32xbf16>
      %get3A_171 = arith.index_cast %scan3A_129 : i32 to index
      %get3A_172 = arith.constant 48 : index
      %get3A_173 = tpu.vector_load %arg12[%get3A_171, %get3A_172] {strides = array<i32>} : memref<64x128xi32, #tpu.memory_space<vmem>>, vector<16xi32>,
      %bitcast3A_174 = vector.bitcast %get3A_173 : vector<16xi32> to vector<32xbf16>
      %add3A_175 = arith.addf %bitcast3A_170, %bitcast3A_174 : vector<32xbf16>
      %bitcast3A_176 = vector.bitcast %add3A_175 : vector<32xbf16> to vector<16xi32>
      %swap3A_177 = arith.index_cast %scan3A_129 : i32 to index
      %swap3A_178 = arith.constant 48 : index
      %swap3A_179 = tpu.vector_load %arg11[%swap3A_177, %swap3A_178] {strides = array<i32>} : memref<64x128xi32, #tpu.memory_space<vmem>>, vector<16xi32>,
      tpu.vector_store %arg11[%swap3A_177, %swap3A_178], %bitcast3A_176 {strides = array<i32>} : memref<64x128xi32, #tpu.memory_space<vmem>>, vector<16xi32>,
      %get3A_180 = arith.index_cast %scan3A_129 : i32 to index
      %get3A_181 = arith.constant 64 : index
      %get3A_182 = tpu.vector_load %arg11[%get3A_180, %get3A_181] {strides = array<i32>} : memref<64x128xi32, #tpu.memory_space<vmem>>, vector<16xi32>,
      %bitcast3A_183 = vector.bitcast %get3A_182 : vector<16xi32> to vector<32xbf16>
      %get3A_184 = arith.index_cast %scan3A_129 : i32 to index
      %get3A_185 = arith.constant 64 : index
      %get3A_186 = tpu.vector_load %arg12[%get3A_184, %get3A_185] {strides = array<i32>} : memref<64x128xi32, #tpu.memory_space<vmem>>, vector<16xi32>,
      %bitcast3A_187 = vector.bitcast %get3A_186 : vector<16xi32> to vector<32xbf16>
      %add3A_188 = arith.addf %bitcast3A_183, %bitcast3A_187 : vector<32xbf16>
      %bitcast3A_189 = vector.bitcast %add3A_188 : vector<32xbf16> to vector<16xi32>
      %swap3A_190 = arith.index_cast %scan3A_129 : i32 to index
      %swap3A_191 = arith.constant 64 : index
      %swap3A_192 = tpu.vector_load %arg11[%swap3A_190, %swap3A_191] {strides = array<i32>} : memref<64x128xi32, #tpu.memory_space<vmem>>, vector<16xi32>,
      tpu.vector_store %arg11[%swap3A_190, %swap3A_191], %bitcast3A_189 {strides = array<i32>} : memref<64x128xi32, #tpu.memory_space<vmem>>, vector<16xi32>,
      %get3A_193 = arith.index_cast %scan3A_129 : i32 to index
      %get3A_194 = arith.constant 80 : index
      %get3A_195 = tpu.vector_load %arg11[%get3A_193, %get3A_194] {strides = array<i32>} : memref<64x128xi32, #tpu.memory_space<vmem>>, vector<16xi32>,
      %bitcast3A_196 = vector.bitcast %get3A_195 : vector<16xi32> to vector<32xbf16>
      %get3A_197 = arith.index_cast %scan3A_129 : i32 to index
      %get3A_198 = arith.constant 80 : index
      %get3A_199 = tpu.vector_load %arg12[%get3A_197, %get3A_198] {strides = array<i32>} : memref<64x128xi32, #tpu.memory_space<vmem>>, vector<16xi32>,
      %bitcast3A_200 = vector.bitcast %get3A_199 : vector<16xi32> to vector<32xbf16>
      %add3A_201 = arith.addf %bitcast3A_196, %bitcast3A_200 : vector<32xbf16>
      %bitcast3A_202 = vector.bitcast %add3A_201 : vector<32xbf16> to vector<16xi32>
      %swap3A_203 = arith.index_cast %scan3A_129 : i32 to index
      %swap3A_204 = arith.constant 80 : index
      %swap3A_205 = tpu.vector_load %arg11[%swap3A_203, %swap3A_204] {strides = array<i32>} : memref<64x128xi32, #tpu.memory_space<vmem>>, vector<16xi32>,
      tpu.vector_store %arg11[%swap3A_203, %swap3A_204], %bitcast3A_202 {strides = array<i32>} : memref<64x128xi32, #tpu.memory_space<vmem>>, vector<16xi32>,
      %get3A_206 = arith.index_cast %scan3A_129 : i32 to index
      %get3A_207 = arith.constant 96 : index
      %get3A_208 = tpu.vector_load %arg11[%get3A_206, %get3A_207] {strides = array<i32>} : memref<64x128xi32, #tpu.memory_space<vmem>>, vector<16xi32>,
      %bitcast3A_209 = vector.bitcast %get3A_208 : vector<16xi32> to vector<32xbf16>
      %get3A_210 = arith.index_cast %scan3A_129 : i32 to index
      %get3A_211 = arith.constant 96 : index
      %get3A_212 = tpu.vector_load %arg12[%get3A_210, %get3A_211] {strides = array<i32>} : memref<64x128xi32, #tpu.memory_space<vmem>>, vector<16xi32>,
      %bitcast3A_213 = vector.bitcast %get3A_212 : vector<16xi32> to vector<32xbf16>
      %add3A_214 = arith.addf %bitcast3A_209, %bitcast3A_213 : vector<32xbf16>
      %bitcast3A_215 = vector.bitcast %add3A_214 : vector<32xbf16> to vector<16xi32>
      %swap3A_216 = arith.index_cast %scan3A_129 : i32 to index
      %swap3A_217 = arith.constant 96 : index
      %swap3A_218 = tpu.vector_load %arg11[%swap3A_216, %swap3A_217] {strides = array<i32>} : memref<64x128xi32, #tpu.memory_space<vmem>>, vector<16xi32>,
      tpu.vector_store %arg11[%swap3A_216, %swap3A_217], %bitcast3A_215 {strides = array<i32>} : memref<64x128xi32, #tpu.memory_space<vmem>>, vector<16xi32>,
      %get3A_219 = arith.index_cast %scan3A_129 : i32 to index
      %get3A_220 = arith.constant 112 : index
      %get3A_221 = tpu.vector_load %arg11[%get3A_219, %get3A_220] {strides = array<i32>} : memref<64x128xi32, #tpu.memory_space<vmem>>, vector<16xi32>,
      %bitcast3A_222 = vector.bitcast %get3A_221 : vector<16xi32> to vector<32xbf16>
      %get3A_223 = arith.index_cast %scan3A_129 : i32 to index
      %get3A_224 = arith.constant 112 : index
      %get3A_225 = tpu.vector_load %arg12[%get3A_223, %get3A_224] {strides = array<i32>} : memref<64x128xi32, #tpu.memory_space<vmem>>, vector<16xi32>,
      %bitcast3A_226 = vector.bitcast %get3A_225 : vector<16xi32> to vector<32xbf16>
      %add3A_227 = arith.addf %bitcast3A_222, %bitcast3A_226 : vector<32xbf16>
      %bitcast3A_228 = vector.bitcast %add3A_227 : vector<32xbf16> to vector<16xi32>
      %swap3A_229 = arith.index_cast %scan3A_129 : i32 to index
      %swap3A_230 = arith.constant 112 : index
      %swap3A_231 = tpu.vector_load %arg11[%swap3A_229, %swap3A_230] {strides = array<i32>} : memref<64x128xi32, #tpu.memory_space<vmem>>, vector<16xi32>,
      tpu.vector_store %arg11[%swap3A_229, %swap3A_230], %bitcast3A_228 {strides = array<i32>} : memref<64x128xi32, #tpu.memory_space<vmem>>, vector<16xi32>,
      %scan3A_232 = arith.constant 0 : i32
      scf.yield %scan3A_232 : i32
    }
    %scan3A_106 = arith.constant 64 : i32
    %mul3A_107 = arith.constant 2 : i32
    %mul3A_108 = arith.muli %mul3A_107, %sub3A_48 : i32
    %add3A_109 = arith.addi %add3A_7, %mul3A_108 : i32
    %add3A_110 = arith.constant 1 : i32
    %add3A_111 = arith.addi %add3A_109, %add3A_110 : i32
    %mul3A_112 = arith.constant 64 : i32
    %mul3A_113 = arith.muli %add3A_111, %mul3A_112 : i32
    %dma_start3A_114 = arith.constant 0 : i32
    %dma_start3A_115 = tpu.memref_slice %arg6[%mul3A_113, %dma_start3A_114] : memref<327680x128xi32, #tpu.memory_space<hbm>> -> memref<64x128xi32, #tpu.memory_space<hbm>>
    %dma_start3A_116 = arith.constant 0 : i32
    %dma_start3A_117 = tpu.memref_slice %arg6[%mul3A_113, %dma_start3A_116] : memref<327680x128xi32, #tpu.memory_space<hbm>> -> memref<64x128xi32, #tpu.memory_space<hbm>>
    tpu.enqueue_dma source(%arg11 : memref<64x128xi32, #tpu.memory_space<vmem>>) target(%dma_start3A_117 : memref<64x128xi32, #tpu.memory_space<hbm>>) target_semaphore(%arg18 : memref<!tpu.dma_semaphore, #tpu.memory_space<semaphore_mem>>)
    %mul3A_118 = arith.constant 2 : i32
    %mul3A_119 = arith.muli %mul3A_118, %sub3A_48 : i32
    %add3A_120 = arith.addi %add3A_7, %mul3A_119 : i32
    %add3A_121 = arith.constant 1 : i32
    %add3A_122 = arith.addi %add3A_120, %add3A_121 : i32
    %mul3A_123 = arith.constant 64 : i32
    %mul3A_124 = arith.muli %add3A_122, %mul3A_123 : i32
    %dma_wait3A_125 = arith.constant 0 : i32
    %dma_wait3A_126 = tpu.memref_slice %arg6[%mul3A_124, %dma_wait3A_125] : memref<327680x128xi32, #tpu.memory_space<hbm>> -> memref<64x128xi32, #tpu.memory_space<hbm>>
    %dma_wait3A_127 = arith.constant 0 : i32
    %dma_wait3A_128 = tpu.memref_slice %arg6[%mul3A_124, %dma_wait3A_127] : memref<327680x128xi32, #tpu.memory_space<hbm>> -> memref<64x128xi32, #tpu.memory_space<hbm>>
    tpu.wait_dma2 semaphore(%arg18 : memref<!tpu.dma_semaphore, #tpu.memory_space<semaphore_mem>>) src(%arg11 : memref<64x128xi32, #tpu.memory_space<vmem>>) dst(%dma_wait3A_128 : memref<64x128xi32, #tpu.memory_space<hbm>>)
    return
  }
}

#map = affine_map<(d0, d1) -> (0, 0)>
#map1 = affine_map<(d0, d1) -> (0, 0, 0)>
module attributes {stable_mosaic.version = 14 : i64} {
  func.func @sc_scatter(%arg0: i32, %arg1: i32, %arg2: memref<327680x128xf32, #tpu.memory_space<hbm>>, %arg3: memref<32x80x128xi32, #tpu.memory_space<hbm>>, %arg4: memref<632x128xf32, #tpu.memory_space<hbm>>, %arg5: memref<2x10112x128xf32, #tpu.memory_space<hbm>>, %arg6: memref<80x128xi32, #tpu.memory_space<vmem>>, %arg7: memref<128x128xf32, #tpu.memory_space<vmem>>, %arg8: memref<128x128xf32, #tpu.memory_space<vmem>>, %arg9: memref<10112x128xf32, #tpu.memory_space<vmem_shared>>, %arg10: memref<!tpu.dma_semaphore, #tpu.memory_space<semaphore_mem>>, %arg11: memref<!tpu.dma_semaphore, #tpu.memory_space<semaphore_mem>>, %arg12: memref<!tpu.dma_semaphore, #tpu.memory_space<semaphore_mem>>, %arg13: memref<!tpu.dma_semaphore, #tpu.memory_space<semaphore_mem>>) attributes {dimension_semantics = [#tpu.dimension_semantics<core_parallel>, #tpu.dimension_semantics<subcore_parallel>], iteration_bounds = array<i64: 2, 16>, scalar_prefetch = 0 : i64, scratch_operands = 8 : i64, tpu.core_type = #tpu.core_type<sc_vector_subcore>, window_params = [{transform_indices = #map}, {transform_indices = #map1}, {transform_indices = #map}, {transform_indices = #map1}]} {
    %mul3A = arith.constant 2 : i32
    %mul3A_0 = arith.muli %arg1, %mul3A : i32
    %add3A = arith.addi %mul3A_0, %arg0 : i32
    %mul3A_1 = arith.constant 632 : i32
    %mul3A_2 = arith.muli %arg1, %mul3A_1 : i32
    "tpu.region"() ({
      %run_scoped3A = tpu.sem_alloc : memref<!tpu.dma_semaphore, #tpu.memory_space<semaphore_mem>>
      %dma_start3A_72 = arith.constant 0 : i32
      %dma_start3A_73 = tpu.memref_slice %arg9[%mul3A_2, %dma_start3A_72] : memref<10112x128xf32, #tpu.memory_space<vmem_shared>> -> memref<632x128xf32, #tpu.memory_space<vmem_shared>>
      tpu.enqueue_dma source(%arg4 : memref<632x128xf32, #tpu.memory_space<hbm>>) target(%dma_start3A_73 : memref<632x128xf32, #tpu.memory_space<vmem_shared>>) target_semaphore(%run_scoped3A : memref<!tpu.dma_semaphore, #tpu.memory_space<semaphore_mem>>)
      %dma_wait3A_74 = arith.constant 0 : i32
      %dma_wait3A_75 = tpu.memref_slice %arg9[%mul3A_2, %dma_wait3A_74] : memref<10112x128xf32, #tpu.memory_space<vmem_shared>> -> memref<632x128xf32, #tpu.memory_space<vmem_shared>>
      tpu.wait_dma2 semaphore(%run_scoped3A : memref<!tpu.dma_semaphore, #tpu.memory_space<semaphore_mem>>) src(%arg4 : memref<632x128xf32, #tpu.memory_space<hbm>>) dst(%dma_wait3A_75 : memref<632x128xf32, #tpu.memory_space<vmem_shared>>)
      tpu.yield
    }) : () -> ()
    "tpu.region"() ({
      %run_scoped3A = tpu.sem_alloc : memref<!tpu.dma_semaphore, #tpu.memory_space<semaphore_mem>>
      %dma_start3A_72 = arith.constant 0 : i32
      %dma_start3A_73 = arith.constant 0 : i32
      %dma_start3A_74 = tpu.memref_slice %arg3[%add3A, %dma_start3A_72, %dma_start3A_73] : memref<32x80x128xi32, #tpu.memory_space<hbm>> -> memref<1x80x128xi32, #tpu.memory_space<hbm>>
      %dma_start3A_75 = tpu.memref_squeeze %dma_start3A_74 : memref<1x80x128xi32, #tpu.memory_space<hbm>> -> memref<80x128xi32, #tpu.memory_space<hbm>>
      %dma_start3A_76 = arith.constant 0 : i32
      %dma_start3A_77 = arith.constant 0 : i32
      %dma_start3A_78 = tpu.memref_slice %arg3[%add3A, %dma_start3A_76, %dma_start3A_77] : memref<32x80x128xi32, #tpu.memory_space<hbm>> -> memref<1x80x128xi32, #tpu.memory_space<hbm>>
      %dma_start3A_79 = tpu.memref_squeeze %dma_start3A_78 : memref<1x80x128xi32, #tpu.memory_space<hbm>> -> memref<80x128xi32, #tpu.memory_space<hbm>>
      tpu.enqueue_dma source(%dma_start3A_79 : memref<80x128xi32, #tpu.memory_space<hbm>>) target(%arg6 : memref<80x128xi32, #tpu.memory_space<vmem>>) target_semaphore(%run_scoped3A : memref<!tpu.dma_semaphore, #tpu.memory_space<semaphore_mem>>)
      %dma_wait3A_80 = arith.constant 0 : i32
      %dma_wait3A_81 = arith.constant 0 : i32
      %dma_wait3A_82 = tpu.memref_slice %arg3[%add3A, %dma_wait3A_80, %dma_wait3A_81] : memref<32x80x128xi32, #tpu.memory_space<hbm>> -> memref<1x80x128xi32, #tpu.memory_space<hbm>>
      %dma_wait3A_83 = tpu.memref_squeeze %dma_wait3A_82 : memref<1x80x128xi32, #tpu.memory_space<hbm>> -> memref<80x128xi32, #tpu.memory_space<hbm>>
      %dma_wait3A_84 = arith.constant 0 : i32
      %dma_wait3A_85 = arith.constant 0 : i32
      %dma_wait3A_86 = tpu.memref_slice %arg3[%add3A, %dma_wait3A_84, %dma_wait3A_85] : memref<32x80x128xi32, #tpu.memory_space<hbm>> -> memref<1x80x128xi32, #tpu.memory_space<hbm>>
      %dma_wait3A_87 = tpu.memref_squeeze %dma_wait3A_86 : memref<1x80x128xi32, #tpu.memory_space<hbm>> -> memref<80x128xi32, #tpu.memory_space<hbm>>
      tpu.wait_dma2 semaphore(%run_scoped3A : memref<!tpu.dma_semaphore, #tpu.memory_space<semaphore_mem>>) src(%dma_wait3A_87 : memref<80x128xi32, #tpu.memory_space<hbm>>) dst(%arg6 : memref<80x128xi32, #tpu.memory_space<vmem>>)
      tpu.yield
    }) : () -> ()
    %barrier3A = arith.constant 0 : index
    tpu.barrier barrier_id(%barrier3A)
    %mul3A_3 = arith.constant 10240 : i32
    %mul3A_4 = arith.muli %add3A, %mul3A_3 : i32
    %add3A_5 = arith.constant 0 : i32
    %add3A_6 = arith.addi %mul3A_4, %add3A_5 : i32
    %dma_start3A = arith.constant 0 : i32
    %dma_start3A_7 = tpu.memref_slice %arg2[%add3A_6, %dma_start3A] : memref<327680x128xf32, #tpu.memory_space<hbm>> -> memref<128x128xf32, #tpu.memory_space<hbm>>
    %dma_start3A_8 = arith.constant 0 : i32
    %dma_start3A_9 = tpu.memref_slice %arg2[%add3A_6, %dma_start3A_8] : memref<327680x128xf32, #tpu.memory_space<hbm>> -> memref<128x128xf32, #tpu.memory_space<hbm>>
    tpu.enqueue_dma source(%dma_start3A_9 : memref<128x128xf32, #tpu.memory_space<hbm>>) target(%arg7 : memref<128x128xf32, #tpu.memory_space<vmem>>) target_semaphore(%arg10 : memref<!tpu.dma_semaphore, #tpu.memory_space<semaphore_mem>>)
    %mul3A_10 = arith.constant 10240 : i32
    %mul3A_11 = arith.muli %add3A, %mul3A_10 : i32
    %add3A_12 = arith.constant 128 : i32
    %add3A_13 = arith.addi %mul3A_11, %add3A_12 : i32
    %dma_start3A_14 = arith.constant 0 : i32
    %dma_start3A_15 = tpu.memref_slice %arg2[%add3A_13, %dma_start3A_14] : memref<327680x128xf32, #tpu.memory_space<hbm>> -> memref<128x128xf32, #tpu.memory_space<hbm>>
    %dma_start3A_16 = arith.constant 0 : i32
    %dma_start3A_17 = tpu.memref_slice %arg2[%add3A_13, %dma_start3A_16] : memref<327680x128xf32, #tpu.memory_space<hbm>> -> memref<128x128xf32, #tpu.memory_space<hbm>>
    tpu.enqueue_dma source(%dma_start3A_17 : memref<128x128xf32, #tpu.memory_space<hbm>>) target(%arg8 : memref<128x128xf32, #tpu.memory_space<vmem>>) target_semaphore(%arg11 : memref<!tpu.dma_semaphore, #tpu.memory_space<semaphore_mem>>)
    %scan3A = arith.constant 0 : i32
    %scan3A_18 = arith.constant 0 : i32
    %scan3A_19 = arith.constant 39 : i32
    %scan3A_20 = arith.addi %scan3A_18, %scan3A_19 : i32
    %scan3A_21 = arith.constant 1 : i32
    %scan3A_22 = scf.for %scan3A_72 = %scan3A_18 to %scan3A_20 step %scan3A_21 iter_args(%scan3A_73 = %scan3A) -> (i32)  : i32 {
      %mul3A_74 = arith.constant 2 : i32
      %mul3A_75 = arith.muli %mul3A_74, %scan3A_72 : i32
      %add3A_76 = arith.constant 0 : i32
      %add3A_77 = arith.addi %mul3A_75, %add3A_76 : i32
      %mul3A_78 = arith.constant 10240 : i32
      %mul3A_79 = arith.muli %add3A, %mul3A_78 : i32
      %mul3A_80 = arith.constant 128 : i32
      %mul3A_81 = arith.muli %add3A_77, %mul3A_80 : i32
      %add3A_82 = arith.addi %mul3A_79, %mul3A_81 : i32
      %dma_wait3A_83 = arith.constant 0 : i32
      %dma_wait3A_84 = tpu.memref_slice %arg2[%add3A_82, %dma_wait3A_83] : memref<327680x128xf32, #tpu.memory_space<hbm>> -> memref<128x128xf32, #tpu.memory_space<hbm>>
      %dma_wait3A_85 = arith.constant 0 : i32
      %dma_wait3A_86 = tpu.memref_slice %arg2[%add3A_82, %dma_wait3A_85] : memref<327680x128xf32, #tpu.memory_space<hbm>> -> memref<128x128xf32, #tpu.memory_space<hbm>>
      tpu.wait_dma2 semaphore(%arg10 : memref<!tpu.dma_semaphore, #tpu.memory_space<semaphore_mem>>) src(%dma_wait3A_86 : memref<128x128xf32, #tpu.memory_space<hbm>>) dst(%arg7 : memref<128x128xf32, #tpu.memory_space<vmem>>)
      %dma_start3A_87 = arith.constant 0 : i32
      %dma_start3A_88 = tpu.memref_slice %arg6[%add3A_77, %dma_start3A_87] : memref<80x128xi32, #tpu.memory_space<vmem>> -> memref<1x128xi32, #tpu.memory_space<vmem>>
      %dma_start3A_89 = tpu.memref_squeeze %dma_start3A_88 : memref<1x128xi32, #tpu.memory_space<vmem>> -> memref<128xi32, #tpu.memory_space<vmem>>
      %dma_start3A_90 = arith.constant 0 : i32
      %dma_start3A_91 = arith.constant 0 : i32
      %dma_start3A_92 = tpu.memref_slice %arg9[%dma_start3A_90, %dma_start3A_91] : memref<10112x128xf32, #tpu.memory_space<vmem_shared>> -> memref<10112x128xf32, #tpu.memory_space<vmem_shared>>
      tpu.enqueue_indirect_dma source(%arg7 : memref<128x128xf32, #tpu.memory_space<vmem>>) target(%dma_start3A_92 : memref<10112x128xf32, #tpu.memory_space<vmem_shared>>) offsets(%dma_start3A_89 : memref<128xi32, #tpu.memory_space<vmem>>) semaphore(%arg12 : memref<!tpu.dma_semaphore, #tpu.memory_space<semaphore_mem>>) {add = true}
      %dma_wait3A_93 = arith.constant 0 : i32
      %dma_wait3A_94 = tpu.memref_slice %arg6[%add3A_77, %dma_wait3A_93] : memref<80x128xi32, #tpu.memory_space<vmem>> -> memref<1x128xi32, #tpu.memory_space<vmem>>
      %dma_wait3A_95 = tpu.memref_squeeze %dma_wait3A_94 : memref<1x128xi32, #tpu.memory_space<vmem>> -> memref<128xi32, #tpu.memory_space<vmem>>
      %dma_wait3A_96 = arith.constant 0 : i32
      %dma_wait3A_97 = arith.constant 0 : i32
      %dma_wait3A_98 = tpu.memref_slice %arg9[%dma_wait3A_96, %dma_wait3A_97] : memref<10112x128xf32, #tpu.memory_space<vmem_shared>> -> memref<10112x128xf32, #tpu.memory_space<vmem_shared>>
      tpu.wait_indirect_dma semaphore(%arg12 : memref<!tpu.dma_semaphore, #tpu.memory_space<semaphore_mem>>) src(%arg7 : memref<128x128xf32, #tpu.memory_space<vmem>>) dst(%dma_wait3A_98 : memref<10112x128xf32, #tpu.memory_space<vmem_shared>>)
      %add3A_99 = arith.constant 2 : i32
      %add3A_100 = arith.addi %add3A_77, %add3A_99 : i32
      %mul3A_101 = arith.constant 10240 : i32
      %mul3A_102 = arith.muli %add3A, %mul3A_101 : i32
      %mul3A_103 = arith.constant 128 : i32
      %mul3A_104 = arith.muli %add3A_100, %mul3A_103 : i32
      %add3A_105 = arith.addi %mul3A_102, %mul3A_104 : i32
      %dma_start3A_106 = arith.constant 0 : i32
      %dma_start3A_107 = tpu.memref_slice %arg2[%add3A_105, %dma_start3A_106] : memref<327680x128xf32, #tpu.memory_space<hbm>> -> memref<128x128xf32, #tpu.memory_space<hbm>>
      %dma_start3A_108 = arith.constant 0 : i32
      %dma_start3A_109 = tpu.memref_slice %arg2[%add3A_105, %dma_start3A_108] : memref<327680x128xf32, #tpu.memory_space<hbm>> -> memref<128x128xf32, #tpu.memory_space<hbm>>
      tpu.enqueue_dma source(%dma_start3A_109 : memref<128x128xf32, #tpu.memory_space<hbm>>) target(%arg7 : memref<128x128xf32, #tpu.memory_space<vmem>>) target_semaphore(%arg10 : memref<!tpu.dma_semaphore, #tpu.memory_space<semaphore_mem>>)
      %mul3A_110 = arith.constant 2 : i32
      %mul3A_111 = arith.muli %mul3A_110, %scan3A_72 : i32
      %add3A_112 = arith.constant 1 : i32
      %add3A_113 = arith.addi %mul3A_111, %add3A_112 : i32
      %mul3A_114 = arith.constant 10240 : i32
      %mul3A_115 = arith.muli %add3A, %mul3A_114 : i32
      %mul3A_116 = arith.constant 128 : i32
      %mul3A_117 = arith.muli %add3A_113, %mul3A_116 : i32
      %add3A_118 = arith.addi %mul3A_115, %mul3A_117 : i32
      %dma_wait3A_119 = arith.constant 0 : i32
      %dma_wait3A_120 = tpu.memref_slice %arg2[%add3A_118, %dma_wait3A_119] : memref<327680x128xf32, #tpu.memory_space<hbm>> -> memref<128x128xf32, #tpu.memory_space<hbm>>
      %dma_wait3A_121 = arith.constant 0 : i32
      %dma_wait3A_122 = tpu.memref_slice %arg2[%add3A_118, %dma_wait3A_121] : memref<327680x128xf32, #tpu.memory_space<hbm>> -> memref<128x128xf32, #tpu.memory_space<hbm>>
      tpu.wait_dma2 semaphore(%arg11 : memref<!tpu.dma_semaphore, #tpu.memory_space<semaphore_mem>>) src(%dma_wait3A_122 : memref<128x128xf32, #tpu.memory_space<hbm>>) dst(%arg8 : memref<128x128xf32, #tpu.memory_space<vmem>>)
      %dma_start3A_123 = arith.constant 0 : i32
      %dma_start3A_124 = tpu.memref_slice %arg6[%add3A_113, %dma_start3A_123] : memref<80x128xi32, #tpu.memory_space<vmem>> -> memref<1x128xi32, #tpu.memory_space<vmem>>
      %dma_start3A_125 = tpu.memref_squeeze %dma_start3A_124 : memref<1x128xi32, #tpu.memory_space<vmem>> -> memref<128xi32, #tpu.memory_space<vmem>>
      %dma_start3A_126 = arith.constant 0 : i32
      %dma_start3A_127 = arith.constant 0 : i32
      %dma_start3A_128 = tpu.memref_slice %arg9[%dma_start3A_126, %dma_start3A_127] : memref<10112x128xf32, #tpu.memory_space<vmem_shared>> -> memref<10112x128xf32, #tpu.memory_space<vmem_shared>>
      tpu.enqueue_indirect_dma source(%arg8 : memref<128x128xf32, #tpu.memory_space<vmem>>) target(%dma_start3A_128 : memref<10112x128xf32, #tpu.memory_space<vmem_shared>>) offsets(%dma_start3A_125 : memref<128xi32, #tpu.memory_space<vmem>>) semaphore(%arg13 : memref<!tpu.dma_semaphore, #tpu.memory_space<semaphore_mem>>) {add = true}
      %dma_wait3A_129 = arith.constant 0 : i32
      %dma_wait3A_130 = tpu.memref_slice %arg6[%add3A_113, %dma_wait3A_129] : memref<80x128xi32, #tpu.memory_space<vmem>> -> memref<1x128xi32, #tpu.memory_space<vmem>>
      %dma_wait3A_131 = tpu.memref_squeeze %dma_wait3A_130 : memref<1x128xi32, #tpu.memory_space<vmem>> -> memref<128xi32, #tpu.memory_space<vmem>>
      %dma_wait3A_132 = arith.constant 0 : i32
      %dma_wait3A_133 = arith.constant 0 : i32
      %dma_wait3A_134 = tpu.memref_slice %arg9[%dma_wait3A_132, %dma_wait3A_133] : memref<10112x128xf32, #tpu.memory_space<vmem_shared>> -> memref<10112x128xf32, #tpu.memory_space<vmem_shared>>
      tpu.wait_indirect_dma semaphore(%arg13 : memref<!tpu.dma_semaphore, #tpu.memory_space<semaphore_mem>>) src(%arg8 : memref<128x128xf32, #tpu.memory_space<vmem>>) dst(%dma_wait3A_134 : memref<10112x128xf32, #tpu.memory_space<vmem_shared>>)
      %add3A_135 = arith.constant 2 : i32
      %add3A_136 = arith.addi %add3A_113, %add3A_135 : i32
      %mul3A_137 = arith.constant 10240 : i32
      %mul3A_138 = arith.muli %add3A, %mul3A_137 : i32
      %mul3A_139 = arith.constant 128 : i32
      %mul3A_140 = arith.muli %add3A_136, %mul3A_139 : i32
      %add3A_141 = arith.addi %mul3A_138, %mul3A_140 : i32
      %dma_start3A_142 = arith.constant 0 : i32
      %dma_start3A_143 = tpu.memref_slice %arg2[%add3A_141, %dma_start3A_142] : memref<327680x128xf32, #tpu.memory_space<hbm>> -> memref<128x128xf32, #tpu.memory_space<hbm>>
      %dma_start3A_144 = arith.constant 0 : i32
      %dma_start3A_145 = tpu.memref_slice %arg2[%add3A_141, %dma_start3A_144] : memref<327680x128xf32, #tpu.memory_space<hbm>> -> memref<128x128xf32, #tpu.memory_space<hbm>>
      tpu.enqueue_dma source(%dma_start3A_145 : memref<128x128xf32, #tpu.memory_space<hbm>>) target(%arg8 : memref<128x128xf32, #tpu.memory_space<vmem>>) target_semaphore(%arg11 : memref<!tpu.dma_semaphore, #tpu.memory_space<semaphore_mem>>)
      %scan3A_146 = arith.constant 0 : i32
      scf.yield %scan3A_146 : i32
    }
    %scan3A_23 = arith.constant 39 : i32
    %mul3A_24 = arith.constant 10240 : i32
    %mul3A_25 = arith.muli %add3A, %mul3A_24 : i32
    %add3A_26 = arith.constant 9984 : i32
    %add3A_27 = arith.addi %mul3A_25, %add3A_26 : i32
    %dma_wait3A = arith.constant 0 : i32
    %dma_wait3A_28 = tpu.memref_slice %arg2[%add3A_27, %dma_wait3A] : memref<327680x128xf32, #tpu.memory_space<hbm>> -> memref<128x128xf32, #tpu.memory_space<hbm>>
    %dma_wait3A_29 = arith.constant 0 : i32
    %dma_wait3A_30 = tpu.memref_slice %arg2[%add3A_27, %dma_wait3A_29] : memref<327680x128xf32, #tpu.memory_space<hbm>> -> memref<128x128xf32, #tpu.memory_space<hbm>>
    tpu.wait_dma2 semaphore(%arg10 : memref<!tpu.dma_semaphore, #tpu.memory_space<semaphore_mem>>) src(%dma_wait3A_30 : memref<128x128xf32, #tpu.memory_space<hbm>>) dst(%arg7 : memref<128x128xf32, #tpu.memory_space<vmem>>)
    %dma_start3A_31 = arith.constant 78 : i32
    %dma_start3A_32 = arith.constant 0 : i32
    %dma_start3A_33 = tpu.memref_slice %arg6[%dma_start3A_31, %dma_start3A_32] : memref<80x128xi32, #tpu.memory_space<vmem>> -> memref<1x128xi32, #tpu.memory_space<vmem>>
    %dma_start3A_34 = tpu.memref_squeeze %dma_start3A_33 : memref<1x128xi32, #tpu.memory_space<vmem>> -> memref<128xi32, #tpu.memory_space<vmem>>
    %dma_start3A_35 = arith.constant 0 : i32
    %dma_start3A_36 = arith.constant 0 : i32
    %dma_start3A_37 = tpu.memref_slice %arg9[%dma_start3A_35, %dma_start3A_36] : memref<10112x128xf32, #tpu.memory_space<vmem_shared>> -> memref<10112x128xf32, #tpu.memory_space<vmem_shared>>
    tpu.enqueue_indirect_dma source(%arg7 : memref<128x128xf32, #tpu.memory_space<vmem>>) target(%dma_start3A_37 : memref<10112x128xf32, #tpu.memory_space<vmem_shared>>) offsets(%dma_start3A_34 : memref<128xi32, #tpu.memory_space<vmem>>) semaphore(%arg12 : memref<!tpu.dma_semaphore, #tpu.memory_space<semaphore_mem>>) {add = true}
    %dma_wait3A_38 = arith.constant 78 : i32
    %dma_wait3A_39 = arith.constant 0 : i32
    %dma_wait3A_40 = tpu.memref_slice %arg6[%dma_wait3A_38, %dma_wait3A_39] : memref<80x128xi32, #tpu.memory_space<vmem>> -> memref<1x128xi32, #tpu.memory_space<vmem>>
    %dma_wait3A_41 = tpu.memref_squeeze %dma_wait3A_40 : memref<1x128xi32, #tpu.memory_space<vmem>> -> memref<128xi32, #tpu.memory_space<vmem>>
    %dma_wait3A_42 = arith.constant 0 : i32
    %dma_wait3A_43 = arith.constant 0 : i32
    %dma_wait3A_44 = tpu.memref_slice %arg9[%dma_wait3A_42, %dma_wait3A_43] : memref<10112x128xf32, #tpu.memory_space<vmem_shared>> -> memref<10112x128xf32, #tpu.memory_space<vmem_shared>>
    tpu.wait_indirect_dma semaphore(%arg12 : memref<!tpu.dma_semaphore, #tpu.memory_space<semaphore_mem>>) src(%arg7 : memref<128x128xf32, #tpu.memory_space<vmem>>) dst(%dma_wait3A_44 : memref<10112x128xf32, #tpu.memory_space<vmem_shared>>)
    %mul3A_45 = arith.constant 10240 : i32
    %mul3A_46 = arith.muli %add3A, %mul3A_45 : i32
    %add3A_47 = arith.constant 10112 : i32
    %add3A_48 = arith.addi %mul3A_46, %add3A_47 : i32
    %dma_wait3A_49 = arith.constant 0 : i32
    %dma_wait3A_50 = tpu.memref_slice %arg2[%add3A_48, %dma_wait3A_49] : memref<327680x128xf32, #tpu.memory_space<hbm>> -> memref<128x128xf32, #tpu.memory_space<hbm>>
    %dma_wait3A_51 = arith.constant 0 : i32
    %dma_wait3A_52 = tpu.memref_slice %arg2[%add3A_48, %dma_wait3A_51] : memref<327680x128xf32, #tpu.memory_space<hbm>> -> memref<128x128xf32, #tpu.memory_space<hbm>>
    tpu.wait_dma2 semaphore(%arg11 : memref<!tpu.dma_semaphore, #tpu.memory_space<semaphore_mem>>) src(%dma_wait3A_52 : memref<128x128xf32, #tpu.memory_space<hbm>>) dst(%arg8 : memref<128x128xf32, #tpu.memory_space<vmem>>)
    %dma_start3A_53 = arith.constant 79 : i32
    %dma_start3A_54 = arith.constant 0 : i32
    %dma_start3A_55 = tpu.memref_slice %arg6[%dma_start3A_53, %dma_start3A_54] : memref<80x128xi32, #tpu.memory_space<vmem>> -> memref<1x128xi32, #tpu.memory_space<vmem>>
    %dma_start3A_56 = tpu.memref_squeeze %dma_start3A_55 : memref<1x128xi32, #tpu.memory_space<vmem>> -> memref<128xi32, #tpu.memory_space<vmem>>
    %dma_start3A_57 = arith.constant 0 : i32
    %dma_start3A_58 = arith.constant 0 : i32
    %dma_start3A_59 = tpu.memref_slice %arg9[%dma_start3A_57, %dma_start3A_58] : memref<10112x128xf32, #tpu.memory_space<vmem_shared>> -> memref<10112x128xf32, #tpu.memory_space<vmem_shared>>
    tpu.enqueue_indirect_dma source(%arg8 : memref<128x128xf32, #tpu.memory_space<vmem>>) target(%dma_start3A_59 : memref<10112x128xf32, #tpu.memory_space<vmem_shared>>) offsets(%dma_start3A_56 : memref<128xi32, #tpu.memory_space<vmem>>) semaphore(%arg13 : memref<!tpu.dma_semaphore, #tpu.memory_space<semaphore_mem>>) {add = true}
    %dma_wait3A_60 = arith.constant 79 : i32
    %dma_wait3A_61 = arith.constant 0 : i32
    %dma_wait3A_62 = tpu.memref_slice %arg6[%dma_wait3A_60, %dma_wait3A_61] : memref<80x128xi32, #tpu.memory_space<vmem>> -> memref<1x128xi32, #tpu.memory_space<vmem>>
    %dma_wait3A_63 = tpu.memref_squeeze %dma_wait3A_62 : memref<1x128xi32, #tpu.memory_space<vmem>> -> memref<128xi32, #tpu.memory_space<vmem>>
    %dma_wait3A_64 = arith.constant 0 : i32
    %dma_wait3A_65 = arith.constant 0 : i32
    %dma_wait3A_66 = tpu.memref_slice %arg9[%dma_wait3A_64, %dma_wait3A_65] : memref<10112x128xf32, #tpu.memory_space<vmem_shared>> -> memref<10112x128xf32, #tpu.memory_space<vmem_shared>>
    tpu.wait_indirect_dma semaphore(%arg13 : memref<!tpu.dma_semaphore, #tpu.memory_space<semaphore_mem>>) src(%arg8 : memref<128x128xf32, #tpu.memory_space<vmem>>) dst(%dma_wait3A_66 : memref<10112x128xf32, #tpu.memory_space<vmem_shared>>)
    %barrier3A_67 = arith.constant 0 : index
    tpu.barrier barrier_id(%barrier3A_67)
    %mul3A_68 = arith.constant 632 : i32
    %mul3A_69 = arith.muli %arg1, %mul3A_68 : i32
    %mul3A_70 = arith.constant 632 : i32
    %mul3A_71 = arith.muli %arg1, %mul3A_70 : i32
    "tpu.region"() ({
      %run_scoped3A = tpu.sem_alloc : memref<!tpu.dma_semaphore, #tpu.memory_space<semaphore_mem>>
      %dma_start3A_72 = arith.constant 0 : i32
      %dma_start3A_73 = tpu.memref_slice %arg5[%arg0, %mul3A_71, %dma_start3A_72] : memref<2x10112x128xf32, #tpu.memory_space<hbm>> -> memref<1x632x128xf32, #tpu.memory_space<hbm>>
      %dma_start3A_74 = tpu.memref_squeeze %dma_start3A_73 : memref<1x632x128xf32, #tpu.memory_space<hbm>> -> memref<632x128xf32, #tpu.memory_space<hbm>>
      %dma_start3A_75 = arith.constant 0 : i32
      %dma_start3A_76 = tpu.memref_slice %arg9[%mul3A_69, %dma_start3A_75] : memref<10112x128xf32, #tpu.memory_space<vmem_shared>> -> memref<632x128xf32, #tpu.memory_space<vmem_shared>>
      tpu.enqueue_dma source(%dma_start3A_76 : memref<632x128xf32, #tpu.memory_space<vmem_shared>>) target(%dma_start3A_74 : memref<632x128xf32, #tpu.memory_space<hbm>>) target_semaphore(%run_scoped3A : memref<!tpu.dma_semaphore, #tpu.memory_space<semaphore_mem>>)
      %dma_wait3A_77 = arith.constant 0 : i32
      %dma_wait3A_78 = tpu.memref_slice %arg5[%arg0, %mul3A_71, %dma_wait3A_77] : memref<2x10112x128xf32, #tpu.memory_space<hbm>> -> memref<1x632x128xf32, #tpu.memory_space<hbm>>
      %dma_wait3A_79 = tpu.memref_squeeze %dma_wait3A_78 : memref<1x632x128xf32, #tpu.memory_space<hbm>> -> memref<632x128xf32, #tpu.memory_space<hbm>>
      %dma_wait3A_80 = arith.constant 0 : i32
      %dma_wait3A_81 = tpu.memref_slice %arg9[%mul3A_69, %dma_wait3A_80] : memref<10112x128xf32, #tpu.memory_space<vmem_shared>> -> memref<632x128xf32, #tpu.memory_space<vmem_shared>>
      tpu.wait_dma2 semaphore(%run_scoped3A : memref<!tpu.dma_semaphore, #tpu.memory_space<semaphore_mem>>) src(%dma_wait3A_81 : memref<632x128xf32, #tpu.memory_space<vmem_shared>>) dst(%dma_wait3A_79 : memref<632x128xf32, #tpu.memory_space<hbm>>)
      tpu.yield
    }) : () -> ()
    return
  }
}

module attributes {stable_mosaic.version = 14 : i64} {
  func.func @_node_kernel(%arg0: i32, %arg1: memref<1000x128xf32, #tpu.memory_space<vmem>>, %arg2: memref<128x64xf32, #tpu.memory_space<vmem>>, %arg3: memref<1x64xf32, #tpu.memory_space<vmem>>, %arg4: memref<64x128xf32, #tpu.memory_space<vmem>>, %arg5: memref<1x128xf32, #tpu.memory_space<vmem>>, %arg6: memref<128x64xf32, #tpu.memory_space<vmem>>, %arg7: memref<1x64xf32, #tpu.memory_space<vmem>>, %arg8: memref<64x128xf32, #tpu.memory_space<vmem>>, %arg9: memref<1x128xf32, #tpu.memory_space<vmem>>, %arg10: memref<128x64xf32, #tpu.memory_space<vmem>>, %arg11: memref<128x64xf32, #tpu.memory_space<vmem>>, %arg12: memref<1x64xf32, #tpu.memory_space<vmem>>, %arg13: memref<1000x128xi32, #tpu.memory_space<vmem>>, %arg14: memref<1000x128xi32, #tpu.memory_space<vmem>>) attributes {dimension_semantics = [#tpu.dimension_semantics<arbitrary>], iteration_bounds = array<i64: 10>, scalar_prefetch = 0 : i64, scratch_operands = 0 : i64, tpu.core_type = #tpu.core_type<tc>, window_params = [{transform_indices = @transform_0, window_bounds = array<i64: 1000, 128>}, {pipeline_mode = #tpu.pipeline_mode<synchronous>, transform_indices = @transform_1, window_bounds = array<i64: 128, 64>}, {pipeline_mode = #tpu.pipeline_mode<synchronous>, transform_indices = @transform_2, window_bounds = array<i64: 1, 64>}, {pipeline_mode = #tpu.pipeline_mode<synchronous>, transform_indices = @transform_3, window_bounds = array<i64: 64, 128>}, {pipeline_mode = #tpu.pipeline_mode<synchronous>, transform_indices = @transform_4, window_bounds = array<i64: 1, 128>}, {pipeline_mode = #tpu.pipeline_mode<synchronous>, transform_indices = @transform_5, window_bounds = array<i64: 128, 64>}, {pipeline_mode = #tpu.pipeline_mode<synchronous>, transform_indices = @transform_6, window_bounds = array<i64: 1, 64>}, {pipeline_mode = #tpu.pipeline_mode<synchronous>, transform_indices = @transform_7, window_bounds = array<i64: 64, 128>}, {pipeline_mode = #tpu.pipeline_mode<synchronous>, transform_indices = @transform_8, window_bounds = array<i64: 1, 128>}, {pipeline_mode = #tpu.pipeline_mode<synchronous>, transform_indices = @transform_9, window_bounds = array<i64: 128, 64>}, {pipeline_mode = #tpu.pipeline_mode<synchronous>, transform_indices = @transform_10, window_bounds = array<i64: 128, 64>}, {pipeline_mode = #tpu.pipeline_mode<synchronous>, transform_indices = @transform_11, window_bounds = array<i64: 1, 64>}, {transform_indices = @transform_12, window_bounds = array<i64: 1000, 128>}, {transform_indices = @transform_13, window_bounds = array<i64: 1000, 128>}]} {
    %get3A = arith.constant 0 : index
    %get3A_0 = arith.constant 0 : index
    %get3A_1 = vector.load %arg1[%get3A, %get3A_0] : memref<1000x128xf32, #tpu.memory_space<vmem>>, vector<1000x128xf32>
    %get3A_2 = arith.constant 0 : index
    %get3A_3 = arith.constant 0 : index
    %get3A_4 = vector.load %arg2[%get3A_2, %get3A_3] : memref<128x64xf32, #tpu.memory_space<vmem>>, vector<128x64xf32>
    %dot_general3A = arith.constant dense<0.000000e+00> : vector<1000x64xf32>
    %dot_general3A_5 = tpu.matmul %get3A_1, %get3A_4, %dot_general3A {dimension_numbers = #tpu.dot_dimension_numbers<[1], [0], [0], [1], [0, 0, 1, 1], [], []>, transpose_lhs_hint = false} : vector<1000x128xf32>, vector<128x64xf32>, vector<1000x64xf32> -> vector<1000x64xf32>
    %get3A_6 = arith.constant 0 : index
    %get3A_7 = arith.constant 0 : index
    %get3A_8 = vector.load %arg3[%get3A_6, %get3A_7] : memref<1x64xf32, #tpu.memory_space<vmem>>, vector<1x64xf32>
    %add3A = vector.broadcast %get3A_8 : vector<1x64xf32> to vector<1000x64xf32>
    %add3A_9 = arith.addf %dot_general3A_5, %add3A : vector<1000x64xf32>
    %tanh3A = math.tanh %add3A_9 : vector<1000x64xf32>
    %get3A_10 = arith.constant 0 : index
    %get3A_11 = arith.constant 0 : index
    %get3A_12 = vector.load %arg4[%get3A_10, %get3A_11] : memref<64x128xf32, #tpu.memory_space<vmem>>, vector<64x128xf32>
    %dot_general3A_13 = arith.constant dense<0.000000e+00> : vector<1000x128xf32>
    %dot_general3A_14 = tpu.matmul %tanh3A, %get3A_12, %dot_general3A_13 {dimension_numbers = #tpu.dot_dimension_numbers<[1], [0], [0], [1], [0, 0, 1, 1], [], []>, transpose_lhs_hint = false} : vector<1000x64xf32>, vector<64x128xf32>, vector<1000x128xf32> -> vector<1000x128xf32>
    %get3A_15 = arith.constant 0 : index
    %get3A_16 = arith.constant 0 : index
    %get3A_17 = vector.load %arg5[%get3A_15, %get3A_16] : memref<1x128xf32, #tpu.memory_space<vmem>>, vector<1x128xf32>
    %add3A_18 = vector.broadcast %get3A_17 : vector<1x128xf32> to vector<1000x128xf32>
    %add3A_19 = arith.addf %dot_general3A_14, %add3A_18 : vector<1000x128xf32>
    %get3A_20 = arith.constant 0 : index
    %get3A_21 = arith.constant 0 : index
    %get3A_22 = vector.load %arg6[%get3A_20, %get3A_21] : memref<128x64xf32, #tpu.memory_space<vmem>>, vector<128x64xf32>
    %dot_general3A_23 = arith.constant dense<0.000000e+00> : vector<1000x64xf32>
    %dot_general3A_24 = tpu.matmul %get3A_1, %get3A_22, %dot_general3A_23 {dimension_numbers = #tpu.dot_dimension_numbers<[1], [0], [0], [1], [0, 0, 1, 1], [], []>, transpose_lhs_hint = false} : vector<1000x128xf32>, vector<128x64xf32>, vector<1000x64xf32> -> vector<1000x64xf32>
    %get3A_25 = arith.constant 0 : index
    %get3A_26 = arith.constant 0 : index
    %get3A_27 = vector.load %arg7[%get3A_25, %get3A_26] : memref<1x64xf32, #tpu.memory_space<vmem>>, vector<1x64xf32>
    %add3A_28 = vector.broadcast %get3A_27 : vector<1x64xf32> to vector<1000x64xf32>
    %add3A_29 = arith.addf %dot_general3A_24, %add3A_28 : vector<1000x64xf32>
    %tanh3A_30 = math.tanh %add3A_29 : vector<1000x64xf32>
    %get3A_31 = arith.constant 0 : index
    %get3A_32 = arith.constant 0 : index
    %get3A_33 = vector.load %arg8[%get3A_31, %get3A_32] : memref<64x128xf32, #tpu.memory_space<vmem>>, vector<64x128xf32>
    %dot_general3A_34 = arith.constant dense<0.000000e+00> : vector<1000x128xf32>
    %dot_general3A_35 = tpu.matmul %tanh3A_30, %get3A_33, %dot_general3A_34 {dimension_numbers = #tpu.dot_dimension_numbers<[1], [0], [0], [1], [0, 0, 1, 1], [], []>, transpose_lhs_hint = false} : vector<1000x64xf32>, vector<64x128xf32>, vector<1000x128xf32> -> vector<1000x128xf32>
    %get3A_36 = arith.constant 0 : index
    %get3A_37 = arith.constant 0 : index
    %get3A_38 = vector.load %arg9[%get3A_36, %get3A_37] : memref<1x128xf32, #tpu.memory_space<vmem>>, vector<1x128xf32>
    %add3A_39 = vector.broadcast %get3A_38 : vector<1x128xf32> to vector<1000x128xf32>
    %add3A_40 = arith.addf %dot_general3A_35, %add3A_39 : vector<1000x128xf32>
    %get3A_41 = arith.constant 0 : index
    %get3A_42 = arith.constant 0 : index
    %get3A_43 = vector.load %arg10[%get3A_41, %get3A_42] : memref<128x64xf32, #tpu.memory_space<vmem>>, vector<128x64xf32>
    %dot_general3A_44 = arith.constant dense<0.000000e+00> : vector<1000x64xf32>
    %dot_general3A_45 = tpu.matmul %get3A_1, %get3A_43, %dot_general3A_44 {dimension_numbers = #tpu.dot_dimension_numbers<[1], [0], [0], [1], [0, 0, 1, 1], [], []>, transpose_lhs_hint = false} : vector<1000x128xf32>, vector<128x64xf32>, vector<1000x64xf32> -> vector<1000x64xf32>
    %get3A_46 = arith.constant 0 : index
    %get3A_47 = arith.constant 0 : index
    %get3A_48 = vector.load %arg12[%get3A_46, %get3A_47] : memref<1x64xf32, #tpu.memory_space<vmem>>, vector<1x64xf32>
    %add3A_49 = vector.broadcast %get3A_48 : vector<1x64xf32> to vector<1000x64xf32>
    %add3A_50 = arith.addf %dot_general3A_45, %add3A_49 : vector<1000x64xf32>
    %get3A_51 = arith.constant 0 : index
    %get3A_52 = arith.constant 0 : index
    %get3A_53 = vector.load %arg11[%get3A_51, %get3A_52] : memref<128x64xf32, #tpu.memory_space<vmem>>, vector<128x64xf32>
    %dot_general3A_54 = arith.constant dense<0.000000e+00> : vector<1000x64xf32>
    %dot_general3A_55 = tpu.matmul %get3A_1, %get3A_53, %dot_general3A_54 {dimension_numbers = #tpu.dot_dimension_numbers<[1], [0], [0], [1], [0, 0, 1, 1], [], []>, transpose_lhs_hint = false} : vector<1000x128xf32>, vector<128x64xf32>, vector<1000x64xf32> -> vector<1000x64xf32>
    %broadcast_in_dim3A = arith.constant 0.000000e+00 : f32
    %broadcast_in_dim3A_56 = vector.broadcast %broadcast_in_dim3A : f32 to vector<1000x64xf32>
    %concatenate3A = tpu.concatenate %add3A_50, %broadcast_in_dim3A_56 in 1 : vector<1000x64xf32>, vector<1000x64xf32> -> vector<1000x128xf32>
    %neg3A = arith.constant 0.000000e+00 : f32
    %neg3A_57 = vector.broadcast %neg3A : f32 to vector<1000x128xf32>
    %neg3A_58 = arith.subf %neg3A_57, %add3A_19 : vector<1000x128xf32>
    %bitcast_convert_type3A = tpu.bitcast %concatenate3A : vector<1000x128xf32> -> vector<1000x128xi32>
    %add3A_59 = arith.constant 32767 : i32
    %add3A_60 = vector.broadcast %add3A_59 : i32 to vector<1000x128xi32>
    %add3A_61 = arith.addi %bitcast_convert_type3A, %add3A_60 : vector<1000x128xi32>
    %shift_right_logical3A = arith.constant 16 : i32
    %shift_right_logical3A_62 = vector.broadcast %shift_right_logical3A : i32 to vector<1000x128xi32>
    %shift_right_logical3A_63 = arith.shrui %bitcast_convert_type3A, %shift_right_logical3A_62 : vector<1000x128xi32>
    %and3A = arith.constant 1 : i32
    %and3A_64 = vector.broadcast %and3A : i32 to vector<1000x128xi32>
    %and3A_65 = arith.andi %shift_right_logical3A_63, %and3A_64 : vector<1000x128xi32>
    %add3A_66 = arith.addi %add3A_61, %and3A_65 : vector<1000x128xi32>
    %shift_right_logical3A_67 = arith.constant 16 : i32
    %shift_right_logical3A_68 = vector.broadcast %shift_right_logical3A_67 : i32 to vector<1000x128xi32>
    %shift_right_logical3A_69 = arith.shrui %add3A_66, %shift_right_logical3A_68 : vector<1000x128xi32>
    %bitcast_convert_type3A_70 = tpu.bitcast %neg3A_58 : vector<1000x128xf32> -> vector<1000x128xi32>
    %add3A_71 = arith.constant 32767 : i32
    %add3A_72 = vector.broadcast %add3A_71 : i32 to vector<1000x128xi32>
    %add3A_73 = arith.addi %bitcast_convert_type3A_70, %add3A_72 : vector<1000x128xi32>
    %shift_right_logical3A_74 = arith.constant 16 : i32
    %shift_right_logical3A_75 = vector.broadcast %shift_right_logical3A_74 : i32 to vector<1000x128xi32>
    %shift_right_logical3A_76 = arith.shrui %bitcast_convert_type3A_70, %shift_right_logical3A_75 : vector<1000x128xi32>
    %and3A_77 = arith.constant 1 : i32
    %and3A_78 = vector.broadcast %and3A_77 : i32 to vector<1000x128xi32>
    %and3A_79 = arith.andi %shift_right_logical3A_76, %and3A_78 : vector<1000x128xi32>
    %add3A_80 = arith.addi %add3A_73, %and3A_79 : vector<1000x128xi32>
    %shift_right_logical3A_81 = arith.constant 16 : i32
    %shift_right_logical3A_82 = vector.broadcast %shift_right_logical3A_81 : i32 to vector<1000x128xi32>
    %shift_right_logical3A_83 = arith.shrui %add3A_80, %shift_right_logical3A_82 : vector<1000x128xi32>
    %shift_left3A = arith.constant 16 : i32
    %shift_left3A_84 = vector.broadcast %shift_left3A : i32 to vector<1000x128xi32>
    %shift_left3A_85 = arith.shli %shift_right_logical3A_83, %shift_left3A_84 : vector<1000x128xi32>
    %or3A = arith.ori %shift_right_logical3A_69, %shift_left3A_85 : vector<1000x128xi32>
    %bitcast_convert_type3A_86 = tpu.bitcast %or3A : vector<1000x128xi32> -> vector<1000x128xi32>
    %swap3A = arith.constant 0 : index
    %swap3A_87 = arith.constant 0 : index
    %swap3A_88 = vector.load %arg13[%swap3A, %swap3A_87] : memref<1000x128xi32, #tpu.memory_space<vmem>>, vector<1000x128xi32>
    tpu.vector_store %arg13[%swap3A, %swap3A_87], %bitcast_convert_type3A_86 {strides = array<i32>} : memref<1000x128xi32, #tpu.memory_space<vmem>>, vector<1000x128xi32>,
    %concatenate3A_89 = tpu.concatenate %dot_general3A_55, %broadcast_in_dim3A_56 in 1 : vector<1000x64xf32>, vector<1000x64xf32> -> vector<1000x128xf32>
    %bitcast_convert_type3A_90 = tpu.bitcast %concatenate3A_89 : vector<1000x128xf32> -> vector<1000x128xi32>
    %add3A_91 = arith.constant 32767 : i32
    %add3A_92 = vector.broadcast %add3A_91 : i32 to vector<1000x128xi32>
    %add3A_93 = arith.addi %bitcast_convert_type3A_90, %add3A_92 : vector<1000x128xi32>
    %shift_right_logical3A_94 = arith.constant 16 : i32
    %shift_right_logical3A_95 = vector.broadcast %shift_right_logical3A_94 : i32 to vector<1000x128xi32>
    %shift_right_logical3A_96 = arith.shrui %bitcast_convert_type3A_90, %shift_right_logical3A_95 : vector<1000x128xi32>
    %and3A_97 = arith.constant 1 : i32
    %and3A_98 = vector.broadcast %and3A_97 : i32 to vector<1000x128xi32>
    %and3A_99 = arith.andi %shift_right_logical3A_96, %and3A_98 : vector<1000x128xi32>
    %add3A_100 = arith.addi %add3A_93, %and3A_99 : vector<1000x128xi32>
    %shift_right_logical3A_101 = arith.constant 16 : i32
    %shift_right_logical3A_102 = vector.broadcast %shift_right_logical3A_101 : i32 to vector<1000x128xi32>
    %shift_right_logical3A_103 = arith.shrui %add3A_100, %shift_right_logical3A_102 : vector<1000x128xi32>
    %bitcast_convert_type3A_104 = tpu.bitcast %add3A_40 : vector<1000x128xf32> -> vector<1000x128xi32>
    %add3A_105 = arith.constant 32767 : i32
    %add3A_106 = vector.broadcast %add3A_105 : i32 to vector<1000x128xi32>
    %add3A_107 = arith.addi %bitcast_convert_type3A_104, %add3A_106 : vector<1000x128xi32>
    %shift_right_logical3A_108 = arith.constant 16 : i32
    %shift_right_logical3A_109 = vector.broadcast %shift_right_logical3A_108 : i32 to vector<1000x128xi32>
    %shift_right_logical3A_110 = arith.shrui %bitcast_convert_type3A_104, %shift_right_logical3A_109 : vector<1000x128xi32>
    %and3A_111 = arith.constant 1 : i32
    %and3A_112 = vector.broadcast %and3A_111 : i32 to vector<1000x128xi32>
    %and3A_113 = arith.andi %shift_right_logical3A_110, %and3A_112 : vector<1000x128xi32>
    %add3A_114 = arith.addi %add3A_107, %and3A_113 : vector<1000x128xi32>
    %shift_right_logical3A_115 = arith.constant 16 : i32
    %shift_right_logical3A_116 = vector.broadcast %shift_right_logical3A_115 : i32 to vector<1000x128xi32>
    %shift_right_logical3A_117 = arith.shrui %add3A_114, %shift_right_logical3A_116 : vector<1000x128xi32>
    %shift_left3A_118 = arith.constant 16 : i32
    %shift_left3A_119 = vector.broadcast %shift_left3A_118 : i32 to vector<1000x128xi32>
    %shift_left3A_120 = arith.shli %shift_right_logical3A_117, %shift_left3A_119 : vector<1000x128xi32>
    %or3A_121 = arith.ori %shift_right_logical3A_103, %shift_left3A_120 : vector<1000x128xi32>
    %bitcast_convert_type3A_122 = tpu.bitcast %or3A_121 : vector<1000x128xi32> -> vector<1000x128xi32>
    %swap3A_123 = arith.constant 0 : index
    %swap3A_124 = arith.constant 0 : index
    %swap3A_125 = vector.load %arg14[%swap3A_123, %swap3A_124] : memref<1000x128xi32, #tpu.memory_space<vmem>>, vector<1000x128xi32>
    tpu.vector_store %arg14[%swap3A_123, %swap3A_124], %bitcast_convert_type3A_122 {strides = array<i32>} : memref<1000x128xi32, #tpu.memory_space<vmem>>, vector<1000x128xi32>,
    return
  }
  func.func @transform_0(%arg0: i32) -> (i32, i32) {
    %c0_i32 = arith.constant 0 : i32
    %c0_i32_0 = arith.constant 0 : i32
    return %arg0, %c0_i32 : i32, i32
  }
  func.func @transform_1(%arg0: i32) -> (i32, i32) {
    %c0_i32 = arith.constant 0 : i32
    %c0_i32_0 = arith.constant 0 : i32
    %c0_i32_1 = arith.constant 0 : i32
    return %c0_i32, %c0_i32_0 : i32, i32
  }
  func.func @transform_2(%arg0: i32) -> (i32, i32) {
    %c0_i32 = arith.constant 0 : i32
    %c0_i32_0 = arith.constant 0 : i32
    %c0_i32_1 = arith.constant 0 : i32
    return %c0_i32, %c0_i32_0 : i32, i32
  }
  func.func @transform_3(%arg0: i32) -> (i32, i32) {
    %c0_i32 = arith.constant 0 : i32
    %c0_i32_0 = arith.constant 0 : i32
    %c0_i32_1 = arith.constant 0 : i32
    return %c0_i32, %c0_i32_0 : i32, i32
  }
  func.func @transform_4(%arg0: i32) -> (i32, i32) {
    %c0_i32 = arith.constant 0 : i32
    %c0_i32_0 = arith.constant 0 : i32
    %c0_i32_1 = arith.constant 0 : i32
    return %c0_i32, %c0_i32_0 : i32, i32
  }
  func.func @transform_5(%arg0: i32) -> (i32, i32) {
    %c0_i32 = arith.constant 0 : i32
    %c0_i32_0 = arith.constant 0 : i32
    %c0_i32_1 = arith.constant 0 : i32
    return %c0_i32, %c0_i32_0 : i32, i32
  }
  func.func @transform_6(%arg0: i32) -> (i32, i32) {
    %c0_i32 = arith.constant 0 : i32
    %c0_i32_0 = arith.constant 0 : i32
    %c0_i32_1 = arith.constant 0 : i32
    return %c0_i32, %c0_i32_0 : i32, i32
  }
  func.func @transform_7(%arg0: i32) -> (i32, i32) {
    %c0_i32 = arith.constant 0 : i32
    %c0_i32_0 = arith.constant 0 : i32
    %c0_i32_1 = arith.constant 0 : i32
    return %c0_i32, %c0_i32_0 : i32, i32
  }
  func.func @transform_8(%arg0: i32) -> (i32, i32) {
    %c0_i32 = arith.constant 0 : i32
    %c0_i32_0 = arith.constant 0 : i32
    %c0_i32_1 = arith.constant 0 : i32
    return %c0_i32, %c0_i32_0 : i32, i32
  }
  func.func @transform_9(%arg0: i32) -> (i32, i32) {
    %c0_i32 = arith.constant 0 : i32
    %c0_i32_0 = arith.constant 0 : i32
    %c0_i32_1 = arith.constant 0 : i32
    return %c0_i32, %c0_i32_0 : i32, i32
  }
  func.func @transform_10(%arg0: i32) -> (i32, i32) {
    %c0_i32 = arith.constant 0 : i32
    %c0_i32_0 = arith.constant 0 : i32
    %c0_i32_1 = arith.constant 0 : i32
    return %c0_i32, %c0_i32_0 : i32, i32
  }
  func.func @transform_11(%arg0: i32) -> (i32, i32) {
    %c0_i32 = arith.constant 0 : i32
    %c0_i32_0 = arith.constant 0 : i32
    %c0_i32_1 = arith.constant 0 : i32
    return %c0_i32, %c0_i32_0 : i32, i32
  }
  func.func @transform_12(%arg0: i32) -> (i32, i32) {
    %c0_i32 = arith.constant 0 : i32
    %c0_i32_0 = arith.constant 0 : i32
    return %arg0, %c0_i32 : i32, i32
  }
  func.func @transform_13(%arg0: i32) -> (i32, i32) {
    %c0_i32 = arith.constant 0 : i32
    %c0_i32_0 = arith.constant 0 : i32
    return %arg0, %c0_i32 : i32, i32
  }
}

module attributes {stable_mosaic.version = 14 : i64} {
  func.func @_edge_kernel(%arg0: i32, %arg1: memref<2048x128xi32, #tpu.memory_space<vmem>>, %arg2: memref<128x128xf32, #tpu.memory_space<vmem>>, %arg3: memref<1x128xf32, #tpu.memory_space<vmem>>, %arg4: memref<2048x128xf32, #tpu.memory_space<vmem>>) attributes {dimension_semantics = [#tpu.dimension_semantics<arbitrary>], iteration_bounds = array<i64: 160>, scalar_prefetch = 0 : i64, scratch_operands = 0 : i64, tpu.core_type = #tpu.core_type<tc>, window_params = [{transform_indices = @transform_0, window_bounds = array<i64: 2048, 128>}, {pipeline_mode = #tpu.pipeline_mode<synchronous>, transform_indices = @transform_1, window_bounds = array<i64: 128, 128>}, {pipeline_mode = #tpu.pipeline_mode<synchronous>, transform_indices = @transform_2, window_bounds = array<i64: 1, 128>}, {transform_indices = @transform_3, window_bounds = array<i64: 2048, 128>}]} {
    %get3A = arith.constant 0 : index
    %get3A_0 = arith.constant 0 : index
    %get3A_1 = vector.load %arg1[%get3A, %get3A_0] : memref<2048x128xi32, #tpu.memory_space<vmem>>, vector<2048x128xi32>
    %bitcast_convert_type3A = tpu.bitcast %get3A_1 : vector<2048x128xi32> -> vector<2048x128xi32>
    %shift_left3A = arith.constant 16 : i32
    %shift_left3A_2 = vector.broadcast %shift_left3A : i32 to vector<2048x128xi32>
    %shift_left3A_3 = arith.shli %bitcast_convert_type3A, %shift_left3A_2 : vector<2048x128xi32>
    %bitcast_convert_type3A_4 = tpu.bitcast %shift_left3A_3 : vector<2048x128xi32> -> vector<2048x128xf32>
    %and3A = arith.constant -65536 : i32
    %and3A_5 = vector.broadcast %and3A : i32 to vector<2048x128xi32>
    %and3A_6 = arith.andi %bitcast_convert_type3A, %and3A_5 : vector<2048x128xi32>
    %bitcast_convert_type3A_7 = tpu.bitcast %and3A_6 : vector<2048x128xi32> -> vector<2048x128xf32>
    %max3A = arith.constant 0.000000e+00 : f32
    %max3A_8 = vector.broadcast %max3A : f32 to vector<2048x128xf32>
    %max3A_9 = arith.maximumf %bitcast_convert_type3A_4, %max3A_8 : vector<2048x128xf32>
    %get3A_10 = arith.constant 0 : index
    %get3A_11 = arith.constant 0 : index
    %get3A_12 = vector.load %arg2[%get3A_10, %get3A_11] : memref<128x128xf32, #tpu.memory_space<vmem>>, vector<128x128xf32>
    %dot_general3A = arith.constant dense<0.000000e+00> : vector<2048x128xf32>
    %dot_general3A_13 = tpu.matmul %max3A_9, %get3A_12, %dot_general3A {dimension_numbers = #tpu.dot_dimension_numbers<[1], [0], [0], [1], [0, 0, 1, 1], [], []>, transpose_lhs_hint = false} : vector<2048x128xf32>, vector<128x128xf32>, vector<2048x128xf32> -> vector<2048x128xf32>
    %get3A_14 = arith.constant 0 : index
    %get3A_15 = arith.constant 0 : index
    %get3A_16 = vector.load %arg3[%get3A_14, %get3A_15] : memref<1x128xf32, #tpu.memory_space<vmem>>, vector<1x128xf32>
    %add3A = vector.broadcast %get3A_16 : vector<1x128xf32> to vector<2048x128xf32>
    %add3A_17 = arith.addf %dot_general3A_13, %add3A : vector<2048x128xf32>
    %logistic3A = arith.negf %add3A_17 : vector<2048x128xf32>
    %logistic3A_18 = math.exp %logistic3A : vector<2048x128xf32>
    %logistic3A_19 = arith.constant 1.000000e+00 : f32
    %logistic3A_20 = vector.broadcast %logistic3A_19 : f32 to vector<2048x128xf32>
    %logistic3A_21 = arith.addf %logistic3A_20, %logistic3A_18 : vector<2048x128xf32>
    %logistic3A_22 = arith.divf %logistic3A_20, %logistic3A_21 : vector<2048x128xf32>
    %mul3A = arith.constant 0.159154937 : f32
    %mul3A_23 = vector.broadcast %mul3A : f32 to vector<2048x128xf32>
    %mul3A_24 = arith.mulf %bitcast_convert_type3A_7, %mul3A_23 : vector<2048x128xf32>
    %add3A_25 = arith.constant 0x4B400000 : f32
    %add3A_26 = vector.broadcast %add3A_25 : f32 to vector<2048x128xf32>
    %add3A_27 = arith.addf %mul3A_24, %add3A_26 : vector<2048x128xf32>
    %sub3A = arith.constant 0x4B400000 : f32
    %sub3A_28 = vector.broadcast %sub3A : f32 to vector<2048x128xf32>
    %sub3A_29 = arith.subf %add3A_27, %sub3A_28 : vector<2048x128xf32>
    %mul3A_30 = arith.constant 6.28318548 : f32
    %mul3A_31 = vector.broadcast %mul3A_30 : f32 to vector<2048x128xf32>
    %mul3A_32 = arith.mulf %sub3A_29, %mul3A_31 : vector<2048x128xf32>
    %sub3A_33 = arith.subf %bitcast_convert_type3A_7, %mul3A_32 : vector<2048x128xf32>
    %mul3A_34 = arith.mulf %sub3A_33, %sub3A_33 : vector<2048x128xf32>
    %mul3A_35 = arith.constant 2.14746046E-6 : f32
    %mul3A_36 = vector.broadcast %mul3A_35 : f32 to vector<2048x128xf32>
    %mul3A_37 = arith.mulf %mul3A_34, %mul3A_36 : vector<2048x128xf32>
    %add3A_38 = arith.constant -1.92640815E-4 : f32
    %add3A_39 = vector.broadcast %add3A_38 : f32 to vector<2048x128xf32>
    %add3A_40 = arith.addf %add3A_39, %mul3A_37 : vector<2048x128xf32>
    %mul3A_41 = arith.mulf %mul3A_34, %add3A_40 : vector<2048x128xf32>
    %add3A_42 = arith.constant 0.00830891728 : f32
    %add3A_43 = vector.broadcast %add3A_42 : f32 to vector<2048x128xf32>
    %add3A_44 = arith.addf %add3A_43, %mul3A_41 : vector<2048x128xf32>
    %mul3A_45 = arith.mulf %mul3A_34, %add3A_44 : vector<2048x128xf32>
    %add3A_46 = arith.constant -0.166624203 : f32
    %add3A_47 = vector.broadcast %add3A_46 : f32 to vector<2048x128xf32>
    %add3A_48 = arith.addf %add3A_47, %mul3A_45 : vector<2048x128xf32>
    %mul3A_49 = arith.mulf %mul3A_34, %add3A_48 : vector<2048x128xf32>
    %add3A_50 = arith.constant 0.999979257 : f32
    %add3A_51 = vector.broadcast %add3A_50 : f32 to vector<2048x128xf32>
    %add3A_52 = arith.addf %add3A_51, %mul3A_49 : vector<2048x128xf32>
    %mul3A_53 = arith.mulf %sub3A_33, %add3A_52 : vector<2048x128xf32>
    %mul3A_54 = arith.mulf %logistic3A_22, %mul3A_53 : vector<2048x128xf32>
    %mul3A_55 = arith.constant 2048 : i32
    %mul3A_56 = arith.muli %arg0, %mul3A_55 : i32
    %iota3A = tpu.iota {dimensions = array<i32: 0>} : vector<2048x1xi32>
    %add3A_57 = vector.broadcast %mul3A_56 : i32 to vector<2048x1xi32>
    %add3A_58 = arith.addi %add3A_57, %iota3A : vector<2048x1xi32>
    %lt3A = arith.constant 320000 : i32
    %lt3A_59 = vector.broadcast %lt3A : i32 to vector<2048x1xi32>
    %lt3A_60 = arith.cmpi slt, %add3A_58, %lt3A_59 : vector<2048x1xi32>
    %jit3A = arith.constant 0.000000e+00 : f32
    %broadcast_in_dim3A = vector.shape_cast %lt3A_60 : vector<2048x1xi1> to vector<2048x1xi1>
    %broadcast_in_dim3A_61 = vector.broadcast %broadcast_in_dim3A : vector<2048x1xi1> to vector<2048x128xi1>
    %broadcast_in_dim3A_62 = vector.broadcast %jit3A : f32 to vector<2048x128xf32>
    %select_n3A = arith.select %broadcast_in_dim3A_61, %mul3A_54, %broadcast_in_dim3A_62 : vector<2048x128xi1>, vector<2048x128xf32>
    %swap3A = arith.constant 0 : index
    %swap3A_63 = arith.constant 0 : index
    %swap3A_64 = vector.load %arg4[%swap3A, %swap3A_63] : memref<2048x128xf32, #tpu.memory_space<vmem>>, vector<2048x128xf32>
    tpu.vector_store %arg4[%swap3A, %swap3A_63], %select_n3A {strides = array<i32>} : memref<2048x128xf32, #tpu.memory_space<vmem>>, vector<2048x128xf32>,
    return
  }
  func.func @transform_0(%arg0: i32) -> (i32, i32) {
    %c0_i32 = arith.constant 0 : i32
    %c0_i32_0 = arith.constant 0 : i32
    return %arg0, %c0_i32 : i32, i32
  }
  func.func @transform_1(%arg0: i32) -> (i32, i32) {
    %c0_i32 = arith.constant 0 : i32
    %c0_i32_0 = arith.constant 0 : i32
    %c0_i32_1 = arith.constant 0 : i32
    return %c0_i32, %c0_i32_0 : i32, i32
  }
  func.func @transform_2(%arg0: i32) -> (i32, i32) {
    %c0_i32 = arith.constant 0 : i32
    %c0_i32_0 = arith.constant 0 : i32
    %c0_i32_1 = arith.constant 0 : i32
    return %c0_i32, %c0_i32_0 : i32, i32
  }
  func.func @transform_3(%arg0: i32) -> (i32, i32) {
    %c0_i32 = arith.constant 0 : i32
    %c0_i32_0 = arith.constant 0 : i32
    return %arg0, %c0_i32 : i32, i32
  }
}

module attributes {stable_mosaic.version = 14 : i64} {
  func.func @_out_kernel(%arg0: i32, %arg1: memref<1x1000x128xf32, #tpu.memory_space<vmem>>, %arg2: memref<1x1000x128xf32, #tpu.memory_space<vmem>>, %arg3: memref<1x1000x128xf32, #tpu.memory_space<vmem>>, %arg4: memref<1x1000x128xf32, #tpu.memory_space<vmem>>, %arg5: memref<1000x128xf32, #tpu.memory_space<vmem>>, %arg6: memref<128x64xf32, #tpu.memory_space<vmem>>, %arg7: memref<1x64xf32, #tpu.memory_space<vmem>>, %arg8: memref<64x128xf32, #tpu.memory_space<vmem>>, %arg9: memref<1x128xf32, #tpu.memory_space<vmem>>, %arg10: memref<1x128xf32, #tpu.memory_space<vmem>>, %arg11: memref<1x128xf32, #tpu.memory_space<vmem>>, %arg12: memref<1000x128xf32, #tpu.memory_space<vmem>>) attributes {dimension_semantics = [#tpu.dimension_semantics<arbitrary>], iteration_bounds = array<i64: 10>, scalar_prefetch = 0 : i64, scratch_operands = 0 : i64, tpu.core_type = #tpu.core_type<tc>, window_params = [{transform_indices = @transform_0, window_bounds = array<i64: 1, 1000, 128>}, {transform_indices = @transform_1, window_bounds = array<i64: 1, 1000, 128>}, {transform_indices = @transform_2, window_bounds = array<i64: 1, 1000, 128>}, {transform_indices = @transform_3, window_bounds = array<i64: 1, 1000, 128>}, {transform_indices = @transform_4, window_bounds = array<i64: 1000, 128>}, {pipeline_mode = #tpu.pipeline_mode<synchronous>, transform_indices = @transform_5, window_bounds = array<i64: 128, 64>}, {pipeline_mode = #tpu.pipeline_mode<synchronous>, transform_indices = @transform_6, window_bounds = array<i64: 1, 64>}, {pipeline_mode = #tpu.pipeline_mode<synchronous>, transform_indices = @transform_7, window_bounds = array<i64: 64, 128>}, {pipeline_mode = #tpu.pipeline_mode<synchronous>, transform_indices = @transform_8, window_bounds = array<i64: 1, 128>}, {pipeline_mode = #tpu.pipeline_mode<synchronous>, transform_indices = @transform_9, window_bounds = array<i64: 1, 128>}, {pipeline_mode = #tpu.pipeline_mode<synchronous>, transform_indices = @transform_10, window_bounds = array<i64: 1, 128>}, {transform_indices = @transform_11, window_bounds = array<i64: 1000, 128>}]} {
    %get3A = arith.constant 0 : index
    %get3A_0 = arith.constant 0 : index
    %get3A_1 = arith.constant 0 : index
    %get3A_2 = vector.load %arg1[%get3A, %get3A_0, %get3A_1] : memref<1x1000x128xf32, #tpu.memory_space<vmem>>, vector<1x1000x128xf32>
    %get3A_3 = vector.shape_cast %get3A_2 : vector<1x1000x128xf32> to vector<1000x128xf32>
    %get3A_4 = arith.constant 0 : index
    %get3A_5 = arith.constant 0 : index
    %get3A_6 = arith.constant 0 : index
    %get3A_7 = vector.load %arg2[%get3A_4, %get3A_5, %get3A_6] : memref<1x1000x128xf32, #tpu.memory_space<vmem>>, vector<1x1000x128xf32>
    %get3A_8 = vector.shape_cast %get3A_7 : vector<1x1000x128xf32> to vector<1000x128xf32>
    %add3A = arith.addf %get3A_3, %get3A_8 : vector<1000x128xf32>
    %get3A_9 = arith.constant 0 : index
    %get3A_10 = arith.constant 0 : index
    %get3A_11 = arith.constant 0 : index
    %get3A_12 = vector.load %arg3[%get3A_9, %get3A_10, %get3A_11] : memref<1x1000x128xf32, #tpu.memory_space<vmem>>, vector<1x1000x128xf32>
    %get3A_13 = vector.shape_cast %get3A_12 : vector<1x1000x128xf32> to vector<1000x128xf32>
    %slice3A = vector.extract_strided_slice %get3A_13 {offsets = [0, 0], sizes = [1000, 1], strides = [1, 1]} : vector<1000x128xf32> to vector<1000x1xf32>
    %get3A_14 = arith.constant 0 : index
    %get3A_15 = arith.constant 0 : index
    %get3A_16 = arith.constant 0 : index
    %get3A_17 = vector.load %arg4[%get3A_14, %get3A_15, %get3A_16] : memref<1x1000x128xf32, #tpu.memory_space<vmem>>, vector<1x1000x128xf32>
    %get3A_18 = vector.shape_cast %get3A_17 : vector<1x1000x128xf32> to vector<1000x128xf32>
    %slice3A_19 = vector.extract_strided_slice %get3A_18 {offsets = [0, 0], sizes = [1000, 1], strides = [1, 1]} : vector<1000x128xf32> to vector<1000x1xf32>
    %add3A_20 = arith.addf %slice3A, %slice3A_19 : vector<1000x1xf32>
    %max3A = arith.constant 1.000000e+00 : f32
    %max3A_21 = vector.broadcast %max3A : f32 to vector<1000x1xf32>
    %max3A_22 = arith.maximumf %add3A_20, %max3A_21 : vector<1000x1xf32>
    %div3A = vector.broadcast %max3A_22 : vector<1000x1xf32> to vector<1000x128xf32>
    %div3A_23 = arith.divf %add3A, %div3A : vector<1000x128xf32>
    %get3A_24 = arith.constant 0 : index
    %get3A_25 = arith.constant 0 : index
    %get3A_26 = vector.load %arg6[%get3A_24, %get3A_25] : memref<128x64xf32, #tpu.memory_space<vmem>>, vector<128x64xf32>
    %dot_general3A = arith.constant dense<0.000000e+00> : vector<1000x64xf32>
    %dot_general3A_27 = tpu.matmul %div3A_23, %get3A_26, %dot_general3A {dimension_numbers = #tpu.dot_dimension_numbers<[1], [0], [0], [1], [0, 0, 1, 1], [], []>, transpose_lhs_hint = false} : vector<1000x128xf32>, vector<128x64xf32>, vector<1000x64xf32> -> vector<1000x64xf32>
    %get3A_28 = arith.constant 0 : index
    %get3A_29 = arith.constant 0 : index
    %get3A_30 = vector.load %arg7[%get3A_28, %get3A_29] : memref<1x64xf32, #tpu.memory_space<vmem>>, vector<1x64xf32>
    %add3A_31 = vector.broadcast %get3A_30 : vector<1x64xf32> to vector<1000x64xf32>
    %add3A_32 = arith.addf %dot_general3A_27, %add3A_31 : vector<1000x64xf32>
    %max3A_33 = arith.constant 0.000000e+00 : f32
    %max3A_34 = vector.broadcast %max3A_33 : f32 to vector<1000x64xf32>
    %max3A_35 = arith.maximumf %add3A_32, %max3A_34 : vector<1000x64xf32>
    %get3A_36 = arith.constant 0 : index
    %get3A_37 = arith.constant 0 : index
    %get3A_38 = vector.load %arg8[%get3A_36, %get3A_37] : memref<64x128xf32, #tpu.memory_space<vmem>>, vector<64x128xf32>
    %dot_general3A_39 = arith.constant dense<0.000000e+00> : vector<1000x128xf32>
    %dot_general3A_40 = tpu.matmul %max3A_35, %get3A_38, %dot_general3A_39 {dimension_numbers = #tpu.dot_dimension_numbers<[1], [0], [0], [1], [0, 0, 1, 1], [], []>, transpose_lhs_hint = false} : vector<1000x64xf32>, vector<64x128xf32>, vector<1000x128xf32> -> vector<1000x128xf32>
    %get3A_41 = arith.constant 0 : index
    %get3A_42 = arith.constant 0 : index
    %get3A_43 = vector.load %arg9[%get3A_41, %get3A_42] : memref<1x128xf32, #tpu.memory_space<vmem>>, vector<1x128xf32>
    %add3A_44 = vector.broadcast %get3A_43 : vector<1x128xf32> to vector<1000x128xf32>
    %add3A_45 = arith.addf %dot_general3A_40, %add3A_44 : vector<1000x128xf32>
    %reduce_sum3A = arith.constant dense<0.000000e+00> : vector<1000xf32>
    %reduce_sum3A_46 = vector.multi_reduction <add>, %add3A_45, %reduce_sum3A [1] : vector<1000x128xf32> to vector<1000xf32>
    %broadcast_in_dim3A = vector.shape_cast %reduce_sum3A_46 : vector<1000xf32> to vector<1000x1xf32>
    %div3A_47 = arith.constant 1.280000e+02 : f32
    %div3A_48 = vector.broadcast %div3A_47 : f32 to vector<1000x1xf32>
    %div3A_49 = arith.divf %broadcast_in_dim3A, %div3A_48 : vector<1000x1xf32>
    %sub3A = vector.broadcast %div3A_49 : vector<1000x1xf32> to vector<1000x128xf32>
    %sub3A_50 = arith.subf %add3A_45, %sub3A : vector<1000x128xf32>
    %integer_pow3A = arith.mulf %sub3A_50, %sub3A_50 : vector<1000x128xf32>
    %reduce_sum3A_51 = arith.constant dense<0.000000e+00> : vector<1000xf32>
    %reduce_sum3A_52 = vector.multi_reduction <add>, %integer_pow3A, %reduce_sum3A_51 [1] : vector<1000x128xf32> to vector<1000xf32>
    %broadcast_in_dim3A_53 = vector.shape_cast %reduce_sum3A_52 : vector<1000xf32> to vector<1000x1xf32>
    %div3A_54 = arith.constant 1.280000e+02 : f32
    %div3A_55 = vector.broadcast %div3A_54 : f32 to vector<1000x1xf32>
    %div3A_56 = arith.divf %broadcast_in_dim3A_53, %div3A_55 : vector<1000x1xf32>
    %sub3A_57 = vector.broadcast %div3A_49 : vector<1000x1xf32> to vector<1000x128xf32>
    %sub3A_58 = arith.subf %add3A_45, %sub3A_57 : vector<1000x128xf32>
    %add3A_59 = arith.constant 9.99999974E-6 : f32
    %add3A_60 = vector.broadcast %add3A_59 : f32 to vector<1000x1xf32>
    %add3A_61 = arith.addf %div3A_56, %add3A_60 : vector<1000x1xf32>
    %rsqrt3A = math.rsqrt %add3A_61 : vector<1000x1xf32>
    %mul3A = vector.broadcast %rsqrt3A : vector<1000x1xf32> to vector<1000x128xf32>
    %mul3A_62 = arith.mulf %sub3A_58, %mul3A : vector<1000x128xf32>
    %get3A_63 = arith.constant 0 : index
    %get3A_64 = arith.constant 0 : index
    %get3A_65 = vector.load %arg10[%get3A_63, %get3A_64] : memref<1x128xf32, #tpu.memory_space<vmem>>, vector<1x128xf32>
    %mul3A_66 = vector.broadcast %get3A_65 : vector<1x128xf32> to vector<1000x128xf32>
    %mul3A_67 = arith.mulf %mul3A_62, %mul3A_66 : vector<1000x128xf32>
    %get3A_68 = arith.constant 0 : index
    %get3A_69 = arith.constant 0 : index
    %get3A_70 = vector.load %arg11[%get3A_68, %get3A_69] : memref<1x128xf32, #tpu.memory_space<vmem>>, vector<1x128xf32>
    %add3A_71 = vector.broadcast %get3A_70 : vector<1x128xf32> to vector<1000x128xf32>
    %add3A_72 = arith.addf %mul3A_67, %add3A_71 : vector<1000x128xf32>
    %max3A_73 = arith.constant 0.000000e+00 : f32
    %max3A_74 = vector.broadcast %max3A_73 : f32 to vector<1000x128xf32>
    %max3A_75 = arith.maximumf %add3A_72, %max3A_74 : vector<1000x128xf32>
    %swap3A = arith.constant 0 : index
    %swap3A_76 = arith.constant 0 : index
    %swap3A_77 = vector.load %arg12[%swap3A, %swap3A_76] : memref<1000x128xf32, #tpu.memory_space<vmem>>, vector<1000x128xf32>
    tpu.vector_store %arg12[%swap3A, %swap3A_76], %max3A_75 {strides = array<i32>} : memref<1000x128xf32, #tpu.memory_space<vmem>>, vector<1000x128xf32>,
    return
  }
  func.func @transform_0(%arg0: i32) -> (i32, i32, i32) {
    %c0_i32 = arith.constant 0 : i32
    %c0_i32_0 = arith.constant 0 : i32
    %c0_i32_1 = arith.constant 0 : i32
    return %c0_i32, %arg0, %c0_i32_0 : i32, i32, i32
  }
  func.func @transform_1(%arg0: i32) -> (i32, i32, i32) {
    %c1_i32 = arith.constant 1 : i32
    %c0_i32 = arith.constant 0 : i32
    %c0_i32_0 = arith.constant 0 : i32
    return %c1_i32, %arg0, %c0_i32 : i32, i32, i32
  }
  func.func @transform_2(%arg0: i32) -> (i32, i32, i32) {
    %c0_i32 = arith.constant 0 : i32
    %c0_i32_0 = arith.constant 0 : i32
    %c0_i32_1 = arith.constant 0 : i32
    return %c0_i32, %arg0, %c0_i32_0 : i32, i32, i32
  }
  func.func @transform_3(%arg0: i32) -> (i32, i32, i32) {
    %c1_i32 = arith.constant 1 : i32
    %c0_i32 = arith.constant 0 : i32
    %c0_i32_0 = arith.constant 0 : i32
    return %c1_i32, %arg0, %c0_i32 : i32, i32, i32
  }
  func.func @transform_4(%arg0: i32) -> (i32, i32) {
    %c0_i32 = arith.constant 0 : i32
    %c0_i32_0 = arith.constant 0 : i32
    return %arg0, %c0_i32 : i32, i32
  }
  func.func @transform_5(%arg0: i32) -> (i32, i32) {
    %c0_i32 = arith.constant 0 : i32
    %c0_i32_0 = arith.constant 0 : i32
    %c0_i32_1 = arith.constant 0 : i32
    return %c0_i32, %c0_i32_0 : i32, i32
  }
  func.func @transform_6(%arg0: i32) -> (i32, i32) {
    %c0_i32 = arith.constant 0 : i32
    %c0_i32_0 = arith.constant 0 : i32
    %c0_i32_1 = arith.constant 0 : i32
    return %c0_i32, %c0_i32_0 : i32, i32
  }
  func.func @transform_7(%arg0: i32) -> (i32, i32) {
    %c0_i32 = arith.constant 0 : i32
    %c0_i32_0 = arith.constant 0 : i32
    %c0_i32_1 = arith.constant 0 : i32
    return %c0_i32, %c0_i32_0 : i32, i32
  }
  func.func @transform_8(%arg0: i32) -> (i32, i32) {
    %c0_i32 = arith.constant 0 : i32
    %c0_i32_0 = arith.constant 0 : i32
    %c0_i32_1 = arith.constant 0 : i32
    return %c0_i32, %c0_i32_0 : i32, i32
  }
  func.func @transform_9(%arg0: i32) -> (i32, i32) {
    %c0_i32 = arith.constant 0 : i32
    %c0_i32_0 = arith.constant 0 : i32
    %c0_i32_1 = arith.constant 0 : i32
    return %c0_i32, %c0_i32_0 : i32, i32
  }
  func.func @transform_10(%arg0: i32) -> (i32, i32) {
    %c0_i32 = arith.constant 0 : i32
    %c0_i32_0 = arith.constant 0 : i32
    %c0_i32_1 = arith.constant 0 : i32
    return %c0_i32, %c0_i32_0 : i32, i32
  }
  func.func @transform_11(%arg0: i32) -> (i32, i32) {
    %c0_i32 = arith.constant 0 : i32
    %c0_i32_0 = arith.constant 0 : i32
    return %arg0, %c0_i32 : i32, i32
  }
}

module attributes {stable_mosaic.version = 14 : i64} {
  func.func @_out_kernel(%arg0: i32, %arg1: memref<1x1000x128xf32, #tpu.memory_space<vmem>>, %arg2: memref<1x1000x128xf32, #tpu.memory_space<vmem>>, %arg3: memref<1x1000x128xf32, #tpu.memory_space<vmem>>, %arg4: memref<1x1000x128xf32, #tpu.memory_space<vmem>>, %arg5: memref<1000x128xf32, #tpu.memory_space<vmem>>, %arg6: memref<128x64xf32, #tpu.memory_space<vmem>>, %arg7: memref<1x64xf32, #tpu.memory_space<vmem>>, %arg8: memref<64x128xf32, #tpu.memory_space<vmem>>, %arg9: memref<1x128xf32, #tpu.memory_space<vmem>>, %arg10: memref<1x128xf32, #tpu.memory_space<vmem>>, %arg11: memref<1x128xf32, #tpu.memory_space<vmem>>, %arg12: memref<1000x128xf32, #tpu.memory_space<vmem>>) attributes {dimension_semantics = [#tpu.dimension_semantics<arbitrary>], iteration_bounds = array<i64: 10>, scalar_prefetch = 0 : i64, scratch_operands = 0 : i64, tpu.core_type = #tpu.core_type<tc>, window_params = [{transform_indices = @transform_0, window_bounds = array<i64: 1, 1000, 128>}, {transform_indices = @transform_1, window_bounds = array<i64: 1, 1000, 128>}, {transform_indices = @transform_2, window_bounds = array<i64: 1, 1000, 128>}, {transform_indices = @transform_3, window_bounds = array<i64: 1, 1000, 128>}, {transform_indices = @transform_4, window_bounds = array<i64: 1000, 128>}, {pipeline_mode = #tpu.pipeline_mode<synchronous>, transform_indices = @transform_5, window_bounds = array<i64: 128, 64>}, {pipeline_mode = #tpu.pipeline_mode<synchronous>, transform_indices = @transform_6, window_bounds = array<i64: 1, 64>}, {pipeline_mode = #tpu.pipeline_mode<synchronous>, transform_indices = @transform_7, window_bounds = array<i64: 64, 128>}, {pipeline_mode = #tpu.pipeline_mode<synchronous>, transform_indices = @transform_8, window_bounds = array<i64: 1, 128>}, {pipeline_mode = #tpu.pipeline_mode<synchronous>, transform_indices = @transform_9, window_bounds = array<i64: 1, 128>}, {pipeline_mode = #tpu.pipeline_mode<synchronous>, transform_indices = @transform_10, window_bounds = array<i64: 1, 128>}, {transform_indices = @transform_11, window_bounds = array<i64: 1000, 128>}]} {
    %get3A = arith.constant 0 : index
    %get3A_0 = arith.constant 0 : index
    %get3A_1 = arith.constant 0 : index
    %get3A_2 = vector.load %arg1[%get3A, %get3A_0, %get3A_1] : memref<1x1000x128xf32, #tpu.memory_space<vmem>>, vector<1x1000x128xf32>
    %get3A_3 = vector.shape_cast %get3A_2 : vector<1x1000x128xf32> to vector<1000x128xf32>
    %get3A_4 = arith.constant 0 : index
    %get3A_5 = arith.constant 0 : index
    %get3A_6 = arith.constant 0 : index
    %get3A_7 = vector.load %arg2[%get3A_4, %get3A_5, %get3A_6] : memref<1x1000x128xf32, #tpu.memory_space<vmem>>, vector<1x1000x128xf32>
    %get3A_8 = vector.shape_cast %get3A_7 : vector<1x1000x128xf32> to vector<1000x128xf32>
    %add3A = arith.addf %get3A_3, %get3A_8 : vector<1000x128xf32>
    %get3A_9 = arith.constant 0 : index
    %get3A_10 = arith.constant 0 : index
    %get3A_11 = arith.constant 0 : index
    %get3A_12 = vector.load %arg3[%get3A_9, %get3A_10, %get3A_11] : memref<1x1000x128xf32, #tpu.memory_space<vmem>>, vector<1x1000x128xf32>
    %get3A_13 = vector.shape_cast %get3A_12 : vector<1x1000x128xf32> to vector<1000x128xf32>
    %slice3A = vector.extract_strided_slice %get3A_13 {offsets = [0, 0], sizes = [1000, 1], strides = [1, 1]} : vector<1000x128xf32> to vector<1000x1xf32>
    %get3A_14 = arith.constant 0 : index
    %get3A_15 = arith.constant 0 : index
    %get3A_16 = arith.constant 0 : index
    %get3A_17 = vector.load %arg4[%get3A_14, %get3A_15, %get3A_16] : memref<1x1000x128xf32, #tpu.memory_space<vmem>>, vector<1x1000x128xf32>
    %get3A_18 = vector.shape_cast %get3A_17 : vector<1x1000x128xf32> to vector<1000x128xf32>
    %slice3A_19 = vector.extract_strided_slice %get3A_18 {offsets = [0, 0], sizes = [1000, 1], strides = [1, 1]} : vector<1000x128xf32> to vector<1000x1xf32>
    %add3A_20 = arith.addf %slice3A, %slice3A_19 : vector<1000x1xf32>
    %max3A = arith.constant 1.000000e+00 : f32
    %max3A_21 = vector.broadcast %max3A : f32 to vector<1000x1xf32>
    %max3A_22 = arith.maximumf %add3A_20, %max3A_21 : vector<1000x1xf32>
    %div3A = vector.broadcast %max3A_22 : vector<1000x1xf32> to vector<1000x128xf32>
    %div3A_23 = arith.divf %add3A, %div3A : vector<1000x128xf32>
    %get3A_24 = arith.constant 0 : index
    %get3A_25 = arith.constant 0 : index
    %get3A_26 = vector.load %arg6[%get3A_24, %get3A_25] : memref<128x64xf32, #tpu.memory_space<vmem>>, vector<128x64xf32>
    %dot_general3A = arith.constant dense<0.000000e+00> : vector<1000x64xf32>
    %dot_general3A_27 = tpu.matmul %div3A_23, %get3A_26, %dot_general3A {dimension_numbers = #tpu.dot_dimension_numbers<[1], [0], [0], [1], [0, 0, 1, 1], [], []>, transpose_lhs_hint = false} : vector<1000x128xf32>, vector<128x64xf32>, vector<1000x64xf32> -> vector<1000x64xf32>
    %get3A_28 = arith.constant 0 : index
    %get3A_29 = arith.constant 0 : index
    %get3A_30 = vector.load %arg7[%get3A_28, %get3A_29] : memref<1x64xf32, #tpu.memory_space<vmem>>, vector<1x64xf32>
    %add3A_31 = vector.broadcast %get3A_30 : vector<1x64xf32> to vector<1000x64xf32>
    %add3A_32 = arith.addf %dot_general3A_27, %add3A_31 : vector<1000x64xf32>
    %max3A_33 = arith.constant 0.000000e+00 : f32
    %max3A_34 = vector.broadcast %max3A_33 : f32 to vector<1000x64xf32>
    %max3A_35 = arith.maximumf %add3A_32, %max3A_34 : vector<1000x64xf32>
    %get3A_36 = arith.constant 0 : index
    %get3A_37 = arith.constant 0 : index
    %get3A_38 = vector.load %arg8[%get3A_36, %get3A_37] : memref<64x128xf32, #tpu.memory_space<vmem>>, vector<64x128xf32>
    %dot_general3A_39 = arith.constant dense<0.000000e+00> : vector<1000x128xf32>
    %dot_general3A_40 = tpu.matmul %max3A_35, %get3A_38, %dot_general3A_39 {dimension_numbers = #tpu.dot_dimension_numbers<[1], [0], [0], [1], [0, 0, 1, 1], [], []>, transpose_lhs_hint = false} : vector<1000x64xf32>, vector<64x128xf32>, vector<1000x128xf32> -> vector<1000x128xf32>
    %get3A_41 = arith.constant 0 : index
    %get3A_42 = arith.constant 0 : index
    %get3A_43 = vector.load %arg9[%get3A_41, %get3A_42] : memref<1x128xf32, #tpu.memory_space<vmem>>, vector<1x128xf32>
    %add3A_44 = vector.broadcast %get3A_43 : vector<1x128xf32> to vector<1000x128xf32>
    %add3A_45 = arith.addf %dot_general3A_40, %add3A_44 : vector<1000x128xf32>
    %get3A_46 = arith.constant 0 : index
    %get3A_47 = arith.constant 0 : index
    %get3A_48 = vector.load %arg5[%get3A_46, %get3A_47] : memref<1000x128xf32, #tpu.memory_space<vmem>>, vector<1000x128xf32>
    %add3A_49 = arith.addf %add3A_45, %get3A_48 : vector<1000x128xf32>
    %swap3A = arith.constant 0 : index
    %swap3A_50 = arith.constant 0 : index
    %swap3A_51 = vector.load %arg12[%swap3A, %swap3A_50] : memref<1000x128xf32, #tpu.memory_space<vmem>>, vector<1000x128xf32>
    tpu.vector_store %arg12[%swap3A, %swap3A_50], %add3A_49 {strides = array<i32>} : memref<1000x128xf32, #tpu.memory_space<vmem>>, vector<1000x128xf32>,
    return
  }
  func.func @transform_0(%arg0: i32) -> (i32, i32, i32) {
    %c0_i32 = arith.constant 0 : i32
    %c0_i32_0 = arith.constant 0 : i32
    %c0_i32_1 = arith.constant 0 : i32
    return %c0_i32, %arg0, %c0_i32_0 : i32, i32, i32
  }
  func.func @transform_1(%arg0: i32) -> (i32, i32, i32) {
    %c1_i32 = arith.constant 1 : i32
    %c0_i32 = arith.constant 0 : i32
    %c0_i32_0 = arith.constant 0 : i32
    return %c1_i32, %arg0, %c0_i32 : i32, i32, i32
  }
  func.func @transform_2(%arg0: i32) -> (i32, i32, i32) {
    %c0_i32 = arith.constant 0 : i32
    %c0_i32_0 = arith.constant 0 : i32
    %c0_i32_1 = arith.constant 0 : i32
    return %c0_i32, %arg0, %c0_i32_0 : i32, i32, i32
  }
  func.func @transform_3(%arg0: i32) -> (i32, i32, i32) {
    %c1_i32 = arith.constant 1 : i32
    %c0_i32 = arith.constant 0 : i32
    %c0_i32_0 = arith.constant 0 : i32
    return %c1_i32, %arg0, %c0_i32 : i32, i32, i32
  }
  func.func @transform_4(%arg0: i32) -> (i32, i32) {
    %c0_i32 = arith.constant 0 : i32
    %c0_i32_0 = arith.constant 0 : i32
    return %arg0, %c0_i32 : i32, i32
  }
  func.func @transform_5(%arg0: i32) -> (i32, i32) {
    %c0_i32 = arith.constant 0 : i32
    %c0_i32_0 = arith.constant 0 : i32
    %c0_i32_1 = arith.constant 0 : i32
    return %c0_i32, %c0_i32_0 : i32, i32
  }
  func.func @transform_6(%arg0: i32) -> (i32, i32) {
    %c0_i32 = arith.constant 0 : i32
    %c0_i32_0 = arith.constant 0 : i32
    %c0_i32_1 = arith.constant 0 : i32
    return %c0_i32, %c0_i32_0 : i32, i32
  }
  func.func @transform_7(%arg0: i32) -> (i32, i32) {
    %c0_i32 = arith.constant 0 : i32
    %c0_i32_0 = arith.constant 0 : i32
    %c0_i32_1 = arith.constant 0 : i32
    return %c0_i32, %c0_i32_0 : i32, i32
  }
  func.func @transform_8(%arg0: i32) -> (i32, i32) {
    %c0_i32 = arith.constant 0 : i32
    %c0_i32_0 = arith.constant 0 : i32
    %c0_i32_1 = arith.constant 0 : i32
    return %c0_i32, %c0_i32_0 : i32, i32
  }
  func.func @transform_9(%arg0: i32) -> (i32, i32) {
    %c0_i32 = arith.constant 0 : i32
    %c0_i32_0 = arith.constant 0 : i32
    %c0_i32_1 = arith.constant 0 : i32
    return %c0_i32, %c0_i32_0 : i32, i32
  }
  func.func @transform_10(%arg0: i32) -> (i32, i32) {
    %c0_i32 = arith.constant 0 : i32
    %c0_i32_0 = arith.constant 0 : i32
    %c0_i32_1 = arith.constant 0 : i32
    return %c0_i32, %c0_i32_0 : i32, i32
  }
  func.func @transform_11(%arg0: i32) -> (i32, i32) {
    %c0_i32 = arith.constant 0 : i32
    %c0_i32_0 = arith.constant 0 : i32
    return %arg0, %c0_i32 : i32, i32
  }
}

</mosaic_0001>

<sc_bundles>
// kernel: kernel.13.cloned.1.call-start
scs
__scs_entry_jumppad:
0x0: {  	(pc) =	sbr.rel $0x88, $3  }
0x1: {  	(tag) =	ssettag $0x0;
	lr =	simm.s32 $0x1  }
0x2: {  	[smem:$0x3F7D] =	sst lr;
	_ =	strace $0xD0000000  }
0x3: {  	_ = 	snop  }
0x4: {  	_ = 	snop  }
0x5: {  	_ = 	snop  }
0x6: {  	_ = 	snop  }
0x7: {  	_ = 	snop  }
__scs_overlays_trampoline_lowered:
0x8: {  	[smem:$0x3F8C] =	sst s0  }
0x9: {  	[smem:$0x3F8D] =	sst s1  }
0xa: {  	[smem:$0x3F8E] =	sst s2  }
0xb: {  	[smem:$0x3F8F] =	sst s3  }
0xc: {  	[smem:$0x3F90] =	sst s4  }
0xd: {  	[smem:$0x3F91] =	sst s5  }
0xe: {  	[smem:$0x3F92] =	sst s6  }
0xf: {  	[smem:$0x3F93] =	sst s7  }
0x10: {  	[smem:$0x3F94] =	sst s8  }
0x11: {  	[smem:$0x3F95] =	sst s9;
	s0 =	simm.s32 @!p0 $0x0  }
0x12: {  	s1 =	sld [smem:$0x3F7B];
	s0 =	simm.s32 @p0 $0x1  }
0x13: {  	[smem:$0x3F96] =	sst s0;
	s0 =	simm.s32 @!p1 $0x0  }
0x14: {  	s2 =	sld [smem:$0x3F7A];
	s0 =	simm.s32 @p1 $0x1  }
0x15: {  	[smem:$0x3F97] =	sst s0;
	s0 =	simm.s32 @!p2 $0x0  }
0x16: {  	s3 =	sld [smem:$0x3FDB];
	s0 =	simm.s32 @p2 $0x1  }
0x17: {  	s4 =	simm.s32 $0x1BF5;
	[smem:$0x3F99] =	sst s0  }
0x18: {  	s0 =	sld [smem:$0x3F7C];
	_ =	swait.ge [sflag:s4], $0x0  }
0x19: {  	s7 =	sld [smem:$0x3F7D]  }
0x1a: {  	s8 =	sadd.s32 $0xFFFFE003, lr  }
0x1b: {  	s9 =	sadd.s32 $0xFFFFFEF7, lr;
	s5 =	simm.s32 $0xFFFFFFFF;
	p2 =	slt.u32 s8, $0xFFFFF086  }
0x1c: {  	p1 =	slt.u32 s9, $0xF7A;
	s5 =	simm.s32 @!p2 $0x0  }
0x1d: {  	s5 =	simm.s32 @p1 $0x1;
	p0 =	seq.s32 s7, s2  }
0x1e: {  	s7 =	smul.u32 @!p0 $0xF7A, s2;
	p2 =	seq.s32 @!p0 s5, $0x0  }
0x1f: {  	s9 =	smul.u32 $0xF7A, s1;
	s8 =	simm.s32 @!p0 $0x1BF5;
	p2 =	por !p2, p0  }
0x20: {  	[sflag:s8] =	ssyncset.s32 @!p0 $0xFFFFF086;
	s6 =	sadd.s32 @!p0 s3, s7;
	s7 =	simm.s32 @!p0 $0x108  }
0x21: {  	s3 =	sadd.s32 s3, s9;
	s6 =	sadd.s32 @!p0 $0x88, s6;
	s7 =	simm.s32 @p2 $0x1082  }
0x22: {  	[simem:s7], [sflag:s8] =	dma.local @!p0 [hbm:s6], $0xF7A  }
0x23: {  	s9 =	sor.u32 $0xD0000000, s2;
	s6 =	simm.s32 $0x108;
	_ =	swait.ge @!p0 [sflag:s8], $0x0  }
0x24: {  	s3 =	sadd.s32 $0x88, s3;
	s6 =	simm.s32 @!p1 $0x1082;
	[sflag:s4] =	ssyncset.s32 $0xFFFFF086  }
0x25: {  	[simem:s6], [sflag:s4] =	dma.local [hbm:s3], $0xF7A  }
0x26: {  	[smem:$0x3F7D] =	sst s1;
	(tag) =	ssettag s2;
	_ =	strace s9  }
0x27: {  	s1 =	sld [smem:$0x3F8D]  }
0x28: {  	s2 =	sld [smem:$0x3F8E]  }
0x29: {  	s4 =	sld [smem:$0x3F90]  }
0x2a: {  	p0 =	seq.s32 s5, $0x0;
	s5 =	sld [smem:$0x3F91]  }
0x2b: {  	s6 =	sld [smem:$0x3F92]  }
0x2c: {  	s7 =	sld [smem:$0x3F93]  }
0x2d: {  	s3 =	simm.s32 $0x108;
	s8 =	sld [smem:$0x3F94]  }
0x2e: {  	s3 =	simm.s32 @!p0 $0x1082;
	s9 =	sld [smem:$0x3F95]  }
0x2f: {  	lr =	sadd.s32 s0, s3;
	s0 =	sld [smem:$0x3F8C]  }
0x30: {  	s3 =	sld [smem:$0x3F8F]  }
0x31: {  	[smem:$0x3F98] =	sst s10  }
0x32: {  	s10 =	sld [smem:$0x3F96];
	_ =	sdelay $0x3  }
0x33: {  	p0 =	seq.s32 s10, $0x1;
	s10 =	sld [smem:$0x3F98];
	_ =	sdelay $0x3  }
0x34: {  	[smem:$0x3F98] =	sst s10  }
0x35: {  	s10 =	sld [smem:$0x3F97];
	_ =	sdelay $0x3  }
0x36: {  	p1 =	seq.s32 s10, $0x1;
	s10 =	sld [smem:$0x3F98];
	_ =	sdelay $0x3  }
0x37: {  	[smem:$0x3F98] =	sst s10  }
0x38: {  	s10 =	sld [smem:$0x3F99]  }
0x39: {  	_ = 	snop;
	(pc) =	sbr.ind lr, $3  }
0x3a: {  	_ = 	snop  }
0x3b: {  	_ = 	snop  }
0x3c: {  	p2 =	seq.s32 s10, $0x1;
	s10 =	sld [smem:$0x3F98]  }
0x3d: {  	_ =	shalt  }
0x3e: {  	_ =	shalt  }
0x3f: {  	_ =	shalt  }
0x40: {  	_ =	shalt  }
0x41: {  	_ =	shalt  }
0x42: {  	_ =	shalt  }
0x43: {  	_ =	shalt  }
0x44: {  	_ =	shalt  }
0x45: {  	_ =	shalt  }
0x46: {  	_ =	shalt  }
0x47: {  	_ =	shalt  }
0x48: {  	_ =	shalt  }
0x49: {  	_ =	shalt  }
0x4a: {  	_ =	shalt  }
0x4b: {  	_ =	shalt  }
0x4c: {  	_ =	shalt  }
0x4d: {  	_ =	shalt  }
0x4e: {  	_ =	shalt  }
0x4f: {  	_ =	shalt  }
0x50: {  	_ =	shalt  }
0x51: {  	_ =	shalt  }
0x52: {  	_ =	shalt  }
0x53: {  	_ =	shalt  }
0x54: {  	_ =	shalt  }
0x55: {  	_ =	shalt  }
0x56: {  	_ =	shalt  }
0x57: {  	_ =	shalt  }
0x58: {  	_ =	shalt  }
0x59: {  	_ =	shalt  }
0x5a: {  	_ =	shalt  }
0x5b: {  	_ =	shalt  }
0x5c: {  	_ =	shalt  }
0x5d: {  	_ =	shalt  }
0x5e: {  	_ =	shalt  }
0x5f: {  	_ =	shalt  }
0x60: {  	_ =	shalt  }
0x61: {  	_ =	shalt  }
0x62: {  	_ =	shalt  }
0x63: {  	_ =	shalt  }
0x64: {  	_ =	shalt  }
0x65: {  	_ =	shalt  }
0x66: {  	_ =	shalt  }
0x67: {  	_ =	shalt  }
0x68: {  	_ =	shalt  }
0x69: {  	_ =	shalt  }
0x6a: {  	_ =	shalt  }
0x6b: {  	_ =	shalt  }
0x6c: {  	_ =	shalt  }
0x6d: {  	_ =	shalt  }
0x6e: {  	_ =	shalt  }
0x6f: {  	_ =	shalt  }
0x70: {  	_ =	shalt  }
0x71: {  	_ =	shalt  }
0x72: {  	_ =	shalt  }
0x73: {  	_ =	shalt  }
0x74: {  	_ =	shalt  }
0x75: {  	_ =	shalt  }
0x76: {  	_ =	shalt  }
0x77: {  	_ =	shalt  }
0x78: {  	_ =	shalt  }
0x79: {  	_ =	shalt  }
0x7a: {  	_ =	shalt  }
0x7b: {  	_ =	shalt  }
0x7c: {  	_ =	shalt  }
0x7d: {  	_ =	shalt  }
0x7e: {  	_ =	shalt  }
0x7f: {  	_ =	shalt  }
0x80: {  	_ =	shalt  }
0x81: {  	_ =	shalt  }
0x82: {  	_ =	shalt  }
0x83: {  	_ =	shalt  }
0x84: {  	_ =	shalt  }
0x85: {  	_ =	shalt  }
0x86: {  	_ =	shalt  }
0x87: {  	_ =	shalt  }
.Lfunc_end0:
.L_simem_size_0:
called_computation_lowered:
.L_overlay_start_0:
0x88: {  	s2 =	sld [smem:$0x3FD9]  }
0x89: {  	s3 =	sld [smem:$0x3FFE];
	_ =	sdelay $0x1  }
0x8a: {  	s1 =	srdreg.scid  }
0x8b: {  	s0 =	sand.u32 $0x1, s1  }
0x8c: {  	s17 =	sshll.u32 s0, $0xA;
	s2 =	sadd.s32 s3, s2  }
0x8d: {  	s2 =	sadd.s32 s2, s17  }
0x8e: {  	[smem:$0x3FA4] =	sst s2  }
0x8f: {  	_ = 	snop  }
0x90: {  	(tm) =	ssettm $0x1  }
0x91: {  	s18 =	sld [smem:$0x3FFB];
	_ =	sdelay $0x3  }
0x92: {  	_ =	strace s18  }
0x93: {  	s2 =	sld [smem:$0x3FFC];
	_ =	sdelay $0x3  }
0x94: {  	_ =	strace s2  }
0x95: {  	s2 =	sld [smem:$0x3FFD];
	_ =	sdelay $0x3  }
0x96: {  	_ =	strace s2  }
0x97: {  	_ =	strace $0x8FFFFFFF  }
0x98: {  	s19 =	sld [smem:$0x3FDB];
	_ =	sdelay $0x1  }
0x99: {  	s20 =	simm.s32 $_scs_section_size  }
0x9a: {  	s4 =	simm.s32 $_size__tile_overlayer_lowered;
	s5 =	simm.s32 $_tile_overlayer_lowered  }
0x9b: {  	s6 =	simm.s32 $0x1BFF;
	s21 =	sshll.u32 s5, $0x1;
	s3 =	sadd.s32 s20, s19  }
0x9c: {  	s22 =	simm.s32 $0x0;
	s4 =	sshll.u32 s4, $0x1;
	s5 =	sadd.s32 s21, s3  }
0x9d: {  	[timem:s22], [sflag:s6] =	dma.local [hbm:s5], s4  }
0x9e: {  	_ =	swait.ge [sflag:s6], s4  }
0x9f: {  	s4 =	ssub.s32 $0x0, s4;
	[sflag:s6] =	ssyncset.done $0x0  }
0xa0: {  	[sflag:s6] =	ssyncadd.s32 s4;
	_ =	sdelay $0x1  }
0xa1: {  	s23 =	simm.s32 $0x1B8B  }
0xa2: {  	_ =	swait.ge [sflag:s23], $0x1  }
0xa3: {  	[sflag:s23] =	ssyncset.done $0x0  }
0xa4: {  	[sflag:s23] =	ssyncadd.s32 $0xFFFFFFFF  }
0xa5: {  	s4 =	sld [smem:$0x0]  }
0xa6: {  	s5 =	sand.u32 $0xFFFFFFFE, s1  }
0xa7: {  	p0 =	sne.s32 s1, s5  }
0xa8: {  	s5 =	sshll.u32 @p0 s5, $0xE  }
0xa9: {  	s5 =	sadd.s32 @p0 $0x11B8D, s5;
	s6 =	sshll.u32 @p0 s4, $0x11  }
0xaa: {  	s5 =	sor.u32 @p0 s6, s5  }
0xab: {  	[sflag:s5] =	ssyncadd.remote.s32 @p0 $0x1;
	_ =	sdelay $0x1  }
0xac: {  	s5 =	simm.s32 @p0 $0x1B8D  }
0xad: {  	_ =	swait.eq @p0 [sflag:s5], $0x1  }
0xae: {  	[sflag:s5] =	ssyncadd.s32 @p0 $0xFFFFFFFF  }
0xaf: {  	s6 =	sshll.u32 @!p0 s1, $0xE  }
0xb0: {  	s6 =	sor.u32 @!p0 $0x4000, s6;
	s5 =	simm.s32 @!p0 $0x1B8D  }
0xb1: {  	s4 =	sshll.u32 @!p0 s4, $0x11;
	s6 =	sadd.s32 @!p0 $0x11B8D, s6;
	_ =	swait.eq @!p0 [sflag:s5], $0x1  }
0xb2: {  	s4 =	sor.u32 @!p0 s4, s6;
	[sflag:s5] =	ssyncadd.s32 @!p0 $0xFFFFFFFF  }
0xb3: {  	s25 =	simm.s32 $0x1B8E;
	s24 =	sld [smem:$0x3FFE];
	[sflag:s4] =	ssyncadd.remote.s32 @!p0 $0x1  }
0xb4: {  	s26 =	simm.s32 $execute0_lowered;
	[smem:$0x3FD2] =	sst s25  }
0xb5: {  	s5 =	sshll.u32 s26, $0x1;
	_ =	strace $0x80000049;
	[dreg:$0x1] =	wrdreg $0xFFFFFFFF  }
0xb6: {  	s28 =	simm.s32 $_size_execute0_lowered;
	s3 =	sadd.s32 s3, s5;
	[dreg:$0x0] =	wrdreg $0x0  }
0xb7: {  	s5 =	sshll.u32 s28, $0x1;
	[dreg:$0x2] =	wrdreg s3  }
0xb8: {  	[dreg:$0x3] =	wrdreg s5  }
0xb9: {  	[dreg:$0x4] =	wrdreg $0xC0  }
0xba: {  	_ =	task [dreg:s22], $0x5FFFF  }
0xbb: {  	[dreg:$0x1] =	wrdreg $0xFFFFFFFF  }
0xbc: {  	[dreg:$0x0] =	wrdreg $0x60  }
0xbd: {  	[dreg:$0x2] =	wrdreg s24  }
0xbe: {  	[dreg:$0x3] =	wrdreg $0x68000  }
0xbf: {  	[dreg:$0x4] =	wrdreg $0x9  }
0xc0: {  	_ =	task.clear_ibuf [dreg:s22], $0x5FFFF;
	_ =	strace $0x90000049  }
0xc1: {  	s29 =	simm.s32 $0x9;
	_ =	strace $0x8000004B  }
0xc2: {  	_ =	swait.ge [sflag:s29], $0x1  }
0xc3: {  	[sflag:s29] =	ssyncadd.s32 $0xFFFFFFFF  }
0xc4: {  	_ =	strace $0x9000004B  }
0xc5: {  	_ =	sfence  }
0xc6: {  	s30 =	sld [smem:$0x0];
	_ =	sdelay $0x2  }
0xc7: {  	s31 =	sshll.u32 s1, $0xD;
	s1 =	sshrl.u32 s1, $0x2  }
0xc8: {  	s4 =	sand.u32 $0x4000, s31;
	s1 =	sadd.s32 s1, s30  }
0xc9: {  	s0 =	sor.u32 s4, s0;
	s1 =	sshll.u32 s1, $0x11  }
0xca: {  	s0 =	sor.u32 s1, s0  }
0xcb: {  	s0 =	sadd.s32 $0x8F2B, s0  }
0xcc: {  	[sflag:s0] =	ssyncadd.remote.s32 $0x1  }
0xcd: {  	_ =	sfence.sel $0xFFFF  }
0xce: {  	[dreg:$0x0] =	wrdreg $0xFFFFFFFF;
	(pc) =	sbr.abs _section_cstart, $3  }
0xcf: {  	[dreg:$0x1] =	wrdreg $0xFFFFFFFF  }
0xd0: {  	_ =	task.clear_ibuf [dreg:s22], $0x2FFFF;
	_ =	strace $0x9FFFFFFF  }
0xd1: {  	(tm) =	ssettm $0x7FFFFFFF  }
tec
execute0_lowered:
.L_overlay_start_1:
0x0: {  	(tag) =	ssettag $0x1  }
0x1: {  	s1 =	srdreg.scid  }
0x2: {  	s0 =	stileid.u32;
	s7 =	rddreg [dreg:$0x0]  }
0x3: {  	s2 =	rddreg [dreg:$0x1];
	s3 =	simm.s32 $0x0;
	s12 =	simm.s32 $0x2800  }
0x4: {  	s13 =	simm.s32 $0x80;
	s14 =	simm.s32 $0x0;
	s8 =	smul.u32 $0x13C00, s0  }
0x5: {  	s6 =	sand.u32 $0x1, s1;
	s29 =	sshll.u32 s0, $0x1;
	s10 =	smul.u32 $0x4F000, s0  }
0x6: {  	[smem:$0x7FF] =	sst s3;
	s1 =	sor.u32 s6, s29;
	s5 =	smul.u32 $0x13C000, s6  }
0x7: {  	s31 =	sshll.u32 s0, $0x6;
	s6 =	ssub.s32 $0x2, s6;
	s4 =	smul.u32 $0x500, s1  }
0x8: {  	s1 =	rddreg [dreg:$0x2];
	_ =	strace $0x8000004A;
	s30 =	sshrl.u32 s6, $0x1  }
0x9: {  	s10 =	sshrl.u32 s10, $0x2;
	s8 =	sadd.s32 s8, s5;
	s5 =	sadd.s32 $0x20A00, s7  }
0xa: {  	s11 =	ssub.s32 s6, s30;
	s10 =	sadd.s32 s10, s2;
	s6 =	sor.u32 $0x1C01, s31  }
0xb: {  	s9 =	sadd.s32 s4, s7;
	s4 =	sadd.s32 $0x23200, s7;
	s8 =	sshrl.u32 s8, $0x3  }
0xc: {  	s10 =	sshrl.u32 s10, $0x3;
	s8 =	sadd.s32 s8, s7;
	s7 =	sadd.s32 $0x8A00, s9  }
0xd: {  	s9 =	smax.u32 s11, $0x1;
	s11 =	simm.s32 $0x1;
	s8 =	sadd.s32 $0x55BC00, s8  }
.LBB2_1:
0xe: {  	[spmem:s10], [sflag:s6] =	dma.local [hbm:s5], $0x2780  }
0xf: {  	_ =	swait.ge [sflag:s11], $0x2780  }
0x10: {  	[sflag:s11] =	ssyncset.done $0x0  }
0x11: {  	[sflag:s11] =	ssyncadd.s32 $0xFFFFD880  }
0x12: {  	[tilespmem:s3], [sflag:$0x1] =	stream.linear.gather [hbm4b:s7+s3], $0x2800, $0x38;
	[tilespmem:$0x1A400] =	vst v63  }
0x13: {  	_ =	swait.ge [sflag:s11], $0x2800  }
0x14: {  	[sflag:s11] =	ssyncset.done $0x0  }
0x15: {  	[sflag:s11] =	ssyncadd.s32 $0xFFFFD800  }
0x16: {  	[tilespmem:s12], [sflag:$0x1] =	stream.linear.gather [hbm4b:s4+s3], $0x4000, $0x38;
	[tilespmem:$0x1A400] =	vst v63  }
0x17: {  	_ =	swait.ge [sflag:s11], $0x4000  }
0x18: {  	[sflag:s11] =	ssyncset.done $0x0  }
0x19: {  	[sflag:s11] =	ssyncadd.s32 $0xFFFFC000  }
0x1a: {  	s15 =	simm.s32 $0x0;
	[bflag:$0x0] =	sbarrier.arrive $0xFFFF  }
0x1b: {  	[spmem:s2] =	stream.indirect.scatter.add.f32 [tilespmem:s12], [sflag:$0x1], $0x80, s15, s13, $0xb8;
	[tilespmem:$0x1A400] =	vst v63  }
0x1c: {  	_ =	swait.ge [sflag:s11], $0x4000  }
0x1d: {  	s15 =	simm.s32 $0x200;
	[sflag:s11] =	ssyncset.done $0x0  }
.LBB2_2:
0x1e: {  	s16 =	sshra.s32 s15, $0x2;
	[sflag:s11] =	ssyncadd.s32 $0xFFFFC000;
	p0 =	sne.s32 s15, $0x9E00  }
0x1f: {  	[spmem:s2] =	stream.indirect.scatter.add.f32 [tilespmem:s12], [sflag:$0x1], $0x80, s16, s13, $0xb8;
	[tilespmem:$0x1A400] =	vst v63  }
.Ltmp0:
0x20: {  	_ = 	snop;
	(pc) =	sbr.rel @p0 .LBB2_2-.Ltmp0, $4  }
0x21: {  	_ = 	snop  }
0x22: {  	s15 =	sadd.s32 $0x200, s15  }
0x23: {  	_ =	swait.ge [sflag:s11], $0x4000  }
0x24: {  	[sflag:s11] =	ssyncset.done $0x0  }
0x25: {  	s14 =	sadd.s32 $0x1, s14  }
0x26: {  	[sflag:s11] =	ssyncadd.s32 $0xFFFFC000;
	p0 =	sne.s32 s14, s9  }
.Ltmp1:
0x27: {  	[bflag:$0x0] =	sbarrier.arrive $0xFFFF;
	(pc) =	sbr.rel @p0 .LBB2_1-.Ltmp1, $4  }
0x28: {  	[hbm:s8], [sflag:s6] =	dma.local [spmem:s10], $0x2780  }
0x29: {  	_ =	swait.ge [sflag:s11], $0x2780  }
0x2a: {  	[sflag:s11] =	ssyncset.done $0x0  }
0x2b: {  	[sflag:s11] =	ssyncadd.s32 $0xFFFFD880  }
0x2c: {  	_ =	sfence.sel $0x180000  }
0x2d: {  	[bflag:$0x0] =	sbarrier.arrive $0xFFFF  }
0x2e: {  	p0 =	sne.s32 s0, $0x0;
	_ =	strace $0x9000004A  }
0x2f: {  	s0 =	sadd.s32 @!p0 $0x100000, s1;
	[bflag:$0x2] =	sbarrier.arrive $0xFFFF  }
0x30: {  	[sflag:s0] =	ssyncadd.tile.s32 @!p0 $0x1;
	_ =	shalt  }
.Lfunc_end2:
_tile_overlayer_lowered:
.L_overlay_start_2:
0x31: {  	(tag) =	ssettag $0x2  }
0x32: {  	s0 =	rddreg [dreg:$0x0];
	s2 =	stileid.u32  }
0x33: {  	s1 =	rddreg [dreg:$0x1];
	p0 =	sne.s32 s2, $0x0  }
0x34: {  	s3 =	rddreg [dreg:$0x2];
	[bflag:$0x3] =	sbarrier.arrive $0xFFFF;
	s2 =	simm.s32 @!p0 $0x1C01  }
0x35: {  	[timem:s3], [sflag:s2] =	dma.local @!p0 [hbm:s0], s1  }
0x36: {  	s0 =	simm.s32 @!p0 $0x1  }
0x37: {  	_ =	swait.ge @!p0 [sflag:s0], s1  }
0x38: {  	s1 =	ssub.s32 @!p0 $0x0, s1;
	[sflag:s0] =	ssyncset.done @!p0 $0x0  }
0x39: {  	[sflag:s0] =	ssyncadd.s32 @!p0 s1  }
0x3a: {  	[bflag:$0x3] =	sbarrier.arrive $0xFFFF  }
0x3b: {  	_ =	shalt  }

// kernel: kernel.16.cloned.1.call-start
scs
__scs_entry_jumppad:
0x0: {  	(pc) =	sbr.rel $0x88, $3  }
0x1: {  	(tag) =	ssettag $0x0;
	lr =	simm.s32 $0x1  }
0x2: {  	[smem:$0x3F7D] =	sst lr;
	_ =	strace $0xD0000000  }
0x3: {  	_ = 	snop  }
0x4: {  	_ = 	snop  }
0x5: {  	_ = 	snop  }
0x6: {  	_ = 	snop  }
0x7: {  	_ = 	snop  }
__scs_overlays_trampoline_lowered:
0x8: {  	[smem:$0x3F8C] =	sst s0  }
0x9: {  	[smem:$0x3F8D] =	sst s1  }
0xa: {  	[smem:$0x3F8E] =	sst s2  }
0xb: {  	[smem:$0x3F8F] =	sst s3  }
0xc: {  	[smem:$0x3F90] =	sst s4  }
0xd: {  	[smem:$0x3F91] =	sst s5  }
0xe: {  	[smem:$0x3F92] =	sst s6  }
0xf: {  	[smem:$0x3F93] =	sst s7  }
0x10: {  	[smem:$0x3F94] =	sst s8  }
0x11: {  	[smem:$0x3F95] =	sst s9;
	s0 =	simm.s32 @!p0 $0x0  }
0x12: {  	s1 =	sld [smem:$0x3F7B];
	s0 =	simm.s32 @p0 $0x1  }
0x13: {  	[smem:$0x3F96] =	sst s0;
	s0 =	simm.s32 @!p1 $0x0  }
0x14: {  	s2 =	sld [smem:$0x3F7A];
	s0 =	simm.s32 @p1 $0x1  }
0x15: {  	[smem:$0x3F97] =	sst s0;
	s0 =	simm.s32 @!p2 $0x0  }
0x16: {  	s3 =	sld [smem:$0x3FDB];
	s0 =	simm.s32 @p2 $0x1  }
0x17: {  	s4 =	simm.s32 $0x1BF5;
	[smem:$0x3F99] =	sst s0  }
0x18: {  	s0 =	sld [smem:$0x3F7C];
	_ =	swait.ge [sflag:s4], $0x0  }
0x19: {  	s7 =	sld [smem:$0x3F7D]  }
0x1a: {  	s8 =	sadd.s32 $0xFFFFE003, lr  }
0x1b: {  	s9 =	sadd.s32 $0xFFFFFEF7, lr;
	s5 =	simm.s32 $0xFFFFFFFF;
	p2 =	slt.u32 s8, $0xFFFFF086  }
0x1c: {  	p1 =	slt.u32 s9, $0xF7A;
	s5 =	simm.s32 @!p2 $0x0  }
0x1d: {  	s5 =	simm.s32 @p1 $0x1;
	p0 =	seq.s32 s7, s2  }
0x1e: {  	s7 =	smul.u32 @!p0 $0xF7A, s2;
	p2 =	seq.s32 @!p0 s5, $0x0  }
0x1f: {  	s9 =	smul.u32 $0xF7A, s1;
	s8 =	simm.s32 @!p0 $0x1BF5;
	p2 =	por !p2, p0  }
0x20: {  	[sflag:s8] =	ssyncset.s32 @!p0 $0xFFFFF086;
	s6 =	sadd.s32 @!p0 s3, s7;
	s7 =	simm.s32 @!p0 $0x108  }
0x21: {  	s3 =	sadd.s32 s3, s9;
	s6 =	sadd.s32 @!p0 $0x88, s6;
	s7 =	simm.s32 @p2 $0x1082  }
0x22: {  	[simem:s7], [sflag:s8] =	dma.local @!p0 [hbm:s6], $0xF7A  }
0x23: {  	s9 =	sor.u32 $0xD0000000, s2;
	s6 =	simm.s32 $0x108;
	_ =	swait.ge @!p0 [sflag:s8], $0x0  }
0x24: {  	s3 =	sadd.s32 $0x88, s3;
	s6 =	simm.s32 @!p1 $0x1082;
	[sflag:s4] =	ssyncset.s32 $0xFFFFF086  }
0x25: {  	[simem:s6], [sflag:s4] =	dma.local [hbm:s3], $0xF7A  }
0x26: {  	[smem:$0x3F7D] =	sst s1;
	(tag) =	ssettag s2;
	_ =	strace s9  }
0x27: {  	s1 =	sld [smem:$0x3F8D]  }
0x28: {  	s2 =	sld [smem:$0x3F8E]  }
0x29: {  	s4 =	sld [smem:$0x3F90]  }
0x2a: {  	p0 =	seq.s32 s5, $0x0;
	s5 =	sld [smem:$0x3F91]  }
0x2b: {  	s6 =	sld [smem:$0x3F92]  }
0x2c: {  	s7 =	sld [smem:$0x3F93]  }
0x2d: {  	s3 =	simm.s32 $0x108;
	s8 =	sld [smem:$0x3F94]  }
0x2e: {  	s3 =	simm.s32 @!p0 $0x1082;
	s9 =	sld [smem:$0x3F95]  }
0x2f: {  	lr =	sadd.s32 s0, s3;
	s0 =	sld [smem:$0x3F8C]  }
0x30: {  	s3 =	sld [smem:$0x3F8F]  }
0x31: {  	[smem:$0x3F98] =	sst s10  }
0x32: {  	s10 =	sld [smem:$0x3F96];
	_ =	sdelay $0x3  }
0x33: {  	p0 =	seq.s32 s10, $0x1;
	s10 =	sld [smem:$0x3F98];
	_ =	sdelay $0x3  }
0x34: {  	[smem:$0x3F98] =	sst s10  }
0x35: {  	s10 =	sld [smem:$0x3F97];
	_ =	sdelay $0x3  }
0x36: {  	p1 =	seq.s32 s10, $0x1;
	s10 =	sld [smem:$0x3F98];
	_ =	sdelay $0x3  }
0x37: {  	[smem:$0x3F98] =	sst s10  }
0x38: {  	s10 =	sld [smem:$0x3F99]  }
0x39: {  	_ = 	snop;
	(pc) =	sbr.ind lr, $3  }
0x3a: {  	_ = 	snop  }
0x3b: {  	_ = 	snop  }
0x3c: {  	p2 =	seq.s32 s10, $0x1;
	s10 =	sld [smem:$0x3F98]  }
0x3d: {  	_ =	shalt  }
0x3e: {  	_ =	shalt  }
0x3f: {  	_ =	shalt  }
0x40: {  	_ =	shalt  }
0x41: {  	_ =	shalt  }
0x42: {  	_ =	shalt  }
0x43: {  	_ =	shalt  }
0x44: {  	_ =	shalt  }
0x45: {  	_ =	shalt  }
0x46: {  	_ =	shalt  }
0x47: {  	_ =	shalt  }
0x48: {  	_ =	shalt  }
0x49: {  	_ =	shalt  }
0x4a: {  	_ =	shalt  }
0x4b: {  	_ =	shalt  }
0x4c: {  	_ =	shalt  }
0x4d: {  	_ =	shalt  }
0x4e: {  	_ =	shalt  }
0x4f: {  	_ =	shalt  }
0x50: {  	_ =	shalt  }
0x51: {  	_ =	shalt  }
0x52: {  	_ =	shalt  }
0x53: {  	_ =	shalt  }
0x54: {  	_ =	shalt  }
0x55: {  	_ =	shalt  }
0x56: {  	_ =	shalt  }
0x57: {  	_ =	shalt  }
0x58: {  	_ =	shalt  }
0x59: {  	_ =	shalt  }
0x5a: {  	_ =	shalt  }
0x5b: {  	_ =	shalt  }
0x5c: {  	_ =	shalt  }
0x5d: {  	_ =	shalt  }
0x5e: {  	_ =	shalt  }
0x5f: {  	_ =	shalt  }
0x60: {  	_ =	shalt  }
0x61: {  	_ =	shalt  }
0x62: {  	_ =	shalt  }
0x63: {  	_ =	shalt  }
0x64: {  	_ =	shalt  }
0x65: {  	_ =	shalt  }
0x66: {  	_ =	shalt  }
0x67: {  	_ =	shalt  }
0x68: {  	_ =	shalt  }
0x69: {  	_ =	shalt  }
0x6a: {  	_ =	shalt  }
0x6b: {  	_ =	shalt  }
0x6c: {  	_ =	shalt  }
0x6d: {  	_ =	shalt  }
0x6e: {  	_ =	shalt  }
0x6f: {  	_ =	shalt  }
0x70: {  	_ =	shalt  }
0x71: {  	_ =	shalt  }
0x72: {  	_ =	shalt  }
0x73: {  	_ =	shalt  }
0x74: {  	_ =	shalt  }
0x75: {  	_ =	shalt  }
0x76: {  	_ =	shalt  }
0x77: {  	_ =	shalt  }
0x78: {  	_ =	shalt  }
0x79: {  	_ =	shalt  }
0x7a: {  	_ =	shalt  }
0x7b: {  	_ =	shalt  }
0x7c: {  	_ =	shalt  }
0x7d: {  	_ =	shalt  }
0x7e: {  	_ =	shalt  }
0x7f: {  	_ =	shalt  }
0x80: {  	_ =	shalt  }
0x81: {  	_ =	shalt  }
0x82: {  	_ =	shalt  }
0x83: {  	_ =	shalt  }
0x84: {  	_ =	shalt  }
0x85: {  	_ =	shalt  }
0x86: {  	_ =	shalt  }
0x87: {  	_ =	shalt  }
.Lfunc_end0:
.L_simem_size_0:
called_computation.1_lowered:
.L_overlay_start_0:
0x88: {  	s2 =	sld [smem:$0x3FD9]  }
0x89: {  	s3 =	sld [smem:$0x3FFE];
	_ =	sdelay $0x1  }
0x8a: {  	s1 =	srdreg.scid  }
0x8b: {  	s0 =	sand.u32 $0x1, s1  }
0x8c: {  	s17 =	sshll.u32 s0, $0xA;
	s2 =	sadd.s32 s3, s2  }
0x8d: {  	s2 =	sadd.s32 s2, s17  }
0x8e: {  	[smem:$0x3FA4] =	sst s2  }
0x8f: {  	_ = 	snop  }
0x90: {  	s2 =	sld [smem:$0x3FD0];
	(tm) =	ssettm $0x1  }
0x91: {  	s18 =	sld [smem:$0x3FFB];
	_ =	sdelay $0x3  }
0x92: {  	_ =	strace s18  }
0x93: {  	s3 =	sld [smem:$0x3FFC];
	_ =	sdelay $0x3  }
0x94: {  	_ =	strace s3  }
0x95: {  	s3 =	sld [smem:$0x3FFD];
	_ =	sdelay $0x3  }
0x96: {  	_ =	strace s3  }
0x97: {  	_ =	strace $0x8FFFFFFF  }
0x98: {  	s19 =	sld [smem:$0x3FDB];
	_ =	sdelay $0x1  }
0x99: {  	s4 =	simm.s32 $_scs_section_size  }
0x9a: {  	s5 =	simm.s32 $_size__tile_overlayer_lowered;
	s6 =	simm.s32 $_tile_overlayer_lowered  }
0x9b: {  	s22 =	simm.s32 $0x1BFF;
	s21 =	sshll.u32 s6, $0x1;
	s3 =	sadd.s32 s4, s19  }
0x9c: {  	s7 =	simm.s32 $0x0;
	s20 =	sshll.u32 s5, $0x1;
	s5 =	sadd.s32 s21, s3  }
0x9d: {  	[timem:s7], [sflag:s22] =	dma.local [hbm:s5], s20  }
0x9e: {  	_ =	swait.ge [sflag:s22], s20  }
0x9f: {  	s4 =	ssub.s32 $0x0, s20;
	[sflag:s22] =	ssyncset.done $0x0  }
0xa0: {  	[sflag:s22] =	ssyncadd.s32 s4;
	_ =	sdelay $0x1  }
0xa1: {  	s23 =	simm.s32 $0x1B8B  }
0xa2: {  	_ =	swait.ge [sflag:s23], $0x1  }
0xa3: {  	[sflag:s23] =	ssyncset.done $0x0  }
0xa4: {  	s25 =	simm.s32 $0x1B8E;
	s24 =	sld [smem:$0x3FFE];
	[sflag:s23] =	ssyncadd.s32 $0xFFFFFFFF  }
0xa5: {  	s26 =	simm.s32 $execute0_lowered;
	[smem:$0x3FD2] =	sst s25  }
0xa6: {  	s5 =	sshll.u32 s26, $0x1;
	_ =	strace $0x80000046;
	[dreg:$0x1] =	wrdreg $0xFFFFFFFF  }
0xa7: {  	s28 =	simm.s32 $_size_execute0_lowered;
	s3 =	sadd.s32 s3, s5;
	[dreg:$0x0] =	wrdreg $0x0  }
0xa8: {  	s5 =	sshll.u32 s28, $0x1;
	[dreg:$0x2] =	wrdreg s3  }
0xa9: {  	[dreg:$0x3] =	wrdreg s5  }
0xaa: {  	[dreg:$0x4] =	wrdreg $0xC0  }
0xab: {  	_ =	task [dreg:s7], $0x5FFFF  }
0xac: {  	[dreg:$0x1] =	wrdreg $0xFFFFFFFF  }
0xad: {  	[dreg:$0x0] =	wrdreg $0x60  }
0xae: {  	[dreg:$0x2] =	wrdreg s2  }
0xaf: {  	[dreg:$0x3] =	wrdreg s24  }
0xb0: {  	[dreg:$0x4] =	wrdreg $0xA  }
0xb1: {  	_ =	task.clear_ibuf [dreg:s7], $0x5FFFF;
	_ =	strace $0x90000046  }
0xb2: {  	s29 =	simm.s32 $0xA;
	_ =	strace $0x80000048  }
0xb3: {  	_ =	swait.ge [sflag:s29], $0x1  }
0xb4: {  	[sflag:s29] =	ssyncadd.s32 $0xFFFFFFFF  }
0xb5: {  	_ =	strace $0x90000048  }
0xb6: {  	_ =	sfence  }
0xb7: {  	s30 =	sld [smem:$0x0];
	_ =	sdelay $0x2  }
0xb8: {  	s31 =	sshll.u32 s1, $0xD;
	s1 =	sshrl.u32 s1, $0x2  }
0xb9: {  	s3 =	sand.u32 $0x4000, s31;
	s1 =	sadd.s32 s1, s30  }
0xba: {  	s0 =	sor.u32 s3, s0;
	s1 =	sshll.u32 s1, $0x11  }
0xbb: {  	s0 =	sor.u32 s1, s0  }
0xbc: {  	s0 =	sadd.s32 $0x8F2B, s0  }
0xbd: {  	[sflag:s0] =	ssyncadd.remote.s32 $0x1  }
0xbe: {  	_ =	sfence.sel $0xFFFF  }
0xbf: {  	[dreg:$0x0] =	wrdreg $0xFFFFFFFF;
	(pc) =	sbr.abs _section_cstart, $3  }
0xc0: {  	[dreg:$0x1] =	wrdreg $0xFFFFFFFF  }
0xc1: {  	_ =	task.clear_ibuf [dreg:s7], $0x2FFFF;
	_ =	strace $0x9FFFFFFF  }
0xc2: {  	(tm) =	ssettm $0x7FFFFFFF  }
0xc3: {  	_ =	shalt  }
tec
execute0_lowered:
.L_overlay_start_1:
0x0: {  	(tag) =	ssettag $0x1  }
0x1: {  	s2 =	rddreg [dreg:$0x0];
	s0 =	srdreg.scid  }
0x2: {  	s6 =	stileid.u32;
	s1 =	rddreg [dreg:$0x1];
	s3 =	simm.s32 $0x0  }
0x3: {  	s14 =	simm.s32 $0x7;
	s15 =	simm.s32 $0x3800;
	s16 =	simm.s32 $0x40  }
0x4: {  	s17 =	simm.s32 $0x7000;
	s18 =	simm.s32 $0x9000;
	s19 =	simm.s32 $0xB000  }
0x5: {  	s21 =	simm.s32 $0xD000;
	s22 =	simm.s32 $0x1;
	s23 =	simm.s32 $0x2  }
0x6: {  	s28 =	simm.s32 $0x6;
	s29 =	simm.s32 $0x0;
	s0 =	sand.u32 $0x1, s0  }
0x7: {  	s4 =	sshll.u32 s6, $0x1;
	[smem:$0x7FF] =	sst s3;
	s7 =	smul.u32 $0x140, s6  }
0x8: {  	s6 =	simm.s32 $0x6F;
	s4 =	sor.u32 s0, s4;
	_ =	strace $0x80000047  }
0x9: {  	s8 =	ssub.s32 $0x2, s0;
	s10 =	smul.u32 $0xE0, s0;
	p0 =	seq.s32 s0, $0x0  }
0xa: {  	s5 =	smul.u32 $0x700, s4;
	s4 =	sadd.s32 $0x34A00, s1;
	s11 =	sshrl.u32 s8, $0x1  }
0xb: {  	s6 =	simm.s32 @!p0 $0x2F;
	s24 =	ssub.s32 s8, s11;
	s25 =	sadd.s32 s10, s7  }
0xc: {  	s30 =	sshll.u32 s6, $0xB;
	s10 =	sadd.s32 $0x5C000, s1;
	s9 =	sadd.s32 s5, s1  }
0xd: {  	s5 =	sadd.s32 $0x5BC00, s1;
	s8 =	sshll.u32 s25, $0xA;
	s13 =	smax.u32 s24, $0x1  }
0xe: {  	s24 =	simm.s32 $0x5;
	s25 =	simm.s32 $0x3;
	s26 =	sadd.s32 $0x26A00, s9  }
0xf: {  	s9 =	sadd.s32 $0x12A00, s9;
	s31 =	sadd.s32 s8, s30;
	[dreg:$0x3] =	wrdreg s26  }
0x10: {  	s11 =	sadd.s32 s5, s31;
	s12 =	sadd.s32 s31, s10;
	s26 =	simm.s32 $0x4  }
.LBB2_1:
0x11: {  	s0 =	rddreg [dreg:$0x3]  }
0x12: {  	[tilespmem:s3], [sflag:$0x7] =	stream.linear.gather [hbm4b:s0+s3], $0x3800, $0x38;
	[tilespmem:$0xF000] =	vst v63  }
0x13: {  	_ =	swait.ge [sflag:s14], $0x3800  }
0x14: {  	[sflag:s14] =	ssyncset.done $0x0  }
0x15: {  	[sflag:s14] =	ssyncadd.s32 $0xFFFFC800  }
0x16: {  	[tilespmem:s15], [sflag:$0x7] =	stream.linear.gather [hbm4b:s9+s3], $0x3800, $0x38;
	[tilespmem:$0xF000] =	vst v63  }
0x17: {  	_ =	swait.ge [sflag:s14], $0x3800  }
0x18: {  	[sflag:s14] =	ssyncset.done $0x0  }
0x19: {  	[sflag:s14] =	ssyncadd.s32 $0xFFFFC800  }
0x1a: {  	[tilespmem:s17], [sflag:$0x1] =	stream.indirect.gather [hbm4b:s2+s16], $0x80, s3, s16, $0xb8;
	[tilespmem:$0xF000] =	vst v63  }
0x1b: {  	_ = 	snop  }
0x1c: {  	[tilespmem:s18], [sflag:$0x2] =	stream.indirect.gather [hbm4b:s4+s16], $0x80, s15, s16, $0xb8;
	[tilespmem:$0xF000] =	vst v63  }
0x1d: {  	_ = 	snop  }
0x1e: {  	[tilespmem:s19], [sflag:$0x3] =	stream.indirect.gather [hbm4b:s2+s16], $0x80, s16, s16, $0xb8;
	[tilespmem:$0xF000] =	vst v63  }
0x1f: {  	s31 =	simm.s32 $0x3840;
	s30 =	simm.s32 $0x0  }
0x20: {  	[tilespmem:s21], [sflag:$0x4] =	stream.indirect.gather [hbm4b:s4+s16], $0x80, s31, s16, $0xb8;
	[tilespmem:$0xF000] =	vst v63  }
.LBB2_2:
0x21: {  	_ =	swait.ge [sflag:s22], $0x2000  }
0x22: {  	[sflag:s22] =	ssyncset.done $0x0  }
0x23: {  	[sflag:s22] =	ssyncadd.s32 $0xFFFFE000  }
0x24: {  	_ =	swait.ge [sflag:s23], $0x2000  }
0x25: {  	[sflag:s23] =	ssyncset.done $0x0  }
0x26: {  	s1 =	simm.s32 $0x0;
	[sflag:s23] =	ssyncadd.s32 $0xFFFFE000  }
0x27: {  	v7 =	vld [tilespmem:s1+$0x9000]  }
0x28: {  	v11 =	vld [tilespmem:s1+$0x9010]  }
0x29: {  	v5 =	vld [tilespmem:s1+$0x9020]  }
0x2a: {  	v4 =	vld [tilespmem:s1+$0x9030]  }
0x2b: {  	v3 =	vld [tilespmem:s1+$0x9040]  }
0x2c: {  	v2 =	vld [tilespmem:s1+$0x9050]  }
0x2d: {  	v1 =	vld [tilespmem:s1+$0x9060]  }
0x2e: {  	v0 =	vld [tilespmem:s1+$0x9070]  }
0x2f: {  	v12 =	vld [tilespmem:s1+$0x7000]  }
0x30: {  	v13 =	vld [tilespmem:s1+$0x7010]  }
0x31: {  	v10 =	vld [tilespmem:s1+$0x7020]  }
0x32: {  	v9 =	vld [tilespmem:s1+$0x7030]  }
0x33: {  	v8 =	vld [tilespmem:s1+$0x7040]  }
0x34: {  	v6 =	vld [tilespmem:s1+$0x7050];
	v12 =	vadd.bf16 v7, v12  }
0x35: {  	s0 =	simm.s32 $0x200;
	v11 =	vadd.bf16 v11, v13;
	v7 =	vld [tilespmem:s1+$0x7060]  }
.LBB2_3:
0x36: {  	s20 =	sshra.s32 s0, $0x2;
	p0 =	sne.s32 s0, $0x7E00;
	[tilespmem:s1+$0x7000] =	vst v12;
	v5 =	vadd.bf16 v5, v10;
	v10 =	vld [tilespmem:s1+$0x7070]  }
0x37: {  	v12 =	vld [tilespmem:s20+$0x9000];
	[tilespmem:s1+$0x7010] =	vst v11;
	v4 =	vadd.bf16 v4, v9  }
0x38: {  	v11 =	vld [tilespmem:s20+$0x9010];
	[tilespmem:s1+$0x7020] =	vst v5;
	v3 =	vadd.bf16 v3, v8  }
0x39: {  	v5 =	vld [tilespmem:s20+$0x9020];
	[tilespmem:s1+$0x7030] =	vst v4;
	v2 =	vadd.bf16 v2, v6  }
0x3a: {  	v4 =	vld [tilespmem:s20+$0x9030];
	[tilespmem:s1+$0x7040] =	vst v3;
	v1 =	vadd.bf16 v1, v7  }
0x3b: {  	v3 =	vld [tilespmem:s20+$0x9040];
	[tilespmem:s1+$0x7050] =	vst v2;
	v0 =	vadd.bf16 v0, v10  }
0x3c: {  	v2 =	vld [tilespmem:s20+$0x9050];
	[tilespmem:s1+$0x7060] =	vst v1  }
0x3d: {  	v1 =	vld [tilespmem:s20+$0x9060];
	[tilespmem:s1+$0x7070] =	vst v0;
	s1 =	smov.u32 s20  }
0x3e: {  	v0 =	vld [tilespmem:s1+$0x9070]  }
0x3f: {  	v6 =	vld [tilespmem:s1+$0x7000]  }
0x40: {  	v7 =	vld [tilespmem:s1+$0x7010]  }
.Ltmp0:
0x41: {  	v10 =	vld [tilespmem:s1+$0x7020];
	(pc) =	sbr.rel @p0 .LBB2_3-.Ltmp0, $4  }
0x42: {  	v9 =	vld [tilespmem:s1+$0x7030]  }
0x43: {  	v8 =	vld [tilespmem:s1+$0x7040]  }
0x44: {  	v12 =	vadd.bf16 v12, v6;
	v6 =	vld [tilespmem:s1+$0x7050]  }
0x45: {  	s0 =	sadd.s32 $0x200, s0;
	v11 =	vadd.bf16 v11, v7;
	v7 =	vld [tilespmem:s1+$0x7060]  }
0x46: {  	[tilespmem:s1+$0x7000] =	vst v12;
	v5 =	vadd.bf16 v5, v10;
	v10 =	vld [tilespmem:s1+$0x7070]  }
0x47: {  	[tilespmem:s1+$0x7010] =	vst v11;
	v4 =	vadd.bf16 v4, v9  }
0x48: {  	[tilespmem:s1+$0x7020] =	vst v5;
	v3 =	vadd.bf16 v3, v8  }
0x49: {  	[tilespmem:s1+$0x7030] =	vst v4;
	v2 =	vadd.bf16 v2, v6  }
0x4a: {  	[tilespmem:s1+$0x7040] =	vst v3;
	v1 =	vadd.bf16 v1, v7  }
0x4b: {  	s0 =	sshll.u32 s30, $0xB;
	[tilespmem:s1+$0x7050] =	vst v2;
	v0 =	vadd.bf16 v0, v10  }
0x4c: {  	s31 =	sadd.s32 s8, s0;
	[tilespmem:s1+$0x7060] =	vst v1  }
0x4d: {  	s7 =	simm.s32 $0x0;
	s0 =	sadd.s32 s5, s31;
	[tilespmem:s1+$0x7070] =	vst v0  }
0x4e: {  	[hbm4b:s0+s7] =	stream.linear.scatter [tilespmem:s17], [sflag:$0x5], $0x2000, $0x38;
	[tilespmem:$0xF000] =	vst v63  }
0x4f: {  	_ =	swait.ge [sflag:s24], $0x2000  }
0x50: {  	s30 =	sadd.s32 $0x1, s30;
	[sflag:s24] =	ssyncset.done $0x0  }
0x51: {  	s1 =	sshll.u32 s30, $0x7;
	[sflag:s24] =	ssyncadd.s32 $0xFFFFE000  }
0x52: {  	[tilespmem:s17], [sflag:$0x1] =	stream.indirect.gather [hbm4b:s2+s16], $0x80, s1, s16, $0xb8;
	[tilespmem:$0xF000] =	vst v63  }
0x53: {  	s20 =	sadd.s32 $0x3800, s1  }
0x54: {  	[tilespmem:s18], [sflag:$0x2] =	stream.indirect.gather [hbm4b:s4+s16], $0x80, s20, s16, $0xb8;
	[tilespmem:$0xF000] =	vst v63  }
0x55: {  	_ =	swait.ge [sflag:s25], $0x2000  }
0x56: {  	[sflag:s25] =	ssyncset.done $0x0  }
0x57: {  	[sflag:s25] =	ssyncadd.s32 $0xFFFFE000  }
0x58: {  	_ =	swait.ge [sflag:s26], $0x2000  }
0x59: {  	[sflag:s26] =	ssyncset.done $0x0  }
0x5a: {  	s0 =	simm.s32 $0x0;
	[sflag:s26] =	ssyncadd.s32 $0xFFFFE000  }
0x5b: {  	v7 =	vld [tilespmem:s0+$0xD000]  }
0x5c: {  	v11 =	vld [tilespmem:s0+$0xD010]  }
0x5d: {  	v5 =	vld [tilespmem:s0+$0xD020]  }
0x5e: {  	v4 =	vld [tilespmem:s0+$0xD030]  }
0x5f: {  	v3 =	vld [tilespmem:s0+$0xD040]  }
0x60: {  	v2 =	vld [tilespmem:s0+$0xD050]  }
0x61: {  	v1 =	vld [tilespmem:s0+$0xD060]  }
0x62: {  	v0 =	vld [tilespmem:s0+$0xD070]  }
0x63: {  	v12 =	vld [tilespmem:s0+$0xB000]  }
0x64: {  	v13 =	vld [tilespmem:s0+$0xB010]  }
0x65: {  	v10 =	vld [tilespmem:s0+$0xB020]  }
0x66: {  	v9 =	vld [tilespmem:s0+$0xB030]  }
0x67: {  	v8 =	vld [tilespmem:s0+$0xB040]  }
0x68: {  	v6 =	vld [tilespmem:s0+$0xB050];
	v12 =	vadd.bf16 v7, v12  }
0x69: {  	s20 =	simm.s32 $0x200;
	v11 =	vadd.bf16 v11, v13;
	v7 =	vld [tilespmem:s0+$0xB060]  }
.LBB2_5:
0x6a: {  	s7 =	sshra.s32 s20, $0x2;
	p0 =	sne.s32 s20, $0x7E00;
	[tilespmem:s0+$0xB000] =	vst v12;
	v5 =	vadd.bf16 v5, v10;
	v10 =	vld [tilespmem:s0+$0xB070]  }
0x6b: {  	v12 =	vld [tilespmem:s7+$0xD000];
	[tilespmem:s0+$0xB010] =	vst v11;
	v4 =	vadd.bf16 v4, v9  }
0x6c: {  	v11 =	vld [tilespmem:s7+$0xD010];
	[tilespmem:s0+$0xB020] =	vst v5;
	v3 =	vadd.bf16 v3, v8  }
0x6d: {  	v5 =	vld [tilespmem:s7+$0xD020];
	[tilespmem:s0+$0xB030] =	vst v4;
	v2 =	vadd.bf16 v2, v6  }
0x6e: {  	v4 =	vld [tilespmem:s7+$0xD030];
	[tilespmem:s0+$0xB040] =	vst v3;
	v1 =	vadd.bf16 v1, v7  }
0x6f: {  	v3 =	vld [tilespmem:s7+$0xD040];
	[tilespmem:s0+$0xB050] =	vst v2;
	v0 =	vadd.bf16 v0, v10  }
0x70: {  	v2 =	vld [tilespmem:s7+$0xD050];
	[tilespmem:s0+$0xB060] =	vst v1  }
0x71: {  	v1 =	vld [tilespmem:s7+$0xD060];
	[tilespmem:s0+$0xB070] =	vst v0;
	s0 =	smov.u32 s7  }
0x72: {  	v0 =	vld [tilespmem:s0+$0xD070]  }
0x73: {  	v6 =	vld [tilespmem:s0+$0xB000]  }
0x74: {  	v7 =	vld [tilespmem:s0+$0xB010]  }
.Ltmp1:
0x75: {  	v10 =	vld [tilespmem:s0+$0xB020];
	(pc) =	sbr.rel @p0 .LBB2_5-.Ltmp1, $4  }
0x76: {  	v9 =	vld [tilespmem:s0+$0xB030]  }
0x77: {  	v8 =	vld [tilespmem:s0+$0xB040]  }
0x78: {  	v12 =	vadd.bf16 v12, v6;
	v6 =	vld [tilespmem:s0+$0xB050]  }
0x79: {  	s20 =	sadd.s32 $0x200, s20;
	v11 =	vadd.bf16 v11, v7;
	v7 =	vld [tilespmem:s0+$0xB060]  }
0x7a: {  	[tilespmem:s0+$0xB000] =	vst v12;
	v5 =	vadd.bf16 v5, v10;
	v63 =	vld [tilespmem:s0+$0xB070]  }
0x7b: {  	[tilespmem:s0+$0xB010] =	vst v11;
	v4 =	vadd.bf16 v4, v9  }
0x7c: {  	[tilespmem:s0+$0xB020] =	vst v5;
	v3 =	vadd.bf16 v3, v8  }
0x7d: {  	[tilespmem:s0+$0xB030] =	vst v4;
	v2 =	vadd.bf16 v2, v6  }
0x7e: {  	[tilespmem:s0+$0xB040] =	vst v3;
	v1 =	vadd.bf16 v1, v7  }
0x7f: {  	[tilespmem:s0+$0xB050] =	vst v2;
	v0 =	vadd.bf16 v0, v63  }
0x80: {  	[tilespmem:s0+$0xB060] =	vst v1  }
0x81: {  	s7 =	sadd.s32 s31, s10;
	[tilespmem:s0+$0xB070] =	vst v0  }
0x82: {  	[hbm4b:s7+s3] =	stream.linear.scatter [tilespmem:s19], [sflag:$0x6], $0x2000, $0x38;
	[tilespmem:$0xF000] =	vst v63  }
0x83: {  	p0 =	sne.s32 s30, s6;
	_ =	swait.ge [sflag:s28], $0x2000  }
.Ltmp2:
0x84: {  	[sflag:s28] =	ssyncset.done $0x0;
	(pc) =	sbr.rel @p0 .LBB2_2-.Ltmp2, $4  }
0x85: {  	s20 =	sor.u32 $0x40, s1;
	[sflag:s28] =	ssyncadd.s32 $0xFFFFE000  }
0x86: {  	[tilespmem:s19], [sflag:$0x3] =	stream.indirect.gather [hbm4b:s2+s16], $0x80, s20, s16, $0xb8;
	[tilespmem:$0xF000] =	vst v63  }
0x87: {  	s31 =	sadd.s32 $0x3840, s1  }
0x88: {  	[tilespmem:s21], [sflag:$0x4] =	stream.indirect.gather [hbm4b:s4+s16], $0x80, s31, s16, $0xb8;
	[tilespmem:$0xF000] =	vst v63  }
0x89: {  	_ =	swait.ge [sflag:s22], $0x2000  }
0x8a: {  	[sflag:s22] =	ssyncset.done $0x0  }
0x8b: {  	[sflag:s22] =	ssyncadd.s32 $0xFFFFE000  }
0x8c: {  	_ =	swait.ge [sflag:s23], $0x2000  }
0x8d: {  	[sflag:s23] =	ssyncset.done $0x0  }
0x8e: {  	s0 =	simm.s32 $0x0;
	[sflag:s23] =	ssyncadd.s32 $0xFFFFE000  }
0x8f: {  	v7 =	vld [tilespmem:s0+$0x9000]  }
0x90: {  	v11 =	vld [tilespmem:s0+$0x9010]  }
0x91: {  	v5 =	vld [tilespmem:s0+$0x9020]  }
0x92: {  	v4 =	vld [tilespmem:s0+$0x9030]  }
0x93: {  	v3 =	vld [tilespmem:s0+$0x9040]  }
0x94: {  	v2 =	vld [tilespmem:s0+$0x9050]  }
0x95: {  	v1 =	vld [tilespmem:s0+$0x9060]  }
0x96: {  	v0 =	vld [tilespmem:s0+$0x9070]  }
0x97: {  	v12 =	vld [tilespmem:s0+$0x7000]  }
0x98: {  	v13 =	vld [tilespmem:s0+$0x7010]  }
0x99: {  	v10 =	vld [tilespmem:s0+$0x7020]  }
0x9a: {  	v9 =	vld [tilespmem:s0+$0x7030]  }
0x9b: {  	v8 =	vld [tilespmem:s0+$0x7040]  }
0x9c: {  	v6 =	vld [tilespmem:s0+$0x7050];
	v12 =	vadd.bf16 v7, v12  }
0x9d: {  	s1 =	simm.s32 $0x200;
	v11 =	vadd.bf16 v11, v13;
	v7 =	vld [tilespmem:s0+$0x7060]  }
.LBB2_8:
0x9e: {  	s7 =	sshra.s32 s1, $0x2;
	p0 =	sne.s32 s1, $0x7E00;
	[tilespmem:s0+$0x7000] =	vst v12;
	v5 =	vadd.bf16 v5, v10;
	v10 =	vld [tilespmem:s0+$0x7070]  }
0x9f: {  	v12 =	vld [tilespmem:s7+$0x9000];
	[tilespmem:s0+$0x7010] =	vst v11;
	v4 =	vadd.bf16 v4, v9  }
0xa0: {  	v11 =	vld [tilespmem:s7+$0x9010];
	[tilespmem:s0+$0x7020] =	vst v5;
	v3 =	vadd.bf16 v3, v8  }
0xa1: {  	v5 =	vld [tilespmem:s7+$0x9020];
	[tilespmem:s0+$0x7030] =	vst v4;
	v2 =	vadd.bf16 v2, v6  }
0xa2: {  	v4 =	vld [tilespmem:s7+$0x9030];
	[tilespmem:s0+$0x7040] =	vst v3;
	v1 =	vadd.bf16 v1, v7  }
0xa3: {  	v3 =	vld [tilespmem:s7+$0x9040];
	[tilespmem:s0+$0x7050] =	vst v2;
	v0 =	vadd.bf16 v0, v10  }
0xa4: {  	v2 =	vld [tilespmem:s7+$0x9050];
	[tilespmem:s0+$0x7060] =	vst v1  }
0xa5: {  	v1 =	vld [tilespmem:s7+$0x9060];
	[tilespmem:s0+$0x7070] =	vst v0;
	s0 =	smov.u32 s7  }
0xa6: {  	v0 =	vld [tilespmem:s0+$0x9070]  }
0xa7: {  	v6 =	vld [tilespmem:s0+$0x7000]  }
0xa8: {  	v7 =	vld [tilespmem:s0+$0x7010]  }
.Ltmp3:
0xa9: {  	v10 =	vld [tilespmem:s0+$0x7020];
	(pc) =	sbr.rel @p0 .LBB2_8-.Ltmp3, $4  }
0xaa: {  	v9 =	vld [tilespmem:s0+$0x7030]  }
0xab: {  	v8 =	vld [tilespmem:s0+$0x7040]  }
0xac: {  	v12 =	vadd.bf16 v12, v6;
	v6 =	vld [tilespmem:s0+$0x7050]  }
0xad: {  	s1 =	sadd.s32 $0x200, s1;
	v11 =	vadd.bf16 v11, v7;
	v7 =	vld [tilespmem:s0+$0x7060]  }
0xae: {  	[tilespmem:s0+$0x7000] =	vst v12;
	v5 =	vadd.bf16 v5, v10;
	v10 =	vld [tilespmem:s0+$0x7070]  }
0xaf: {  	[tilespmem:s0+$0x7010] =	vst v11;
	v4 =	vadd.bf16 v4, v9  }
0xb0: {  	[tilespmem:s0+$0x7020] =	vst v5;
	v3 =	vadd.bf16 v3, v8  }
0xb1: {  	[tilespmem:s0+$0x7030] =	vst v4;
	v2 =	vadd.bf16 v2, v6  }
0xb2: {  	[tilespmem:s0+$0x7040] =	vst v3;
	v1 =	vadd.bf16 v1, v7  }
0xb3: {  	[tilespmem:s0+$0x7050] =	vst v2;
	v0 =	vadd.bf16 v0, v10  }
0xb4: {  	[tilespmem:s0+$0x7060] =	vst v1  }
0xb5: {  	s31 =	simm.s32 $0x0;
	[tilespmem:s0+$0x7070] =	vst v0  }
0xb6: {  	[hbm4b:s11+s31] =	stream.linear.scatter [tilespmem:s17], [sflag:$0x5], $0x2000, $0x38;
	[tilespmem:$0xF000] =	vst v63  }
0xb7: {  	_ =	swait.ge [sflag:s24], $0x2000  }
0xb8: {  	[sflag:s24] =	ssyncset.done $0x0  }
0xb9: {  	[sflag:s24] =	ssyncadd.s32 $0xFFFFE000  }
0xba: {  	_ =	swait.ge [sflag:s25], $0x2000  }
0xbb: {  	[sflag:s25] =	ssyncset.done $0x0  }
0xbc: {  	[sflag:s25] =	ssyncadd.s32 $0xFFFFE000  }
0xbd: {  	_ =	swait.ge [sflag:s26], $0x2000  }
0xbe: {  	[sflag:s26] =	ssyncset.done $0x0  }
0xbf: {  	s0 =	simm.s32 $0x0;
	[sflag:s26] =	ssyncadd.s32 $0xFFFFE000  }
0xc0: {  	v7 =	vld [tilespmem:s0+$0xD000]  }
0xc1: {  	v11 =	vld [tilespmem:s0+$0xD010]  }
0xc2: {  	v5 =	vld [tilespmem:s0+$0xD020]  }
0xc3: {  	v4 =	vld [tilespmem:s0+$0xD030]  }
0xc4: {  	v3 =	vld [tilespmem:s0+$0xD040]  }
0xc5: {  	v2 =	vld [tilespmem:s0+$0xD050]  }
0xc6: {  	v1 =	vld [tilespmem:s0+$0xD060]  }
0xc7: {  	v0 =	vld [tilespmem:s0+$0xD070]  }
0xc8: {  	v12 =	vld [tilespmem:s0+$0xB000]  }
0xc9: {  	v13 =	vld [tilespmem:s0+$0xB010]  }
0xca: {  	v10 =	vld [tilespmem:s0+$0xB020]  }
0xcb: {  	v9 =	vld [tilespmem:s0+$0xB030]  }
0xcc: {  	v8 =	vld [tilespmem:s0+$0xB040]  }
0xcd: {  	v6 =	vld [tilespmem:s0+$0xB050];
	v12 =	vadd.bf16 v7, v12  }
0xce: {  	s1 =	simm.s32 $0x200;
	v11 =	vadd.bf16 v11, v13;
	v7 =	vld [tilespmem:s0+$0xB060]  }
.LBB2_10:
0xcf: {  	s7 =	sshra.s32 s1, $0x2;
	p0 =	sne.s32 s1, $0x7E00;
	[tilespmem:s0+$0xB000] =	vst v12;
	v5 =	vadd.bf16 v5, v10;
	v10 =	vld [tilespmem:s0+$0xB070]  }
0xd0: {  	v12 =	vld [tilespmem:s7+$0xD000];
	[tilespmem:s0+$0xB010] =	vst v11;
	v4 =	vadd.bf16 v4, v9  }
0xd1: {  	v11 =	vld [tilespmem:s7+$0xD010];
	[tilespmem:s0+$0xB020] =	vst v5;
	v3 =	vadd.bf16 v3, v8  }
0xd2: {  	v5 =	vld [tilespmem:s7+$0xD020];
	[tilespmem:s0+$0xB030] =	vst v4;
	v2 =	vadd.bf16 v2, v6  }
0xd3: {  	v4 =	vld [tilespmem:s7+$0xD030];
	[tilespmem:s0+$0xB040] =	vst v3;
	v1 =	vadd.bf16 v1, v7  }
0xd4: {  	v3 =	vld [tilespmem:s7+$0xD040];
	[tilespmem:s0+$0xB050] =	vst v2;
	v0 =	vadd.bf16 v0, v10  }
0xd5: {  	v2 =	vld [tilespmem:s7+$0xD050];
	[tilespmem:s0+$0xB060] =	vst v1  }
0xd6: {  	v1 =	vld [tilespmem:s7+$0xD060];
	[tilespmem:s0+$0xB070] =	vst v0;
	s0 =	smov.u32 s7  }
0xd7: {  	v0 =	vld [tilespmem:s0+$0xD070]  }
0xd8: {  	v6 =	vld [tilespmem:s0+$0xB000]  }
0xd9: {  	v7 =	vld [tilespmem:s0+$0xB010]  }
.Ltmp4:
0xda: {  	v10 =	vld [tilespmem:s0+$0xB020];
	(pc) =	sbr.rel @p0 .LBB2_10-.Ltmp4, $4  }
0xdb: {  	v9 =	vld [tilespmem:s0+$0xB030]  }
0xdc: {  	v8 =	vld [tilespmem:s0+$0xB040]  }
0xdd: {  	v12 =	vadd.bf16 v12, v6;
	v6 =	vld [tilespmem:s0+$0xB050]  }
0xde: {  	s1 =	sadd.s32 $0x200, s1;
	v11 =	vadd.bf16 v11, v7;
	v7 =	vld [tilespmem:s0+$0xB060]  }
0xdf: {  	[tilespmem:s0+$0xB000] =	vst v12;
	v5 =	vadd.bf16 v5, v10;
	v63 =	vld [tilespmem:s0+$0xB070]  }
0xe0: {  	[tilespmem:s0+$0xB010] =	vst v11;
	v4 =	vadd.bf16 v4, v9  }
0xe1: {  	[tilespmem:s0+$0xB020] =	vst v5;
	v3 =	vadd.bf16 v3, v8  }
0xe2: {  	[tilespmem:s0+$0xB030] =	vst v4;
	v2 =	vadd.bf16 v2, v6  }
0xe3: {  	[tilespmem:s0+$0xB040] =	vst v3;
	v1 =	vadd.bf16 v1, v7  }
0xe4: {  	s29 =	sadd.s32 $0x1, s29;
	[tilespmem:s0+$0xB050] =	vst v2;
	v0 =	vadd.bf16 v0, v63  }
0xe5: {  	p0 =	sne.s32 s29, s13;
	[tilespmem:s0+$0xB060] =	vst v1  }
.Ltmp5:
0xe6: {  	[tilespmem:s0+$0xB070] =	vst v0;
	(pc) =	sbr.rel @p0 .LBB2_1-.Ltmp5, $4  }
0xe7: {  	[hbm4b:s12+s3] =	stream.linear.scatter [tilespmem:s19], [sflag:$0x6], $0x2000, $0x38;
	[tilespmem:$0xF000] =	vst v63  }
0xe8: {  	_ =	swait.ge [sflag:s28], $0x2000  }
0xe9: {  	[sflag:s28] =	ssyncset.done $0x0  }
0xea: {  	[sflag:s28] =	ssyncadd.s32 $0xFFFFE000  }
0xeb: {  	_ =	sfence.sel $0x180000  }
0xec: {  	[bflag:$0x0] =	sbarrier.arrive $0xFFFF  }
0xed: {  	_ =	strace $0x90000047  }
0xee: {  	s0 =	stileid.u32;
	[bflag:$0x2] =	sbarrier.arrive $0xFFFF  }
0xef: {  	p0 =	sne.s32 s0, $0x0;
	s0 =	rddreg [dreg:$0x2]  }
0xf0: {  	s0 =	sadd.s32 @!p0 $0x100000, s0  }
0xf1: {  	[sflag:s0] =	ssyncadd.tile.s32 @!p0 $0x1;
	_ =	shalt  }
.Lfunc_end2:
_tile_overlayer_lowered:
.L_overlay_start_2:
0xf2: {  	(tag) =	ssettag $0x2  }
0xf3: {  	s0 =	rddreg [dreg:$0x0];
	s2 =	stileid.u32  }
0xf4: {  	s1 =	rddreg [dreg:$0x1];
	p0 =	sne.s32 s2, $0x0  }
0xf5: {  	s3 =	rddreg [dreg:$0x2];
	[bflag:$0x3] =	sbarrier.arrive $0xFFFF;
	s2 =	simm.s32 @!p0 $0x1C07  }
0xf6: {  	[timem:s3], [sflag:s2] =	dma.local @!p0 [hbm:s0], s1  }
0xf7: {  	s0 =	simm.s32 @!p0 $0x7  }
0xf8: {  	_ =	swait.ge @!p0 [sflag:s0], s1  }
0xf9: {  	s1 =	ssub.s32 @!p0 $0x0, s1;
	[sflag:s0] =	ssyncset.done @!p0 $0x0  }
0xfa: {  	[sflag:s0] =	ssyncadd.s32 @!p0 s1  }
0xfb: {  	[bflag:$0x3] =	sbarrier.arrive $0xFFFF  }
0xfc: {  	_ =	shalt  }

// kernel: kernel.19.cloned.1.call-start
scs
__scs_entry_jumppad:
0x0: {  	(pc) =	sbr.rel $0x88, $3  }
0x1: {  	(tag) =	ssettag $0x0;
	lr =	simm.s32 $0x1  }
0x2: {  	[smem:$0x3F7D] =	sst lr;
	_ =	strace $0xD0000000  }
0x3: {  	_ = 	snop  }
0x4: {  	_ = 	snop  }
0x5: {  	_ = 	snop  }
0x6: {  	_ = 	snop  }
0x7: {  	_ = 	snop  }
__scs_overlays_trampoline_lowered:
0x8: {  	[smem:$0x3F8C] =	sst s0  }
0x9: {  	[smem:$0x3F8D] =	sst s1  }
0xa: {  	[smem:$0x3F8E] =	sst s2  }
0xb: {  	[smem:$0x3F8F] =	sst s3  }
0xc: {  	[smem:$0x3F90] =	sst s4  }
0xd: {  	[smem:$0x3F91] =	sst s5  }
0xe: {  	[smem:$0x3F92] =	sst s6  }
0xf: {  	[smem:$0x3F93] =	sst s7  }
0x10: {  	[smem:$0x3F94] =	sst s8  }
0x11: {  	[smem:$0x3F95] =	sst s9;
	s0 =	simm.s32 @!p0 $0x0  }
0x12: {  	s1 =	sld [smem:$0x3F7B];
	s0 =	simm.s32 @p0 $0x1  }
0x13: {  	[smem:$0x3F96] =	sst s0;
	s0 =	simm.s32 @!p1 $0x0  }
0x14: {  	s2 =	sld [smem:$0x3F7A];
	s0 =	simm.s32 @p1 $0x1  }
0x15: {  	[smem:$0x3F97] =	sst s0;
	s0 =	simm.s32 @!p2 $0x0  }
0x16: {  	s3 =	sld [smem:$0x3FDB];
	s0 =	simm.s32 @p2 $0x1  }
0x17: {  	s4 =	simm.s32 $0x1BF5;
	[smem:$0x3F99] =	sst s0  }
0x18: {  	s0 =	sld [smem:$0x3F7C];
	_ =	swait.ge [sflag:s4], $0x0  }
0x19: {  	s7 =	sld [smem:$0x3F7D]  }
0x1a: {  	s8 =	sadd.s32 $0xFFFFE003, lr  }
0x1b: {  	s9 =	sadd.s32 $0xFFFFFEF7, lr;
	s5 =	simm.s32 $0xFFFFFFFF;
	p2 =	slt.u32 s8, $0xFFFFF086  }
0x1c: {  	p1 =	slt.u32 s9, $0xF7A;
	s5 =	simm.s32 @!p2 $0x0  }
0x1d: {  	s5 =	simm.s32 @p1 $0x1;
	p0 =	seq.s32 s7, s2  }
0x1e: {  	s7 =	smul.u32 @!p0 $0xF7A, s2;
	p2 =	seq.s32 @!p0 s5, $0x0  }
0x1f: {  	s9 =	smul.u32 $0xF7A, s1;
	s8 =	simm.s32 @!p0 $0x1BF5;
	p2 =	por !p2, p0  }
0x20: {  	[sflag:s8] =	ssyncset.s32 @!p0 $0xFFFFF086;
	s6 =	sadd.s32 @!p0 s3, s7;
	s7 =	simm.s32 @!p0 $0x108  }
0x21: {  	s3 =	sadd.s32 s3, s9;
	s6 =	sadd.s32 @!p0 $0x88, s6;
	s7 =	simm.s32 @p2 $0x1082  }
0x22: {  	[simem:s7], [sflag:s8] =	dma.local @!p0 [hbm:s6], $0xF7A  }
0x23: {  	s9 =	sor.u32 $0xD0000000, s2;
	s6 =	simm.s32 $0x108;
	_ =	swait.ge @!p0 [sflag:s8], $0x0  }
0x24: {  	s3 =	sadd.s32 $0x88, s3;
	s6 =	simm.s32 @!p1 $0x1082;
	[sflag:s4] =	ssyncset.s32 $0xFFFFF086  }
0x25: {  	[simem:s6], [sflag:s4] =	dma.local [hbm:s3], $0xF7A  }
0x26: {  	[smem:$0x3F7D] =	sst s1;
	(tag) =	ssettag s2;
	_ =	strace s9  }
0x27: {  	s1 =	sld [smem:$0x3F8D]  }
0x28: {  	s2 =	sld [smem:$0x3F8E]  }
0x29: {  	s4 =	sld [smem:$0x3F90]  }
0x2a: {  	p0 =	seq.s32 s5, $0x0;
	s5 =	sld [smem:$0x3F91]  }
0x2b: {  	s6 =	sld [smem:$0x3F92]  }
0x2c: {  	s7 =	sld [smem:$0x3F93]  }
0x2d: {  	s3 =	simm.s32 $0x108;
	s8 =	sld [smem:$0x3F94]  }
0x2e: {  	s3 =	simm.s32 @!p0 $0x1082;
	s9 =	sld [smem:$0x3F95]  }
0x2f: {  	lr =	sadd.s32 s0, s3;
	s0 =	sld [smem:$0x3F8C]  }
0x30: {  	s3 =	sld [smem:$0x3F8F]  }
0x31: {  	[smem:$0x3F98] =	sst s10  }
0x32: {  	s10 =	sld [smem:$0x3F96];
	_ =	sdelay $0x3  }
0x33: {  	p0 =	seq.s32 s10, $0x1;
	s10 =	sld [smem:$0x3F98];
	_ =	sdelay $0x3  }
0x34: {  	[smem:$0x3F98] =	sst s10  }
0x35: {  	s10 =	sld [smem:$0x3F97];
	_ =	sdelay $0x3  }
0x36: {  	p1 =	seq.s32 s10, $0x1;
	s10 =	sld [smem:$0x3F98];
	_ =	sdelay $0x3  }
0x37: {  	[smem:$0x3F98] =	sst s10  }
0x38: {  	s10 =	sld [smem:$0x3F99]  }
0x39: {  	_ = 	snop;
	(pc) =	sbr.ind lr, $3  }
0x3a: {  	_ = 	snop  }
0x3b: {  	_ = 	snop  }
0x3c: {  	p2 =	seq.s32 s10, $0x1;
	s10 =	sld [smem:$0x3F98]  }
0x3d: {  	_ =	shalt  }
0x3e: {  	_ =	shalt  }
0x3f: {  	_ =	shalt  }
0x40: {  	_ =	shalt  }
0x41: {  	_ =	shalt  }
0x42: {  	_ =	shalt  }
0x43: {  	_ =	shalt  }
0x44: {  	_ =	shalt  }
0x45: {  	_ =	shalt  }
0x46: {  	_ =	shalt  }
0x47: {  	_ =	shalt  }
0x48: {  	_ =	shalt  }
0x49: {  	_ =	shalt  }
0x4a: {  	_ =	shalt  }
0x4b: {  	_ =	shalt  }
0x4c: {  	_ =	shalt  }
0x4d: {  	_ =	shalt  }
0x4e: {  	_ =	shalt  }
0x4f: {  	_ =	shalt  }
0x50: {  	_ =	shalt  }
0x51: {  	_ =	shalt  }
0x52: {  	_ =	shalt  }
0x53: {  	_ =	shalt  }
0x54: {  	_ =	shalt  }
0x55: {  	_ =	shalt  }
0x56: {  	_ =	shalt  }
0x57: {  	_ =	shalt  }
0x58: {  	_ =	shalt  }
0x59: {  	_ =	shalt  }
0x5a: {  	_ =	shalt  }
0x5b: {  	_ =	shalt  }
0x5c: {  	_ =	shalt  }
0x5d: {  	_ =	shalt  }
0x5e: {  	_ =	shalt  }
0x5f: {  	_ =	shalt  }
0x60: {  	_ =	shalt  }
0x61: {  	_ =	shalt  }
0x62: {  	_ =	shalt  }
0x63: {  	_ =	shalt  }
0x64: {  	_ =	shalt  }
0x65: {  	_ =	shalt  }
0x66: {  	_ =	shalt  }
0x67: {  	_ =	shalt  }
0x68: {  	_ =	shalt  }
0x69: {  	_ =	shalt  }
0x6a: {  	_ =	shalt  }
0x6b: {  	_ =	shalt  }
0x6c: {  	_ =	shalt  }
0x6d: {  	_ =	shalt  }
0x6e: {  	_ =	shalt  }
0x6f: {  	_ =	shalt  }
0x70: {  	_ =	shalt  }
0x71: {  	_ =	shalt  }
0x72: {  	_ =	shalt  }
0x73: {  	_ =	shalt  }
0x74: {  	_ =	shalt  }
0x75: {  	_ =	shalt  }
0x76: {  	_ =	shalt  }
0x77: {  	_ =	shalt  }
0x78: {  	_ =	shalt  }
0x79: {  	_ =	shalt  }
0x7a: {  	_ =	shalt  }
0x7b: {  	_ =	shalt  }
0x7c: {  	_ =	shalt  }
0x7d: {  	_ =	shalt  }
0x7e: {  	_ =	shalt  }
0x7f: {  	_ =	shalt  }
0x80: {  	_ =	shalt  }
0x81: {  	_ =	shalt  }
0x82: {  	_ =	shalt  }
0x83: {  	_ =	shalt  }
0x84: {  	_ =	shalt  }
0x85: {  	_ =	shalt  }
0x86: {  	_ =	shalt  }
0x87: {  	_ =	shalt  }
.Lfunc_end0:
.L_simem_size_0:
called_computation.2_lowered:
.L_overlay_start_0:
0x88: {  	s2 =	sld [smem:$0x3FD9]  }
0x89: {  	s3 =	sld [smem:$0x3FFE];
	_ =	sdelay $0x1  }
0x8a: {  	s1 =	srdreg.scid  }
0x8b: {  	s0 =	sand.u32 $0x1, s1  }
0x8c: {  	s17 =	sshll.u32 s0, $0xA;
	s2 =	sadd.s32 s3, s2  }
0x8d: {  	s2 =	sadd.s32 s2, s17  }
0x8e: {  	[smem:$0x3FA4] =	sst s2  }
0x8f: {  	_ = 	snop  }
0x90: {  	(tm) =	ssettm $0x1  }
0x91: {  	s18 =	sld [smem:$0x3FFB];
	_ =	sdelay $0x3  }
0x92: {  	_ =	strace s18  }
0x93: {  	s2 =	sld [smem:$0x3FFC];
	_ =	sdelay $0x3  }
0x94: {  	_ =	strace s2  }
0x95: {  	s2 =	sld [smem:$0x3FFD];
	_ =	sdelay $0x3  }
0x96: {  	_ =	strace s2  }
0x97: {  	_ =	strace $0x8FFFFFFF  }
0x98: {  	s19 =	sld [smem:$0x3FDB];
	_ =	sdelay $0x1  }
0x99: {  	s20 =	simm.s32 $_scs_section_size  }
0x9a: {  	s4 =	simm.s32 $_size__tile_overlayer_lowered;
	s5 =	simm.s32 $_tile_overlayer_lowered  }
0x9b: {  	s6 =	simm.s32 $0x1BFF;
	s21 =	sshll.u32 s5, $0x1;
	s3 =	sadd.s32 s20, s19  }
0x9c: {  	s22 =	simm.s32 $0x0;
	s4 =	sshll.u32 s4, $0x1;
	s5 =	sadd.s32 s21, s3  }
0x9d: {  	[timem:s22], [sflag:s6] =	dma.local [hbm:s5], s4  }
0x9e: {  	_ =	swait.ge [sflag:s6], s4  }
0x9f: {  	s4 =	ssub.s32 $0x0, s4;
	[sflag:s6] =	ssyncset.done $0x0  }
0xa0: {  	[sflag:s6] =	ssyncadd.s32 s4;
	_ =	sdelay $0x1  }
0xa1: {  	s23 =	simm.s32 $0x1B8B  }
0xa2: {  	_ =	swait.ge [sflag:s23], $0x1  }
0xa3: {  	[sflag:s23] =	ssyncset.done $0x0  }
0xa4: {  	[sflag:s23] =	ssyncadd.s32 $0xFFFFFFFF  }
0xa5: {  	s4 =	sld [smem:$0x0]  }
0xa6: {  	s5 =	sand.u32 $0xFFFFFFFE, s1  }
0xa7: {  	p0 =	sne.s32 s1, s5  }
0xa8: {  	s5 =	sshll.u32 @p0 s5, $0xE  }
0xa9: {  	s5 =	sadd.s32 @p0 $0x11B8D, s5;
	s6 =	sshll.u32 @p0 s4, $0x11  }
0xaa: {  	s5 =	sor.u32 @p0 s6, s5  }
0xab: {  	[sflag:s5] =	ssyncadd.remote.s32 @p0 $0x1;
	_ =	sdelay $0x1  }
0xac: {  	s5 =	simm.s32 @p0 $0x1B8D  }
0xad: {  	_ =	swait.eq @p0 [sflag:s5], $0x1  }
0xae: {  	[sflag:s5] =	ssyncadd.s32 @p0 $0xFFFFFFFF  }
0xaf: {  	s6 =	sshll.u32 @!p0 s1, $0xE  }
0xb0: {  	s6 =	sor.u32 @!p0 $0x4000, s6;
	s5 =	simm.s32 @!p0 $0x1B8D  }
0xb1: {  	s4 =	sshll.u32 @!p0 s4, $0x11;
	s6 =	sadd.s32 @!p0 $0x11B8D, s6;
	_ =	swait.eq @!p0 [sflag:s5], $0x1  }
0xb2: {  	s4 =	sor.u32 @!p0 s4, s6;
	[sflag:s5] =	ssyncadd.s32 @!p0 $0xFFFFFFFF  }
0xb3: {  	s25 =	simm.s32 $0x1B8E;
	s24 =	sld [smem:$0x3FFE];
	[sflag:s4] =	ssyncadd.remote.s32 @!p0 $0x1  }
0xb4: {  	s26 =	simm.s32 $execute0_lowered;
	[smem:$0x3FD2] =	sst s25  }
0xb5: {  	s5 =	sshll.u32 s26, $0x1;
	_ =	strace $0x8000004C;
	[dreg:$0x1] =	wrdreg $0xFFFFFFFF  }
0xb6: {  	s28 =	simm.s32 $_size_execute0_lowered;
	s3 =	sadd.s32 s3, s5;
	[dreg:$0x0] =	wrdreg $0x0  }
0xb7: {  	s5 =	sshll.u32 s28, $0x1;
	[dreg:$0x2] =	wrdreg s3  }
0xb8: {  	[dreg:$0x3] =	wrdreg s5  }
0xb9: {  	[dreg:$0x4] =	wrdreg $0xC0  }
0xba: {  	_ =	task [dreg:s22], $0x5FFFF  }
0xbb: {  	[dreg:$0x1] =	wrdreg $0xFFFFFFFF  }
0xbc: {  	[dreg:$0x0] =	wrdreg $0x60  }
0xbd: {  	[dreg:$0x2] =	wrdreg s24  }
0xbe: {  	[dreg:$0x3] =	wrdreg $0xA8000  }
0xbf: {  	[dreg:$0x4] =	wrdreg $0xA  }
0xc0: {  	_ =	task.clear_ibuf [dreg:s22], $0x5FFFF;
	_ =	strace $0x9000004C  }
0xc1: {  	s29 =	simm.s32 $0xA;
	_ =	strace $0x8000004E  }
0xc2: {  	_ =	swait.ge [sflag:s29], $0x1  }
0xc3: {  	[sflag:s29] =	ssyncadd.s32 $0xFFFFFFFF  }
0xc4: {  	_ =	strace $0x9000004E  }
0xc5: {  	_ =	sfence  }
0xc6: {  	s30 =	sld [smem:$0x0];
	_ =	sdelay $0x2  }
0xc7: {  	s31 =	sshll.u32 s1, $0xD;
	s1 =	sshrl.u32 s1, $0x2  }
0xc8: {  	s4 =	sand.u32 $0x4000, s31;
	s1 =	sadd.s32 s1, s30  }
0xc9: {  	s0 =	sor.u32 s4, s0;
	s1 =	sshll.u32 s1, $0x11  }
0xca: {  	s0 =	sor.u32 s1, s0  }
0xcb: {  	s0 =	sadd.s32 $0x8F2B, s0  }
0xcc: {  	[sflag:s0] =	ssyncadd.remote.s32 $0x1  }
0xcd: {  	_ =	sfence.sel $0xFFFF  }
0xce: {  	[dreg:$0x0] =	wrdreg $0xFFFFFFFF;
	(pc) =	sbr.abs _section_cstart, $3  }
0xcf: {  	[dreg:$0x1] =	wrdreg $0xFFFFFFFF  }
0xd0: {  	_ =	task.clear_ibuf [dreg:s22], $0x2FFFF;
	_ =	strace $0x9FFFFFFF  }
0xd1: {  	(tm) =	ssettm $0x7FFFFFFF  }
tec
execute0_lowered:
.L_overlay_start_1:
0x0: {  	(tag) =	ssettag $0x1  }
0x1: {  	s1 =	srdreg.scid;
	s6 =	rddreg [dreg:$0x0]  }
0x2: {  	s0 =	stileid.u32;
	s2 =	rddreg [dreg:$0x1]  }
0x3: {  	s3 =	simm.s32 $0x0;
	s15 =	simm.s32 $0x6800;
	s16 =	simm.s32 $0x1  }
0x4: {  	s17 =	simm.s32 $0x80;
	s18 =	simm.s32 $0x3;
	s19 =	simm.s32 $0x2  }
0x5: {  	s20 =	simm.s32 $0x4;
	s21 =	simm.s32 $0x2700;
	s22 =	simm.s32 $0x2780  }
0x6: {  	s5 =	sand.u32 $0x1, s1;
	s1 =	rddreg [dreg:$0x2];
	s9 =	smul.u32 $0x13C00, s0  }
0x7: {  	s23 =	sshll.u32 s0, $0x1;
	[smem:$0x7FF] =	sst s3;
	s12 =	smul.u32 $0x4F000, s0  }
0x8: {  	s10 =	sadd.s32 $0x5AAC00, s6;
	s28 =	smul.u32 $0x50000, s0;
	s29 =	sshll.u32 s0, $0x6  }
0x9: {  	s7 =	sor.u32 s5, s23;
	s8 =	smul.u32 $0x13C000, s5;
	_ =	strace $0x8000004D  }
0xa: {  	s24 =	ssub.s32 $0x2, s5;
	s30 =	smul.u32 $0x28000, s5;
	s5 =	sor.u32 $0x1C05, s29  }
0xb: {  	s23 =	simm.s32 $0x0;
	s4 =	smul.u32 $0x2800, s7;
	s25 =	sshrl.u32 s24, $0x1  }
0xc: {  	s7 =	smul.u32 $0x28000, s7;
	s26 =	sshrl.u32 s12, $0x2;
	s8 =	sadd.s32 s9, s8  }
0xd: {  	s14 =	ssub.s32 s24, s25;
	s12 =	sadd.s32 s26, s2;
	s4 =	sshrl.u32 s4, $0x3  }
0xe: {  	s8 =	sshrl.u32 s8, $0x3;
	s12 =	sshrl.u32 s12, $0x3;
	s11 =	sadd.s32 s4, s6  }
0xf: {  	s4 =	sadd.s32 $0x20A00, s6;
	s13 =	sadd.s32 s8, s6;
	s6 =	sadd.s32 s10, s7  }
0x10: {  	s10 =	sadd.s32 s28, s10;
	s7 =	sadd.s32 $0x8A00, s11;
	s8 =	sadd.s32 $0x800, s6  }
0x11: {  	s31 =	sadd.s32 s30, s10;
	s9 =	sadd.s32 $0x34A00, s13;
	s10 =	smax.u32 s14, $0x1  }
0x12: {  	s13 =	simm.s32 $0x5;
	s14 =	simm.s32 $0x2800;
	s11 =	sadd.s32 $0x1800, s31  }
.LBB2_1:
0x13: {  	[spmem:s12], [sflag:s5] =	dma.local [hbm:s4], $0x2780  }
0x14: {  	_ =	swait.ge [sflag:s13], $0x2780  }
0x15: {  	[sflag:s13] =	ssyncset.done $0x0  }
0x16: {  	[sflag:s13] =	ssyncadd.s32 $0xFFFFD880  }
0x17: {  	[tilespmem:s3], [sflag:$0x5] =	stream.linear.gather [hbm4b:s7+s3], $0x2800, $0x38;
	[tilespmem:$0x1E400] =	vst v63  }
0x18: {  	_ =	swait.ge [sflag:s13], $0x2800  }
0x19: {  	[sflag:s13] =	ssyncset.done $0x0  }
0x1a: {  	[sflag:s13] =	ssyncadd.s32 $0xFFFFD800  }
0x1b: {  	[bflag:$0x0] =	sbarrier.arrive $0xFFFF  }
0x1c: {  	[tilespmem:s14], [sflag:$0x1] =	stream.linear.gather [hbm4b:s6+s3], $0x4000, $0x38;
	[tilespmem:$0x1E400] =	vst v63  }
0x1d: {  	_ = 	snop  }
0x1e: {  	[tilespmem:s15], [sflag:$0x2] =	stream.linear.gather [hbm4b:s8+s3], $0x4000, $0x38;
	[tilespmem:$0x1E400] =	vst v63  }
0x1f: {  	_ =	swait.ge [sflag:s16], $0x4000  }
0x20: {  	[sflag:s16] =	ssyncset.done $0x0  }
0x21: {  	s24 =	simm.s32 $0x0;
	[sflag:s16] =	ssyncadd.s32 $0xFFFFC000  }
0x22: {  	[spmem:s2] =	stream.indirect.scatter.add.f32 [tilespmem:s14], [sflag:$0x3], $0x80, s24, s17, $0xb8;
	[tilespmem:$0x1E400] =	vst v63  }
0x23: {  	_ =	swait.ge [sflag:s18], $0x4000  }
0x24: {  	[sflag:s18] =	ssyncset.done $0x0  }
0x25: {  	s30 =	sadd.s32 $0xFFFFF800, s11;
	[sflag:s18] =	ssyncadd.s32 $0xFFFFC000  }
0x26: {  	[tilespmem:s14], [sflag:$0x1] =	stream.linear.gather [hbm4b:s30+s3], $0x4000, $0x38;
	[tilespmem:$0x1E400] =	vst v63  }
0x27: {  	_ =	swait.ge [sflag:s19], $0x4000  }
0x28: {  	[sflag:s19] =	ssyncset.done $0x0  }
0x29: {  	s31 =	simm.s32 $0x80;
	[sflag:s19] =	ssyncadd.s32 $0xFFFFC000  }
0x2a: {  	[spmem:s2] =	stream.indirect.scatter.add.f32 [tilespmem:s15], [sflag:$0x4], $0x80, s31, s17, $0xb8;
	[tilespmem:$0x1E400] =	vst v63  }
0x2b: {  	_ =	swait.ge [sflag:s20], $0x4000  }
0x2c: {  	s25 =	sadd.s32 $0x1000, s11;
	[sflag:s20] =	ssyncset.done $0x0  }
0x2d: {  	s26 =	smov.u32 s11;
	s24 =	simm.s32 $0x400;
	[sflag:s20] =	ssyncadd.s32 $0xFFFFC000  }
.LBB2_2:
0x2e: {  	[tilespmem:s15], [sflag:$0x2] =	stream.linear.gather [hbm4b:s26+s3], $0x4000, $0x38;
	[tilespmem:$0x1E400] =	vst v63  }
0x2f: {  	s28 =	smov.u32 s24;
	s26 =	smov.u32 s25  }
0x30: {  	p0 =	sne.s32 s24, $0x9800;
	s24 =	sadd.s32 $0x400, s24;
	_ =	swait.ge [sflag:s16], $0x4000  }
0x31: {  	[sflag:s16] =	ssyncset.done $0x0  }
0x32: {  	s28 =	sshra.s32 s28, $0x2;
	[sflag:s16] =	ssyncadd.s32 $0xFFFFC000  }
0x33: {  	[spmem:s2] =	stream.indirect.scatter.add.f32 [tilespmem:s14], [sflag:$0x3], $0x80, s28, s17, $0xb8;
	[tilespmem:$0x1E400] =	vst v63  }
0x34: {  	_ =	swait.ge [sflag:s18], $0x4000  }
0x35: {  	[sflag:s18] =	ssyncset.done $0x0  }
0x36: {  	s29 =	sadd.s32 $0xFFFFF800, s25;
	[sflag:s18] =	ssyncadd.s32 $0xFFFFC000  }
0x37: {  	[tilespmem:s14], [sflag:$0x1] =	stream.linear.gather [hbm4b:s29+s3], $0x4000, $0x38;
	[tilespmem:$0x1E400] =	vst v63  }
0x38: {  	_ =	swait.ge [sflag:s19], $0x4000  }
0x39: {  	[sflag:s19] =	ssyncset.done $0x0  }
.Ltmp0:
0x3a: {  	s28 =	sadd.s32 $0x80, s28;
	[sflag:s19] =	ssyncadd.s32 $0xFFFFC000;
	(pc) =	sbr.rel @p0 .LBB2_2-.Ltmp0, $4  }
0x3b: {  	[spmem:s2] =	stream.indirect.scatter.add.f32 [tilespmem:s15], [sflag:$0x4], $0x80, s28, s17, $0xb8;
	[tilespmem:$0x1E400] =	vst v63  }
0x3c: {  	_ =	swait.ge [sflag:s20], $0x4000  }
0x3d: {  	[sflag:s20] =	ssyncset.done $0x0  }
0x3e: {  	s25 =	sadd.s32 $0x1000, s25;
	[sflag:s20] =	ssyncadd.s32 $0xFFFFC000  }
0x3f: {  	[tilespmem:s15], [sflag:$0x2] =	stream.linear.gather [hbm4b:s26+s3], $0x4000, $0x38;
	[tilespmem:$0x1E400] =	vst v63  }
0x40: {  	_ =	swait.ge [sflag:s16], $0x4000  }
0x41: {  	[sflag:s16] =	ssyncset.done $0x0  }
0x42: {  	[sflag:s16] =	ssyncadd.s32 $0xFFFFC000  }
0x43: {  	[spmem:s2] =	stream.indirect.scatter.add.f32 [tilespmem:s14], [sflag:$0x3], $0x80, s21, s17, $0xb8;
	[tilespmem:$0x1E400] =	vst v63  }
0x44: {  	_ =	swait.ge [sflag:s18], $0x4000  }
0x45: {  	[sflag:s18] =	ssyncset.done $0x0  }
0x46: {  	[sflag:s18] =	ssyncadd.s32 $0xFFFFC000  }
0x47: {  	_ =	swait.ge [sflag:s19], $0x4000  }
0x48: {  	[sflag:s19] =	ssyncset.done $0x0  }
0x49: {  	[sflag:s19] =	ssyncadd.s32 $0xFFFFC000  }
0x4a: {  	[spmem:s2] =	stream.indirect.scatter.add.f32 [tilespmem:s15], [sflag:$0x4], $0x80, s22, s17, $0xb8;
	[tilespmem:$0x1E400] =	vst v63  }
0x4b: {  	_ =	swait.ge [sflag:s20], $0x4000  }
0x4c: {  	s23 =	sadd.s32 $0x1, s23;
	[sflag:s20] =	ssyncset.done $0x0  }
0x4d: {  	p0 =	sne.s32 s23, s10;
	[sflag:s20] =	ssyncadd.s32 $0xFFFFC000  }
.Ltmp1:
0x4e: {  	[bflag:$0x0] =	sbarrier.arrive $0xFFFF;
	(pc) =	sbr.rel @p0 .LBB2_1-.Ltmp1, $4  }
0x4f: {  	[hbm:s9], [sflag:s5] =	dma.local [spmem:s12], $0x2780  }
0x50: {  	_ =	swait.ge [sflag:s13], $0x2780  }
0x51: {  	[sflag:s13] =	ssyncset.done $0x0  }
0x52: {  	[sflag:s13] =	ssyncadd.s32 $0xFFFFD880  }
0x53: {  	_ =	sfence.sel $0x180000  }
0x54: {  	[bflag:$0x0] =	sbarrier.arrive $0xFFFF  }
0x55: {  	p0 =	sne.s32 s0, $0x0;
	_ =	strace $0x9000004D  }
0x56: {  	s0 =	sadd.s32 @!p0 $0x100000, s1;
	[bflag:$0x2] =	sbarrier.arrive $0xFFFF  }
0x57: {  	[sflag:s0] =	ssyncadd.tile.s32 @!p0 $0x1;
	_ =	shalt  }
.Lfunc_end2:
_tile_overlayer_lowered:
.L_overlay_start_2:
0x58: {  	(tag) =	ssettag $0x2  }
0x59: {  	s0 =	rddreg [dreg:$0x0];
	s2 =	stileid.u32  }
0x5a: {  	s1 =	rddreg [dreg:$0x1];
	p0 =	sne.s32 s2, $0x0  }
0x5b: {  	s3 =	rddreg [dreg:$0x2];
	[bflag:$0x3] =	sbarrier.arrive $0xFFFF;
	s2 =	simm.s32 @!p0 $0x1C05  }
0x5c: {  	[timem:s3], [sflag:s2] =	dma.local @!p0 [hbm:s0], s1  }
0x5d: {  	s0 =	simm.s32 @!p0 $0x5  }
0x5e: {  	_ =	swait.ge @!p0 [sflag:s0], s1  }
0x5f: {  	s1 =	ssub.s32 @!p0 $0x0, s1;
	[sflag:s0] =	ssyncset.done @!p0 $0x0  }
0x60: {  	[sflag:s0] =	ssyncadd.s32 @!p0 s1  }
0x61: {  	[bflag:$0x3] =	sbarrier.arrive $0xFFFF  }
0x62: {  	_ =	shalt  }

// kernel: kernel.22.cloned.1.call-start
scs
__scs_entry_jumppad:
0x0: {  	(pc) =	sbr.rel $0x88, $3  }
0x1: {  	(tag) =	ssettag $0x0;
	lr =	simm.s32 $0x1  }
0x2: {  	[smem:$0x3F7D] =	sst lr;
	_ =	strace $0xD0000000  }
0x3: {  	_ = 	snop  }
0x4: {  	_ = 	snop  }
0x5: {  	_ = 	snop  }
0x6: {  	_ = 	snop  }
0x7: {  	_ = 	snop  }
__scs_overlays_trampoline_lowered:
0x8: {  	[smem:$0x3F8C] =	sst s0  }
0x9: {  	[smem:$0x3F8D] =	sst s1  }
0xa: {  	[smem:$0x3F8E] =	sst s2  }
0xb: {  	[smem:$0x3F8F] =	sst s3  }
0xc: {  	[smem:$0x3F90] =	sst s4  }
0xd: {  	[smem:$0x3F91] =	sst s5  }
0xe: {  	[smem:$0x3F92] =	sst s6  }
0xf: {  	[smem:$0x3F93] =	sst s7  }
0x10: {  	[smem:$0x3F94] =	sst s8  }
0x11: {  	[smem:$0x3F95] =	sst s9;
	s0 =	simm.s32 @!p0 $0x0  }
0x12: {  	s1 =	sld [smem:$0x3F7B];
	s0 =	simm.s32 @p0 $0x1  }
0x13: {  	[smem:$0x3F96] =	sst s0;
	s0 =	simm.s32 @!p1 $0x0  }
0x14: {  	s2 =	sld [smem:$0x3F7A];
	s0 =	simm.s32 @p1 $0x1  }
0x15: {  	[smem:$0x3F97] =	sst s0;
	s0 =	simm.s32 @!p2 $0x0  }
0x16: {  	s3 =	sld [smem:$0x3FDB];
	s0 =	simm.s32 @p2 $0x1  }
0x17: {  	s4 =	simm.s32 $0x1BF5;
	[smem:$0x3F99] =	sst s0  }
0x18: {  	s0 =	sld [smem:$0x3F7C];
	_ =	swait.ge [sflag:s4], $0x0  }
0x19: {  	s7 =	sld [smem:$0x3F7D]  }
0x1a: {  	s8 =	sadd.s32 $0xFFFFE003, lr  }
0x1b: {  	s9 =	sadd.s32 $0xFFFFFEF7, lr;
	s5 =	simm.s32 $0xFFFFFFFF;
	p2 =	slt.u32 s8, $0xFFFFF086  }
0x1c: {  	p1 =	slt.u32 s9, $0xF7A;
	s5 =	simm.s32 @!p2 $0x0  }
0x1d: {  	s5 =	simm.s32 @p1 $0x1;
	p0 =	seq.s32 s7, s2  }
0x1e: {  	s7 =	smul.u32 @!p0 $0xF7A, s2;
	p2 =	seq.s32 @!p0 s5, $0x0  }
0x1f: {  	s9 =	smul.u32 $0xF7A, s1;
	s8 =	simm.s32 @!p0 $0x1BF5;
	p2 =	por !p2, p0  }
0x20: {  	[sflag:s8] =	ssyncset.s32 @!p0 $0xFFFFF086;
	s6 =	sadd.s32 @!p0 s3, s7;
	s7 =	simm.s32 @!p0 $0x108  }
0x21: {  	s3 =	sadd.s32 s3, s9;
	s6 =	sadd.s32 @!p0 $0x88, s6;
	s7 =	simm.s32 @p2 $0x1082  }
0x22: {  	[simem:s7], [sflag:s8] =	dma.local @!p0 [hbm:s6], $0xF7A  }
0x23: {  	s9 =	sor.u32 $0xD0000000, s2;
	s6 =	simm.s32 $0x108;
	_ =	swait.ge @!p0 [sflag:s8], $0x0  }
0x24: {  	s3 =	sadd.s32 $0x88, s3;
	s6 =	simm.s32 @!p1 $0x1082;
	[sflag:s4] =	ssyncset.s32 $0xFFFFF086  }
0x25: {  	[simem:s6], [sflag:s4] =	dma.local [hbm:s3], $0xF7A  }
0x26: {  	[smem:$0x3F7D] =	sst s1;
	(tag) =	ssettag s2;
	_ =	strace s9  }
0x27: {  	s1 =	sld [smem:$0x3F8D]  }
0x28: {  	s2 =	sld [smem:$0x3F8E]  }
0x29: {  	s4 =	sld [smem:$0x3F90]  }
0x2a: {  	p0 =	seq.s32 s5, $0x0;
	s5 =	sld [smem:$0x3F91]  }
0x2b: {  	s6 =	sld [smem:$0x3F92]  }
0x2c: {  	s7 =	sld [smem:$0x3F93]  }
0x2d: {  	s3 =	simm.s32 $0x108;
	s8 =	sld [smem:$0x3F94]  }
0x2e: {  	s3 =	simm.s32 @!p0 $0x1082;
	s9 =	sld [smem:$0x3F95]  }
0x2f: {  	lr =	sadd.s32 s0, s3;
	s0 =	sld [smem:$0x3F8C]  }
0x30: {  	s3 =	sld [smem:$0x3F8F]  }
0x31: {  	[smem:$0x3F98] =	sst s10  }
0x32: {  	s10 =	sld [smem:$0x3F96];
	_ =	sdelay $0x3  }
0x33: {  	p0 =	seq.s32 s10, $0x1;
	s10 =	sld [smem:$0x3F98];
	_ =	sdelay $0x3  }
0x34: {  	[smem:$0x3F98] =	sst s10  }
0x35: {  	s10 =	sld [smem:$0x3F97];
	_ =	sdelay $0x3  }
0x36: {  	p1 =	seq.s32 s10, $0x1;
	s10 =	sld [smem:$0x3F98];
	_ =	sdelay $0x3  }
0x37: {  	[smem:$0x3F98] =	sst s10  }
0x38: {  	s10 =	sld [smem:$0x3F99]  }
0x39: {  	_ = 	snop;
	(pc) =	sbr.ind lr, $3  }
0x3a: {  	_ = 	snop  }
0x3b: {  	_ = 	snop  }
0x3c: {  	p2 =	seq.s32 s10, $0x1;
	s10 =	sld [smem:$0x3F98]  }
0x3d: {  	_ =	shalt  }
0x3e: {  	_ =	shalt  }
0x3f: {  	_ =	shalt  }
0x40: {  	_ =	shalt  }
0x41: {  	_ =	shalt  }
0x42: {  	_ =	shalt  }
0x43: {  	_ =	shalt  }
0x44: {  	_ =	shalt  }
0x45: {  	_ =	shalt  }
0x46: {  	_ =	shalt  }
0x47: {  	_ =	shalt  }
0x48: {  	_ =	shalt  }
0x49: {  	_ =	shalt  }
0x4a: {  	_ =	shalt  }
0x4b: {  	_ =	shalt  }
0x4c: {  	_ =	shalt  }
0x4d: {  	_ =	shalt  }
0x4e: {  	_ =	shalt  }
0x4f: {  	_ =	shalt  }
0x50: {  	_ =	shalt  }
0x51: {  	_ =	shalt  }
0x52: {  	_ =	shalt  }
0x53: {  	_ =	shalt  }
0x54: {  	_ =	shalt  }
0x55: {  	_ =	shalt  }
0x56: {  	_ =	shalt  }
0x57: {  	_ =	shalt  }
0x58: {  	_ =	shalt  }
0x59: {  	_ =	shalt  }
0x5a: {  	_ =	shalt  }
0x5b: {  	_ =	shalt  }
0x5c: {  	_ =	shalt  }
0x5d: {  	_ =	shalt  }
0x5e: {  	_ =	shalt  }
0x5f: {  	_ =	shalt  }
0x60: {  	_ =	shalt  }
0x61: {  	_ =	shalt  }
0x62: {  	_ =	shalt  }
0x63: {  	_ =	shalt  }
0x64: {  	_ =	shalt  }
0x65: {  	_ =	shalt  }
0x66: {  	_ =	shalt  }
0x67: {  	_ =	shalt  }
0x68: {  	_ =	shalt  }
0x69: {  	_ =	shalt  }
0x6a: {  	_ =	shalt  }
0x6b: {  	_ =	shalt  }
0x6c: {  	_ =	shalt  }
0x6d: {  	_ =	shalt  }
0x6e: {  	_ =	shalt  }
0x6f: {  	_ =	shalt  }
0x70: {  	_ =	shalt  }
0x71: {  	_ =	shalt  }
0x72: {  	_ =	shalt  }
0x73: {  	_ =	shalt  }
0x74: {  	_ =	shalt  }
0x75: {  	_ =	shalt  }
0x76: {  	_ =	shalt  }
0x77: {  	_ =	shalt  }
0x78: {  	_ =	shalt  }
0x79: {  	_ =	shalt  }
0x7a: {  	_ =	shalt  }
0x7b: {  	_ =	shalt  }
0x7c: {  	_ =	shalt  }
0x7d: {  	_ =	shalt  }
0x7e: {  	_ =	shalt  }
0x7f: {  	_ =	shalt  }
0x80: {  	_ =	shalt  }
0x81: {  	_ =	shalt  }
0x82: {  	_ =	shalt  }
0x83: {  	_ =	shalt  }
0x84: {  	_ =	shalt  }
0x85: {  	_ =	shalt  }
0x86: {  	_ =	shalt  }
0x87: {  	_ =	shalt  }
.Lfunc_end0:
.L_simem_size_0:
called_computation.3_lowered:
.L_overlay_start_0:
0x88: {  	s2 =	sld [smem:$0x3FD9]  }
0x89: {  	s3 =	sld [smem:$0x3FFE];
	_ =	sdelay $0x1  }
0x8a: {  	s1 =	srdreg.scid  }
0x8b: {  	s0 =	sand.u32 $0x1, s1  }
0x8c: {  	s17 =	sshll.u32 s0, $0xA;
	s2 =	sadd.s32 s3, s2  }
0x8d: {  	s2 =	sadd.s32 s2, s17  }
0x8e: {  	[smem:$0x3FA4] =	sst s2  }
0x8f: {  	_ = 	snop  }
0x90: {  	s2 =	sld [smem:$0x3FD0];
	(tm) =	ssettm $0x1  }
0x91: {  	s18 =	sld [smem:$0x3FFB];
	_ =	sdelay $0x3  }
0x92: {  	_ =	strace s18  }
0x93: {  	s3 =	sld [smem:$0x3FFC];
	_ =	sdelay $0x3  }
0x94: {  	_ =	strace s3  }
0x95: {  	s3 =	sld [smem:$0x3FFD];
	_ =	sdelay $0x3  }
0x96: {  	_ =	strace s3  }
0x97: {  	_ =	strace $0x8FFFFFFF  }
0x98: {  	s19 =	sld [smem:$0x3FDB];
	_ =	sdelay $0x1  }
0x99: {  	s4 =	simm.s32 $_scs_section_size  }
0x9a: {  	s5 =	simm.s32 $_size__tile_overlayer_lowered;
	s6 =	simm.s32 $_tile_overlayer_lowered  }
0x9b: {  	s22 =	simm.s32 $0x1BFF;
	s21 =	sshll.u32 s6, $0x1;
	s3 =	sadd.s32 s4, s19  }
0x9c: {  	s7 =	simm.s32 $0x0;
	s20 =	sshll.u32 s5, $0x1;
	s5 =	sadd.s32 s21, s3  }
0x9d: {  	[timem:s7], [sflag:s22] =	dma.local [hbm:s5], s20  }
0x9e: {  	_ =	swait.ge [sflag:s22], s20  }
0x9f: {  	s4 =	ssub.s32 $0x0, s20;
	[sflag:s22] =	ssyncset.done $0x0  }
0xa0: {  	[sflag:s22] =	ssyncadd.s32 s4;
	_ =	sdelay $0x1  }
0xa1: {  	s23 =	simm.s32 $0x1B8B  }
0xa2: {  	_ =	swait.ge [sflag:s23], $0x1  }
0xa3: {  	[sflag:s23] =	ssyncset.done $0x0  }
0xa4: {  	s25 =	simm.s32 $0x1B8E;
	s24 =	sld [smem:$0x3FFE];
	[sflag:s23] =	ssyncadd.s32 $0xFFFFFFFF  }
0xa5: {  	s26 =	simm.s32 $execute0_lowered;
	[smem:$0x3FD2] =	sst s25  }
0xa6: {  	s5 =	sshll.u32 s26, $0x1;
	_ =	strace $0x8000004F;
	[dreg:$0x1] =	wrdreg $0xFFFFFFFF  }
0xa7: {  	s28 =	simm.s32 $_size_execute0_lowered;
	s3 =	sadd.s32 s3, s5;
	[dreg:$0x0] =	wrdreg $0x0  }
0xa8: {  	s5 =	sshll.u32 s28, $0x1;
	[dreg:$0x2] =	wrdreg s3  }
0xa9: {  	[dreg:$0x3] =	wrdreg s5  }
0xaa: {  	[dreg:$0x4] =	wrdreg $0xC0  }
0xab: {  	_ =	task [dreg:s7], $0x5FFFF  }
0xac: {  	[dreg:$0x1] =	wrdreg $0xFFFFFFFF  }
0xad: {  	[dreg:$0x0] =	wrdreg $0x60  }
0xae: {  	[dreg:$0x2] =	wrdreg s2  }
0xaf: {  	[dreg:$0x3] =	wrdreg s24  }
0xb0: {  	[dreg:$0x4] =	wrdreg $0x9  }
0xb1: {  	_ =	task.clear_ibuf [dreg:s7], $0x5FFFF;
	_ =	strace $0x9000004F  }
0xb2: {  	s29 =	simm.s32 $0x9;
	_ =	strace $0x80000051  }
0xb3: {  	_ =	swait.ge [sflag:s29], $0x1  }
0xb4: {  	[sflag:s29] =	ssyncadd.s32 $0xFFFFFFFF  }
0xb5: {  	_ =	strace $0x90000051  }
0xb6: {  	_ =	sfence  }
0xb7: {  	s30 =	sld [smem:$0x0];
	_ =	sdelay $0x2  }
0xb8: {  	s31 =	sshll.u32 s1, $0xD;
	s1 =	sshrl.u32 s1, $0x2  }
0xb9: {  	s3 =	sand.u32 $0x4000, s31;
	s1 =	sadd.s32 s1, s30  }
0xba: {  	s0 =	sor.u32 s3, s0;
	s1 =	sshll.u32 s1, $0x11  }
0xbb: {  	s0 =	sor.u32 s1, s0  }
0xbc: {  	s0 =	sadd.s32 $0x8F2B, s0  }
0xbd: {  	[sflag:s0] =	ssyncadd.remote.s32 $0x1  }
0xbe: {  	_ =	sfence.sel $0xFFFF  }
0xbf: {  	[dreg:$0x0] =	wrdreg $0xFFFFFFFF;
	(pc) =	sbr.abs _section_cstart, $3  }
0xc0: {  	[dreg:$0x1] =	wrdreg $0xFFFFFFFF  }
0xc1: {  	_ =	task.clear_ibuf [dreg:s7], $0x2FFFF;
	_ =	strace $0x9FFFFFFF  }
0xc2: {  	(tm) =	ssettm $0x7FFFFFFF  }
0xc3: {  	_ =	shalt  }
tec
execute0_lowered:
.L_overlay_start_1:
0x0: {  	(tag) =	ssettag $0x1  }
0x1: {  	s2 =	rddreg [dreg:$0x0];
	s0 =	srdreg.scid  }
0x2: {  	s6 =	stileid.u32;
	s1 =	rddreg [dreg:$0x1];
	s3 =	simm.s32 $0x0  }
0x3: {  	s14 =	simm.s32 $0x7;
	s15 =	simm.s32 $0x3800;
	s16 =	simm.s32 $0x40  }
0x4: {  	s17 =	simm.s32 $0x7000;
	s18 =	simm.s32 $0x9000;
	s19 =	simm.s32 $0xB000  }
0x5: {  	s21 =	simm.s32 $0xD000;
	s22 =	simm.s32 $0x1;
	s23 =	simm.s32 $0x2  }
0x6: {  	s28 =	simm.s32 $0x6;
	s29 =	simm.s32 $0x0;
	s0 =	sand.u32 $0x1, s0  }
0x7: {  	s4 =	sshll.u32 s6, $0x1;
	[smem:$0x7FF] =	sst s3;
	s7 =	smul.u32 $0x140, s6  }
0x8: {  	s6 =	simm.s32 $0x6F;
	s4 =	sor.u32 s0, s4;
	_ =	strace $0x80000050  }
0x9: {  	s8 =	ssub.s32 $0x2, s0;
	s10 =	smul.u32 $0xE0, s0;
	p0 =	seq.s32 s0, $0x0  }
0xa: {  	s5 =	smul.u32 $0x700, s4;
	s4 =	sadd.s32 $0x34A00, s1;
	s11 =	sshrl.u32 s8, $0x1  }
0xb: {  	s6 =	simm.s32 @!p0 $0x2F;
	s24 =	ssub.s32 s8, s11;
	s25 =	sadd.s32 s10, s7  }
0xc: {  	s30 =	sshll.u32 s6, $0xB;
	s10 =	sadd.s32 $0x5C000, s1;
	s9 =	sadd.s32 s5, s1  }
0xd: {  	s5 =	sadd.s32 $0x5BC00, s1;
	s8 =	sshll.u32 s25, $0xA;
	s13 =	smax.u32 s24, $0x1  }
0xe: {  	s24 =	simm.s32 $0x5;
	s25 =	simm.s32 $0x3;
	s26 =	sadd.s32 $0x26A00, s9  }
0xf: {  	s9 =	sadd.s32 $0x12A00, s9;
	s31 =	sadd.s32 s8, s30;
	[dreg:$0x3] =	wrdreg s26  }
0x10: {  	s11 =	sadd.s32 s5, s31;
	s12 =	sadd.s32 s31, s10;
	s26 =	simm.s32 $0x4  }
.LBB2_1:
0x11: {  	s0 =	rddreg [dreg:$0x3]  }
0x12: {  	[tilespmem:s3], [sflag:$0x7] =	stream.linear.gather [hbm4b:s0+s3], $0x3800, $0x38;
	[tilespmem:$0xF000] =	vst v63  }
0x13: {  	_ =	swait.ge [sflag:s14], $0x3800  }
0x14: {  	[sflag:s14] =	ssyncset.done $0x0  }
0x15: {  	[sflag:s14] =	ssyncadd.s32 $0xFFFFC800  }
0x16: {  	[tilespmem:s15], [sflag:$0x7] =	stream.linear.gather [hbm4b:s9+s3], $0x3800, $0x38;
	[tilespmem:$0xF000] =	vst v63  }
0x17: {  	_ =	swait.ge [sflag:s14], $0x3800  }
0x18: {  	[sflag:s14] =	ssyncset.done $0x0  }
0x19: {  	[sflag:s14] =	ssyncadd.s32 $0xFFFFC800  }
0x1a: {  	[tilespmem:s17], [sflag:$0x1] =	stream.indirect.gather [hbm4b:s2+s16], $0x80, s3, s16, $0xb8;
	[tilespmem:$0xF000] =	vst v63  }
0x1b: {  	_ = 	snop  }
0x1c: {  	[tilespmem:s18], [sflag:$0x2] =	stream.indirect.gather [hbm4b:s4+s16], $0x80, s15, s16, $0xb8;
	[tilespmem:$0xF000] =	vst v63  }
0x1d: {  	_ = 	snop  }
0x1e: {  	[tilespmem:s19], [sflag:$0x3] =	stream.indirect.gather [hbm4b:s2+s16], $0x80, s16, s16, $0xb8;
	[tilespmem:$0xF000] =	vst v63  }
0x1f: {  	s31 =	simm.s32 $0x3840;
	s30 =	simm.s32 $0x0  }
0x20: {  	[tilespmem:s21], [sflag:$0x4] =	stream.indirect.gather [hbm4b:s4+s16], $0x80, s31, s16, $0xb8;
	[tilespmem:$0xF000] =	vst v63  }
.LBB2_2:
0x21: {  	_ =	swait.ge [sflag:s22], $0x2000  }
0x22: {  	[sflag:s22] =	ssyncset.done $0x0  }
0x23: {  	[sflag:s22] =	ssyncadd.s32 $0xFFFFE000  }
0x24: {  	_ =	swait.ge [sflag:s23], $0x2000  }
0x25: {  	[sflag:s23] =	ssyncset.done $0x0  }
0x26: {  	s1 =	simm.s32 $0x0;
	[sflag:s23] =	ssyncadd.s32 $0xFFFFE000  }
0x27: {  	v7 =	vld [tilespmem:s1+$0x9000]  }
0x28: {  	v11 =	vld [tilespmem:s1+$0x9010]  }
0x29: {  	v5 =	vld [tilespmem:s1+$0x9020]  }
0x2a: {  	v4 =	vld [tilespmem:s1+$0x9030]  }
0x2b: {  	v3 =	vld [tilespmem:s1+$0x9040]  }
0x2c: {  	v2 =	vld [tilespmem:s1+$0x9050]  }
0x2d: {  	v1 =	vld [tilespmem:s1+$0x9060]  }
0x2e: {  	v0 =	vld [tilespmem:s1+$0x9070]  }
0x2f: {  	v12 =	vld [tilespmem:s1+$0x7000]  }
0x30: {  	v13 =	vld [tilespmem:s1+$0x7010]  }
0x31: {  	v10 =	vld [tilespmem:s1+$0x7020]  }
0x32: {  	v9 =	vld [tilespmem:s1+$0x7030]  }
0x33: {  	v8 =	vld [tilespmem:s1+$0x7040]  }
0x34: {  	v6 =	vld [tilespmem:s1+$0x7050];
	v12 =	vadd.bf16 v7, v12  }
0x35: {  	s0 =	simm.s32 $0x200;
	v11 =	vadd.bf16 v11, v13;
	v7 =	vld [tilespmem:s1+$0x7060]  }
.LBB2_3:
0x36: {  	s20 =	sshra.s32 s0, $0x2;
	p0 =	sne.s32 s0, $0x7E00;
	[tilespmem:s1+$0x7000] =	vst v12;
	v5 =	vadd.bf16 v5, v10;
	v10 =	vld [tilespmem:s1+$0x7070]  }
0x37: {  	v12 =	vld [tilespmem:s20+$0x9000];
	[tilespmem:s1+$0x7010] =	vst v11;
	v4 =	vadd.bf16 v4, v9  }
0x38: {  	v11 =	vld [tilespmem:s20+$0x9010];
	[tilespmem:s1+$0x7020] =	vst v5;
	v3 =	vadd.bf16 v3, v8  }
0x39: {  	v5 =	vld [tilespmem:s20+$0x9020];
	[tilespmem:s1+$0x7030] =	vst v4;
	v2 =	vadd.bf16 v2, v6  }
0x3a: {  	v4 =	vld [tilespmem:s20+$0x9030];
	[tilespmem:s1+$0x7040] =	vst v3;
	v1 =	vadd.bf16 v1, v7  }
0x3b: {  	v3 =	vld [tilespmem:s20+$0x9040];
	[tilespmem:s1+$0x7050] =	vst v2;
	v0 =	vadd.bf16 v0, v10  }
0x3c: {  	v2 =	vld [tilespmem:s20+$0x9050];
	[tilespmem:s1+$0x7060] =	vst v1  }
0x3d: {  	v1 =	vld [tilespmem:s20+$0x9060];
	[tilespmem:s1+$0x7070] =	vst v0;
	s1 =	smov.u32 s20  }
0x3e: {  	v0 =	vld [tilespmem:s1+$0x9070]  }
0x3f: {  	v6 =	vld [tilespmem:s1+$0x7000]  }
0x40: {  	v7 =	vld [tilespmem:s1+$0x7010]  }
.Ltmp0:
0x41: {  	v10 =	vld [tilespmem:s1+$0x7020];
	(pc) =	sbr.rel @p0 .LBB2_3-.Ltmp0, $4  }
0x42: {  	v9 =	vld [tilespmem:s1+$0x7030]  }
0x43: {  	v8 =	vld [tilespmem:s1+$0x7040]  }
0x44: {  	v12 =	vadd.bf16 v12, v6;
	v6 =	vld [tilespmem:s1+$0x7050]  }
0x45: {  	s0 =	sadd.s32 $0x200, s0;
	v11 =	vadd.bf16 v11, v7;
	v7 =	vld [tilespmem:s1+$0x7060]  }
0x46: {  	[tilespmem:s1+$0x7000] =	vst v12;
	v5 =	vadd.bf16 v5, v10;
	v10 =	vld [tilespmem:s1+$0x7070]  }
0x47: {  	[tilespmem:s1+$0x7010] =	vst v11;
	v4 =	vadd.bf16 v4, v9  }
0x48: {  	[tilespmem:s1+$0x7020] =	vst v5;
	v3 =	vadd.bf16 v3, v8  }
0x49: {  	[tilespmem:s1+$0x7030] =	vst v4;
	v2 =	vadd.bf16 v2, v6  }
0x4a: {  	[tilespmem:s1+$0x7040] =	vst v3;
	v1 =	vadd.bf16 v1, v7  }
0x4b: {  	s0 =	sshll.u32 s30, $0xB;
	[tilespmem:s1+$0x7050] =	vst v2;
	v0 =	vadd.bf16 v0, v10  }
0x4c: {  	s31 =	sadd.s32 s8, s0;
	[tilespmem:s1+$0x7060] =	vst v1  }
0x4d: {  	s7 =	simm.s32 $0x0;
	s0 =	sadd.s32 s5, s31;
	[tilespmem:s1+$0x7070] =	vst v0  }
0x4e: {  	[hbm4b:s0+s7] =	stream.linear.scatter [tilespmem:s17], [sflag:$0x5], $0x2000, $0x38;
	[tilespmem:$0xF000] =	vst v63  }
0x4f: {  	_ =	swait.ge [sflag:s24], $0x2000  }
0x50: {  	s30 =	sadd.s32 $0x1, s30;
	[sflag:s24] =	ssyncset.done $0x0  }
0x51: {  	s1 =	sshll.u32 s30, $0x7;
	[sflag:s24] =	ssyncadd.s32 $0xFFFFE000  }
0x52: {  	[tilespmem:s17], [sflag:$0x1] =	stream.indirect.gather [hbm4b:s2+s16], $0x80, s1, s16, $0xb8;
	[tilespmem:$0xF000] =	vst v63  }
0x53: {  	s20 =	sadd.s32 $0x3800, s1  }
0x54: {  	[tilespmem:s18], [sflag:$0x2] =	stream.indirect.gather [hbm4b:s4+s16], $0x80, s20, s16, $0xb8;
	[tilespmem:$0xF000] =	vst v63  }
0x55: {  	_ =	swait.ge [sflag:s25], $0x2000  }
0x56: {  	[sflag:s25] =	ssyncset.done $0x0  }
0x57: {  	[sflag:s25] =	ssyncadd.s32 $0xFFFFE000  }
0x58: {  	_ =	swait.ge [sflag:s26], $0x2000  }
0x59: {  	[sflag:s26] =	ssyncset.done $0x0  }
0x5a: {  	s0 =	simm.s32 $0x0;
	[sflag:s26] =	ssyncadd.s32 $0xFFFFE000  }
0x5b: {  	v7 =	vld [tilespmem:s0+$0xD000]  }
0x5c: {  	v11 =	vld [tilespmem:s0+$0xD010]  }
0x5d: {  	v5 =	vld [tilespmem:s0+$0xD020]  }
0x5e: {  	v4 =	vld [tilespmem:s0+$0xD030]  }
0x5f: {  	v3 =	vld [tilespmem:s0+$0xD040]  }
0x60: {  	v2 =	vld [tilespmem:s0+$0xD050]  }
0x61: {  	v1 =	vld [tilespmem:s0+$0xD060]  }
0x62: {  	v0 =	vld [tilespmem:s0+$0xD070]  }
0x63: {  	v12 =	vld [tilespmem:s0+$0xB000]  }
0x64: {  	v13 =	vld [tilespmem:s0+$0xB010]  }
0x65: {  	v10 =	vld [tilespmem:s0+$0xB020]  }
0x66: {  	v9 =	vld [tilespmem:s0+$0xB030]  }
0x67: {  	v8 =	vld [tilespmem:s0+$0xB040]  }
0x68: {  	v6 =	vld [tilespmem:s0+$0xB050];
	v12 =	vadd.bf16 v7, v12  }
0x69: {  	s20 =	simm.s32 $0x200;
	v11 =	vadd.bf16 v11, v13;
	v7 =	vld [tilespmem:s0+$0xB060]  }
.LBB2_5:
0x6a: {  	s7 =	sshra.s32 s20, $0x2;
	p0 =	sne.s32 s20, $0x7E00;
	[tilespmem:s0+$0xB000] =	vst v12;
	v5 =	vadd.bf16 v5, v10;
	v10 =	vld [tilespmem:s0+$0xB070]  }
0x6b: {  	v12 =	vld [tilespmem:s7+$0xD000];
	[tilespmem:s0+$0xB010] =	vst v11;
	v4 =	vadd.bf16 v4, v9  }
0x6c: {  	v11 =	vld [tilespmem:s7+$0xD010];
	[tilespmem:s0+$0xB020] =	vst v5;
	v3 =	vadd.bf16 v3, v8  }
0x6d: {  	v5 =	vld [tilespmem:s7+$0xD020];
	[tilespmem:s0+$0xB030] =	vst v4;
	v2 =	vadd.bf16 v2, v6  }
0x6e: {  	v4 =	vld [tilespmem:s7+$0xD030];
	[tilespmem:s0+$0xB040] =	vst v3;
	v1 =	vadd.bf16 v1, v7  }
0x6f: {  	v3 =	vld [tilespmem:s7+$0xD040];
	[tilespmem:s0+$0xB050] =	vst v2;
	v0 =	vadd.bf16 v0, v10  }
0x70: {  	v2 =	vld [tilespmem:s7+$0xD050];
	[tilespmem:s0+$0xB060] =	vst v1  }
0x71: {  	v1 =	vld [tilespmem:s7+$0xD060];
	[tilespmem:s0+$0xB070] =	vst v0;
	s0 =	smov.u32 s7  }
0x72: {  	v0 =	vld [tilespmem:s0+$0xD070]  }
0x73: {  	v6 =	vld [tilespmem:s0+$0xB000]  }
0x74: {  	v7 =	vld [tilespmem:s0+$0xB010]  }
.Ltmp1:
0x75: {  	v10 =	vld [tilespmem:s0+$0xB020];
	(pc) =	sbr.rel @p0 .LBB2_5-.Ltmp1, $4  }
0x76: {  	v9 =	vld [tilespmem:s0+$0xB030]  }
0x77: {  	v8 =	vld [tilespmem:s0+$0xB040]  }
0x78: {  	v12 =	vadd.bf16 v12, v6;
	v6 =	vld [tilespmem:s0+$0xB050]  }
0x79: {  	s20 =	sadd.s32 $0x200, s20;
	v11 =	vadd.bf16 v11, v7;
	v7 =	vld [tilespmem:s0+$0xB060]  }
0x7a: {  	[tilespmem:s0+$0xB000] =	vst v12;
	v5 =	vadd.bf16 v5, v10;
	v63 =	vld [tilespmem:s0+$0xB070]  }
0x7b: {  	[tilespmem:s0+$0xB010] =	vst v11;
	v4 =	vadd.bf16 v4, v9  }
0x7c: {  	[tilespmem:s0+$0xB020] =	vst v5;
	v3 =	vadd.bf16 v3, v8  }
0x7d: {  	[tilespmem:s0+$0xB030] =	vst v4;
	v2 =	vadd.bf16 v2, v6  }
0x7e: {  	[tilespmem:s0+$0xB040] =	vst v3;
	v1 =	vadd.bf16 v1, v7  }
0x7f: {  	[tilespmem:s0+$0xB050] =	vst v2;
	v0 =	vadd.bf16 v0, v63  }
0x80: {  	[tilespmem:s0+$0xB060] =	vst v1  }
0x81: {  	s7 =	sadd.s32 s31, s10;
	[tilespmem:s0+$0xB070] =	vst v0  }
0x82: {  	[hbm4b:s7+s3] =	stream.linear.scatter [tilespmem:s19], [sflag:$0x6], $0x2000, $0x38;
	[tilespmem:$0xF000] =	vst v63  }
0x83: {  	p0 =	sne.s32 s30, s6;
	_ =	swait.ge [sflag:s28], $0x2000  }
.Ltmp2:
0x84: {  	[sflag:s28] =	ssyncset.done $0x0;
	(pc) =	sbr.rel @p0 .LBB2_2-.Ltmp2, $4  }
0x85: {  	s20 =	sor.u32 $0x40, s1;
	[sflag:s28] =	ssyncadd.s32 $0xFFFFE000  }
0x86: {  	[tilespmem:s19], [sflag:$0x3] =	stream.indirect.gather [hbm4b:s2+s16], $0x80, s20, s16, $0xb8;
	[tilespmem:$0xF000] =	vst v63  }
0x87: {  	s31 =	sadd.s32 $0x3840, s1  }
0x88: {  	[tilespmem:s21], [sflag:$0x4] =	stream.indirect.gather [hbm4b:s4+s16], $0x80, s31, s16, $0xb8;
	[tilespmem:$0xF000] =	vst v63  }
0x89: {  	_ =	swait.ge [sflag:s22], $0x2000  }
0x8a: {  	[sflag:s22] =	ssyncset.done $0x0  }
0x8b: {  	[sflag:s22] =	ssyncadd.s32 $0xFFFFE000  }
0x8c: {  	_ =	swait.ge [sflag:s23], $0x2000  }
0x8d: {  	[sflag:s23] =	ssyncset.done $0x0  }
0x8e: {  	s0 =	simm.s32 $0x0;
	[sflag:s23] =	ssyncadd.s32 $0xFFFFE000  }
0x8f: {  	v7 =	vld [tilespmem:s0+$0x9000]  }
0x90: {  	v11 =	vld [tilespmem:s0+$0x9010]  }
0x91: {  	v5 =	vld [tilespmem:s0+$0x9020]  }
0x92: {  	v4 =	vld [tilespmem:s0+$0x9030]  }
0x93: {  	v3 =	vld [tilespmem:s0+$0x9040]  }
0x94: {  	v2 =	vld [tilespmem:s0+$0x9050]  }
0x95: {  	v1 =	vld [tilespmem:s0+$0x9060]  }
0x96: {  	v0 =	vld [tilespmem:s0+$0x9070]  }
0x97: {  	v12 =	vld [tilespmem:s0+$0x7000]  }
0x98: {  	v13 =	vld [tilespmem:s0+$0x7010]  }
0x99: {  	v10 =	vld [tilespmem:s0+$0x7020]  }
0x9a: {  	v9 =	vld [tilespmem:s0+$0x7030]  }
0x9b: {  	v8 =	vld [tilespmem:s0+$0x7040]  }
0x9c: {  	v6 =	vld [tilespmem:s0+$0x7050];
	v12 =	vadd.bf16 v7, v12  }
0x9d: {  	s1 =	simm.s32 $0x200;
	v11 =	vadd.bf16 v11, v13;
	v7 =	vld [tilespmem:s0+$0x7060]  }
.LBB2_8:
0x9e: {  	s7 =	sshra.s32 s1, $0x2;
	p0 =	sne.s32 s1, $0x7E00;
	[tilespmem:s0+$0x7000] =	vst v12;
	v5 =	vadd.bf16 v5, v10;
	v10 =	vld [tilespmem:s0+$0x7070]  }
0x9f: {  	v12 =	vld [tilespmem:s7+$0x9000];
	[tilespmem:s0+$0x7010] =	vst v11;
	v4 =	vadd.bf16 v4, v9  }
0xa0: {  	v11 =	vld [tilespmem:s7+$0x9010];
	[tilespmem:s0+$0x7020] =	vst v5;
	v3 =	vadd.bf16 v3, v8  }
0xa1: {  	v5 =	vld [tilespmem:s7+$0x9020];
	[tilespmem:s0+$0x7030] =	vst v4;
	v2 =	vadd.bf16 v2, v6  }
0xa2: {  	v4 =	vld [tilespmem:s7+$0x9030];
	[tilespmem:s0+$0x7040] =	vst v3;
	v1 =	vadd.bf16 v1, v7  }
0xa3: {  	v3 =	vld [tilespmem:s7+$0x9040];
	[tilespmem:s0+$0x7050] =	vst v2;
	v0 =	vadd.bf16 v0, v10  }
0xa4: {  	v2 =	vld [tilespmem:s7+$0x9050];
	[tilespmem:s0+$0x7060] =	vst v1  }
0xa5: {  	v1 =	vld [tilespmem:s7+$0x9060];
	[tilespmem:s0+$0x7070] =	vst v0;
	s0 =	smov.u32 s7  }
0xa6: {  	v0 =	vld [tilespmem:s0+$0x9070]  }
0xa7: {  	v6 =	vld [tilespmem:s0+$0x7000]  }
0xa8: {  	v7 =	vld [tilespmem:s0+$0x7010]  }
.Ltmp3:
0xa9: {  	v10 =	vld [tilespmem:s0+$0x7020];
	(pc) =	sbr.rel @p0 .LBB2_8-.Ltmp3, $4  }
0xaa: {  	v9 =	vld [tilespmem:s0+$0x7030]  }
0xab: {  	v8 =	vld [tilespmem:s0+$0x7040]  }
0xac: {  	v12 =	vadd.bf16 v12, v6;
	v6 =	vld [tilespmem:s0+$0x7050]  }
0xad: {  	s1 =	sadd.s32 $0x200, s1;
	v11 =	vadd.bf16 v11, v7;
	v7 =	vld [tilespmem:s0+$0x7060]  }
0xae: {  	[tilespmem:s0+$0x7000] =	vst v12;
	v5 =	vadd.bf16 v5, v10;
	v10 =	vld [tilespmem:s0+$0x7070]  }
0xaf: {  	[tilespmem:s0+$0x7010] =	vst v11;
	v4 =	vadd.bf16 v4, v9  }
0xb0: {  	[tilespmem:s0+$0x7020] =	vst v5;
	v3 =	vadd.bf16 v3, v8  }
0xb1: {  	[tilespmem:s0+$0x7030] =	vst v4;
	v2 =	vadd.bf16 v2, v6  }
0xb2: {  	[tilespmem:s0+$0x7040] =	vst v3;
	v1 =	vadd.bf16 v1, v7  }
0xb3: {  	[tilespmem:s0+$0x7050] =	vst v2;
	v0 =	vadd.bf16 v0, v10  }
0xb4: {  	[tilespmem:s0+$0x7060] =	vst v1  }
0xb5: {  	s31 =	simm.s32 $0x0;
	[tilespmem:s0+$0x7070] =	vst v0  }
0xb6: {  	[hbm4b:s11+s31] =	stream.linear.scatter [tilespmem:s17], [sflag:$0x5], $0x2000, $0x38;
	[tilespmem:$0xF000] =	vst v63  }
0xb7: {  	_ =	swait.ge [sflag:s24], $0x2000  }
0xb8: {  	[sflag:s24] =	ssyncset.done $0x0  }
0xb9: {  	[sflag:s24] =	ssyncadd.s32 $0xFFFFE000  }
0xba: {  	_ =	swait.ge [sflag:s25], $0x2000  }
0xbb: {  	[sflag:s25] =	ssyncset.done $0x0  }
0xbc: {  	[sflag:s25] =	ssyncadd.s32 $0xFFFFE000  }
0xbd: {  	_ =	swait.ge [sflag:s26], $0x2000  }
0xbe: {  	[sflag:s26] =	ssyncset.done $0x0  }
0xbf: {  	s0 =	simm.s32 $0x0;
	[sflag:s26] =	ssyncadd.s32 $0xFFFFE000  }
0xc0: {  	v7 =	vld [tilespmem:s0+$0xD000]  }
0xc1: {  	v11 =	vld [tilespmem:s0+$0xD010]  }
0xc2: {  	v5 =	vld [tilespmem:s0+$0xD020]  }
0xc3: {  	v4 =	vld [tilespmem:s0+$0xD030]  }
0xc4: {  	v3 =	vld [tilespmem:s0+$0xD040]  }
0xc5: {  	v2 =	vld [tilespmem:s0+$0xD050]  }
0xc6: {  	v1 =	vld [tilespmem:s0+$0xD060]  }
0xc7: {  	v0 =	vld [tilespmem:s0+$0xD070]  }
0xc8: {  	v12 =	vld [tilespmem:s0+$0xB000]  }
0xc9: {  	v13 =	vld [tilespmem:s0+$0xB010]  }
0xca: {  	v10 =	vld [tilespmem:s0+$0xB020]  }
0xcb: {  	v9 =	vld [tilespmem:s0+$0xB030]  }
0xcc: {  	v8 =	vld [tilespmem:s0+$0xB040]  }
0xcd: {  	v6 =	vld [tilespmem:s0+$0xB050];
	v12 =	vadd.bf16 v7, v12  }
0xce: {  	s1 =	simm.s32 $0x200;
	v11 =	vadd.bf16 v11, v13;
	v7 =	vld [tilespmem:s0+$0xB060]  }
.LBB2_10:
0xcf: {  	s7 =	sshra.s32 s1, $0x2;
	p0 =	sne.s32 s1, $0x7E00;
	[tilespmem:s0+$0xB000] =	vst v12;
	v5 =	vadd.bf16 v5, v10;
	v10 =	vld [tilespmem:s0+$0xB070]  }
0xd0: {  	v12 =	vld [tilespmem:s7+$0xD000];
	[tilespmem:s0+$0xB010] =	vst v11;
	v4 =	vadd.bf16 v4, v9  }
0xd1: {  	v11 =	vld [tilespmem:s7+$0xD010];
	[tilespmem:s0+$0xB020] =	vst v5;
	v3 =	vadd.bf16 v3, v8  }
0xd2: {  	v5 =	vld [tilespmem:s7+$0xD020];
	[tilespmem:s0+$0xB030] =	vst v4;
	v2 =	vadd.bf16 v2, v6  }
0xd3: {  	v4 =	vld [tilespmem:s7+$0xD030];
	[tilespmem:s0+$0xB040] =	vst v3;
	v1 =	vadd.bf16 v1, v7  }
0xd4: {  	v3 =	vld [tilespmem:s7+$0xD040];
	[tilespmem:s0+$0xB050] =	vst v2;
	v0 =	vadd.bf16 v0, v10  }
0xd5: {  	v2 =	vld [tilespmem:s7+$0xD050];
	[tilespmem:s0+$0xB060] =	vst v1  }
0xd6: {  	v1 =	vld [tilespmem:s7+$0xD060];
	[tilespmem:s0+$0xB070] =	vst v0;
	s0 =	smov.u32 s7  }
0xd7: {  	v0 =	vld [tilespmem:s0+$0xD070]  }
0xd8: {  	v6 =	vld [tilespmem:s0+$0xB000]  }
0xd9: {  	v7 =	vld [tilespmem:s0+$0xB010]  }
.Ltmp4:
0xda: {  	v10 =	vld [tilespmem:s0+$0xB020];
	(pc) =	sbr.rel @p0 .LBB2_10-.Ltmp4, $4  }
0xdb: {  	v9 =	vld [tilespmem:s0+$0xB030]  }
0xdc: {  	v8 =	vld [tilespmem:s0+$0xB040]  }
0xdd: {  	v12 =	vadd.bf16 v12, v6;
	v6 =	vld [tilespmem:s0+$0xB050]  }
0xde: {  	s1 =	sadd.s32 $0x200, s1;
	v11 =	vadd.bf16 v11, v7;
	v7 =	vld [tilespmem:s0+$0xB060]  }
0xdf: {  	[tilespmem:s0+$0xB000] =	vst v12;
	v5 =	vadd.bf16 v5, v10;
	v63 =	vld [tilespmem:s0+$0xB070]  }
0xe0: {  	[tilespmem:s0+$0xB010] =	vst v11;
	v4 =	vadd.bf16 v4, v9  }
0xe1: {  	[tilespmem:s0+$0xB020] =	vst v5;
	v3 =	vadd.bf16 v3, v8  }
0xe2: {  	[tilespmem:s0+$0xB030] =	vst v4;
	v2 =	vadd.bf16 v2, v6  }
0xe3: {  	[tilespmem:s0+$0xB040] =	vst v3;
	v1 =	vadd.bf16 v1, v7  }
0xe4: {  	s29 =	sadd.s32 $0x1, s29;
	[tilespmem:s0+$0xB050] =	vst v2;
	v0 =	vadd.bf16 v0, v63  }
0xe5: {  	p0 =	sne.s32 s29, s13;
	[tilespmem:s0+$0xB060] =	vst v1  }
.Ltmp5:
0xe6: {  	[tilespmem:s0+$0xB070] =	vst v0;
	(pc) =	sbr.rel @p0 .LBB2_1-.Ltmp5, $4  }
0xe7: {  	[hbm4b:s12+s3] =	stream.linear.scatter [tilespmem:s19], [sflag:$0x6], $0x2000, $0x38;
	[tilespmem:$0xF000] =	vst v63  }
0xe8: {  	_ =	swait.ge [sflag:s28], $0x2000  }
0xe9: {  	[sflag:s28] =	ssyncset.done $0x0  }
0xea: {  	[sflag:s28] =	ssyncadd.s32 $0xFFFFE000  }
0xeb: {  	_ =	sfence.sel $0x180000  }
0xec: {  	[bflag:$0x0] =	sbarrier.arrive $0xFFFF  }
0xed: {  	_ =	strace $0x90000050  }
0xee: {  	s0 =	stileid.u32;
	[bflag:$0x2] =	sbarrier.arrive $0xFFFF  }
0xef: {  	p0 =	sne.s32 s0, $0x0;
	s0 =	rddreg [dreg:$0x2]  }
0xf0: {  	s0 =	sadd.s32 @!p0 $0x100000, s0  }
0xf1: {  	[sflag:s0] =	ssyncadd.tile.s32 @!p0 $0x1;
	_ =	shalt  }
.Lfunc_end2:
_tile_overlayer_lowered:
.L_overlay_start_2:
0xf2: {  	(tag) =	ssettag $0x2  }
0xf3: {  	s0 =	rddreg [dreg:$0x0];
	s2 =	stileid.u32  }
0xf4: {  	s1 =	rddreg [dreg:$0x1];
	p0 =	sne.s32 s2, $0x0  }
0xf5: {  	s3 =	rddreg [dreg:$0x2];
	[bflag:$0x3] =	sbarrier.arrive $0xFFFF;
	s2 =	simm.s32 @!p0 $0x1C07  }
0xf6: {  	[timem:s3], [sflag:s2] =	dma.local @!p0 [hbm:s0], s1  }
0xf7: {  	s0 =	simm.s32 @!p0 $0x7  }
0xf8: {  	_ =	swait.ge @!p0 [sflag:s0], s1  }
0xf9: {  	s1 =	ssub.s32 @!p0 $0x0, s1;
	[sflag:s0] =	ssyncset.done @!p0 $0x0  }
0xfa: {  	[sflag:s0] =	ssyncadd.s32 @!p0 s1  }
0xfb: {  	[bflag:$0x3] =	sbarrier.arrive $0xFFFF  }
0xfc: {  	_ =	shalt  }

// kernel: kernel.25.cloned.1.call-start
scs
__scs_entry_jumppad:
0x0: {  	(pc) =	sbr.rel $0x88, $3  }
0x1: {  	(tag) =	ssettag $0x0;
	lr =	simm.s32 $0x1  }
0x2: {  	[smem:$0x3F7D] =	sst lr;
	_ =	strace $0xD0000000  }
0x3: {  	_ = 	snop  }
0x4: {  	_ = 	snop  }
0x5: {  	_ = 	snop  }
0x6: {  	_ = 	snop  }
0x7: {  	_ = 	snop  }
__scs_overlays_trampoline_lowered:
0x8: {  	[smem:$0x3F8C] =	sst s0  }
0x9: {  	[smem:$0x3F8D] =	sst s1  }
0xa: {  	[smem:$0x3F8E] =	sst s2  }
0xb: {  	[smem:$0x3F8F] =	sst s3  }
0xc: {  	[smem:$0x3F90] =	sst s4  }
0xd: {  	[smem:$0x3F91] =	sst s5  }
0xe: {  	[smem:$0x3F92] =	sst s6  }
0xf: {  	[smem:$0x3F93] =	sst s7  }
0x10: {  	[smem:$0x3F94] =	sst s8  }
0x11: {  	[smem:$0x3F95] =	sst s9;
	s0 =	simm.s32 @!p0 $0x0  }
0x12: {  	s1 =	sld [smem:$0x3F7B];
	s0 =	simm.s32 @p0 $0x1  }
0x13: {  	[smem:$0x3F96] =	sst s0;
	s0 =	simm.s32 @!p1 $0x0  }
0x14: {  	s2 =	sld [smem:$0x3F7A];
	s0 =	simm.s32 @p1 $0x1  }
0x15: {  	[smem:$0x3F97] =	sst s0;
	s0 =	simm.s32 @!p2 $0x0  }
0x16: {  	s3 =	sld [smem:$0x3FDB];
	s0 =	simm.s32 @p2 $0x1  }
0x17: {  	s4 =	simm.s32 $0x1BF5;
	[smem:$0x3F99] =	sst s0  }
0x18: {  	s0 =	sld [smem:$0x3F7C];
	_ =	swait.ge [sflag:s4], $0x0  }
0x19: {  	s7 =	sld [smem:$0x3F7D]  }
0x1a: {  	s8 =	sadd.s32 $0xFFFFE003, lr  }
0x1b: {  	s9 =	sadd.s32 $0xFFFFFEF7, lr;
	s5 =	simm.s32 $0xFFFFFFFF;
	p2 =	slt.u32 s8, $0xFFFFF086  }
0x1c: {  	p1 =	slt.u32 s9, $0xF7A;
	s5 =	simm.s32 @!p2 $0x0  }
0x1d: {  	s5 =	simm.s32 @p1 $0x1;
	p0 =	seq.s32 s7, s2  }
0x1e: {  	s7 =	smul.u32 @!p0 $0xF7A, s2;
	p2 =	seq.s32 @!p0 s5, $0x0  }
0x1f: {  	s9 =	smul.u32 $0xF7A, s1;
	s8 =	simm.s32 @!p0 $0x1BF5;
	p2 =	por !p2, p0  }
0x20: {  	[sflag:s8] =	ssyncset.s32 @!p0 $0xFFFFF086;
	s6 =	sadd.s32 @!p0 s3, s7;
	s7 =	simm.s32 @!p0 $0x108  }
0x21: {  	s3 =	sadd.s32 s3, s9;
	s6 =	sadd.s32 @!p0 $0x88, s6;
	s7 =	simm.s32 @p2 $0x1082  }
0x22: {  	[simem:s7], [sflag:s8] =	dma.local @!p0 [hbm:s6], $0xF7A  }
0x23: {  	s9 =	sor.u32 $0xD0000000, s2;
	s6 =	simm.s32 $0x108;
	_ =	swait.ge @!p0 [sflag:s8], $0x0  }
0x24: {  	s3 =	sadd.s32 $0x88, s3;
	s6 =	simm.s32 @!p1 $0x1082;
	[sflag:s4] =	ssyncset.s32 $0xFFFFF086  }
0x25: {  	[simem:s6], [sflag:s4] =	dma.local [hbm:s3], $0xF7A  }
0x26: {  	[smem:$0x3F7D] =	sst s1;
	(tag) =	ssettag s2;
	_ =	strace s9  }
0x27: {  	s1 =	sld [smem:$0x3F8D]  }
0x28: {  	s2 =	sld [smem:$0x3F8E]  }
0x29: {  	s4 =	sld [smem:$0x3F90]  }
0x2a: {  	p0 =	seq.s32 s5, $0x0;
	s5 =	sld [smem:$0x3F91]  }
0x2b: {  	s6 =	sld [smem:$0x3F92]  }
0x2c: {  	s7 =	sld [smem:$0x3F93]  }
0x2d: {  	s3 =	simm.s32 $0x108;
	s8 =	sld [smem:$0x3F94]  }
0x2e: {  	s3 =	simm.s32 @!p0 $0x1082;
	s9 =	sld [smem:$0x3F95]  }
0x2f: {  	lr =	sadd.s32 s0, s3;
	s0 =	sld [smem:$0x3F8C]  }
0x30: {  	s3 =	sld [smem:$0x3F8F]  }
0x31: {  	[smem:$0x3F98] =	sst s10  }
0x32: {  	s10 =	sld [smem:$0x3F96];
	_ =	sdelay $0x3  }
0x33: {  	p0 =	seq.s32 s10, $0x1;
	s10 =	sld [smem:$0x3F98];
	_ =	sdelay $0x3  }
0x34: {  	[smem:$0x3F98] =	sst s10  }
0x35: {  	s10 =	sld [smem:$0x3F97];
	_ =	sdelay $0x3  }
0x36: {  	p1 =	seq.s32 s10, $0x1;
	s10 =	sld [smem:$0x3F98];
	_ =	sdelay $0x3  }
0x37: {  	[smem:$0x3F98] =	sst s10  }
0x38: {  	s10 =	sld [smem:$0x3F99]  }
0x39: {  	_ = 	snop;
	(pc) =	sbr.ind lr, $3  }
0x3a: {  	_ = 	snop  }
0x3b: {  	_ = 	snop  }
0x3c: {  	p2 =	seq.s32 s10, $0x1;
	s10 =	sld [smem:$0x3F98]  }
0x3d: {  	_ =	shalt  }
0x3e: {  	_ =	shalt  }
0x3f: {  	_ =	shalt  }
0x40: {  	_ =	shalt  }
0x41: {  	_ =	shalt  }
0x42: {  	_ =	shalt  }
0x43: {  	_ =	shalt  }
0x44: {  	_ =	shalt  }
0x45: {  	_ =	shalt  }
0x46: {  	_ =	shalt  }
0x47: {  	_ =	shalt  }
0x48: {  	_ =	shalt  }
0x49: {  	_ =	shalt  }
0x4a: {  	_ =	shalt  }
0x4b: {  	_ =	shalt  }
0x4c: {  	_ =	shalt  }
0x4d: {  	_ =	shalt  }
0x4e: {  	_ =	shalt  }
0x4f: {  	_ =	shalt  }
0x50: {  	_ =	shalt  }
0x51: {  	_ =	shalt  }
0x52: {  	_ =	shalt  }
0x53: {  	_ =	shalt  }
0x54: {  	_ =	shalt  }
0x55: {  	_ =	shalt  }
0x56: {  	_ =	shalt  }
0x57: {  	_ =	shalt  }
0x58: {  	_ =	shalt  }
0x59: {  	_ =	shalt  }
0x5a: {  	_ =	shalt  }
0x5b: {  	_ =	shalt  }
0x5c: {  	_ =	shalt  }
0x5d: {  	_ =	shalt  }
0x5e: {  	_ =	shalt  }
0x5f: {  	_ =	shalt  }
0x60: {  	_ =	shalt  }
0x61: {  	_ =	shalt  }
0x62: {  	_ =	shalt  }
0x63: {  	_ =	shalt  }
0x64: {  	_ =	shalt  }
0x65: {  	_ =	shalt  }
0x66: {  	_ =	shalt  }
0x67: {  	_ =	shalt  }
0x68: {  	_ =	shalt  }
0x69: {  	_ =	shalt  }
0x6a: {  	_ =	shalt  }
0x6b: {  	_ =	shalt  }
0x6c: {  	_ =	shalt  }
0x6d: {  	_ =	shalt  }
0x6e: {  	_ =	shalt  }
0x6f: {  	_ =	shalt  }
0x70: {  	_ =	shalt  }
0x71: {  	_ =	shalt  }
0x72: {  	_ =	shalt  }
0x73: {  	_ =	shalt  }
0x74: {  	_ =	shalt  }
0x75: {  	_ =	shalt  }
0x76: {  	_ =	shalt  }
0x77: {  	_ =	shalt  }
0x78: {  	_ =	shalt  }
0x79: {  	_ =	shalt  }
0x7a: {  	_ =	shalt  }
0x7b: {  	_ =	shalt  }
0x7c: {  	_ =	shalt  }
0x7d: {  	_ =	shalt  }
0x7e: {  	_ =	shalt  }
0x7f: {  	_ =	shalt  }
0x80: {  	_ =	shalt  }
0x81: {  	_ =	shalt  }
0x82: {  	_ =	shalt  }
0x83: {  	_ =	shalt  }
0x84: {  	_ =	shalt  }
0x85: {  	_ =	shalt  }
0x86: {  	_ =	shalt  }
0x87: {  	_ =	shalt  }
.Lfunc_end0:
.L_simem_size_0:
called_computation.4_lowered:
.L_overlay_start_0:
0x88: {  	s2 =	sld [smem:$0x3FD9]  }
0x89: {  	s3 =	sld [smem:$0x3FFE];
	_ =	sdelay $0x1  }
0x8a: {  	s1 =	srdreg.scid  }
0x8b: {  	s0 =	sand.u32 $0x1, s1  }
0x8c: {  	s16 =	sshll.u32 s0, $0xA;
	s2 =	sadd.s32 s3, s2  }
0x8d: {  	s2 =	sadd.s32 s2, s16  }
0x8e: {  	[smem:$0x3FA4] =	sst s2  }
0x8f: {  	_ = 	snop  }
0x90: {  	(tm) =	ssettm $0x1  }
0x91: {  	s17 =	sld [smem:$0x3FFB];
	_ =	sdelay $0x3  }
0x92: {  	_ =	strace s17  }
0x93: {  	s2 =	sld [smem:$0x3FFC];
	_ =	sdelay $0x3  }
0x94: {  	_ =	strace s2  }
0x95: {  	s2 =	sld [smem:$0x3FFD];
	_ =	sdelay $0x3  }
0x96: {  	_ =	strace s2  }
0x97: {  	_ =	strace $0x8FFFFFFF  }
0x98: {  	s18 =	sld [smem:$0x3FDB];
	_ =	sdelay $0x1  }
0x99: {  	s19 =	simm.s32 $_scs_section_size  }
0x9a: {  	s4 =	simm.s32 $_size__tile_overlayer_lowered;
	s5 =	simm.s32 $_tile_overlayer_lowered  }
0x9b: {  	s22 =	simm.s32 $0x1BFF;
	s21 =	sshll.u32 s5, $0x1;
	s2 =	sadd.s32 s19, s18  }
0x9c: {  	s6 =	simm.s32 $0x0;
	s20 =	sshll.u32 s4, $0x1;
	s4 =	sadd.s32 s21, s2  }
0x9d: {  	[timem:s6], [sflag:s22] =	dma.local [hbm:s4], s20  }
0x9e: {  	_ =	swait.ge [sflag:s22], s20  }
0x9f: {  	s3 =	ssub.s32 $0x0, s20;
	[sflag:s22] =	ssyncset.done $0x0  }
0xa0: {  	[sflag:s22] =	ssyncadd.s32 s3;
	_ =	sdelay $0x1  }
0xa1: {  	s23 =	simm.s32 $0x1B8B  }
0xa2: {  	_ =	swait.ge [sflag:s23], $0x1  }
0xa3: {  	[sflag:s23] =	ssyncset.done $0x0  }
0xa4: {  	s25 =	simm.s32 $0x1B8E;
	s24 =	sld [smem:$0x3FFE];
	[sflag:s23] =	ssyncadd.s32 $0xFFFFFFFF  }
0xa5: {  	s26 =	simm.s32 $execute0_lowered;
	[smem:$0x3FD2] =	sst s25  }
0xa6: {  	s4 =	sshll.u32 s26, $0x1;
	_ =	strace $0x80000052;
	[dreg:$0x1] =	wrdreg $0xFFFFFFFF  }
0xa7: {  	s28 =	simm.s32 $_size_execute0_lowered;
	s2 =	sadd.s32 s2, s4;
	[dreg:$0x0] =	wrdreg $0x0  }
0xa8: {  	s4 =	sshll.u32 s28, $0x1;
	[dreg:$0x2] =	wrdreg s2  }
0xa9: {  	[dreg:$0x3] =	wrdreg s4  }
0xaa: {  	[dreg:$0x4] =	wrdreg $0xC0  }
0xab: {  	_ =	task [dreg:s6], $0x5FFFF  }
0xac: {  	[dreg:$0x1] =	wrdreg $0xFFFFFFFF  }
0xad: {  	[dreg:$0x0] =	wrdreg $0x60  }
0xae: {  	[dreg:$0x2] =	wrdreg s24  }
0xaf: {  	[dreg:$0x3] =	wrdreg $0xA8000  }
0xb0: {  	[dreg:$0x4] =	wrdreg $0x9  }
0xb1: {  	_ =	task.clear_ibuf [dreg:s6], $0x5FFFF;
	_ =	strace $0x90000052  }
0xb2: {  	s29 =	simm.s32 $0x9;
	_ =	strace $0x80000054  }
0xb3: {  	_ =	swait.ge [sflag:s29], $0x1  }
0xb4: {  	[sflag:s29] =	ssyncadd.s32 $0xFFFFFFFF  }
0xb5: {  	_ =	strace $0x90000054  }
0xb6: {  	_ =	sfence  }
0xb7: {  	s30 =	sld [smem:$0x0];
	_ =	sdelay $0x2  }
0xb8: {  	s31 =	sshll.u32 s1, $0xD;
	s1 =	sshrl.u32 s1, $0x2  }
0xb9: {  	s3 =	sand.u32 $0x4000, s31;
	s1 =	sadd.s32 s1, s30  }
0xba: {  	s0 =	sor.u32 s3, s0;
	s1 =	sshll.u32 s1, $0x11  }
0xbb: {  	s0 =	sor.u32 s1, s0  }
0xbc: {  	s0 =	sadd.s32 $0x8F2B, s0  }
0xbd: {  	[sflag:s0] =	ssyncadd.remote.s32 $0x1  }
0xbe: {  	_ =	sfence.sel $0xFFFF  }
0xbf: {  	[dreg:$0x0] =	wrdreg $0xFFFFFFFF;
	(pc) =	sbr.abs _section_cstart, $3  }
0xc0: {  	[dreg:$0x1] =	wrdreg $0xFFFFFFFF  }
0xc1: {  	_ =	task.clear_ibuf [dreg:s6], $0x2FFFF;
	_ =	strace $0x9FFFFFFF  }
0xc2: {  	(tm) =	ssettm $0x7FFFFFFF  }
0xc3: {  	_ =	shalt  }
tec
execute0_lowered:
.L_overlay_start_1:
0x0: {  	(tag) =	ssettag $0x1  }
0x1: {  	s1 =	srdreg.scid;
	s6 =	rddreg [dreg:$0x0]  }
0x2: {  	s0 =	stileid.u32;
	s2 =	rddreg [dreg:$0x1]  }
0x3: {  	s3 =	simm.s32 $0x0;
	s15 =	simm.s32 $0x6800;
	s16 =	simm.s32 $0x1  }
0x4: {  	s17 =	simm.s32 $0x80;
	s18 =	simm.s32 $0x3;
	s19 =	simm.s32 $0x2  }
0x5: {  	s20 =	simm.s32 $0x4;
	s21 =	simm.s32 $0x2700;
	s22 =	simm.s32 $0x2780  }
0x6: {  	s5 =	sand.u32 $0x1, s1;
	s1 =	rddreg [dreg:$0x2];
	s9 =	smul.u32 $0x13C00, s0  }
0x7: {  	s23 =	sshll.u32 s0, $0x1;
	[smem:$0x7FF] =	sst s3;
	s12 =	smul.u32 $0x4F000, s0  }
0x8: {  	s10 =	sadd.s32 $0x5AAC00, s6;
	s28 =	smul.u32 $0x50000, s0;
	s29 =	sshll.u32 s0, $0x6  }
0x9: {  	s7 =	sor.u32 s5, s23;
	s8 =	smul.u32 $0x13C000, s5;
	_ =	strace $0x80000053  }
0xa: {  	s24 =	ssub.s32 $0x2, s5;
	s30 =	smul.u32 $0x28000, s5;
	s5 =	sor.u32 $0x1C05, s29  }
0xb: {  	s23 =	simm.s32 $0x0;
	s4 =	smul.u32 $0x2800, s7;
	s25 =	sshrl.u32 s24, $0x1  }
0xc: {  	s7 =	smul.u32 $0x28000, s7;
	s26 =	sshrl.u32 s12, $0x2;
	s8 =	sadd.s32 s9, s8  }
0xd: {  	s14 =	ssub.s32 s24, s25;
	s12 =	sadd.s32 s26, s2;
	s4 =	sshrl.u32 s4, $0x3  }
0xe: {  	s8 =	sshrl.u32 s8, $0x3;
	s12 =	sshrl.u32 s12, $0x3;
	s11 =	sadd.s32 s4, s6  }
0xf: {  	s4 =	sadd.s32 $0x20A00, s6;
	s13 =	sadd.s32 s8, s6;
	s6 =	sadd.s32 s10, s7  }
0x10: {  	s10 =	sadd.s32 s28, s10;
	s7 =	sadd.s32 $0x8A00, s11;
	s8 =	sadd.s32 $0x800, s6  }
0x11: {  	s31 =	sadd.s32 s30, s10;
	s9 =	sadd.s32 $0x23200, s13;
	s10 =	smax.u32 s14, $0x1  }
0x12: {  	s13 =	simm.s32 $0x5;
	s14 =	simm.s32 $0x2800;
	s11 =	sadd.s32 $0x1800, s31  }
.LBB2_1:
0x13: {  	[spmem:s12], [sflag:s5] =	dma.local [hbm:s4], $0x2780  }
0x14: {  	_ =	swait.ge [sflag:s13], $0x2780  }
0x15: {  	[sflag:s13] =	ssyncset.done $0x0  }
0x16: {  	[sflag:s13] =	ssyncadd.s32 $0xFFFFD880  }
0x17: {  	[tilespmem:s3], [sflag:$0x5] =	stream.linear.gather [hbm4b:s7+s3], $0x2800, $0x38;
	[tilespmem:$0x1E400] =	vst v63  }
0x18: {  	_ =	swait.ge [sflag:s13], $0x2800  }
0x19: {  	[sflag:s13] =	ssyncset.done $0x0  }
0x1a: {  	[sflag:s13] =	ssyncadd.s32 $0xFFFFD800  }
0x1b: {  	[bflag:$0x0] =	sbarrier.arrive $0xFFFF  }
0x1c: {  	[tilespmem:s14], [sflag:$0x1] =	stream.linear.gather [hbm4b:s6+s3], $0x4000, $0x38;
	[tilespmem:$0x1E400] =	vst v63  }
0x1d: {  	_ = 	snop  }
0x1e: {  	[tilespmem:s15], [sflag:$0x2] =	stream.linear.gather [hbm4b:s8+s3], $0x4000, $0x38;
	[tilespmem:$0x1E400] =	vst v63  }
0x1f: {  	_ =	swait.ge [sflag:s16], $0x4000  }
0x20: {  	[sflag:s16] =	ssyncset.done $0x0  }
0x21: {  	s24 =	simm.s32 $0x0;
	[sflag:s16] =	ssyncadd.s32 $0xFFFFC000  }
0x22: {  	[spmem:s2] =	stream.indirect.scatter.add.f32 [tilespmem:s14], [sflag:$0x3], $0x80, s24, s17, $0xb8;
	[tilespmem:$0x1E400] =	vst v63  }
0x23: {  	_ =	swait.ge [sflag:s18], $0x4000  }
0x24: {  	[sflag:s18] =	ssyncset.done $0x0  }
0x25: {  	s30 =	sadd.s32 $0xFFFFF800, s11;
	[sflag:s18] =	ssyncadd.s32 $0xFFFFC000  }
0x26: {  	[tilespmem:s14], [sflag:$0x1] =	stream.linear.gather [hbm4b:s30+s3], $0x4000, $0x38;
	[tilespmem:$0x1E400] =	vst v63  }
0x27: {  	_ =	swait.ge [sflag:s19], $0x4000  }
0x28: {  	[sflag:s19] =	ssyncset.done $0x0  }
0x29: {  	s31 =	simm.s32 $0x80;
	[sflag:s19] =	ssyncadd.s32 $0xFFFFC000  }
0x2a: {  	[spmem:s2] =	stream.indirect.scatter.add.f32 [tilespmem:s15], [sflag:$0x4], $0x80, s31, s17, $0xb8;
	[tilespmem:$0x1E400] =	vst v63  }
0x2b: {  	_ =	swait.ge [sflag:s20], $0x4000  }
0x2c: {  	s25 =	sadd.s32 $0x1000, s11;
	[sflag:s20] =	ssyncset.done $0x0  }
0x2d: {  	s26 =	smov.u32 s11;
	s24 =	simm.s32 $0x400;
	[sflag:s20] =	ssyncadd.s32 $0xFFFFC000  }
.LBB2_2:
0x2e: {  	[tilespmem:s15], [sflag:$0x2] =	stream.linear.gather [hbm4b:s26+s3], $0x4000, $0x38;
	[tilespmem:$0x1E400] =	vst v63  }
0x2f: {  	s28 =	smov.u32 s24;
	s26 =	smov.u32 s25  }
0x30: {  	p0 =	sne.s32 s24, $0x9800;
	s24 =	sadd.s32 $0x400, s24;
	_ =	swait.ge [sflag:s16], $0x4000  }
0x31: {  	[sflag:s16] =	ssyncset.done $0x0  }
0x32: {  	s28 =	sshra.s32 s28, $0x2;
	[sflag:s16] =	ssyncadd.s32 $0xFFFFC000  }
0x33: {  	[spmem:s2] =	stream.indirect.scatter.add.f32 [tilespmem:s14], [sflag:$0x3], $0x80, s28, s17, $0xb8;
	[tilespmem:$0x1E400] =	vst v63  }
0x34: {  	_ =	swait.ge [sflag:s18], $0x4000  }
0x35: {  	[sflag:s18] =	ssyncset.done $0x0  }
0x36: {  	s29 =	sadd.s32 $0xFFFFF800, s25;
	[sflag:s18] =	ssyncadd.s32 $0xFFFFC000  }
0x37: {  	[tilespmem:s14], [sflag:$0x1] =	stream.linear.gather [hbm4b:s29+s3], $0x4000, $0x38;
	[tilespmem:$0x1E400] =	vst v63  }
0x38: {  	_ =	swait.ge [sflag:s19], $0x4000  }
0x39: {  	[sflag:s19] =	ssyncset.done $0x0  }
.Ltmp0:
0x3a: {  	s28 =	sadd.s32 $0x80, s28;
	[sflag:s19] =	ssyncadd.s32 $0xFFFFC000;
	(pc) =	sbr.rel @p0 .LBB2_2-.Ltmp0, $4  }
0x3b: {  	[spmem:s2] =	stream.indirect.scatter.add.f32 [tilespmem:s15], [sflag:$0x4], $0x80, s28, s17, $0xb8;
	[tilespmem:$0x1E400] =	vst v63  }
0x3c: {  	_ =	swait.ge [sflag:s20], $0x4000  }
0x3d: {  	[sflag:s20] =	ssyncset.done $0x0  }
0x3e: {  	s25 =	sadd.s32 $0x1000, s25;
	[sflag:s20] =	ssyncadd.s32 $0xFFFFC000  }
0x3f: {  	[tilespmem:s15], [sflag:$0x2] =	stream.linear.gather [hbm4b:s26+s3], $0x4000, $0x38;
	[tilespmem:$0x1E400] =	vst v63  }
0x40: {  	_ =	swait.ge [sflag:s16], $0x4000  }
0x41: {  	[sflag:s16] =	ssyncset.done $0x0  }
0x42: {  	[sflag:s16] =	ssyncadd.s32 $0xFFFFC000  }
0x43: {  	[spmem:s2] =	stream.indirect.scatter.add.f32 [tilespmem:s14], [sflag:$0x3], $0x80, s21, s17, $0xb8;
	[tilespmem:$0x1E400] =	vst v63  }
0x44: {  	_ =	swait.ge [sflag:s18], $0x4000  }
0x45: {  	[sflag:s18] =	ssyncset.done $0x0  }
0x46: {  	[sflag:s18] =	ssyncadd.s32 $0xFFFFC000  }
0x47: {  	_ =	swait.ge [sflag:s19], $0x4000  }
0x48: {  	[sflag:s19] =	ssyncset.done $0x0  }
0x49: {  	[sflag:s19] =	ssyncadd.s32 $0xFFFFC000  }
0x4a: {  	[spmem:s2] =	stream.indirect.scatter.add.f32 [tilespmem:s15], [sflag:$0x4], $0x80, s22, s17, $0xb8;
	[tilespmem:$0x1E400] =	vst v63  }
0x4b: {  	_ =	swait.ge [sflag:s20], $0x4000  }
0x4c: {  	s23 =	sadd.s32 $0x1, s23;
	[sflag:s20] =	ssyncset.done $0x0  }
0x4d: {  	p0 =	sne.s32 s23, s10;
	[sflag:s20] =	ssyncadd.s32 $0xFFFFC000  }
.Ltmp1:
0x4e: {  	[bflag:$0x0] =	sbarrier.arrive $0xFFFF;
	(pc) =	sbr.rel @p0 .LBB2_1-.Ltmp1, $4  }
0x4f: {  	[hbm:s9], [sflag:s5] =	dma.local [spmem:s12], $0x2780  }
0x50: {  	_ =	swait.ge [sflag:s13], $0x2780  }
0x51: {  	[sflag:s13] =	ssyncset.done $0x0  }
0x52: {  	[sflag:s13] =	ssyncadd.s32 $0xFFFFD880  }
0x53: {  	_ =	sfence.sel $0x180000  }
0x54: {  	[bflag:$0x0] =	sbarrier.arrive $0xFFFF  }
0x55: {  	p0 =	sne.s32 s0, $0x0;
	_ =	strace $0x90000053  }
0x56: {  	s0 =	sadd.s32 @!p0 $0x100000, s1;
	[bflag:$0x2] =	sbarrier.arrive $0xFFFF  }
0x57: {  	[sflag:s0] =	ssyncadd.tile.s32 @!p0 $0x1;
	_ =	shalt  }
.Lfunc_end2:
_tile_overlayer_lowered:
.L_overlay_start_2:
0x58: {  	(tag) =	ssettag $0x2  }
0x59: {  	s0 =	rddreg [dreg:$0x0];
	s2 =	stileid.u32  }
0x5a: {  	s1 =	rddreg [dreg:$0x1];
	p0 =	sne.s32 s2, $0x0  }
0x5b: {  	s3 =	rddreg [dreg:$0x2];
	[bflag:$0x3] =	sbarrier.arrive $0xFFFF;
	s2 =	simm.s32 @!p0 $0x1C05  }
0x5c: {  	[timem:s3], [sflag:s2] =	dma.local @!p0 [hbm:s0], s1  }
0x5d: {  	s0 =	simm.s32 @!p0 $0x5  }
0x5e: {  	_ =	swait.ge @!p0 [sflag:s0], s1  }
0x5f: {  	s1 =	ssub.s32 @!p0 $0x0, s1;
	[sflag:s0] =	ssyncset.done @!p0 $0x0  }
0x60: {  	[sflag:s0] =	ssyncadd.s32 @!p0 s1  }
0x61: {  	[bflag:$0x3] =	sbarrier.arrive $0xFFFF  }
0x62: {  	_ =	shalt  }

</sc_bundles>
